<compile_context>
chip_gen: v7x
topology: tpu7x:2x2x1
jax: 0.10.2.dev20260603
libtpu: 0.0.44.dev20260713+nightly
codegen_flags: <defaults>
</compile_context>

<pallas_src>
import jax
import jax.numpy as jnp
from jax import lax
from jax.experimental import pallas as pl
from jax.experimental.pallas import tpu as pltpu
from jax.experimental.pallas import tpu_sc as plsc

N_NODES = 10000
N_EDGES = 160000
C_VAL = 128
D_VAL = 3
C_KEY = 64
N_HEADS = 8
CH_HEAD = C_VAL // N_HEADS

N_TILES = 16
E_TILE = N_EDGES // N_TILES
W_CHUNK = 40
N_W_CHUNKS = E_TILE // W_CHUNK
E_CHUNK = 80
N_CHUNKS = E_TILE // E_CHUNK
NODE_CHUNK = 40
N_NODE_CHUNKS = N_NODES // NODE_CHUNK
NODE_ROUNDS = (N_NODE_CHUNKS + N_TILES - 1) // N_TILES

LANES = 16


def _body(v_hbm, k_hbm, q_hbm, dst_hbm, out_hbm, w_hbm, den_hbm,
          acc_sh, idx_v, qidx_v, qidx2_v, k_v, k2_v, q_v, q2_v, v_v, w_v,
          sem, sem2, sem3, sem4, sem5, sem6):
    c = lax.axis_index("c")
    s = lax.axis_index("s")
    lanes = jnp.arange(LANES, dtype=jnp.int32)
    zeros16 = jnp.zeros((LANES,), jnp.float32)
    izeros16 = jnp.zeros((LANES,), jnp.int32)
    perm_half = (lanes & 1) * 8
    edge_base = s * E_TILE

    def zero_acc():
        def zrow(r, _):
            for jj in range(C_VAL // LANES):
                v_v[r, pl.ds(jj * LANES, LANES)] = zeros16
            return 0
        lax.fori_loop(0, E_CHUNK, zrow, 0)

        def zchunk(ci, _):
            cid = ci * N_TILES + s
            @pl.when(cid < N_NODE_CHUNKS)
            def _():
                pltpu.sync_copy(v_v.at[pl.ds(0, NODE_CHUNK)],
                                acc_sh.at[pl.ds(cid * NODE_CHUNK,
                                                NODE_CHUNK)])
            return 0
        lax.fori_loop(0, NODE_ROUNDS, zchunk, 0)

    zero_acc()
    plsc.subcore_barrier()

    def make_edge_body(kv, qv, row0):
        def edge_body(e, _):
            ts = []
            for g in range(4):
                kp = kv[e, pl.ds(16 * g, LANES)]
                qp = qv[e, pl.ds(16 * g, LANES)]
                p = kp * qp
                for d in (1, 2, 4):
                    p = p + jnp.take_along_axis(p, lanes ^ d, axis=0)
                ex = jnp.exp(p * 0.125)
                ts.append(jnp.take_along_axis(ex, perm_half, axis=0))
            w = jnp.where(lanes < 2, ts[0],
                          jnp.where(lanes < 4, ts[1],
                                    jnp.where(lanes < 6, ts[2],
                                              jnp.where(lanes < 8, ts[3],
                                                        0.0))))
            w_v[row0 + e, pl.ds(0, LANES)] = w
            v_v[row0 + e, pl.ds(0, LANES)] = w
            return 0
        return edge_body

    def wpair(i2, _):
        e_a = edge_base + (2 * i2) * W_CHUNK
        e_b = e_a + W_CHUNK
        cp_ad = pltpu.async_copy(dst_hbm.at[pl.ds(e_a, W_CHUNK)], qidx_v, sem)
        cp_ak = pltpu.async_copy(k_hbm.at[pl.ds(e_a, W_CHUNK)], k_v, sem2)
        cp_bd = pltpu.async_copy(dst_hbm.at[pl.ds(e_b, W_CHUNK)], qidx2_v,
                                 sem4)
        cp_bk = pltpu.async_copy(k_hbm.at[pl.ds(e_b, W_CHUNK)], k2_v, sem5)
        cp_ad.wait()
        cp_aq = pltpu.async_copy(q_hbm.at[qidx_v], q_v, sem3)
        cp_bd.wait()
        cp_bq = pltpu.async_copy(q_hbm.at[qidx2_v], q2_v, sem6)
        cp_ak.wait()
        cp_aq.wait()
        lax.fori_loop(0, W_CHUNK, make_edge_body(k_v, q_v, 0), 0)
        cp_aw = pltpu.async_copy(w_v.at[pl.ds(0, W_CHUNK)],
                                 w_hbm.at[c].at[pl.ds(e_a, W_CHUNK)], sem)
        cp_as = pltpu.async_copy(v_v.at[pl.ds(0, W_CHUNK)],
                                 acc_sh.at[qidx_v], sem2, add=True)
        cp_bk.wait()
        cp_bq.wait()
        lax.fori_loop(0, W_CHUNK, make_edge_body(k2_v, q2_v, W_CHUNK), 0)
        cp_bw = pltpu.async_copy(w_v.at[pl.ds(W_CHUNK, W_CHUNK)],
                                 w_hbm.at[c].at[pl.ds(e_b, W_CHUNK)], sem3)
        cp_bs = pltpu.async_copy(v_v.at[pl.ds(W_CHUNK, W_CHUNK)],
                                 acc_sh.at[qidx2_v], sem4, add=True)
        cp_aw.wait()
        cp_as.wait()
        cp_bw.wait()
        cp_bs.wait()
        return 0
    lax.fori_loop(0, N_W_CHUNKS // 2, wpair, 0)
    plsc.subcore_barrier()

    def dchunk(ci, _):
        cid = ci * N_TILES + s
        @pl.when(cid < N_NODE_CHUNKS)
        def _():
            nb = cid * NODE_CHUNK
            pltpu.sync_copy(acc_sh.at[pl.ds(nb, NODE_CHUNK)], q_v)
            pltpu.sync_copy(q_v, den_hbm.at[c].at[pl.ds(nb, NODE_CHUNK)])
        return 0
    lax.fori_loop(0, NODE_ROUNDS, dchunk, 0)
    plsc.subcore_barrier()

    for p in range(2):
        g = 2 * p + c
        active = g < D_VAL

        zero_acc()
        plsc.subcore_barrier()

        def make_scale_body(row0):
            def edge_body(e, _):
                wrow = w_v[row0 + e, pl.ds(0, LANES)]
                for jj in range(C_VAL // LANES):
                    wb = jnp.take_along_axis(wrow, izeros16 + jj, axis=0)
                    sl = pl.ds(jj * LANES, LANES)
                    v_v[row0 + e, sl] = v_v[row0 + e, sl] * wb
                return 0
            return edge_body

        def ppair(i2, _):
            e_a = edge_base + (2 * i2) * W_CHUNK
            e_b = e_a + W_CHUNK
            cp_ad = pltpu.async_copy(dst_hbm.at[pl.ds(e_a, W_CHUNK)],
                                     qidx_v, sem)
            cp_aw = pltpu.async_copy(w_hbm.at[c].at[pl.ds(e_a, W_CHUNK)],
                                     w_v.at[pl.ds(0, W_CHUNK)], sem2)
            cp_av = pltpu.async_copy(v_hbm.at[g].at[pl.ds(e_a, W_CHUNK)],
                                     v_v.at[pl.ds(0, W_CHUNK)], sem3)
            cp_bd = pltpu.async_copy(dst_hbm.at[pl.ds(e_b, W_CHUNK)],
                                     qidx2_v, sem4)
            cp_bw = pltpu.async_copy(w_hbm.at[c].at[pl.ds(e_b, W_CHUNK)],
                                     w_v.at[pl.ds(W_CHUNK, W_CHUNK)], sem5)
            cp_bv = pltpu.async_copy(v_hbm.at[g].at[pl.ds(e_b, W_CHUNK)],
                                     v_v.at[pl.ds(W_CHUNK, W_CHUNK)], sem6)
            cp_ad.wait()
            cp_aw.wait()
            cp_av.wait()
            lax.fori_loop(0, W_CHUNK, make_scale_body(0), 0)
            cp_as = pltpu.async_copy(v_v.at[pl.ds(0, W_CHUNK)],
                                     acc_sh.at[qidx_v], sem, add=True)
            cp_bd.wait()
            cp_bw.wait()
            cp_bv.wait()
            lax.fori_loop(0, W_CHUNK, make_scale_body(W_CHUNK), 0)
            cp_bs = pltpu.async_copy(v_v.at[pl.ds(W_CHUNK, W_CHUNK)],
                                     acc_sh.at[qidx2_v], sem2, add=True)
            cp_as.wait()
            cp_bs.wait()
            return 0

        @pl.when(active)
        def _():
            lax.fori_loop(0, E_TILE // (2 * W_CHUNK), ppair, 0)
        plsc.subcore_barrier()

        def nchunk(ci, _):
            cid = ci * N_TILES + s
            @pl.when(cid < N_NODE_CHUNKS)
            def _():
                nb = cid * NODE_CHUNK
                pltpu.sync_copy(acc_sh.at[pl.ds(nb, NODE_CHUNK)], q_v)
                pltpu.sync_copy(den_hbm.at[c].at[pl.ds(nb, NODE_CHUNK)],
                                q2_v)

                def node_body(n, _):
                    dd = q2_v[n, pl.ds(0, LANES)]
                    for jj in range(C_VAL // LANES):
                        d = jnp.take_along_axis(dd, izeros16 + jj, axis=0)
                        db = jnp.where(d > 0.0, d, 1.0)
                        sl = pl.ds(jj * LANES, LANES)
                        q_v[n, sl] = q_v[n, sl] / db
                    return 0
                lax.fori_loop(0, NODE_CHUNK, node_body, 0)
                pltpu.sync_copy(q_v, out_hbm.at[g].at[pl.ds(nb, NODE_CHUNK)])
            return 0

        @pl.when(active)
        def _():
            lax.fori_loop(0, NODE_ROUNDS, nchunk, 0)
        plsc.subcore_barrier()


@jax.jit
def _atten_sc(v_planes, k, q128, dst):
    mesh = plsc.VectorSubcoreMesh(core_axis_name="c", subcore_axis_name="s")
    f = pl.kernel(
        _body,
        out_type=(
            jax.ShapeDtypeStruct((D_VAL, N_NODES, C_VAL), jnp.float32),
            jax.ShapeDtypeStruct((2, N_EDGES, LANES), jnp.float32),
            jax.ShapeDtypeStruct((2, N_NODES, C_VAL), jnp.float32),
        ),
        mesh=mesh,
        scratch_types=[
            pltpu.VMEM_SHARED((N_NODES, C_VAL), jnp.float32),
            pltpu.VMEM((E_CHUNK,), jnp.int32),
            pltpu.VMEM((W_CHUNK,), jnp.int32),
            pltpu.VMEM((W_CHUNK,), jnp.int32),
            pltpu.VMEM((W_CHUNK, C_KEY), jnp.float32),
            pltpu.VMEM((W_CHUNK, C_KEY), jnp.float32),
            pltpu.VMEM((W_CHUNK, 128), jnp.float32),
            pltpu.VMEM((W_CHUNK, 128), jnp.float32),
            pltpu.VMEM((E_CHUNK, C_VAL), jnp.float32),
            pltpu.VMEM((E_CHUNK, LANES), jnp.float32),
            pltpu.SemaphoreType.DMA,
            pltpu.SemaphoreType.DMA,
            pltpu.SemaphoreType.DMA,
            pltpu.SemaphoreType.DMA,
            pltpu.SemaphoreType.DMA,
            pltpu.SemaphoreType.DMA,
        ],
    )
    out, _, _ = f(v_planes, k, q128, dst)
    return out


def kernel(v, k, q, edge_index):
    v_planes = jnp.transpose(v, (2, 0, 1))
    q128 = jnp.pad(q, ((0, 0), (0, 128 - C_KEY)))
    dst = edge_index[1]
    out_planes = _atten_sc(v_planes, k, q128, dst)
    return jnp.transpose(out_planes, (1, 2, 0))

# --- scband reference (transcript-rebuilt; emitter-appended) ---
"""Pipeline reference for scband-atten-1116691497442 (READ-ONLY COPY).

The authoritative reference and input builder live on the scoring server;
editing this copy changes nothing except your own understanding.
"""

import jax, jax.numpy as jnp
import numpy as np

N_NODES = 10000
N_EDGES = 160000
C_VAL = 128
D_VAL = 3
C_KEY = 64
N_HEADS = 8
KEY_DEG_SIZE = 64


def setup_inputs(seed: int = 0) -> dict:
    key = jax.random.key(seed)
    k1, k2, k3, k4 = jax.random.split(key, 4)
    v = jax.random.normal(k1, (N_EDGES, C_VAL, D_VAL), dtype=jnp.float32)
    k = jax.random.normal(k2, (N_EDGES, C_KEY), dtype=jnp.float32)
    q = jax.random.normal(k3, (N_NODES, C_KEY), dtype=jnp.float32)
    edge_index = jax.random.randint(k4, (2, N_EDGES), 0, N_NODES, dtype=jnp.int32)
    return {"v": v, "k": k, "q": q, "edge_index": edge_index}


def reference(v, k, q, edge_index):
    # Fused multi-head equivariant attention over graph edges (DGL Atten, can_fuse path).
    E, C, D = v.shape
    N = q.shape[0]
    H = N_HEADS
    dst = edge_index[1]

    # G.edata['v_all'] = rearrange(v, 'b (h n) d -> b h n d')
    v_all = v.reshape(E, H, C // H, D)
    # k.sep_head / q.sep_head: split channel dim into heads
    k_head = k.reshape(E, H, -1)            # [E, H, T]
    q_head = q.reshape(N, H, -1)            # [N, H, T]

    # e = einsum('e s t, e s t -> e s', k_head, q_head[dst]) / sqrt(deg_size)
    e = jnp.sum(k_head * q_head[dst], axis=-1) / np.sqrt(float(KEY_DEG_SIZE))  # [E, H]

    # edge_softmax: softmax over incoming edges of each destination node
    seg_max = jax.ops.segment_max(e, dst, num_segments=N)        # [N, H]
    e_exp = jnp.exp(e - seg_max[dst])                             # [E, H]
    seg_sum = jax.ops.segment_sum(e_exp, dst, num_segments=N)     # [N, H]
    a = e_exp / seg_sum[dst]                                      # [E, H]

    # msg = attn.unsqueeze(-1).unsqueeze(-1) * value; reduce fn.sum('m', 'out_all')
    msg = a[:, :, None, None] * v_all                             # [E, H, n, D]
    out_all = jax.ops.segment_sum(msg, dst, num_segments=N)       # [N, H, n, D]

    # rearrange(out_all, 'b h n d -> b (h n) d')
    out_tensor = out_all.reshape(N, C, D)
    return out_tensor

if __name__ == "__main__":
    import jax
    _d = setup_inputs()
    print(jax.jit(kernel)(*tuple(_d.values())))

</pallas_src>

<mosaic_0001>
#map = affine_map<(d0, d1) -> (0, 0, 0)>
#map1 = affine_map<(d0, d1) -> (0, 0)>
#map2 = affine_map<(d0, d1) -> (0)>
module attributes {stable_mosaic.version = 14 : i64} {
  func.func @_body(%arg0: i32, %arg1: i32, %arg2: memref<3x160000x128xf32, #tpu.memory_space<hbm>>, %arg3: memref<160000x64xf32, #tpu.memory_space<hbm>>, %arg4: memref<10000x128xf32, #tpu.memory_space<hbm>>, %arg5: memref<160000xi32, #tpu.memory_space<hbm>>, %arg6: memref<3x10000x128xf32, #tpu.memory_space<hbm>>, %arg7: memref<2x160000x16xf32, #tpu.memory_space<hbm>>, %arg8: memref<2x10000x128xf32, #tpu.memory_space<hbm>>, %arg9: memref<10000x128xf32, #tpu.memory_space<vmem_shared>>, %arg10: memref<80xi32, #tpu.memory_space<vmem>>, %arg11: memref<40xi32, #tpu.memory_space<vmem>>, %arg12: memref<40xi32, #tpu.memory_space<vmem>>, %arg13: memref<40x64xf32, #tpu.memory_space<vmem>>, %arg14: memref<40x64xf32, #tpu.memory_space<vmem>>, %arg15: memref<40x128xf32, #tpu.memory_space<vmem>>, %arg16: memref<40x128xf32, #tpu.memory_space<vmem>>, %arg17: memref<80x128xf32, #tpu.memory_space<vmem>>, %arg18: memref<80x16xf32, #tpu.memory_space<vmem>>, %arg19: memref<!tpu.dma_semaphore, #tpu.memory_space<semaphore_mem>>, %arg20: memref<!tpu.dma_semaphore, #tpu.memory_space<semaphore_mem>>, %arg21: memref<!tpu.dma_semaphore, #tpu.memory_space<semaphore_mem>>, %arg22: memref<!tpu.dma_semaphore, #tpu.memory_space<semaphore_mem>>, %arg23: memref<!tpu.dma_semaphore, #tpu.memory_space<semaphore_mem>>, %arg24: memref<!tpu.dma_semaphore, #tpu.memory_space<semaphore_mem>>) attributes {dimension_semantics = [#tpu.dimension_semantics<core_parallel>, #tpu.dimension_semantics<subcore_parallel>], iteration_bounds = array<i64: 2, 16>, scalar_prefetch = 0 : i64, scratch_operands = 16 : i64, tpu.core_type = #tpu.core_type<sc_vector_subcore>, window_params = [{transform_indices = #map}, {transform_indices = #map1}, {transform_indices = #map1}, {transform_indices = #map2}, {transform_indices = #map}, {transform_indices = #map}, {transform_indices = #map}]} {
    %iota3A = tpu.iota {dimensions = array<i32: 0>} : vector<16xi32>
    %broadcast_in_dim3A = arith.constant 0.000000e+00 : f32
    %broadcast_in_dim3A_0 = vector.broadcast %broadcast_in_dim3A : f32 to vector<16xf32>
    %broadcast_in_dim3A_1 = arith.constant 0 : i32
    %broadcast_in_dim3A_2 = vector.broadcast %broadcast_in_dim3A_1 : i32 to vector<16xi32>
    %and3A = arith.constant 1 : i32
    %and3A_3 = vector.broadcast %and3A : i32 to vector<16xi32>
    %and3A_4 = arith.andi %iota3A, %and3A_3 : vector<16xi32>
    %mul3A = arith.constant 8 : i32
    %mul3A_5 = vector.broadcast %mul3A : i32 to vector<16xi32>
    %mul3A_6 = arith.muli %and3A_4, %mul3A_5 : vector<16xi32>
    %mul3A_7 = arith.constant 10000 : i32
    %mul3A_8 = arith.muli %arg1, %mul3A_7 : i32
    %scan3A = arith.constant 0 : i32
    %scan3A_9 = arith.constant 0 : i32
    %scan3A_10 = arith.constant 80 : i32
    %scan3A_11 = arith.addi %scan3A_9, %scan3A_10 : i32
    %scan3A_12 = arith.constant 1 : i32
    %scan3A_13 = scf.for %scan3A_88 = %scan3A_9 to %scan3A_11 step %scan3A_12 iter_args(%scan3A_89 = %scan3A) -> (i32)  : i32 {
      %swap3A = arith.index_cast %scan3A_88 : i32 to index
      %swap3A_90 = arith.constant 0 : index
      %swap3A_91 = tpu.vector_load %arg17[%swap3A, %swap3A_90] {strides = array<i32>} : memref<80x128xf32, #tpu.memory_space<vmem>>, vector<1x16xf32>,
      %swap3A_92 = vector.shape_cast %swap3A_91 : vector<1x16xf32> to vector<16xf32>
      %swap3A_93 = vector.shape_cast %broadcast_in_dim3A_0 : vector<16xf32> to vector<1x16xf32>
      tpu.vector_store %arg17[%swap3A, %swap3A_90], %swap3A_93 {strides = array<i32>} : memref<80x128xf32, #tpu.memory_space<vmem>>, vector<1x16xf32>,
      %swap3A_94 = arith.index_cast %scan3A_88 : i32 to index
      %swap3A_95 = arith.constant 16 : index
      %swap3A_96 = tpu.vector_load %arg17[%swap3A_94, %swap3A_95] {strides = array<i32>} : memref<80x128xf32, #tpu.memory_space<vmem>>, vector<1x16xf32>,
      %swap3A_97 = vector.shape_cast %swap3A_96 : vector<1x16xf32> to vector<16xf32>
      %swap3A_98 = vector.shape_cast %broadcast_in_dim3A_0 : vector<16xf32> to vector<1x16xf32>
      tpu.vector_store %arg17[%swap3A_94, %swap3A_95], %swap3A_98 {strides = array<i32>} : memref<80x128xf32, #tpu.memory_space<vmem>>, vector<1x16xf32>,
      %swap3A_99 = arith.index_cast %scan3A_88 : i32 to index
      %swap3A_100 = arith.constant 32 : index
      %swap3A_101 = tpu.vector_load %arg17[%swap3A_99, %swap3A_100] {strides = array<i32>} : memref<80x128xf32, #tpu.memory_space<vmem>>, vector<1x16xf32>,
      %swap3A_102 = vector.shape_cast %swap3A_101 : vector<1x16xf32> to vector<16xf32>
      %swap3A_103 = vector.shape_cast %broadcast_in_dim3A_0 : vector<16xf32> to vector<1x16xf32>
      tpu.vector_store %arg17[%swap3A_99, %swap3A_100], %swap3A_103 {strides = array<i32>} : memref<80x128xf32, #tpu.memory_space<vmem>>, vector<1x16xf32>,
      %swap3A_104 = arith.index_cast %scan3A_88 : i32 to index
      %swap3A_105 = arith.constant 48 : index
      %swap3A_106 = tpu.vector_load %arg17[%swap3A_104, %swap3A_105] {strides = array<i32>} : memref<80x128xf32, #tpu.memory_space<vmem>>, vector<1x16xf32>,
      %swap3A_107 = vector.shape_cast %swap3A_106 : vector<1x16xf32> to vector<16xf32>
      %swap3A_108 = vector.shape_cast %broadcast_in_dim3A_0 : vector<16xf32> to vector<1x16xf32>
      tpu.vector_store %arg17[%swap3A_104, %swap3A_105], %swap3A_108 {strides = array<i32>} : memref<80x128xf32, #tpu.memory_space<vmem>>, vector<1x16xf32>,
      %swap3A_109 = arith.index_cast %scan3A_88 : i32 to index
      %swap3A_110 = arith.constant 64 : index
      %swap3A_111 = tpu.vector_load %arg17[%swap3A_109, %swap3A_110] {strides = array<i32>} : memref<80x128xf32, #tpu.memory_space<vmem>>, vector<1x16xf32>,
      %swap3A_112 = vector.shape_cast %swap3A_111 : vector<1x16xf32> to vector<16xf32>
      %swap3A_113 = vector.shape_cast %broadcast_in_dim3A_0 : vector<16xf32> to vector<1x16xf32>
      tpu.vector_store %arg17[%swap3A_109, %swap3A_110], %swap3A_113 {strides = array<i32>} : memref<80x128xf32, #tpu.memory_space<vmem>>, vector<1x16xf32>,
      %swap3A_114 = arith.index_cast %scan3A_88 : i32 to index
      %swap3A_115 = arith.constant 80 : index
      %swap3A_116 = tpu.vector_load %arg17[%swap3A_114, %swap3A_115] {strides = array<i32>} : memref<80x128xf32, #tpu.memory_space<vmem>>, vector<1x16xf32>,
      %swap3A_117 = vector.shape_cast %swap3A_116 : vector<1x16xf32> to vector<16xf32>
      %swap3A_118 = vector.shape_cast %broadcast_in_dim3A_0 : vector<16xf32> to vector<1x16xf32>
      tpu.vector_store %arg17[%swap3A_114, %swap3A_115], %swap3A_118 {strides = array<i32>} : memref<80x128xf32, #tpu.memory_space<vmem>>, vector<1x16xf32>,
      %swap3A_119 = arith.index_cast %scan3A_88 : i32 to index
      %swap3A_120 = arith.constant 96 : index
      %swap3A_121 = tpu.vector_load %arg17[%swap3A_119, %swap3A_120] {strides = array<i32>} : memref<80x128xf32, #tpu.memory_space<vmem>>, vector<1x16xf32>,
      %swap3A_122 = vector.shape_cast %swap3A_121 : vector<1x16xf32> to vector<16xf32>
      %swap3A_123 = vector.shape_cast %broadcast_in_dim3A_0 : vector<16xf32> to vector<1x16xf32>
      tpu.vector_store %arg17[%swap3A_119, %swap3A_120], %swap3A_123 {strides = array<i32>} : memref<80x128xf32, #tpu.memory_space<vmem>>, vector<1x16xf32>,
      %swap3A_124 = arith.index_cast %scan3A_88 : i32 to index
      %swap3A_125 = arith.constant 112 : index
      %swap3A_126 = tpu.vector_load %arg17[%swap3A_124, %swap3A_125] {strides = array<i32>} : memref<80x128xf32, #tpu.memory_space<vmem>>, vector<1x16xf32>,
      %swap3A_127 = vector.shape_cast %swap3A_126 : vector<1x16xf32> to vector<16xf32>
      %swap3A_128 = vector.shape_cast %broadcast_in_dim3A_0 : vector<16xf32> to vector<1x16xf32>
      tpu.vector_store %arg17[%swap3A_124, %swap3A_125], %swap3A_128 {strides = array<i32>} : memref<80x128xf32, #tpu.memory_space<vmem>>, vector<1x16xf32>,
      %scan3A_129 = arith.constant 0 : i32
      scf.yield %scan3A_129 : i32
    }
    %scan3A_14 = arith.constant 80 : i32
    %scan3A_15 = arith.constant 0 : i32
    %scan3A_16 = arith.constant 0 : i32
    %scan3A_17 = arith.constant 16 : i32
    %scan3A_18 = arith.addi %scan3A_16, %scan3A_17 : i32
    %scan3A_19 = arith.constant 1 : i32
    %scan3A_20 = scf.for %scan3A_88 = %scan3A_16 to %scan3A_18 step %scan3A_19 iter_args(%scan3A_89 = %scan3A_15) -> (i32)  : i32 {
      %mul3A_90 = arith.constant 16 : i32
      %mul3A_91 = arith.muli %scan3A_88, %mul3A_90 : i32
      %add3A_92 = arith.addi %mul3A_91, %arg1 : i32
      %lt3A_93 = arith.constant 250 : i32
      %lt3A_94 = arith.cmpi slt, %add3A_92, %lt3A_93 : i32
      %convert_element_type3A_95 = arith.extui %lt3A_94 : i1 to i32
      %cond3A_96 = arith.constant 0 : i32
      %cond3A_97 = arith.cmpi ne, %convert_element_type3A_95, %cond3A_96 : i32
      scf.if %cond3A_97 {
        %mul3A_99 = arith.constant 40 : i32
        %mul3A_100 = arith.muli %add3A_92, %mul3A_99 : i32
        "tpu.region"() ({
          %run_scoped3A = tpu.sem_alloc : memref<!tpu.dma_semaphore, #tpu.memory_space<semaphore_mem>>
          %dma_start3A = arith.constant 0 : i32
          %dma_start3A_101 = arith.constant 0 : i32
          %dma_start3A_102 = tpu.memref_slice %arg17[%dma_start3A, %dma_start3A_101] : memref<80x128xf32, #tpu.memory_space<vmem>> -> memref<40x128xf32, #tpu.memory_space<vmem>>
          %dma_start3A_103 = arith.constant 0 : i32
          %dma_start3A_104 = tpu.memref_slice %arg9[%mul3A_100, %dma_start3A_103] : memref<10000x128xf32, #tpu.memory_space<vmem_shared>> -> memref<40x128xf32, #tpu.memory_space<vmem_shared>>
          %dma_start3A_105 = arith.constant 0 : i32
          %dma_start3A_106 = tpu.memref_slice %arg9[%mul3A_100, %dma_start3A_105] : memref<10000x128xf32, #tpu.memory_space<vmem_shared>> -> memref<40x128xf32, #tpu.memory_space<vmem_shared>>
          %dma_start3A_107 = arith.constant 0 : i32
          %dma_start3A_108 = arith.constant 0 : i32
          %dma_start3A_109 = tpu.memref_slice %arg17[%dma_start3A_107, %dma_start3A_108] : memref<80x128xf32, #tpu.memory_space<vmem>> -> memref<40x128xf32, #tpu.memory_space<vmem>>
          tpu.enqueue_dma source(%dma_start3A_109 : memref<40x128xf32, #tpu.memory_space<vmem>>) target(%dma_start3A_106 : memref<40x128xf32, #tpu.memory_space<vmem_shared>>) target_semaphore(%run_scoped3A : memref<!tpu.dma_semaphore, #tpu.memory_space<semaphore_mem>>)
          %dma_wait3A = arith.constant 0 : i32
          %dma_wait3A_110 = arith.constant 0 : i32
          %dma_wait3A_111 = tpu.memref_slice %arg17[%dma_wait3A, %dma_wait3A_110] : memref<80x128xf32, #tpu.memory_space<vmem>> -> memref<40x128xf32, #tpu.memory_space<vmem>>
          %dma_wait3A_112 = arith.constant 0 : i32
          %dma_wait3A_113 = tpu.memref_slice %arg9[%mul3A_100, %dma_wait3A_112] : memref<10000x128xf32, #tpu.memory_space<vmem_shared>> -> memref<40x128xf32, #tpu.memory_space<vmem_shared>>
          %dma_wait3A_114 = arith.constant 0 : i32
          %dma_wait3A_115 = tpu.memref_slice %arg9[%mul3A_100, %dma_wait3A_114] : memref<10000x128xf32, #tpu.memory_space<vmem_shared>> -> memref<40x128xf32, #tpu.memory_space<vmem_shared>>
          %dma_wait3A_116 = arith.constant 0 : i32
          %dma_wait3A_117 = arith.constant 0 : i32
          %dma_wait3A_118 = tpu.memref_slice %arg17[%dma_wait3A_116, %dma_wait3A_117] : memref<80x128xf32, #tpu.memory_space<vmem>> -> memref<40x128xf32, #tpu.memory_space<vmem>>
          tpu.wait_dma2 semaphore(%run_scoped3A : memref<!tpu.dma_semaphore, #tpu.memory_space<semaphore_mem>>) src(%dma_wait3A_118 : memref<40x128xf32, #tpu.memory_space<vmem>>) dst(%dma_wait3A_115 : memref<40x128xf32, #tpu.memory_space<vmem_shared>>)
          tpu.yield
        }) : () -> ()
      } else {
      }
      %scan3A_98 = arith.constant 0 : i32
      scf.yield %scan3A_98 : i32
    }
    %scan3A_21 = arith.constant 16 : i32
    %barrier3A = arith.constant 0 : index
    tpu.barrier barrier_id(%barrier3A)
    %scan3A_22 = arith.constant 0 : i32
    %scan3A_23 = arith.constant 0 : i32
    %scan3A_24 = arith.constant 125 : i32
    %scan3A_25 = arith.addi %scan3A_23, %scan3A_24 : i32
    %scan3A_26 = arith.constant 1 : i32
    %scan3A_27 = scf.for %scan3A_88 = %scan3A_23 to %scan3A_25 step %scan3A_26 iter_args(%scan3A_89 = %scan3A_22) -> (i32)  : i32 {
      %mul3A_90 = arith.constant 2 : i32
      %mul3A_91 = arith.muli %mul3A_90, %scan3A_88 : i32
      %mul3A_92 = arith.constant 40 : i32
      %mul3A_93 = arith.muli %mul3A_91, %mul3A_92 : i32
      %add3A_94 = arith.addi %mul3A_8, %mul3A_93 : i32
      %add3A_95 = arith.constant 40 : i32
      %add3A_96 = arith.addi %add3A_94, %add3A_95 : i32
      %dma_start3A = tpu.memref_slice %arg5[%add3A_94] : memref<160000xi32, #tpu.memory_space<hbm>> -> memref<40xi32, #tpu.memory_space<hbm>>
      %dma_start3A_97 = tpu.memref_slice %arg5[%add3A_94] : memref<160000xi32, #tpu.memory_space<hbm>> -> memref<40xi32, #tpu.memory_space<hbm>>
      tpu.enqueue_dma source(%dma_start3A_97 : memref<40xi32, #tpu.memory_space<hbm>>) target(%arg11 : memref<40xi32, #tpu.memory_space<vmem>>) target_semaphore(%arg19 : memref<!tpu.dma_semaphore, #tpu.memory_space<semaphore_mem>>)
      %dma_start3A_98 = arith.constant 0 : i32
      %dma_start3A_99 = tpu.memref_slice %arg3[%add3A_94, %dma_start3A_98] : memref<160000x64xf32, #tpu.memory_space<hbm>> -> memref<40x64xf32, #tpu.memory_space<hbm>>
      %dma_start3A_100 = arith.constant 0 : i32
      %dma_start3A_101 = tpu.memref_slice %arg3[%add3A_94, %dma_start3A_100] : memref<160000x64xf32, #tpu.memory_space<hbm>> -> memref<40x64xf32, #tpu.memory_space<hbm>>
      tpu.enqueue_dma source(%dma_start3A_101 : memref<40x64xf32, #tpu.memory_space<hbm>>) target(%arg13 : memref<40x64xf32, #tpu.memory_space<vmem>>) target_semaphore(%arg20 : memref<!tpu.dma_semaphore, #tpu.memory_space<semaphore_mem>>)
      %dma_start3A_102 = tpu.memref_slice %arg5[%add3A_96] : memref<160000xi32, #tpu.memory_space<hbm>> -> memref<40xi32, #tpu.memory_space<hbm>>
      %dma_start3A_103 = tpu.memref_slice %arg5[%add3A_96] : memref<160000xi32, #tpu.memory_space<hbm>> -> memref<40xi32, #tpu.memory_space<hbm>>
      tpu.enqueue_dma source(%dma_start3A_103 : memref<40xi32, #tpu.memory_space<hbm>>) target(%arg12 : memref<40xi32, #tpu.memory_space<vmem>>) target_semaphore(%arg22 : memref<!tpu.dma_semaphore, #tpu.memory_space<semaphore_mem>>)
      %dma_start3A_104 = arith.constant 0 : i32
      %dma_start3A_105 = tpu.memref_slice %arg3[%add3A_96, %dma_start3A_104] : memref<160000x64xf32, #tpu.memory_space<hbm>> -> memref<40x64xf32, #tpu.memory_space<hbm>>
      %dma_start3A_106 = arith.constant 0 : i32
      %dma_start3A_107 = tpu.memref_slice %arg3[%add3A_96, %dma_start3A_106] : memref<160000x64xf32, #tpu.memory_space<hbm>> -> memref<40x64xf32, #tpu.memory_space<hbm>>
      tpu.enqueue_dma source(%dma_start3A_107 : memref<40x64xf32, #tpu.memory_space<hbm>>) target(%arg14 : memref<40x64xf32, #tpu.memory_space<vmem>>) target_semaphore(%arg23 : memref<!tpu.dma_semaphore, #tpu.memory_space<semaphore_mem>>)
      %dma_wait3A = tpu.memref_slice %arg5[%add3A_94] : memref<160000xi32, #tpu.memory_space<hbm>> -> memref<40xi32, #tpu.memory_space<hbm>>
      %dma_wait3A_108 = tpu.memref_slice %arg5[%add3A_94] : memref<160000xi32, #tpu.memory_space<hbm>> -> memref<40xi32, #tpu.memory_space<hbm>>
      tpu.wait_dma2 semaphore(%arg19 : memref<!tpu.dma_semaphore, #tpu.memory_space<semaphore_mem>>) src(%dma_wait3A_108 : memref<40xi32, #tpu.memory_space<hbm>>) dst(%arg11 : memref<40xi32, #tpu.memory_space<vmem>>)
      %dma_start3A_109 = arith.constant 0 : i32
      %dma_start3A_110 = arith.constant 0 : i32
      %dma_start3A_111 = tpu.memref_slice %arg4[%dma_start3A_109, %dma_start3A_110] : memref<10000x128xf32, #tpu.memory_space<hbm>> -> memref<10000x128xf32, #tpu.memory_space<hbm>>
      tpu.enqueue_indirect_dma source(%dma_start3A_111 : memref<10000x128xf32, #tpu.memory_space<hbm>>) target(%arg15 : memref<40x128xf32, #tpu.memory_space<vmem>>) offsets(%arg11 : memref<40xi32, #tpu.memory_space<vmem>>) semaphore(%arg21 : memref<!tpu.dma_semaphore, #tpu.memory_space<semaphore_mem>>)
      %dma_wait3A_112 = tpu.memref_slice %arg5[%add3A_96] : memref<160000xi32, #tpu.memory_space<hbm>> -> memref<40xi32, #tpu.memory_space<hbm>>
      %dma_wait3A_113 = tpu.memref_slice %arg5[%add3A_96] : memref<160000xi32, #tpu.memory_space<hbm>> -> memref<40xi32, #tpu.memory_space<hbm>>
      tpu.wait_dma2 semaphore(%arg22 : memref<!tpu.dma_semaphore, #tpu.memory_space<semaphore_mem>>) src(%dma_wait3A_113 : memref<40xi32, #tpu.memory_space<hbm>>) dst(%arg12 : memref<40xi32, #tpu.memory_space<vmem>>)
      %dma_start3A_114 = arith.constant 0 : i32
      %dma_start3A_115 = arith.constant 0 : i32
      %dma_start3A_116 = tpu.memref_slice %arg4[%dma_start3A_114, %dma_start3A_115] : memref<10000x128xf32, #tpu.memory_space<hbm>> -> memref<10000x128xf32, #tpu.memory_space<hbm>>
      tpu.enqueue_indirect_dma source(%dma_start3A_116 : memref<10000x128xf32, #tpu.memory_space<hbm>>) target(%arg16 : memref<40x128xf32, #tpu.memory_space<vmem>>) offsets(%arg12 : memref<40xi32, #tpu.memory_space<vmem>>) semaphore(%arg24 : memref<!tpu.dma_semaphore, #tpu.memory_space<semaphore_mem>>)
      %dma_wait3A_117 = arith.constant 0 : i32
      %dma_wait3A_118 = tpu.memref_slice %arg3[%add3A_94, %dma_wait3A_117] : memref<160000x64xf32, #tpu.memory_space<hbm>> -> memref<40x64xf32, #tpu.memory_space<hbm>>
      %dma_wait3A_119 = arith.constant 0 : i32
      %dma_wait3A_120 = tpu.memref_slice %arg3[%add3A_94, %dma_wait3A_119] : memref<160000x64xf32, #tpu.memory_space<hbm>> -> memref<40x64xf32, #tpu.memory_space<hbm>>
      tpu.wait_dma2 semaphore(%arg20 : memref<!tpu.dma_semaphore, #tpu.memory_space<semaphore_mem>>) src(%dma_wait3A_120 : memref<40x64xf32, #tpu.memory_space<hbm>>) dst(%arg13 : memref<40x64xf32, #tpu.memory_space<vmem>>)
      %dma_wait3A_121 = arith.constant 0 : i32
      %dma_wait3A_122 = arith.constant 0 : i32
      %dma_wait3A_123 = tpu.memref_slice %arg4[%dma_wait3A_121, %dma_wait3A_122] : memref<10000x128xf32, #tpu.memory_space<hbm>> -> memref<10000x128xf32, #tpu.memory_space<hbm>>
      tpu.wait_indirect_dma semaphore(%arg21 : memref<!tpu.dma_semaphore, #tpu.memory_space<semaphore_mem>>) src(%dma_wait3A_123 : memref<10000x128xf32, #tpu.memory_space<hbm>>) dst(%arg15 : memref<40x128xf32, #tpu.memory_space<vmem>>)
      %scan3A_124 = arith.constant 0 : i32
      %scan3A_125 = arith.constant 0 : i32
      %scan3A_126 = arith.constant 40 : i32
      %scan3A_127 = arith.addi %scan3A_125, %scan3A_126 : i32
      %scan3A_128 = arith.constant 1 : i32
      %scan3A_129 = scf.for %scan3A_242 = %scan3A_125 to %scan3A_127 step %scan3A_128 iter_args(%scan3A_243 = %scan3A_124) -> (i32)  : i32 {
        %get3A = arith.index_cast %scan3A_242 : i32 to index
        %get3A_244 = arith.constant 0 : index
        %get3A_245 = tpu.vector_load %arg13[%get3A, %get3A_244] {strides = array<i32>} : memref<40x64xf32, #tpu.memory_space<vmem>>, vector<1x16xf32>,
        %get3A_246 = vector.shape_cast %get3A_245 : vector<1x16xf32> to vector<16xf32>
        %get3A_247 = arith.index_cast %scan3A_242 : i32 to index
        %get3A_248 = arith.constant 0 : index
        %get3A_249 = tpu.vector_load %arg15[%get3A_247, %get3A_248] {strides = array<i32>} : memref<40x128xf32, #tpu.memory_space<vmem>>, vector<1x16xf32>,
        %get3A_250 = vector.shape_cast %get3A_249 : vector<1x16xf32> to vector<16xf32>
        %mul3A_251 = arith.mulf %get3A_246, %get3A_250 : vector<16xf32>
        %xor3A = arith.constant 1 : i32
        %xor3A_252 = vector.broadcast %xor3A : i32 to vector<16xi32>
        %xor3A_253 = arith.xori %iota3A, %xor3A_252 : vector<16xi32>
        %lt3A_254 = arith.constant 0 : i32
        %lt3A_255 = vector.broadcast %lt3A_254 : i32 to vector<16xi32>
        %lt3A_256 = arith.cmpi slt, %xor3A_253, %lt3A_255 : vector<16xi32>
        %add3A_257 = arith.constant 16 : i32
        %add3A_258 = vector.broadcast %add3A_257 : i32 to vector<16xi32>
        %add3A_259 = arith.addi %xor3A_253, %add3A_258 : vector<16xi32>
        %select_n3A = arith.select %lt3A_256, %add3A_259, %xor3A_253 : vector<16xi1>, vector<16xi32>
        %reshape3A = vector.shape_cast %select_n3A : vector<16xi32> to vector<16x1xi32>
        %gather3A = vector.shape_cast %reshape3A : vector<16x1xi32> to vector<16xi32>
        %gather3A_260 = tpu.dynamic_gather %mul3A_251[%gather3A] in [0] : vector<16xf32>, vector<16xi32> -> vector<16xf32>
        %add3A_261 = arith.addf %mul3A_251, %gather3A_260 : vector<16xf32>
        %xor3A_262 = arith.constant 2 : i32
        %xor3A_263 = vector.broadcast %xor3A_262 : i32 to vector<16xi32>
        %xor3A_264 = arith.xori %iota3A, %xor3A_263 : vector<16xi32>
        %lt3A_265 = arith.constant 0 : i32
        %lt3A_266 = vector.broadcast %lt3A_265 : i32 to vector<16xi32>
        %lt3A_267 = arith.cmpi slt, %xor3A_264, %lt3A_266 : vector<16xi32>
        %add3A_268 = arith.constant 16 : i32
        %add3A_269 = vector.broadcast %add3A_268 : i32 to vector<16xi32>
        %add3A_270 = arith.addi %xor3A_264, %add3A_269 : vector<16xi32>
        %select_n3A_271 = arith.select %lt3A_267, %add3A_270, %xor3A_264 : vector<16xi1>, vector<16xi32>
        %reshape3A_272 = vector.shape_cast %select_n3A_271 : vector<16xi32> to vector<16x1xi32>
        %gather3A_273 = vector.shape_cast %reshape3A_272 : vector<16x1xi32> to vector<16xi32>
        %gather3A_274 = tpu.dynamic_gather %add3A_261[%gather3A_273] in [0] : vector<16xf32>, vector<16xi32> -> vector<16xf32>
        %add3A_275 = arith.addf %add3A_261, %gather3A_274 : vector<16xf32>
        %xor3A_276 = arith.constant 4 : i32
        %xor3A_277 = vector.broadcast %xor3A_276 : i32 to vector<16xi32>
        %xor3A_278 = arith.xori %iota3A, %xor3A_277 : vector<16xi32>
        %lt3A_279 = arith.constant 0 : i32
        %lt3A_280 = vector.broadcast %lt3A_279 : i32 to vector<16xi32>
        %lt3A_281 = arith.cmpi slt, %xor3A_278, %lt3A_280 : vector<16xi32>
        %add3A_282 = arith.constant 16 : i32
        %add3A_283 = vector.broadcast %add3A_282 : i32 to vector<16xi32>
        %add3A_284 = arith.addi %xor3A_278, %add3A_283 : vector<16xi32>
        %select_n3A_285 = arith.select %lt3A_281, %add3A_284, %xor3A_278 : vector<16xi1>, vector<16xi32>
        %reshape3A_286 = vector.shape_cast %select_n3A_285 : vector<16xi32> to vector<16x1xi32>
        %gather3A_287 = vector.shape_cast %reshape3A_286 : vector<16x1xi32> to vector<16xi32>
        %gather3A_288 = tpu.dynamic_gather %add3A_275[%gather3A_287] in [0] : vector<16xf32>, vector<16xi32> -> vector<16xf32>
        %add3A_289 = arith.addf %add3A_275, %gather3A_288 : vector<16xf32>
        %mul3A_290 = arith.constant 1.250000e-01 : f32
        %mul3A_291 = vector.broadcast %mul3A_290 : f32 to vector<16xf32>
        %mul3A_292 = arith.mulf %add3A_289, %mul3A_291 : vector<16xf32>
        %exp3A = math.exp %mul3A_292 : vector<16xf32>
        %lt3A_293 = arith.constant 0 : i32
        %lt3A_294 = vector.broadcast %lt3A_293 : i32 to vector<16xi32>
        %lt3A_295 = arith.cmpi slt, %mul3A_6, %lt3A_294 : vector<16xi32>
        %add3A_296 = arith.constant 16 : i32
        %add3A_297 = vector.broadcast %add3A_296 : i32 to vector<16xi32>
        %add3A_298 = arith.addi %mul3A_6, %add3A_297 : vector<16xi32>
        %select_n3A_299 = arith.select %lt3A_295, %add3A_298, %mul3A_6 : vector<16xi1>, vector<16xi32>
        %reshape3A_300 = vector.shape_cast %select_n3A_299 : vector<16xi32> to vector<16x1xi32>
        %gather3A_301 = vector.shape_cast %reshape3A_300 : vector<16x1xi32> to vector<16xi32>
        %gather3A_302 = tpu.dynamic_gather %exp3A[%gather3A_301] in [0] : vector<16xf32>, vector<16xi32> -> vector<16xf32>
        %get3A_303 = arith.index_cast %scan3A_242 : i32 to index
        %get3A_304 = arith.constant 16 : index
        %get3A_305 = tpu.vector_load %arg13[%get3A_303, %get3A_304] {strides = array<i32>} : memref<40x64xf32, #tpu.memory_space<vmem>>, vector<1x16xf32>,
        %get3A_306 = vector.shape_cast %get3A_305 : vector<1x16xf32> to vector<16xf32>
        %get3A_307 = arith.index_cast %scan3A_242 : i32 to index
        %get3A_308 = arith.constant 16 : index
        %get3A_309 = tpu.vector_load %arg15[%get3A_307, %get3A_308] {strides = array<i32>} : memref<40x128xf32, #tpu.memory_space<vmem>>, vector<1x16xf32>,
        %get3A_310 = vector.shape_cast %get3A_309 : vector<1x16xf32> to vector<16xf32>
        %mul3A_311 = arith.mulf %get3A_306, %get3A_310 : vector<16xf32>
        %xor3A_312 = arith.constant 1 : i32
        %xor3A_313 = vector.broadcast %xor3A_312 : i32 to vector<16xi32>
        %xor3A_314 = arith.xori %iota3A, %xor3A_313 : vector<16xi32>
        %lt3A_315 = arith.constant 0 : i32
        %lt3A_316 = vector.broadcast %lt3A_315 : i32 to vector<16xi32>
        %lt3A_317 = arith.cmpi slt, %xor3A_314, %lt3A_316 : vector<16xi32>
        %add3A_318 = arith.constant 16 : i32
        %add3A_319 = vector.broadcast %add3A_318 : i32 to vector<16xi32>
        %add3A_320 = arith.addi %xor3A_314, %add3A_319 : vector<16xi32>
        %select_n3A_321 = arith.select %lt3A_317, %add3A_320, %xor3A_314 : vector<16xi1>, vector<16xi32>
        %reshape3A_322 = vector.shape_cast %select_n3A_321 : vector<16xi32> to vector<16x1xi32>
        %gather3A_323 = vector.shape_cast %reshape3A_322 : vector<16x1xi32> to vector<16xi32>
        %gather3A_324 = tpu.dynamic_gather %mul3A_311[%gather3A_323] in [0] : vector<16xf32>, vector<16xi32> -> vector<16xf32>
        %add3A_325 = arith.addf %mul3A_311, %gather3A_324 : vector<16xf32>
        %xor3A_326 = arith.constant 2 : i32
        %xor3A_327 = vector.broadcast %xor3A_326 : i32 to vector<16xi32>
        %xor3A_328 = arith.xori %iota3A, %xor3A_327 : vector<16xi32>
        %lt3A_329 = arith.constant 0 : i32
        %lt3A_330 = vector.broadcast %lt3A_329 : i32 to vector<16xi32>
        %lt3A_331 = arith.cmpi slt, %xor3A_328, %lt3A_330 : vector<16xi32>
        %add3A_332 = arith.constant 16 : i32
        %add3A_333 = vector.broadcast %add3A_332 : i32 to vector<16xi32>
        %add3A_334 = arith.addi %xor3A_328, %add3A_333 : vector<16xi32>
        %select_n3A_335 = arith.select %lt3A_331, %add3A_334, %xor3A_328 : vector<16xi1>, vector<16xi32>
        %reshape3A_336 = vector.shape_cast %select_n3A_335 : vector<16xi32> to vector<16x1xi32>
        %gather3A_337 = vector.shape_cast %reshape3A_336 : vector<16x1xi32> to vector<16xi32>
        %gather3A_338 = tpu.dynamic_gather %add3A_325[%gather3A_337] in [0] : vector<16xf32>, vector<16xi32> -> vector<16xf32>
        %add3A_339 = arith.addf %add3A_325, %gather3A_338 : vector<16xf32>
        %xor3A_340 = arith.constant 4 : i32
        %xor3A_341 = vector.broadcast %xor3A_340 : i32 to vector<16xi32>
        %xor3A_342 = arith.xori %iota3A, %xor3A_341 : vector<16xi32>
        %lt3A_343 = arith.constant 0 : i32
        %lt3A_344 = vector.broadcast %lt3A_343 : i32 to vector<16xi32>
        %lt3A_345 = arith.cmpi slt, %xor3A_342, %lt3A_344 : vector<16xi32>
        %add3A_346 = arith.constant 16 : i32
        %add3A_347 = vector.broadcast %add3A_346 : i32 to vector<16xi32>
        %add3A_348 = arith.addi %xor3A_342, %add3A_347 : vector<16xi32>
        %select_n3A_349 = arith.select %lt3A_345, %add3A_348, %xor3A_342 : vector<16xi1>, vector<16xi32>
        %reshape3A_350 = vector.shape_cast %select_n3A_349 : vector<16xi32> to vector<16x1xi32>
        %gather3A_351 = vector.shape_cast %reshape3A_350 : vector<16x1xi32> to vector<16xi32>
        %gather3A_352 = tpu.dynamic_gather %add3A_339[%gather3A_351] in [0] : vector<16xf32>, vector<16xi32> -> vector<16xf32>
        %add3A_353 = arith.addf %add3A_339, %gather3A_352 : vector<16xf32>
        %mul3A_354 = arith.constant 1.250000e-01 : f32
        %mul3A_355 = vector.broadcast %mul3A_354 : f32 to vector<16xf32>
        %mul3A_356 = arith.mulf %add3A_353, %mul3A_355 : vector<16xf32>
        %exp3A_357 = math.exp %mul3A_356 : vector<16xf32>
        %lt3A_358 = arith.constant 0 : i32
        %lt3A_359 = vector.broadcast %lt3A_358 : i32 to vector<16xi32>
        %lt3A_360 = arith.cmpi slt, %mul3A_6, %lt3A_359 : vector<16xi32>
        %add3A_361 = arith.constant 16 : i32
        %add3A_362 = vector.broadcast %add3A_361 : i32 to vector<16xi32>
        %add3A_363 = arith.addi %mul3A_6, %add3A_362 : vector<16xi32>
        %select_n3A_364 = arith.select %lt3A_360, %add3A_363, %mul3A_6 : vector<16xi1>, vector<16xi32>
        %reshape3A_365 = vector.shape_cast %select_n3A_364 : vector<16xi32> to vector<16x1xi32>
        %gather3A_366 = vector.shape_cast %reshape3A_365 : vector<16x1xi32> to vector<16xi32>
        %gather3A_367 = tpu.dynamic_gather %exp3A_357[%gather3A_366] in [0] : vector<16xf32>, vector<16xi32> -> vector<16xf32>
        %get3A_368 = arith.index_cast %scan3A_242 : i32 to index
        %get3A_369 = arith.constant 32 : index
        %get3A_370 = tpu.vector_load %arg13[%get3A_368, %get3A_369] {strides = array<i32>} : memref<40x64xf32, #tpu.memory_space<vmem>>, vector<1x16xf32>,
        %get3A_371 = vector.shape_cast %get3A_370 : vector<1x16xf32> to vector<16xf32>
        %get3A_372 = arith.index_cast %scan3A_242 : i32 to index
        %get3A_373 = arith.constant 32 : index
        %get3A_374 = tpu.vector_load %arg15[%get3A_372, %get3A_373] {strides = array<i32>} : memref<40x128xf32, #tpu.memory_space<vmem>>, vector<1x16xf32>,
        %get3A_375 = vector.shape_cast %get3A_374 : vector<1x16xf32> to vector<16xf32>
        %mul3A_376 = arith.mulf %get3A_371, %get3A_375 : vector<16xf32>
        %xor3A_377 = arith.constant 1 : i32
        %xor3A_378 = vector.broadcast %xor3A_377 : i32 to vector<16xi32>
        %xor3A_379 = arith.xori %iota3A, %xor3A_378 : vector<16xi32>
        %lt3A_380 = arith.constant 0 : i32
        %lt3A_381 = vector.broadcast %lt3A_380 : i32 to vector<16xi32>
        %lt3A_382 = arith.cmpi slt, %xor3A_379, %lt3A_381 : vector<16xi32>
        %add3A_383 = arith.constant 16 : i32
        %add3A_384 = vector.broadcast %add3A_383 : i32 to vector<16xi32>
        %add3A_385 = arith.addi %xor3A_379, %add3A_384 : vector<16xi32>
        %select_n3A_386 = arith.select %lt3A_382, %add3A_385, %xor3A_379 : vector<16xi1>, vector<16xi32>
        %reshape3A_387 = vector.shape_cast %select_n3A_386 : vector<16xi32> to vector<16x1xi32>
        %gather3A_388 = vector.shape_cast %reshape3A_387 : vector<16x1xi32> to vector<16xi32>
        %gather3A_389 = tpu.dynamic_gather %mul3A_376[%gather3A_388] in [0] : vector<16xf32>, vector<16xi32> -> vector<16xf32>
        %add3A_390 = arith.addf %mul3A_376, %gather3A_389 : vector<16xf32>
        %xor3A_391 = arith.constant 2 : i32
        %xor3A_392 = vector.broadcast %xor3A_391 : i32 to vector<16xi32>
        %xor3A_393 = arith.xori %iota3A, %xor3A_392 : vector<16xi32>
        %lt3A_394 = arith.constant 0 : i32
        %lt3A_395 = vector.broadcast %lt3A_394 : i32 to vector<16xi32>
        %lt3A_396 = arith.cmpi slt, %xor3A_393, %lt3A_395 : vector<16xi32>
        %add3A_397 = arith.constant 16 : i32
        %add3A_398 = vector.broadcast %add3A_397 : i32 to vector<16xi32>
        %add3A_399 = arith.addi %xor3A_393, %add3A_398 : vector<16xi32>
        %select_n3A_400 = arith.select %lt3A_396, %add3A_399, %xor3A_393 : vector<16xi1>, vector<16xi32>
        %reshape3A_401 = vector.shape_cast %select_n3A_400 : vector<16xi32> to vector<16x1xi32>
        %gather3A_402 = vector.shape_cast %reshape3A_401 : vector<16x1xi32> to vector<16xi32>
        %gather3A_403 = tpu.dynamic_gather %add3A_390[%gather3A_402] in [0] : vector<16xf32>, vector<16xi32> -> vector<16xf32>
        %add3A_404 = arith.addf %add3A_390, %gather3A_403 : vector<16xf32>
        %xor3A_405 = arith.constant 4 : i32
        %xor3A_406 = vector.broadcast %xor3A_405 : i32 to vector<16xi32>
        %xor3A_407 = arith.xori %iota3A, %xor3A_406 : vector<16xi32>
        %lt3A_408 = arith.constant 0 : i32
        %lt3A_409 = vector.broadcast %lt3A_408 : i32 to vector<16xi32>
        %lt3A_410 = arith.cmpi slt, %xor3A_407, %lt3A_409 : vector<16xi32>
        %add3A_411 = arith.constant 16 : i32
        %add3A_412 = vector.broadcast %add3A_411 : i32 to vector<16xi32>
        %add3A_413 = arith.addi %xor3A_407, %add3A_412 : vector<16xi32>
        %select_n3A_414 = arith.select %lt3A_410, %add3A_413, %xor3A_407 : vector<16xi1>, vector<16xi32>
        %reshape3A_415 = vector.shape_cast %select_n3A_414 : vector<16xi32> to vector<16x1xi32>
        %gather3A_416 = vector.shape_cast %reshape3A_415 : vector<16x1xi32> to vector<16xi32>
        %gather3A_417 = tpu.dynamic_gather %add3A_404[%gather3A_416] in [0] : vector<16xf32>, vector<16xi32> -> vector<16xf32>
        %add3A_418 = arith.addf %add3A_404, %gather3A_417 : vector<16xf32>
        %mul3A_419 = arith.constant 1.250000e-01 : f32
        %mul3A_420 = vector.broadcast %mul3A_419 : f32 to vector<16xf32>
        %mul3A_421 = arith.mulf %add3A_418, %mul3A_420 : vector<16xf32>
        %exp3A_422 = math.exp %mul3A_421 : vector<16xf32>
        %lt3A_423 = arith.constant 0 : i32
        %lt3A_424 = vector.broadcast %lt3A_423 : i32 to vector<16xi32>
        %lt3A_425 = arith.cmpi slt, %mul3A_6, %lt3A_424 : vector<16xi32>
        %add3A_426 = arith.constant 16 : i32
        %add3A_427 = vector.broadcast %add3A_426 : i32 to vector<16xi32>
        %add3A_428 = arith.addi %mul3A_6, %add3A_427 : vector<16xi32>
        %select_n3A_429 = arith.select %lt3A_425, %add3A_428, %mul3A_6 : vector<16xi1>, vector<16xi32>
        %reshape3A_430 = vector.shape_cast %select_n3A_429 : vector<16xi32> to vector<16x1xi32>
        %gather3A_431 = vector.shape_cast %reshape3A_430 : vector<16x1xi32> to vector<16xi32>
        %gather3A_432 = tpu.dynamic_gather %exp3A_422[%gather3A_431] in [0] : vector<16xf32>, vector<16xi32> -> vector<16xf32>
        %get3A_433 = arith.index_cast %scan3A_242 : i32 to index
        %get3A_434 = arith.constant 48 : index
        %get3A_435 = tpu.vector_load %arg13[%get3A_433, %get3A_434] {strides = array<i32>} : memref<40x64xf32, #tpu.memory_space<vmem>>, vector<1x16xf32>,
        %get3A_436 = vector.shape_cast %get3A_435 : vector<1x16xf32> to vector<16xf32>
        %get3A_437 = arith.index_cast %scan3A_242 : i32 to index
        %get3A_438 = arith.constant 48 : index
        %get3A_439 = tpu.vector_load %arg15[%get3A_437, %get3A_438] {strides = array<i32>} : memref<40x128xf32, #tpu.memory_space<vmem>>, vector<1x16xf32>,
        %get3A_440 = vector.shape_cast %get3A_439 : vector<1x16xf32> to vector<16xf32>
        %mul3A_441 = arith.mulf %get3A_436, %get3A_440 : vector<16xf32>
        %xor3A_442 = arith.constant 1 : i32
        %xor3A_443 = vector.broadcast %xor3A_442 : i32 to vector<16xi32>
        %xor3A_444 = arith.xori %iota3A, %xor3A_443 : vector<16xi32>
        %lt3A_445 = arith.constant 0 : i32
        %lt3A_446 = vector.broadcast %lt3A_445 : i32 to vector<16xi32>
        %lt3A_447 = arith.cmpi slt, %xor3A_444, %lt3A_446 : vector<16xi32>
        %add3A_448 = arith.constant 16 : i32
        %add3A_449 = vector.broadcast %add3A_448 : i32 to vector<16xi32>
        %add3A_450 = arith.addi %xor3A_444, %add3A_449 : vector<16xi32>
        %select_n3A_451 = arith.select %lt3A_447, %add3A_450, %xor3A_444 : vector<16xi1>, vector<16xi32>
        %reshape3A_452 = vector.shape_cast %select_n3A_451 : vector<16xi32> to vector<16x1xi32>
        %gather3A_453 = vector.shape_cast %reshape3A_452 : vector<16x1xi32> to vector<16xi32>
        %gather3A_454 = tpu.dynamic_gather %mul3A_441[%gather3A_453] in [0] : vector<16xf32>, vector<16xi32> -> vector<16xf32>
        %add3A_455 = arith.addf %mul3A_441, %gather3A_454 : vector<16xf32>
        %xor3A_456 = arith.constant 2 : i32
        %xor3A_457 = vector.broadcast %xor3A_456 : i32 to vector<16xi32>
        %xor3A_458 = arith.xori %iota3A, %xor3A_457 : vector<16xi32>
        %lt3A_459 = arith.constant 0 : i32
        %lt3A_460 = vector.broadcast %lt3A_459 : i32 to vector<16xi32>
        %lt3A_461 = arith.cmpi slt, %xor3A_458, %lt3A_460 : vector<16xi32>
        %add3A_462 = arith.constant 16 : i32
        %add3A_463 = vector.broadcast %add3A_462 : i32 to vector<16xi32>
        %add3A_464 = arith.addi %xor3A_458, %add3A_463 : vector<16xi32>
        %select_n3A_465 = arith.select %lt3A_461, %add3A_464, %xor3A_458 : vector<16xi1>, vector<16xi32>
        %reshape3A_466 = vector.shape_cast %select_n3A_465 : vector<16xi32> to vector<16x1xi32>
        %gather3A_467 = vector.shape_cast %reshape3A_466 : vector<16x1xi32> to vector<16xi32>
        %gather3A_468 = tpu.dynamic_gather %add3A_455[%gather3A_467] in [0] : vector<16xf32>, vector<16xi32> -> vector<16xf32>
        %add3A_469 = arith.addf %add3A_455, %gather3A_468 : vector<16xf32>
        %xor3A_470 = arith.constant 4 : i32
        %xor3A_471 = vector.broadcast %xor3A_470 : i32 to vector<16xi32>
        %xor3A_472 = arith.xori %iota3A, %xor3A_471 : vector<16xi32>
        %lt3A_473 = arith.constant 0 : i32
        %lt3A_474 = vector.broadcast %lt3A_473 : i32 to vector<16xi32>
        %lt3A_475 = arith.cmpi slt, %xor3A_472, %lt3A_474 : vector<16xi32>
        %add3A_476 = arith.constant 16 : i32
        %add3A_477 = vector.broadcast %add3A_476 : i32 to vector<16xi32>
        %add3A_478 = arith.addi %xor3A_472, %add3A_477 : vector<16xi32>
        %select_n3A_479 = arith.select %lt3A_475, %add3A_478, %xor3A_472 : vector<16xi1>, vector<16xi32>
        %reshape3A_480 = vector.shape_cast %select_n3A_479 : vector<16xi32> to vector<16x1xi32>
        %gather3A_481 = vector.shape_cast %reshape3A_480 : vector<16x1xi32> to vector<16xi32>
        %gather3A_482 = tpu.dynamic_gather %add3A_469[%gather3A_481] in [0] : vector<16xf32>, vector<16xi32> -> vector<16xf32>
        %add3A_483 = arith.addf %add3A_469, %gather3A_482 : vector<16xf32>
        %mul3A_484 = arith.constant 1.250000e-01 : f32
        %mul3A_485 = vector.broadcast %mul3A_484 : f32 to vector<16xf32>
        %mul3A_486 = arith.mulf %add3A_483, %mul3A_485 : vector<16xf32>
        %exp3A_487 = math.exp %mul3A_486 : vector<16xf32>
        %lt3A_488 = arith.constant 0 : i32
        %lt3A_489 = vector.broadcast %lt3A_488 : i32 to vector<16xi32>
        %lt3A_490 = arith.cmpi slt, %mul3A_6, %lt3A_489 : vector<16xi32>
        %add3A_491 = arith.constant 16 : i32
        %add3A_492 = vector.broadcast %add3A_491 : i32 to vector<16xi32>
        %add3A_493 = arith.addi %mul3A_6, %add3A_492 : vector<16xi32>
        %select_n3A_494 = arith.select %lt3A_490, %add3A_493, %mul3A_6 : vector<16xi1>, vector<16xi32>
        %reshape3A_495 = vector.shape_cast %select_n3A_494 : vector<16xi32> to vector<16x1xi32>
        %gather3A_496 = vector.shape_cast %reshape3A_495 : vector<16x1xi32> to vector<16xi32>
        %gather3A_497 = tpu.dynamic_gather %exp3A_487[%gather3A_496] in [0] : vector<16xf32>, vector<16xi32> -> vector<16xf32>
        %lt3A_498 = arith.constant 2 : i32
        %lt3A_499 = vector.broadcast %lt3A_498 : i32 to vector<16xi32>
        %lt3A_500 = arith.cmpi slt, %iota3A, %lt3A_499 : vector<16xi32>
        %lt3A_501 = arith.constant 4 : i32
        %lt3A_502 = vector.broadcast %lt3A_501 : i32 to vector<16xi32>
        %lt3A_503 = arith.cmpi slt, %iota3A, %lt3A_502 : vector<16xi32>
        %lt3A_504 = arith.constant 6 : i32
        %lt3A_505 = vector.broadcast %lt3A_504 : i32 to vector<16xi32>
        %lt3A_506 = arith.cmpi slt, %iota3A, %lt3A_505 : vector<16xi32>
        %lt3A_507 = arith.constant 8 : i32
        %lt3A_508 = vector.broadcast %lt3A_507 : i32 to vector<16xi32>
        %lt3A_509 = arith.cmpi slt, %iota3A, %lt3A_508 : vector<16xi32>
        %jit3A = arith.constant 0.000000e+00 : f32
        %broadcast_in_dim3A_510 = vector.broadcast %jit3A : f32 to vector<16xf32>
        %select_n3A_511 = arith.select %lt3A_509, %gather3A_497, %broadcast_in_dim3A_510 : vector<16xi1>, vector<16xf32>
        %select_n3A_512 = arith.select %lt3A_506, %gather3A_432, %select_n3A_511 : vector<16xi1>, vector<16xf32>
        %select_n3A_513 = arith.select %lt3A_503, %gather3A_367, %select_n3A_512 : vector<16xi1>, vector<16xf32>
        %select_n3A_514 = arith.select %lt3A_500, %gather3A_302, %select_n3A_513 : vector<16xi1>, vector<16xf32>
        %add3A_515 = arith.constant 0 : i32
        %add3A_516 = arith.addi %add3A_515, %scan3A_242 : i32
        %swap3A = arith.index_cast %add3A_516 : i32 to index
        %swap3A_517 = arith.constant 0 : index
        %swap3A_518 = tpu.vector_load %arg18[%swap3A, %swap3A_517] {strides = array<i32>} : memref<80x16xf32, #tpu.memory_space<vmem>>, vector<1x16xf32>,
        %swap3A_519 = vector.shape_cast %swap3A_518 : vector<1x16xf32> to vector<16xf32>
        %swap3A_520 = vector.shape_cast %select_n3A_514 : vector<16xf32> to vector<1x16xf32>
        tpu.vector_store %arg18[%swap3A, %swap3A_517], %swap3A_520 {strides = array<i32>} : memref<80x16xf32, #tpu.memory_space<vmem>>, vector<1x16xf32>,
        %add3A_521 = arith.constant 0 : i32
        %add3A_522 = arith.addi %add3A_521, %scan3A_242 : i32
        %swap3A_523 = arith.index_cast %add3A_522 : i32 to index
        %swap3A_524 = arith.constant 0 : index
        %swap3A_525 = tpu.vector_load %arg17[%swap3A_523, %swap3A_524] {strides = array<i32>} : memref<80x128xf32, #tpu.memory_space<vmem>>, vector<1x16xf32>,
        %swap3A_526 = vector.shape_cast %swap3A_525 : vector<1x16xf32> to vector<16xf32>
        %swap3A_527 = vector.shape_cast %select_n3A_514 : vector<16xf32> to vector<1x16xf32>
        tpu.vector_store %arg17[%swap3A_523, %swap3A_524], %swap3A_527 {strides = array<i32>} : memref<80x128xf32, #tpu.memory_space<vmem>>, vector<1x16xf32>,
        %scan3A_528 = arith.constant 0 : i32
        scf.yield %scan3A_528 : i32
      }
      %scan3A_130 = arith.constant 40 : i32
      %dma_start3A_131 = arith.constant 0 : i32
      %dma_start3A_132 = arith.constant 0 : i32
      %dma_start3A_133 = tpu.memref_slice %arg18[%dma_start3A_131, %dma_start3A_132] : memref<80x16xf32, #tpu.memory_space<vmem>> -> memref<40x16xf32, #tpu.memory_space<vmem>>
      %dma_start3A_134 = arith.constant 0 : i32
      %dma_start3A_135 = arith.constant 0 : i32
      %dma_start3A_136 = tpu.memref_slice %arg7[%arg0, %dma_start3A_134, %dma_start3A_135] : memref<2x160000x16xf32, #tpu.memory_space<hbm>> -> memref<1x160000x16xf32, #tpu.memory_space<hbm>>
      %dma_start3A_137 = tpu.memref_squeeze %dma_start3A_136 : memref<1x160000x16xf32, #tpu.memory_space<hbm>> -> memref<160000x16xf32, #tpu.memory_space<hbm>>
      %dma_start3A_138 = arith.constant 0 : i32
      %dma_start3A_139 = tpu.memref_slice %dma_start3A_137[%add3A_94, %dma_start3A_138] : memref<160000x16xf32, #tpu.memory_space<hbm>> -> memref<40x16xf32, #tpu.memory_space<hbm>>
      %dma_start3A_140 = arith.constant 0 : i32
      %dma_start3A_141 = arith.constant 0 : i32
      %dma_start3A_142 = tpu.memref_slice %arg7[%arg0, %dma_start3A_140, %dma_start3A_141] : memref<2x160000x16xf32, #tpu.memory_space<hbm>> -> memref<1x160000x16xf32, #tpu.memory_space<hbm>>
      %dma_start3A_143 = tpu.memref_squeeze %dma_start3A_142 : memref<1x160000x16xf32, #tpu.memory_space<hbm>> -> memref<160000x16xf32, #tpu.memory_space<hbm>>
      %dma_start3A_144 = arith.constant 0 : i32
      %dma_start3A_145 = tpu.memref_slice %dma_start3A_143[%add3A_94, %dma_start3A_144] : memref<160000x16xf32, #tpu.memory_space<hbm>> -> memref<40x16xf32, #tpu.memory_space<hbm>>
      %dma_start3A_146 = arith.constant 0 : i32
      %dma_start3A_147 = arith.constant 0 : i32
      %dma_start3A_148 = tpu.memref_slice %arg18[%dma_start3A_146, %dma_start3A_147] : memref<80x16xf32, #tpu.memory_space<vmem>> -> memref<40x16xf32, #tpu.memory_space<vmem>>
      tpu.enqueue_dma source(%dma_start3A_148 : memref<40x16xf32, #tpu.memory_space<vmem>>) target(%dma_start3A_145 : memref<40x16xf32, #tpu.memory_space<hbm>>) target_semaphore(%arg19 : memref<!tpu.dma_semaphore, #tpu.memory_space<semaphore_mem>>)
      %dma_start3A_149 = arith.constant 0 : i32
      %dma_start3A_150 = arith.constant 0 : i32
      %dma_start3A_151 = tpu.memref_slice %arg17[%dma_start3A_149, %dma_start3A_150] : memref<80x128xf32, #tpu.memory_space<vmem>> -> memref<40x128xf32, #tpu.memory_space<vmem>>
      %dma_start3A_152 = arith.constant 0 : i32
      %dma_start3A_153 = arith.constant 0 : i32
      %dma_start3A_154 = tpu.memref_slice %arg9[%dma_start3A_152, %dma_start3A_153] : memref<10000x128xf32, #tpu.memory_space<vmem_shared>> -> memref<10000x128xf32, #tpu.memory_space<vmem_shared>>
      tpu.enqueue_indirect_dma source(%dma_start3A_151 : memref<40x128xf32, #tpu.memory_space<vmem>>) target(%dma_start3A_154 : memref<10000x128xf32, #tpu.memory_space<vmem_shared>>) offsets(%arg11 : memref<40xi32, #tpu.memory_space<vmem>>) semaphore(%arg20 : memref<!tpu.dma_semaphore, #tpu.memory_space<semaphore_mem>>) {add = true}
      %dma_wait3A_155 = arith.constant 0 : i32
      %dma_wait3A_156 = tpu.memref_slice %arg3[%add3A_96, %dma_wait3A_155] : memref<160000x64xf32, #tpu.memory_space<hbm>> -> memref<40x64xf32, #tpu.memory_space<hbm>>
      %dma_wait3A_157 = arith.constant 0 : i32
      %dma_wait3A_158 = tpu.memref_slice %arg3[%add3A_96, %dma_wait3A_157] : memref<160000x64xf32, #tpu.memory_space<hbm>> -> memref<40x64xf32, #tpu.memory_space<hbm>>
      tpu.wait_dma2 semaphore(%arg23 : memref<!tpu.dma_semaphore, #tpu.memory_space<semaphore_mem>>) src(%dma_wait3A_158 : memref<40x64xf32, #tpu.memory_space<hbm>>) dst(%arg14 : memref<40x64xf32, #tpu.memory_space<vmem>>)
      %dma_wait3A_159 = arith.constant 0 : i32
      %dma_wait3A_160 = arith.constant 0 : i32
      %dma_wait3A_161 = tpu.memref_slice %arg4[%dma_wait3A_159, %dma_wait3A_160] : memref<10000x128xf32, #tpu.memory_space<hbm>> -> memref<10000x128xf32, #tpu.memory_space<hbm>>
      tpu.wait_indirect_dma semaphore(%arg24 : memref<!tpu.dma_semaphore, #tpu.memory_space<semaphore_mem>>) src(%dma_wait3A_161 : memref<10000x128xf32, #tpu.memory_space<hbm>>) dst(%arg16 : memref<40x128xf32, #tpu.memory_space<vmem>>)
      %scan3A_162 = arith.constant 0 : i32
      %scan3A_163 = arith.constant 0 : i32
      %scan3A_164 = arith.constant 40 : i32
      %scan3A_165 = arith.addi %scan3A_163, %scan3A_164 : i32
      %scan3A_166 = arith.constant 1 : i32
      %scan3A_167 = scf.for %scan3A_242 = %scan3A_163 to %scan3A_165 step %scan3A_166 iter_args(%scan3A_243 = %scan3A_162) -> (i32)  : i32 {
        %get3A = arith.index_cast %scan3A_242 : i32 to index
        %get3A_244 = arith.constant 0 : index
        %get3A_245 = tpu.vector_load %arg14[%get3A, %get3A_244] {strides = array<i32>} : memref<40x64xf32, #tpu.memory_space<vmem>>, vector<1x16xf32>,
        %get3A_246 = vector.shape_cast %get3A_245 : vector<1x16xf32> to vector<16xf32>
        %get3A_247 = arith.index_cast %scan3A_242 : i32 to index
        %get3A_248 = arith.constant 0 : index
        %get3A_249 = tpu.vector_load %arg16[%get3A_247, %get3A_248] {strides = array<i32>} : memref<40x128xf32, #tpu.memory_space<vmem>>, vector<1x16xf32>,
        %get3A_250 = vector.shape_cast %get3A_249 : vector<1x16xf32> to vector<16xf32>
        %mul3A_251 = arith.mulf %get3A_246, %get3A_250 : vector<16xf32>
        %xor3A = arith.constant 1 : i32
        %xor3A_252 = vector.broadcast %xor3A : i32 to vector<16xi32>
        %xor3A_253 = arith.xori %iota3A, %xor3A_252 : vector<16xi32>
        %lt3A_254 = arith.constant 0 : i32
        %lt3A_255 = vector.broadcast %lt3A_254 : i32 to vector<16xi32>
        %lt3A_256 = arith.cmpi slt, %xor3A_253, %lt3A_255 : vector<16xi32>
        %add3A_257 = arith.constant 16 : i32
        %add3A_258 = vector.broadcast %add3A_257 : i32 to vector<16xi32>
        %add3A_259 = arith.addi %xor3A_253, %add3A_258 : vector<16xi32>
        %select_n3A = arith.select %lt3A_256, %add3A_259, %xor3A_253 : vector<16xi1>, vector<16xi32>
        %reshape3A = vector.shape_cast %select_n3A : vector<16xi32> to vector<16x1xi32>
        %gather3A = vector.shape_cast %reshape3A : vector<16x1xi32> to vector<16xi32>
        %gather3A_260 = tpu.dynamic_gather %mul3A_251[%gather3A] in [0] : vector<16xf32>, vector<16xi32> -> vector<16xf32>
        %add3A_261 = arith.addf %mul3A_251, %gather3A_260 : vector<16xf32>
        %xor3A_262 = arith.constant 2 : i32
        %xor3A_263 = vector.broadcast %xor3A_262 : i32 to vector<16xi32>
        %xor3A_264 = arith.xori %iota3A, %xor3A_263 : vector<16xi32>
        %lt3A_265 = arith.constant 0 : i32
        %lt3A_266 = vector.broadcast %lt3A_265 : i32 to vector<16xi32>
        %lt3A_267 = arith.cmpi slt, %xor3A_264, %lt3A_266 : vector<16xi32>
        %add3A_268 = arith.constant 16 : i32
        %add3A_269 = vector.broadcast %add3A_268 : i32 to vector<16xi32>
        %add3A_270 = arith.addi %xor3A_264, %add3A_269 : vector<16xi32>
        %select_n3A_271 = arith.select %lt3A_267, %add3A_270, %xor3A_264 : vector<16xi1>, vector<16xi32>
        %reshape3A_272 = vector.shape_cast %select_n3A_271 : vector<16xi32> to vector<16x1xi32>
        %gather3A_273 = vector.shape_cast %reshape3A_272 : vector<16x1xi32> to vector<16xi32>
        %gather3A_274 = tpu.dynamic_gather %add3A_261[%gather3A_273] in [0] : vector<16xf32>, vector<16xi32> -> vector<16xf32>
        %add3A_275 = arith.addf %add3A_261, %gather3A_274 : vector<16xf32>
        %xor3A_276 = arith.constant 4 : i32
        %xor3A_277 = vector.broadcast %xor3A_276 : i32 to vector<16xi32>
        %xor3A_278 = arith.xori %iota3A, %xor3A_277 : vector<16xi32>
        %lt3A_279 = arith.constant 0 : i32
        %lt3A_280 = vector.broadcast %lt3A_279 : i32 to vector<16xi32>
        %lt3A_281 = arith.cmpi slt, %xor3A_278, %lt3A_280 : vector<16xi32>
        %add3A_282 = arith.constant 16 : i32
        %add3A_283 = vector.broadcast %add3A_282 : i32 to vector<16xi32>
        %add3A_284 = arith.addi %xor3A_278, %add3A_283 : vector<16xi32>
        %select_n3A_285 = arith.select %lt3A_281, %add3A_284, %xor3A_278 : vector<16xi1>, vector<16xi32>
        %reshape3A_286 = vector.shape_cast %select_n3A_285 : vector<16xi32> to vector<16x1xi32>
        %gather3A_287 = vector.shape_cast %reshape3A_286 : vector<16x1xi32> to vector<16xi32>
        %gather3A_288 = tpu.dynamic_gather %add3A_275[%gather3A_287] in [0] : vector<16xf32>, vector<16xi32> -> vector<16xf32>
        %add3A_289 = arith.addf %add3A_275, %gather3A_288 : vector<16xf32>
        %mul3A_290 = arith.constant 1.250000e-01 : f32
        %mul3A_291 = vector.broadcast %mul3A_290 : f32 to vector<16xf32>
        %mul3A_292 = arith.mulf %add3A_289, %mul3A_291 : vector<16xf32>
        %exp3A = math.exp %mul3A_292 : vector<16xf32>
        %lt3A_293 = arith.constant 0 : i32
        %lt3A_294 = vector.broadcast %lt3A_293 : i32 to vector<16xi32>
        %lt3A_295 = arith.cmpi slt, %mul3A_6, %lt3A_294 : vector<16xi32>
        %add3A_296 = arith.constant 16 : i32
        %add3A_297 = vector.broadcast %add3A_296 : i32 to vector<16xi32>
        %add3A_298 = arith.addi %mul3A_6, %add3A_297 : vector<16xi32>
        %select_n3A_299 = arith.select %lt3A_295, %add3A_298, %mul3A_6 : vector<16xi1>, vector<16xi32>
        %reshape3A_300 = vector.shape_cast %select_n3A_299 : vector<16xi32> to vector<16x1xi32>
        %gather3A_301 = vector.shape_cast %reshape3A_300 : vector<16x1xi32> to vector<16xi32>
        %gather3A_302 = tpu.dynamic_gather %exp3A[%gather3A_301] in [0] : vector<16xf32>, vector<16xi32> -> vector<16xf32>
        %get3A_303 = arith.index_cast %scan3A_242 : i32 to index
        %get3A_304 = arith.constant 16 : index
        %get3A_305 = tpu.vector_load %arg14[%get3A_303, %get3A_304] {strides = array<i32>} : memref<40x64xf32, #tpu.memory_space<vmem>>, vector<1x16xf32>,
        %get3A_306 = vector.shape_cast %get3A_305 : vector<1x16xf32> to vector<16xf32>
        %get3A_307 = arith.index_cast %scan3A_242 : i32 to index
        %get3A_308 = arith.constant 16 : index
        %get3A_309 = tpu.vector_load %arg16[%get3A_307, %get3A_308] {strides = array<i32>} : memref<40x128xf32, #tpu.memory_space<vmem>>, vector<1x16xf32>,
        %get3A_310 = vector.shape_cast %get3A_309 : vector<1x16xf32> to vector<16xf32>
        %mul3A_311 = arith.mulf %get3A_306, %get3A_310 : vector<16xf32>
        %xor3A_312 = arith.constant 1 : i32
        %xor3A_313 = vector.broadcast %xor3A_312 : i32 to vector<16xi32>
        %xor3A_314 = arith.xori %iota3A, %xor3A_313 : vector<16xi32>
        %lt3A_315 = arith.constant 0 : i32
        %lt3A_316 = vector.broadcast %lt3A_315 : i32 to vector<16xi32>
        %lt3A_317 = arith.cmpi slt, %xor3A_314, %lt3A_316 : vector<16xi32>
        %add3A_318 = arith.constant 16 : i32
        %add3A_319 = vector.broadcast %add3A_318 : i32 to vector<16xi32>
        %add3A_320 = arith.addi %xor3A_314, %add3A_319 : vector<16xi32>
        %select_n3A_321 = arith.select %lt3A_317, %add3A_320, %xor3A_314 : vector<16xi1>, vector<16xi32>
        %reshape3A_322 = vector.shape_cast %select_n3A_321 : vector<16xi32> to vector<16x1xi32>
        %gather3A_323 = vector.shape_cast %reshape3A_322 : vector<16x1xi32> to vector<16xi32>
        %gather3A_324 = tpu.dynamic_gather %mul3A_311[%gather3A_323] in [0] : vector<16xf32>, vector<16xi32> -> vector<16xf32>
        %add3A_325 = arith.addf %mul3A_311, %gather3A_324 : vector<16xf32>
        %xor3A_326 = arith.constant 2 : i32
        %xor3A_327 = vector.broadcast %xor3A_326 : i32 to vector<16xi32>
        %xor3A_328 = arith.xori %iota3A, %xor3A_327 : vector<16xi32>
        %lt3A_329 = arith.constant 0 : i32
        %lt3A_330 = vector.broadcast %lt3A_329 : i32 to vector<16xi32>
        %lt3A_331 = arith.cmpi slt, %xor3A_328, %lt3A_330 : vector<16xi32>
        %add3A_332 = arith.constant 16 : i32
        %add3A_333 = vector.broadcast %add3A_332 : i32 to vector<16xi32>
        %add3A_334 = arith.addi %xor3A_328, %add3A_333 : vector<16xi32>
        %select_n3A_335 = arith.select %lt3A_331, %add3A_334, %xor3A_328 : vector<16xi1>, vector<16xi32>
        %reshape3A_336 = vector.shape_cast %select_n3A_335 : vector<16xi32> to vector<16x1xi32>
        %gather3A_337 = vector.shape_cast %reshape3A_336 : vector<16x1xi32> to vector<16xi32>
        %gather3A_338 = tpu.dynamic_gather %add3A_325[%gather3A_337] in [0] : vector<16xf32>, vector<16xi32> -> vector<16xf32>
        %add3A_339 = arith.addf %add3A_325, %gather3A_338 : vector<16xf32>
        %xor3A_340 = arith.constant 4 : i32
        %xor3A_341 = vector.broadcast %xor3A_340 : i32 to vector<16xi32>
        %xor3A_342 = arith.xori %iota3A, %xor3A_341 : vector<16xi32>
        %lt3A_343 = arith.constant 0 : i32
        %lt3A_344 = vector.broadcast %lt3A_343 : i32 to vector<16xi32>
        %lt3A_345 = arith.cmpi slt, %xor3A_342, %lt3A_344 : vector<16xi32>
        %add3A_346 = arith.constant 16 : i32
        %add3A_347 = vector.broadcast %add3A_346 : i32 to vector<16xi32>
        %add3A_348 = arith.addi %xor3A_342, %add3A_347 : vector<16xi32>
        %select_n3A_349 = arith.select %lt3A_345, %add3A_348, %xor3A_342 : vector<16xi1>, vector<16xi32>
        %reshape3A_350 = vector.shape_cast %select_n3A_349 : vector<16xi32> to vector<16x1xi32>
        %gather3A_351 = vector.shape_cast %reshape3A_350 : vector<16x1xi32> to vector<16xi32>
        %gather3A_352 = tpu.dynamic_gather %add3A_339[%gather3A_351] in [0] : vector<16xf32>, vector<16xi32> -> vector<16xf32>
        %add3A_353 = arith.addf %add3A_339, %gather3A_352 : vector<16xf32>
        %mul3A_354 = arith.constant 1.250000e-01 : f32
        %mul3A_355 = vector.broadcast %mul3A_354 : f32 to vector<16xf32>
        %mul3A_356 = arith.mulf %add3A_353, %mul3A_355 : vector<16xf32>
        %exp3A_357 = math.exp %mul3A_356 : vector<16xf32>
        %lt3A_358 = arith.constant 0 : i32
        %lt3A_359 = vector.broadcast %lt3A_358 : i32 to vector<16xi32>
        %lt3A_360 = arith.cmpi slt, %mul3A_6, %lt3A_359 : vector<16xi32>
        %add3A_361 = arith.constant 16 : i32
        %add3A_362 = vector.broadcast %add3A_361 : i32 to vector<16xi32>
        %add3A_363 = arith.addi %mul3A_6, %add3A_362 : vector<16xi32>
        %select_n3A_364 = arith.select %lt3A_360, %add3A_363, %mul3A_6 : vector<16xi1>, vector<16xi32>
        %reshape3A_365 = vector.shape_cast %select_n3A_364 : vector<16xi32> to vector<16x1xi32>
        %gather3A_366 = vector.shape_cast %reshape3A_365 : vector<16x1xi32> to vector<16xi32>
        %gather3A_367 = tpu.dynamic_gather %exp3A_357[%gather3A_366] in [0] : vector<16xf32>, vector<16xi32> -> vector<16xf32>
        %get3A_368 = arith.index_cast %scan3A_242 : i32 to index
        %get3A_369 = arith.constant 32 : index
        %get3A_370 = tpu.vector_load %arg14[%get3A_368, %get3A_369] {strides = array<i32>} : memref<40x64xf32, #tpu.memory_space<vmem>>, vector<1x16xf32>,
        %get3A_371 = vector.shape_cast %get3A_370 : vector<1x16xf32> to vector<16xf32>
        %get3A_372 = arith.index_cast %scan3A_242 : i32 to index
        %get3A_373 = arith.constant 32 : index
        %get3A_374 = tpu.vector_load %arg16[%get3A_372, %get3A_373] {strides = array<i32>} : memref<40x128xf32, #tpu.memory_space<vmem>>, vector<1x16xf32>,
        %get3A_375 = vector.shape_cast %get3A_374 : vector<1x16xf32> to vector<16xf32>
        %mul3A_376 = arith.mulf %get3A_371, %get3A_375 : vector<16xf32>
        %xor3A_377 = arith.constant 1 : i32
        %xor3A_378 = vector.broadcast %xor3A_377 : i32 to vector<16xi32>
        %xor3A_379 = arith.xori %iota3A, %xor3A_378 : vector<16xi32>
        %lt3A_380 = arith.constant 0 : i32
        %lt3A_381 = vector.broadcast %lt3A_380 : i32 to vector<16xi32>
        %lt3A_382 = arith.cmpi slt, %xor3A_379, %lt3A_381 : vector<16xi32>
        %add3A_383 = arith.constant 16 : i32
        %add3A_384 = vector.broadcast %add3A_383 : i32 to vector<16xi32>
        %add3A_385 = arith.addi %xor3A_379, %add3A_384 : vector<16xi32>
        %select_n3A_386 = arith.select %lt3A_382, %add3A_385, %xor3A_379 : vector<16xi1>, vector<16xi32>
        %reshape3A_387 = vector.shape_cast %select_n3A_386 : vector<16xi32> to vector<16x1xi32>
        %gather3A_388 = vector.shape_cast %reshape3A_387 : vector<16x1xi32> to vector<16xi32>
        %gather3A_389 = tpu.dynamic_gather %mul3A_376[%gather3A_388] in [0] : vector<16xf32>, vector<16xi32> -> vector<16xf32>
        %add3A_390 = arith.addf %mul3A_376, %gather3A_389 : vector<16xf32>
        %xor3A_391 = arith.constant 2 : i32
        %xor3A_392 = vector.broadcast %xor3A_391 : i32 to vector<16xi32>
        %xor3A_393 = arith.xori %iota3A, %xor3A_392 : vector<16xi32>
        %lt3A_394 = arith.constant 0 : i32
        %lt3A_395 = vector.broadcast %lt3A_394 : i32 to vector<16xi32>
        %lt3A_396 = arith.cmpi slt, %xor3A_393, %lt3A_395 : vector<16xi32>
        %add3A_397 = arith.constant 16 : i32
        %add3A_398 = vector.broadcast %add3A_397 : i32 to vector<16xi32>
        %add3A_399 = arith.addi %xor3A_393, %add3A_398 : vector<16xi32>
        %select_n3A_400 = arith.select %lt3A_396, %add3A_399, %xor3A_393 : vector<16xi1>, vector<16xi32>
        %reshape3A_401 = vector.shape_cast %select_n3A_400 : vector<16xi32> to vector<16x1xi32>
        %gather3A_402 = vector.shape_cast %reshape3A_401 : vector<16x1xi32> to vector<16xi32>
        %gather3A_403 = tpu.dynamic_gather %add3A_390[%gather3A_402] in [0] : vector<16xf32>, vector<16xi32> -> vector<16xf32>
        %add3A_404 = arith.addf %add3A_390, %gather3A_403 : vector<16xf32>
        %xor3A_405 = arith.constant 4 : i32
        %xor3A_406 = vector.broadcast %xor3A_405 : i32 to vector<16xi32>
        %xor3A_407 = arith.xori %iota3A, %xor3A_406 : vector<16xi32>
        %lt3A_408 = arith.constant 0 : i32
        %lt3A_409 = vector.broadcast %lt3A_408 : i32 to vector<16xi32>
        %lt3A_410 = arith.cmpi slt, %xor3A_407, %lt3A_409 : vector<16xi32>
        %add3A_411 = arith.constant 16 : i32
        %add3A_412 = vector.broadcast %add3A_411 : i32 to vector<16xi32>
        %add3A_413 = arith.addi %xor3A_407, %add3A_412 : vector<16xi32>
        %select_n3A_414 = arith.select %lt3A_410, %add3A_413, %xor3A_407 : vector<16xi1>, vector<16xi32>
        %reshape3A_415 = vector.shape_cast %select_n3A_414 : vector<16xi32> to vector<16x1xi32>
        %gather3A_416 = vector.shape_cast %reshape3A_415 : vector<16x1xi32> to vector<16xi32>
        %gather3A_417 = tpu.dynamic_gather %add3A_404[%gather3A_416] in [0] : vector<16xf32>, vector<16xi32> -> vector<16xf32>
        %add3A_418 = arith.addf %add3A_404, %gather3A_417 : vector<16xf32>
        %mul3A_419 = arith.constant 1.250000e-01 : f32
        %mul3A_420 = vector.broadcast %mul3A_419 : f32 to vector<16xf32>
        %mul3A_421 = arith.mulf %add3A_418, %mul3A_420 : vector<16xf32>
        %exp3A_422 = math.exp %mul3A_421 : vector<16xf32>
        %lt3A_423 = arith.constant 0 : i32
        %lt3A_424 = vector.broadcast %lt3A_423 : i32 to vector<16xi32>
        %lt3A_425 = arith.cmpi slt, %mul3A_6, %lt3A_424 : vector<16xi32>
        %add3A_426 = arith.constant 16 : i32
        %add3A_427 = vector.broadcast %add3A_426 : i32 to vector<16xi32>
        %add3A_428 = arith.addi %mul3A_6, %add3A_427 : vector<16xi32>
        %select_n3A_429 = arith.select %lt3A_425, %add3A_428, %mul3A_6 : vector<16xi1>, vector<16xi32>
        %reshape3A_430 = vector.shape_cast %select_n3A_429 : vector<16xi32> to vector<16x1xi32>
        %gather3A_431 = vector.shape_cast %reshape3A_430 : vector<16x1xi32> to vector<16xi32>
        %gather3A_432 = tpu.dynamic_gather %exp3A_422[%gather3A_431] in [0] : vector<16xf32>, vector<16xi32> -> vector<16xf32>
        %get3A_433 = arith.index_cast %scan3A_242 : i32 to index
        %get3A_434 = arith.constant 48 : index
        %get3A_435 = tpu.vector_load %arg14[%get3A_433, %get3A_434] {strides = array<i32>} : memref<40x64xf32, #tpu.memory_space<vmem>>, vector<1x16xf32>,
        %get3A_436 = vector.shape_cast %get3A_435 : vector<1x16xf32> to vector<16xf32>
        %get3A_437 = arith.index_cast %scan3A_242 : i32 to index
        %get3A_438 = arith.constant 48 : index
        %get3A_439 = tpu.vector_load %arg16[%get3A_437, %get3A_438] {strides = array<i32>} : memref<40x128xf32, #tpu.memory_space<vmem>>, vector<1x16xf32>,
        %get3A_440 = vector.shape_cast %get3A_439 : vector<1x16xf32> to vector<16xf32>
        %mul3A_441 = arith.mulf %get3A_436, %get3A_440 : vector<16xf32>
        %xor3A_442 = arith.constant 1 : i32
        %xor3A_443 = vector.broadcast %xor3A_442 : i32 to vector<16xi32>
        %xor3A_444 = arith.xori %iota3A, %xor3A_443 : vector<16xi32>
        %lt3A_445 = arith.constant 0 : i32
        %lt3A_446 = vector.broadcast %lt3A_445 : i32 to vector<16xi32>
        %lt3A_447 = arith.cmpi slt, %xor3A_444, %lt3A_446 : vector<16xi32>
        %add3A_448 = arith.constant 16 : i32
        %add3A_449 = vector.broadcast %add3A_448 : i32 to vector<16xi32>
        %add3A_450 = arith.addi %xor3A_444, %add3A_449 : vector<16xi32>
        %select_n3A_451 = arith.select %lt3A_447, %add3A_450, %xor3A_444 : vector<16xi1>, vector<16xi32>
        %reshape3A_452 = vector.shape_cast %select_n3A_451 : vector<16xi32> to vector<16x1xi32>
        %gather3A_453 = vector.shape_cast %reshape3A_452 : vector<16x1xi32> to vector<16xi32>
        %gather3A_454 = tpu.dynamic_gather %mul3A_441[%gather3A_453] in [0] : vector<16xf32>, vector<16xi32> -> vector<16xf32>
        %add3A_455 = arith.addf %mul3A_441, %gather3A_454 : vector<16xf32>
        %xor3A_456 = arith.constant 2 : i32
        %xor3A_457 = vector.broadcast %xor3A_456 : i32 to vector<16xi32>
        %xor3A_458 = arith.xori %iota3A, %xor3A_457 : vector<16xi32>
        %lt3A_459 = arith.constant 0 : i32
        %lt3A_460 = vector.broadcast %lt3A_459 : i32 to vector<16xi32>
        %lt3A_461 = arith.cmpi slt, %xor3A_458, %lt3A_460 : vector<16xi32>
        %add3A_462 = arith.constant 16 : i32
        %add3A_463 = vector.broadcast %add3A_462 : i32 to vector<16xi32>
        %add3A_464 = arith.addi %xor3A_458, %add3A_463 : vector<16xi32>
        %select_n3A_465 = arith.select %lt3A_461, %add3A_464, %xor3A_458 : vector<16xi1>, vector<16xi32>
        %reshape3A_466 = vector.shape_cast %select_n3A_465 : vector<16xi32> to vector<16x1xi32>
        %gather3A_467 = vector.shape_cast %reshape3A_466 : vector<16x1xi32> to vector<16xi32>
        %gather3A_468 = tpu.dynamic_gather %add3A_455[%gather3A_467] in [0] : vector<16xf32>, vector<16xi32> -> vector<16xf32>
        %add3A_469 = arith.addf %add3A_455, %gather3A_468 : vector<16xf32>
        %xor3A_470 = arith.constant 4 : i32
        %xor3A_471 = vector.broadcast %xor3A_470 : i32 to vector<16xi32>
        %xor3A_472 = arith.xori %iota3A, %xor3A_471 : vector<16xi32>
        %lt3A_473 = arith.constant 0 : i32
        %lt3A_474 = vector.broadcast %lt3A_473 : i32 to vector<16xi32>
        %lt3A_475 = arith.cmpi slt, %xor3A_472, %lt3A_474 : vector<16xi32>
        %add3A_476 = arith.constant 16 : i32
        %add3A_477 = vector.broadcast %add3A_476 : i32 to vector<16xi32>
        %add3A_478 = arith.addi %xor3A_472, %add3A_477 : vector<16xi32>
        %select_n3A_479 = arith.select %lt3A_475, %add3A_478, %xor3A_472 : vector<16xi1>, vector<16xi32>
        %reshape3A_480 = vector.shape_cast %select_n3A_479 : vector<16xi32> to vector<16x1xi32>
        %gather3A_481 = vector.shape_cast %reshape3A_480 : vector<16x1xi32> to vector<16xi32>
        %gather3A_482 = tpu.dynamic_gather %add3A_469[%gather3A_481] in [0] : vector<16xf32>, vector<16xi32> -> vector<16xf32>
        %add3A_483 = arith.addf %add3A_469, %gather3A_482 : vector<16xf32>
        %mul3A_484 = arith.constant 1.250000e-01 : f32
        %mul3A_485 = vector.broadcast %mul3A_484 : f32 to vector<16xf32>
        %mul3A_486 = arith.mulf %add3A_483, %mul3A_485 : vector<16xf32>
        %exp3A_487 = math.exp %mul3A_486 : vector<16xf32>
        %lt3A_488 = arith.constant 0 : i32
        %lt3A_489 = vector.broadcast %lt3A_488 : i32 to vector<16xi32>
        %lt3A_490 = arith.cmpi slt, %mul3A_6, %lt3A_489 : vector<16xi32>
        %add3A_491 = arith.constant 16 : i32
        %add3A_492 = vector.broadcast %add3A_491 : i32 to vector<16xi32>
        %add3A_493 = arith.addi %mul3A_6, %add3A_492 : vector<16xi32>
        %select_n3A_494 = arith.select %lt3A_490, %add3A_493, %mul3A_6 : vector<16xi1>, vector<16xi32>
        %reshape3A_495 = vector.shape_cast %select_n3A_494 : vector<16xi32> to vector<16x1xi32>
        %gather3A_496 = vector.shape_cast %reshape3A_495 : vector<16x1xi32> to vector<16xi32>
        %gather3A_497 = tpu.dynamic_gather %exp3A_487[%gather3A_496] in [0] : vector<16xf32>, vector<16xi32> -> vector<16xf32>
        %lt3A_498 = arith.constant 2 : i32
        %lt3A_499 = vector.broadcast %lt3A_498 : i32 to vector<16xi32>
        %lt3A_500 = arith.cmpi slt, %iota3A, %lt3A_499 : vector<16xi32>
        %lt3A_501 = arith.constant 4 : i32
        %lt3A_502 = vector.broadcast %lt3A_501 : i32 to vector<16xi32>
        %lt3A_503 = arith.cmpi slt, %iota3A, %lt3A_502 : vector<16xi32>
        %lt3A_504 = arith.constant 6 : i32
        %lt3A_505 = vector.broadcast %lt3A_504 : i32 to vector<16xi32>
        %lt3A_506 = arith.cmpi slt, %iota3A, %lt3A_505 : vector<16xi32>
        %lt3A_507 = arith.constant 8 : i32
        %lt3A_508 = vector.broadcast %lt3A_507 : i32 to vector<16xi32>
        %lt3A_509 = arith.cmpi slt, %iota3A, %lt3A_508 : vector<16xi32>
        %jit3A = arith.constant 0.000000e+00 : f32
        %broadcast_in_dim3A_510 = vector.broadcast %jit3A : f32 to vector<16xf32>
        %select_n3A_511 = arith.select %lt3A_509, %gather3A_497, %broadcast_in_dim3A_510 : vector<16xi1>, vector<16xf32>
        %select_n3A_512 = arith.select %lt3A_506, %gather3A_432, %select_n3A_511 : vector<16xi1>, vector<16xf32>
        %select_n3A_513 = arith.select %lt3A_503, %gather3A_367, %select_n3A_512 : vector<16xi1>, vector<16xf32>
        %select_n3A_514 = arith.select %lt3A_500, %gather3A_302, %select_n3A_513 : vector<16xi1>, vector<16xf32>
        %add3A_515 = arith.constant 40 : i32
        %add3A_516 = arith.addi %add3A_515, %scan3A_242 : i32
        %swap3A = arith.index_cast %add3A_516 : i32 to index
        %swap3A_517 = arith.constant 0 : index
        %swap3A_518 = tpu.vector_load %arg18[%swap3A, %swap3A_517] {strides = array<i32>} : memref<80x16xf32, #tpu.memory_space<vmem>>, vector<1x16xf32>,
        %swap3A_519 = vector.shape_cast %swap3A_518 : vector<1x16xf32> to vector<16xf32>
        %swap3A_520 = vector.shape_cast %select_n3A_514 : vector<16xf32> to vector<1x16xf32>
        tpu.vector_store %arg18[%swap3A, %swap3A_517], %swap3A_520 {strides = array<i32>} : memref<80x16xf32, #tpu.memory_space<vmem>>, vector<1x16xf32>,
        %add3A_521 = arith.constant 40 : i32
        %add3A_522 = arith.addi %add3A_521, %scan3A_242 : i32
        %swap3A_523 = arith.index_cast %add3A_522 : i32 to index
        %swap3A_524 = arith.constant 0 : index
        %swap3A_525 = tpu.vector_load %arg17[%swap3A_523, %swap3A_524] {strides = array<i32>} : memref<80x128xf32, #tpu.memory_space<vmem>>, vector<1x16xf32>,
        %swap3A_526 = vector.shape_cast %swap3A_525 : vector<1x16xf32> to vector<16xf32>
        %swap3A_527 = vector.shape_cast %select_n3A_514 : vector<16xf32> to vector<1x16xf32>
        tpu.vector_store %arg17[%swap3A_523, %swap3A_524], %swap3A_527 {strides = array<i32>} : memref<80x128xf32, #tpu.memory_space<vmem>>, vector<1x16xf32>,
        %scan3A_528 = arith.constant 0 : i32
        scf.yield %scan3A_528 : i32
      }
      %scan3A_168 = arith.constant 40 : i32
      %dma_start3A_169 = arith.constant 40 : i32
      %dma_start3A_170 = arith.constant 0 : i32
      %dma_start3A_171 = tpu.memref_slice %arg18[%dma_start3A_169, %dma_start3A_170] : memref<80x16xf32, #tpu.memory_space<vmem>> -> memref<40x16xf32, #tpu.memory_space<vmem>>
      %dma_start3A_172 = arith.constant 0 : i32
      %dma_start3A_173 = arith.constant 0 : i32
      %dma_start3A_174 = tpu.memref_slice %arg7[%arg0, %dma_start3A_172, %dma_start3A_173] : memref<2x160000x16xf32, #tpu.memory_space<hbm>> -> memref<1x160000x16xf32, #tpu.memory_space<hbm>>
      %dma_start3A_175 = tpu.memref_squeeze %dma_start3A_174 : memref<1x160000x16xf32, #tpu.memory_space<hbm>> -> memref<160000x16xf32, #tpu.memory_space<hbm>>
      %dma_start3A_176 = arith.constant 0 : i32
      %dma_start3A_177 = tpu.memref_slice %dma_start3A_175[%add3A_96, %dma_start3A_176] : memref<160000x16xf32, #tpu.memory_space<hbm>> -> memref<40x16xf32, #tpu.memory_space<hbm>>
      %dma_start3A_178 = arith.constant 0 : i32
      %dma_start3A_179 = arith.constant 0 : i32
      %dma_start3A_180 = tpu.memref_slice %arg7[%arg0, %dma_start3A_178, %dma_start3A_179] : memref<2x160000x16xf32, #tpu.memory_space<hbm>> -> memref<1x160000x16xf32, #tpu.memory_space<hbm>>
      %dma_start3A_181 = tpu.memref_squeeze %dma_start3A_180 : memref<1x160000x16xf32, #tpu.memory_space<hbm>> -> memref<160000x16xf32, #tpu.memory_space<hbm>>
      %dma_start3A_182 = arith.constant 0 : i32
      %dma_start3A_183 = tpu.memref_slice %dma_start3A_181[%add3A_96, %dma_start3A_182] : memref<160000x16xf32, #tpu.memory_space<hbm>> -> memref<40x16xf32, #tpu.memory_space<hbm>>
      %dma_start3A_184 = arith.constant 40 : i32
      %dma_start3A_185 = arith.constant 0 : i32
      %dma_start3A_186 = tpu.memref_slice %arg18[%dma_start3A_184, %dma_start3A_185] : memref<80x16xf32, #tpu.memory_space<vmem>> -> memref<40x16xf32, #tpu.memory_space<vmem>>
      tpu.enqueue_dma source(%dma_start3A_186 : memref<40x16xf32, #tpu.memory_space<vmem>>) target(%dma_start3A_183 : memref<40x16xf32, #tpu.memory_space<hbm>>) target_semaphore(%arg21 : memref<!tpu.dma_semaphore, #tpu.memory_space<semaphore_mem>>)
      %dma_start3A_187 = arith.constant 40 : i32
      %dma_start3A_188 = arith.constant 0 : i32
      %dma_start3A_189 = tpu.memref_slice %arg17[%dma_start3A_187, %dma_start3A_188] : memref<80x128xf32, #tpu.memory_space<vmem>> -> memref<40x128xf32, #tpu.memory_space<vmem>>
      %dma_start3A_190 = arith.constant 0 : i32
      %dma_start3A_191 = arith.constant 0 : i32
      %dma_start3A_192 = tpu.memref_slice %arg9[%dma_start3A_190, %dma_start3A_191] : memref<10000x128xf32, #tpu.memory_space<vmem_shared>> -> memref<10000x128xf32, #tpu.memory_space<vmem_shared>>
      tpu.enqueue_indirect_dma source(%dma_start3A_189 : memref<40x128xf32, #tpu.memory_space<vmem>>) target(%dma_start3A_192 : memref<10000x128xf32, #tpu.memory_space<vmem_shared>>) offsets(%arg12 : memref<40xi32, #tpu.memory_space<vmem>>) semaphore(%arg22 : memref<!tpu.dma_semaphore, #tpu.memory_space<semaphore_mem>>) {add = true}
      %dma_wait3A_193 = arith.constant 0 : i32
      %dma_wait3A_194 = arith.constant 0 : i32
      %dma_wait3A_195 = tpu.memref_slice %arg18[%dma_wait3A_193, %dma_wait3A_194] : memref<80x16xf32, #tpu.memory_space<vmem>> -> memref<40x16xf32, #tpu.memory_space<vmem>>
      %dma_wait3A_196 = arith.constant 0 : i32
      %dma_wait3A_197 = arith.constant 0 : i32
      %dma_wait3A_198 = tpu.memref_slice %arg7[%arg0, %dma_wait3A_196, %dma_wait3A_197] : memref<2x160000x16xf32, #tpu.memory_space<hbm>> -> memref<1x160000x16xf32, #tpu.memory_space<hbm>>
      %dma_wait3A_199 = tpu.memref_squeeze %dma_wait3A_198 : memref<1x160000x16xf32, #tpu.memory_space<hbm>> -> memref<160000x16xf32, #tpu.memory_space<hbm>>
      %dma_wait3A_200 = arith.constant 0 : i32
      %dma_wait3A_201 = tpu.memref_slice %dma_wait3A_199[%add3A_94, %dma_wait3A_200] : memref<160000x16xf32, #tpu.memory_space<hbm>> -> memref<40x16xf32, #tpu.memory_space<hbm>>
      %dma_wait3A_202 = arith.constant 0 : i32
      %dma_wait3A_203 = arith.constant 0 : i32
      %dma_wait3A_204 = tpu.memref_slice %arg7[%arg0, %dma_wait3A_202, %dma_wait3A_203] : memref<2x160000x16xf32, #tpu.memory_space<hbm>> -> memref<1x160000x16xf32, #tpu.memory_space<hbm>>
      %dma_wait3A_205 = tpu.memref_squeeze %dma_wait3A_204 : memref<1x160000x16xf32, #tpu.memory_space<hbm>> -> memref<160000x16xf32, #tpu.memory_space<hbm>>
      %dma_wait3A_206 = arith.constant 0 : i32
      %dma_wait3A_207 = tpu.memref_slice %dma_wait3A_205[%add3A_94, %dma_wait3A_206] : memref<160000x16xf32, #tpu.memory_space<hbm>> -> memref<40x16xf32, #tpu.memory_space<hbm>>
      %dma_wait3A_208 = arith.constant 0 : i32
      %dma_wait3A_209 = arith.constant 0 : i32
      %dma_wait3A_210 = tpu.memref_slice %arg18[%dma_wait3A_208, %dma_wait3A_209] : memref<80x16xf32, #tpu.memory_space<vmem>> -> memref<40x16xf32, #tpu.memory_space<vmem>>
      tpu.wait_dma2 semaphore(%arg19 : memref<!tpu.dma_semaphore, #tpu.memory_space<semaphore_mem>>) src(%dma_wait3A_210 : memref<40x16xf32, #tpu.memory_space<vmem>>) dst(%dma_wait3A_207 : memref<40x16xf32, #tpu.memory_space<hbm>>)
      %dma_wait3A_211 = arith.constant 0 : i32
      %dma_wait3A_212 = arith.constant 0 : i32
      %dma_wait3A_213 = tpu.memref_slice %arg17[%dma_wait3A_211, %dma_wait3A_212] : memref<80x128xf32, #tpu.memory_space<vmem>> -> memref<40x128xf32, #tpu.memory_space<vmem>>
      %dma_wait3A_214 = arith.constant 0 : i32
      %dma_wait3A_215 = arith.constant 0 : i32
      %dma_wait3A_216 = tpu.memref_slice %arg9[%dma_wait3A_214, %dma_wait3A_215] : memref<10000x128xf32, #tpu.memory_space<vmem_shared>> -> memref<10000x128xf32, #tpu.memory_space<vmem_shared>>
      tpu.wait_indirect_dma semaphore(%arg20 : memref<!tpu.dma_semaphore, #tpu.memory_space<semaphore_mem>>) src(%dma_wait3A_213 : memref<40x128xf32, #tpu.memory_space<vmem>>) dst(%dma_wait3A_216 : memref<10000x128xf32, #tpu.memory_space<vmem_shared>>)
      %dma_wait3A_217 = arith.constant 40 : i32
      %dma_wait3A_218 = arith.constant 0 : i32
      %dma_wait3A_219 = tpu.memref_slice %arg18[%dma_wait3A_217, %dma_wait3A_218] : memref<80x16xf32, #tpu.memory_space<vmem>> -> memref<40x16xf32, #tpu.memory_space<vmem>>
      %dma_wait3A_220 = arith.constant 0 : i32
      %dma_wait3A_221 = arith.constant 0 : i32
      %dma_wait3A_222 = tpu.memref_slice %arg7[%arg0, %dma_wait3A_220, %dma_wait3A_221] : memref<2x160000x16xf32, #tpu.memory_space<hbm>> -> memref<1x160000x16xf32, #tpu.memory_space<hbm>>
      %dma_wait3A_223 = tpu.memref_squeeze %dma_wait3A_222 : memref<1x160000x16xf32, #tpu.memory_space<hbm>> -> memref<160000x16xf32, #tpu.memory_space<hbm>>
      %dma_wait3A_224 = arith.constant 0 : i32
      %dma_wait3A_225 = tpu.memref_slice %dma_wait3A_223[%add3A_96, %dma_wait3A_224] : memref<160000x16xf32, #tpu.memory_space<hbm>> -> memref<40x16xf32, #tpu.memory_space<hbm>>
      %dma_wait3A_226 = arith.constant 0 : i32
      %dma_wait3A_227 = arith.constant 0 : i32
      %dma_wait3A_228 = tpu.memref_slice %arg7[%arg0, %dma_wait3A_226, %dma_wait3A_227] : memref<2x160000x16xf32, #tpu.memory_space<hbm>> -> memref<1x160000x16xf32, #tpu.memory_space<hbm>>
      %dma_wait3A_229 = tpu.memref_squeeze %dma_wait3A_228 : memref<1x160000x16xf32, #tpu.memory_space<hbm>> -> memref<160000x16xf32, #tpu.memory_space<hbm>>
      %dma_wait3A_230 = arith.constant 0 : i32
      %dma_wait3A_231 = tpu.memref_slice %dma_wait3A_229[%add3A_96, %dma_wait3A_230] : memref<160000x16xf32, #tpu.memory_space<hbm>> -> memref<40x16xf32, #tpu.memory_space<hbm>>
      %dma_wait3A_232 = arith.constant 40 : i32
      %dma_wait3A_233 = arith.constant 0 : i32
      %dma_wait3A_234 = tpu.memref_slice %arg18[%dma_wait3A_232, %dma_wait3A_233] : memref<80x16xf32, #tpu.memory_space<vmem>> -> memref<40x16xf32, #tpu.memory_space<vmem>>
      tpu.wait_dma2 semaphore(%arg21 : memref<!tpu.dma_semaphore, #tpu.memory_space<semaphore_mem>>) src(%dma_wait3A_234 : memref<40x16xf32, #tpu.memory_space<vmem>>) dst(%dma_wait3A_231 : memref<40x16xf32, #tpu.memory_space<hbm>>)
      %dma_wait3A_235 = arith.constant 40 : i32
      %dma_wait3A_236 = arith.constant 0 : i32
      %dma_wait3A_237 = tpu.memref_slice %arg17[%dma_wait3A_235, %dma_wait3A_236] : memref<80x128xf32, #tpu.memory_space<vmem>> -> memref<40x128xf32, #tpu.memory_space<vmem>>
      %dma_wait3A_238 = arith.constant 0 : i32
      %dma_wait3A_239 = arith.constant 0 : i32
      %dma_wait3A_240 = tpu.memref_slice %arg9[%dma_wait3A_238, %dma_wait3A_239] : memref<10000x128xf32, #tpu.memory_space<vmem_shared>> -> memref<10000x128xf32, #tpu.memory_space<vmem_shared>>
      tpu.wait_indirect_dma semaphore(%arg22 : memref<!tpu.dma_semaphore, #tpu.memory_space<semaphore_mem>>) src(%dma_wait3A_237 : memref<40x128xf32, #tpu.memory_space<vmem>>) dst(%dma_wait3A_240 : memref<10000x128xf32, #tpu.memory_space<vmem_shared>>)
      %scan3A_241 = arith.constant 0 : i32
      scf.yield %scan3A_241 : i32
    }
    %scan3A_28 = arith.constant 125 : i32
    %barrier3A_29 = arith.constant 0 : index
    tpu.barrier barrier_id(%barrier3A_29)
    %scan3A_30 = arith.constant 0 : i32
    %scan3A_31 = arith.constant 0 : i32
    %scan3A_32 = arith.constant 16 : i32
    %scan3A_33 = arith.addi %scan3A_31, %scan3A_32 : i32
    %scan3A_34 = arith.constant 1 : i32
    %scan3A_35 = scf.for %scan3A_88 = %scan3A_31 to %scan3A_33 step %scan3A_34 iter_args(%scan3A_89 = %scan3A_30) -> (i32)  : i32 {
      %mul3A_90 = arith.constant 16 : i32
      %mul3A_91 = arith.muli %scan3A_88, %mul3A_90 : i32
      %add3A_92 = arith.addi %mul3A_91, %arg1 : i32
      %lt3A_93 = arith.constant 250 : i32
      %lt3A_94 = arith.cmpi slt, %add3A_92, %lt3A_93 : i32
      %convert_element_type3A_95 = arith.extui %lt3A_94 : i1 to i32
      %cond3A_96 = arith.constant 0 : i32
      %cond3A_97 = arith.cmpi ne, %convert_element_type3A_95, %cond3A_96 : i32
      scf.if %cond3A_97 {
        %mul3A_99 = arith.constant 40 : i32
        %mul3A_100 = arith.muli %add3A_92, %mul3A_99 : i32
        "tpu.region"() ({
          %run_scoped3A = tpu.sem_alloc : memref<!tpu.dma_semaphore, #tpu.memory_space<semaphore_mem>>
          %dma_start3A = arith.constant 0 : i32
          %dma_start3A_101 = tpu.memref_slice %arg9[%mul3A_100, %dma_start3A] : memref<10000x128xf32, #tpu.memory_space<vmem_shared>> -> memref<40x128xf32, #tpu.memory_space<vmem_shared>>
          %dma_start3A_102 = arith.constant 0 : i32
          %dma_start3A_103 = tpu.memref_slice %arg9[%mul3A_100, %dma_start3A_102] : memref<10000x128xf32, #tpu.memory_space<vmem_shared>> -> memref<40x128xf32, #tpu.memory_space<vmem_shared>>
          tpu.enqueue_dma source(%dma_start3A_103 : memref<40x128xf32, #tpu.memory_space<vmem_shared>>) target(%arg15 : memref<40x128xf32, #tpu.memory_space<vmem>>) target_semaphore(%run_scoped3A : memref<!tpu.dma_semaphore, #tpu.memory_space<semaphore_mem>>)
          %dma_wait3A = arith.constant 0 : i32
          %dma_wait3A_104 = tpu.memref_slice %arg9[%mul3A_100, %dma_wait3A] : memref<10000x128xf32, #tpu.memory_space<vmem_shared>> -> memref<40x128xf32, #tpu.memory_space<vmem_shared>>
          %dma_wait3A_105 = arith.constant 0 : i32
          %dma_wait3A_106 = tpu.memref_slice %arg9[%mul3A_100, %dma_wait3A_105] : memref<10000x128xf32, #tpu.memory_space<vmem_shared>> -> memref<40x128xf32, #tpu.memory_space<vmem_shared>>
          tpu.wait_dma2 semaphore(%run_scoped3A : memref<!tpu.dma_semaphore, #tpu.memory_space<semaphore_mem>>) src(%dma_wait3A_106 : memref<40x128xf32, #tpu.memory_space<vmem_shared>>) dst(%arg15 : memref<40x128xf32, #tpu.memory_space<vmem>>)
          tpu.yield
        }) : () -> ()
        "tpu.region"() ({
          %run_scoped3A = tpu.sem_alloc : memref<!tpu.dma_semaphore, #tpu.memory_space<semaphore_mem>>
          %dma_start3A = arith.constant 0 : i32
          %dma_start3A_101 = arith.constant 0 : i32
          %dma_start3A_102 = tpu.memref_slice %arg8[%arg0, %dma_start3A, %dma_start3A_101] : memref<2x10000x128xf32, #tpu.memory_space<hbm>> -> memref<1x10000x128xf32, #tpu.memory_space<hbm>>
          %dma_start3A_103 = tpu.memref_squeeze %dma_start3A_102 : memref<1x10000x128xf32, #tpu.memory_space<hbm>> -> memref<10000x128xf32, #tpu.memory_space<hbm>>
          %dma_start3A_104 = arith.constant 0 : i32
          %dma_start3A_105 = tpu.memref_slice %dma_start3A_103[%mul3A_100, %dma_start3A_104] : memref<10000x128xf32, #tpu.memory_space<hbm>> -> memref<40x128xf32, #tpu.memory_space<hbm>>
          %dma_start3A_106 = arith.constant 0 : i32
          %dma_start3A_107 = arith.constant 0 : i32
          %dma_start3A_108 = tpu.memref_slice %arg8[%arg0, %dma_start3A_106, %dma_start3A_107] : memref<2x10000x128xf32, #tpu.memory_space<hbm>> -> memref<1x10000x128xf32, #tpu.memory_space<hbm>>
          %dma_start3A_109 = tpu.memref_squeeze %dma_start3A_108 : memref<1x10000x128xf32, #tpu.memory_space<hbm>> -> memref<10000x128xf32, #tpu.memory_space<hbm>>
          %dma_start3A_110 = arith.constant 0 : i32
          %dma_start3A_111 = tpu.memref_slice %dma_start3A_109[%mul3A_100, %dma_start3A_110] : memref<10000x128xf32, #tpu.memory_space<hbm>> -> memref<40x128xf32, #tpu.memory_space<hbm>>
          tpu.enqueue_dma source(%arg15 : memref<40x128xf32, #tpu.memory_space<vmem>>) target(%dma_start3A_111 : memref<40x128xf32, #tpu.memory_space<hbm>>) target_semaphore(%run_scoped3A : memref<!tpu.dma_semaphore, #tpu.memory_space<semaphore_mem>>)
          %dma_wait3A = arith.constant 0 : i32
          %dma_wait3A_112 = arith.constant 0 : i32
          %dma_wait3A_113 = tpu.memref_slice %arg8[%arg0, %dma_wait3A, %dma_wait3A_112] : memref<2x10000x128xf32, #tpu.memory_space<hbm>> -> memref<1x10000x128xf32, #tpu.memory_space<hbm>>
          %dma_wait3A_114 = tpu.memref_squeeze %dma_wait3A_113 : memref<1x10000x128xf32, #tpu.memory_space<hbm>> -> memref<10000x128xf32, #tpu.memory_space<hbm>>
          %dma_wait3A_115 = arith.constant 0 : i32
          %dma_wait3A_116 = tpu.memref_slice %dma_wait3A_114[%mul3A_100, %dma_wait3A_115] : memref<10000x128xf32, #tpu.memory_space<hbm>> -> memref<40x128xf32, #tpu.memory_space<hbm>>
          %dma_wait3A_117 = arith.constant 0 : i32
          %dma_wait3A_118 = arith.constant 0 : i32
          %dma_wait3A_119 = tpu.memref_slice %arg8[%arg0, %dma_wait3A_117, %dma_wait3A_118] : memref<2x10000x128xf32, #tpu.memory_space<hbm>> -> memref<1x10000x128xf32, #tpu.memory_space<hbm>>
          %dma_wait3A_120 = tpu.memref_squeeze %dma_wait3A_119 : memref<1x10000x128xf32, #tpu.memory_space<hbm>> -> memref<10000x128xf32, #tpu.memory_space<hbm>>
          %dma_wait3A_121 = arith.constant 0 : i32
          %dma_wait3A_122 = tpu.memref_slice %dma_wait3A_120[%mul3A_100, %dma_wait3A_121] : memref<10000x128xf32, #tpu.memory_space<hbm>> -> memref<40x128xf32, #tpu.memory_space<hbm>>
          tpu.wait_dma2 semaphore(%run_scoped3A : memref<!tpu.dma_semaphore, #tpu.memory_space<semaphore_mem>>) src(%arg15 : memref<40x128xf32, #tpu.memory_space<vmem>>) dst(%dma_wait3A_122 : memref<40x128xf32, #tpu.memory_space<hbm>>)
          tpu.yield
        }) : () -> ()
      } else {
      }
      %scan3A_98 = arith.constant 0 : i32
      scf.yield %scan3A_98 : i32
    }
    %scan3A_36 = arith.constant 16 : i32
    %barrier3A_37 = arith.constant 0 : index
    tpu.barrier barrier_id(%barrier3A_37)
    %add3A = arith.constant 0 : i32
    %add3A_38 = arith.addi %add3A, %arg0 : i32
    %lt3A = arith.constant 3 : i32
    %lt3A_39 = arith.cmpi slt, %add3A_38, %lt3A : i32
    %scan3A_40 = arith.constant 0 : i32
    %scan3A_41 = arith.constant 0 : i32
    %scan3A_42 = arith.constant 80 : i32
    %scan3A_43 = arith.addi %scan3A_41, %scan3A_42 : i32
    %scan3A_44 = arith.constant 1 : i32
    %scan3A_45 = scf.for %scan3A_88 = %scan3A_41 to %scan3A_43 step %scan3A_44 iter_args(%scan3A_89 = %scan3A_40) -> (i32)  : i32 {
      %swap3A = arith.index_cast %scan3A_88 : i32 to index
      %swap3A_90 = arith.constant 0 : index
      %swap3A_91 = tpu.vector_load %arg17[%swap3A, %swap3A_90] {strides = array<i32>} : memref<80x128xf32, #tpu.memory_space<vmem>>, vector<1x16xf32>,
      %swap3A_92 = vector.shape_cast %swap3A_91 : vector<1x16xf32> to vector<16xf32>
      %swap3A_93 = vector.shape_cast %broadcast_in_dim3A_0 : vector<16xf32> to vector<1x16xf32>
      tpu.vector_store %arg17[%swap3A, %swap3A_90], %swap3A_93 {strides = array<i32>} : memref<80x128xf32, #tpu.memory_space<vmem>>, vector<1x16xf32>,
      %swap3A_94 = arith.index_cast %scan3A_88 : i32 to index
      %swap3A_95 = arith.constant 16 : index
      %swap3A_96 = tpu.vector_load %arg17[%swap3A_94, %swap3A_95] {strides = array<i32>} : memref<80x128xf32, #tpu.memory_space<vmem>>, vector<1x16xf32>,
      %swap3A_97 = vector.shape_cast %swap3A_96 : vector<1x16xf32> to vector<16xf32>
      %swap3A_98 = vector.shape_cast %broadcast_in_dim3A_0 : vector<16xf32> to vector<1x16xf32>
      tpu.vector_store %arg17[%swap3A_94, %swap3A_95], %swap3A_98 {strides = array<i32>} : memref<80x128xf32, #tpu.memory_space<vmem>>, vector<1x16xf32>,
      %swap3A_99 = arith.index_cast %scan3A_88 : i32 to index
      %swap3A_100 = arith.constant 32 : index
      %swap3A_101 = tpu.vector_load %arg17[%swap3A_99, %swap3A_100] {strides = array<i32>} : memref<80x128xf32, #tpu.memory_space<vmem>>, vector<1x16xf32>,
      %swap3A_102 = vector.shape_cast %swap3A_101 : vector<1x16xf32> to vector<16xf32>
      %swap3A_103 = vector.shape_cast %broadcast_in_dim3A_0 : vector<16xf32> to vector<1x16xf32>
      tpu.vector_store %arg17[%swap3A_99, %swap3A_100], %swap3A_103 {strides = array<i32>} : memref<80x128xf32, #tpu.memory_space<vmem>>, vector<1x16xf32>,
      %swap3A_104 = arith.index_cast %scan3A_88 : i32 to index
      %swap3A_105 = arith.constant 48 : index
      %swap3A_106 = tpu.vector_load %arg17[%swap3A_104, %swap3A_105] {strides = array<i32>} : memref<80x128xf32, #tpu.memory_space<vmem>>, vector<1x16xf32>,
      %swap3A_107 = vector.shape_cast %swap3A_106 : vector<1x16xf32> to vector<16xf32>
      %swap3A_108 = vector.shape_cast %broadcast_in_dim3A_0 : vector<16xf32> to vector<1x16xf32>
      tpu.vector_store %arg17[%swap3A_104, %swap3A_105], %swap3A_108 {strides = array<i32>} : memref<80x128xf32, #tpu.memory_space<vmem>>, vector<1x16xf32>,
      %swap3A_109 = arith.index_cast %scan3A_88 : i32 to index
      %swap3A_110 = arith.constant 64 : index
      %swap3A_111 = tpu.vector_load %arg17[%swap3A_109, %swap3A_110] {strides = array<i32>} : memref<80x128xf32, #tpu.memory_space<vmem>>, vector<1x16xf32>,
      %swap3A_112 = vector.shape_cast %swap3A_111 : vector<1x16xf32> to vector<16xf32>
      %swap3A_113 = vector.shape_cast %broadcast_in_dim3A_0 : vector<16xf32> to vector<1x16xf32>
      tpu.vector_store %arg17[%swap3A_109, %swap3A_110], %swap3A_113 {strides = array<i32>} : memref<80x128xf32, #tpu.memory_space<vmem>>, vector<1x16xf32>,
      %swap3A_114 = arith.index_cast %scan3A_88 : i32 to index
      %swap3A_115 = arith.constant 80 : index
      %swap3A_116 = tpu.vector_load %arg17[%swap3A_114, %swap3A_115] {strides = array<i32>} : memref<80x128xf32, #tpu.memory_space<vmem>>, vector<1x16xf32>,
      %swap3A_117 = vector.shape_cast %swap3A_116 : vector<1x16xf32> to vector<16xf32>
      %swap3A_118 = vector.shape_cast %broadcast_in_dim3A_0 : vector<16xf32> to vector<1x16xf32>
      tpu.vector_store %arg17[%swap3A_114, %swap3A_115], %swap3A_118 {strides = array<i32>} : memref<80x128xf32, #tpu.memory_space<vmem>>, vector<1x16xf32>,
      %swap3A_119 = arith.index_cast %scan3A_88 : i32 to index
      %swap3A_120 = arith.constant 96 : index
      %swap3A_121 = tpu.vector_load %arg17[%swap3A_119, %swap3A_120] {strides = array<i32>} : memref<80x128xf32, #tpu.memory_space<vmem>>, vector<1x16xf32>,
      %swap3A_122 = vector.shape_cast %swap3A_121 : vector<1x16xf32> to vector<16xf32>
      %swap3A_123 = vector.shape_cast %broadcast_in_dim3A_0 : vector<16xf32> to vector<1x16xf32>
      tpu.vector_store %arg17[%swap3A_119, %swap3A_120], %swap3A_123 {strides = array<i32>} : memref<80x128xf32, #tpu.memory_space<vmem>>, vector<1x16xf32>,
      %swap3A_124 = arith.index_cast %scan3A_88 : i32 to index
      %swap3A_125 = arith.constant 112 : index
      %swap3A_126 = tpu.vector_load %arg17[%swap3A_124, %swap3A_125] {strides = array<i32>} : memref<80x128xf32, #tpu.memory_space<vmem>>, vector<1x16xf32>,
      %swap3A_127 = vector.shape_cast %swap3A_126 : vector<1x16xf32> to vector<16xf32>
      %swap3A_128 = vector.shape_cast %broadcast_in_dim3A_0 : vector<16xf32> to vector<1x16xf32>
      tpu.vector_store %arg17[%swap3A_124, %swap3A_125], %swap3A_128 {strides = array<i32>} : memref<80x128xf32, #tpu.memory_space<vmem>>, vector<1x16xf32>,
      %scan3A_129 = arith.constant 0 : i32
      scf.yield %scan3A_129 : i32
    }
    %scan3A_46 = arith.constant 80 : i32
    %scan3A_47 = arith.constant 0 : i32
    %scan3A_48 = arith.constant 0 : i32
    %scan3A_49 = arith.constant 16 : i32
    %scan3A_50 = arith.addi %scan3A_48, %scan3A_49 : i32
    %scan3A_51 = arith.constant 1 : i32
    %scan3A_52 = scf.for %scan3A_88 = %scan3A_48 to %scan3A_50 step %scan3A_51 iter_args(%scan3A_89 = %scan3A_47) -> (i32)  : i32 {
      %mul3A_90 = arith.constant 16 : i32
      %mul3A_91 = arith.muli %scan3A_88, %mul3A_90 : i32
      %add3A_92 = arith.addi %mul3A_91, %arg1 : i32
      %lt3A_93 = arith.constant 250 : i32
      %lt3A_94 = arith.cmpi slt, %add3A_92, %lt3A_93 : i32
      %convert_element_type3A_95 = arith.extui %lt3A_94 : i1 to i32
      %cond3A_96 = arith.constant 0 : i32
      %cond3A_97 = arith.cmpi ne, %convert_element_type3A_95, %cond3A_96 : i32
      scf.if %cond3A_97 {
        %mul3A_99 = arith.constant 40 : i32
        %mul3A_100 = arith.muli %add3A_92, %mul3A_99 : i32
        "tpu.region"() ({
          %run_scoped3A = tpu.sem_alloc : memref<!tpu.dma_semaphore, #tpu.memory_space<semaphore_mem>>
          %dma_start3A = arith.constant 0 : i32
          %dma_start3A_101 = arith.constant 0 : i32
          %dma_start3A_102 = tpu.memref_slice %arg17[%dma_start3A, %dma_start3A_101] : memref<80x128xf32, #tpu.memory_space<vmem>> -> memref<40x128xf32, #tpu.memory_space<vmem>>
          %dma_start3A_103 = arith.constant 0 : i32
          %dma_start3A_104 = tpu.memref_slice %arg9[%mul3A_100, %dma_start3A_103] : memref<10000x128xf32, #tpu.memory_space<vmem_shared>> -> memref<40x128xf32, #tpu.memory_space<vmem_shared>>
          %dma_start3A_105 = arith.constant 0 : i32
          %dma_start3A_106 = tpu.memref_slice %arg9[%mul3A_100, %dma_start3A_105] : memref<10000x128xf32, #tpu.memory_space<vmem_shared>> -> memref<40x128xf32, #tpu.memory_space<vmem_shared>>
          %dma_start3A_107 = arith.constant 0 : i32
          %dma_start3A_108 = arith.constant 0 : i32
          %dma_start3A_109 = tpu.memref_slice %arg17[%dma_start3A_107, %dma_start3A_108] : memref<80x128xf32, #tpu.memory_space<vmem>> -> memref<40x128xf32, #tpu.memory_space<vmem>>
          tpu.enqueue_dma source(%dma_start3A_109 : memref<40x128xf32, #tpu.memory_space<vmem>>) target(%dma_start3A_106 : memref<40x128xf32, #tpu.memory_space<vmem_shared>>) target_semaphore(%run_scoped3A : memref<!tpu.dma_semaphore, #tpu.memory_space<semaphore_mem>>)
          %dma_wait3A = arith.constant 0 : i32
          %dma_wait3A_110 = arith.constant 0 : i32
          %dma_wait3A_111 = tpu.memref_slice %arg17[%dma_wait3A, %dma_wait3A_110] : memref<80x128xf32, #tpu.memory_space<vmem>> -> memref<40x128xf32, #tpu.memory_space<vmem>>
          %dma_wait3A_112 = arith.constant 0 : i32
          %dma_wait3A_113 = tpu.memref_slice %arg9[%mul3A_100, %dma_wait3A_112] : memref<10000x128xf32, #tpu.memory_space<vmem_shared>> -> memref<40x128xf32, #tpu.memory_space<vmem_shared>>
          %dma_wait3A_114 = arith.constant 0 : i32
          %dma_wait3A_115 = tpu.memref_slice %arg9[%mul3A_100, %dma_wait3A_114] : memref<10000x128xf32, #tpu.memory_space<vmem_shared>> -> memref<40x128xf32, #tpu.memory_space<vmem_shared>>
          %dma_wait3A_116 = arith.constant 0 : i32
          %dma_wait3A_117 = arith.constant 0 : i32
          %dma_wait3A_118 = tpu.memref_slice %arg17[%dma_wait3A_116, %dma_wait3A_117] : memref<80x128xf32, #tpu.memory_space<vmem>> -> memref<40x128xf32, #tpu.memory_space<vmem>>
          tpu.wait_dma2 semaphore(%run_scoped3A : memref<!tpu.dma_semaphore, #tpu.memory_space<semaphore_mem>>) src(%dma_wait3A_118 : memref<40x128xf32, #tpu.memory_space<vmem>>) dst(%dma_wait3A_115 : memref<40x128xf32, #tpu.memory_space<vmem_shared>>)
          tpu.yield
        }) : () -> ()
      } else {
      }
      %scan3A_98 = arith.constant 0 : i32
      scf.yield %scan3A_98 : i32
    }
    %scan3A_53 = arith.constant 16 : i32
    %barrier3A_54 = arith.constant 0 : index
    tpu.barrier barrier_id(%barrier3A_54)
    %convert_element_type3A = arith.extui %lt3A_39 : i1 to i32
    %cond3A = arith.constant 0 : i32
    %cond3A_55 = arith.cmpi ne, %convert_element_type3A, %cond3A : i32
    scf.if %cond3A_55 {
      %scan3A_88 = arith.constant 0 : i32
      %scan3A_89 = arith.constant 0 : i32
      %scan3A_90 = arith.constant 125 : i32
      %scan3A_91 = arith.addi %scan3A_89, %scan3A_90 : i32
      %scan3A_92 = arith.constant 1 : i32
      %scan3A_93 = scf.for %scan3A_95 = %scan3A_89 to %scan3A_91 step %scan3A_92 iter_args(%scan3A_96 = %scan3A_88) -> (i32)  : i32 {
        %mul3A_97 = arith.constant 2 : i32
        %mul3A_98 = arith.muli %mul3A_97, %scan3A_95 : i32
        %mul3A_99 = arith.constant 40 : i32
        %mul3A_100 = arith.muli %mul3A_98, %mul3A_99 : i32
        %add3A_101 = arith.addi %mul3A_8, %mul3A_100 : i32
        %add3A_102 = arith.constant 40 : i32
        %add3A_103 = arith.addi %add3A_101, %add3A_102 : i32
        %dma_start3A = tpu.memref_slice %arg5[%add3A_101] : memref<160000xi32, #tpu.memory_space<hbm>> -> memref<40xi32, #tpu.memory_space<hbm>>
        %dma_start3A_104 = tpu.memref_slice %arg5[%add3A_101] : memref<160000xi32, #tpu.memory_space<hbm>> -> memref<40xi32, #tpu.memory_space<hbm>>
        tpu.enqueue_dma source(%dma_start3A_104 : memref<40xi32, #tpu.memory_space<hbm>>) target(%arg11 : memref<40xi32, #tpu.memory_space<vmem>>) target_semaphore(%arg19 : memref<!tpu.dma_semaphore, #tpu.memory_space<semaphore_mem>>)
        %dma_start3A_105 = arith.constant 0 : i32
        %dma_start3A_106 = arith.constant 0 : i32
        %dma_start3A_107 = tpu.memref_slice %arg18[%dma_start3A_105, %dma_start3A_106] : memref<80x16xf32, #tpu.memory_space<vmem>> -> memref<40x16xf32, #tpu.memory_space<vmem>>
        %dma_start3A_108 = arith.constant 0 : i32
        %dma_start3A_109 = arith.constant 0 : i32
        %dma_start3A_110 = tpu.memref_slice %arg7[%arg0, %dma_start3A_108, %dma_start3A_109] : memref<2x160000x16xf32, #tpu.memory_space<hbm>> -> memref<1x160000x16xf32, #tpu.memory_space<hbm>>
        %dma_start3A_111 = tpu.memref_squeeze %dma_start3A_110 : memref<1x160000x16xf32, #tpu.memory_space<hbm>> -> memref<160000x16xf32, #tpu.memory_space<hbm>>
        %dma_start3A_112 = arith.constant 0 : i32
        %dma_start3A_113 = tpu.memref_slice %dma_start3A_111[%add3A_101, %dma_start3A_112] : memref<160000x16xf32, #tpu.memory_space<hbm>> -> memref<40x16xf32, #tpu.memory_space<hbm>>
        %dma_start3A_114 = arith.constant 0 : i32
        %dma_start3A_115 = arith.constant 0 : i32
        %dma_start3A_116 = tpu.memref_slice %arg18[%dma_start3A_114, %dma_start3A_115] : memref<80x16xf32, #tpu.memory_space<vmem>> -> memref<40x16xf32, #tpu.memory_space<vmem>>
        %dma_start3A_117 = arith.constant 0 : i32
        %dma_start3A_118 = arith.constant 0 : i32
        %dma_start3A_119 = tpu.memref_slice %arg7[%arg0, %dma_start3A_117, %dma_start3A_118] : memref<2x160000x16xf32, #tpu.memory_space<hbm>> -> memref<1x160000x16xf32, #tpu.memory_space<hbm>>
        %dma_start3A_120 = tpu.memref_squeeze %dma_start3A_119 : memref<1x160000x16xf32, #tpu.memory_space<hbm>> -> memref<160000x16xf32, #tpu.memory_space<hbm>>
        %dma_start3A_121 = arith.constant 0 : i32
        %dma_start3A_122 = tpu.memref_slice %dma_start3A_120[%add3A_101, %dma_start3A_121] : memref<160000x16xf32, #tpu.memory_space<hbm>> -> memref<40x16xf32, #tpu.memory_space<hbm>>
        tpu.enqueue_dma source(%dma_start3A_122 : memref<40x16xf32, #tpu.memory_space<hbm>>) target(%dma_start3A_116 : memref<40x16xf32, #tpu.memory_space<vmem>>) target_semaphore(%arg20 : memref<!tpu.dma_semaphore, #tpu.memory_space<semaphore_mem>>)
        %dma_start3A_123 = arith.constant 0 : i32
        %dma_start3A_124 = arith.constant 0 : i32
        %dma_start3A_125 = tpu.memref_slice %arg17[%dma_start3A_123, %dma_start3A_124] : memref<80x128xf32, #tpu.memory_space<vmem>> -> memref<40x128xf32, #tpu.memory_space<vmem>>
        %dma_start3A_126 = arith.constant 0 : i32
        %dma_start3A_127 = arith.constant 0 : i32
        %dma_start3A_128 = tpu.memref_slice %arg2[%add3A_38, %dma_start3A_126, %dma_start3A_127] : memref<3x160000x128xf32, #tpu.memory_space<hbm>> -> memref<1x160000x128xf32, #tpu.memory_space<hbm>>
        %dma_start3A_129 = tpu.memref_squeeze %dma_start3A_128 : memref<1x160000x128xf32, #tpu.memory_space<hbm>> -> memref<160000x128xf32, #tpu.memory_space<hbm>>
        %dma_start3A_130 = arith.constant 0 : i32
        %dma_start3A_131 = tpu.memref_slice %dma_start3A_129[%add3A_101, %dma_start3A_130] : memref<160000x128xf32, #tpu.memory_space<hbm>> -> memref<40x128xf32, #tpu.memory_space<hbm>>
        %dma_start3A_132 = arith.constant 0 : i32
        %dma_start3A_133 = arith.constant 0 : i32
        %dma_start3A_134 = tpu.memref_slice %arg17[%dma_start3A_132, %dma_start3A_133] : memref<80x128xf32, #tpu.memory_space<vmem>> -> memref<40x128xf32, #tpu.memory_space<vmem>>
        %dma_start3A_135 = arith.constant 0 : i32
        %dma_start3A_136 = arith.constant 0 : i32
        %dma_start3A_137 = tpu.memref_slice %arg2[%add3A_38, %dma_start3A_135, %dma_start3A_136] : memref<3x160000x128xf32, #tpu.memory_space<hbm>> -> memref<1x160000x128xf32, #tpu.memory_space<hbm>>
        %dma_start3A_138 = tpu.memref_squeeze %dma_start3A_137 : memref<1x160000x128xf32, #tpu.memory_space<hbm>> -> memref<160000x128xf32, #tpu.memory_space<hbm>>
        %dma_start3A_139 = arith.constant 0 : i32
        %dma_start3A_140 = tpu.memref_slice %dma_start3A_138[%add3A_101, %dma_start3A_139] : memref<160000x128xf32, #tpu.memory_space<hbm>> -> memref<40x128xf32, #tpu.memory_space<hbm>>
        tpu.enqueue_dma source(%dma_start3A_140 : memref<40x128xf32, #tpu.memory_space<hbm>>) target(%dma_start3A_134 : memref<40x128xf32, #tpu.memory_space<vmem>>) target_semaphore(%arg21 : memref<!tpu.dma_semaphore, #tpu.memory_space<semaphore_mem>>)
        %dma_start3A_141 = tpu.memref_slice %arg5[%add3A_103] : memref<160000xi32, #tpu.memory_space<hbm>> -> memref<40xi32, #tpu.memory_space<hbm>>
        %dma_start3A_142 = tpu.memref_slice %arg5[%add3A_103] : memref<160000xi32, #tpu.memory_space<hbm>> -> memref<40xi32, #tpu.memory_space<hbm>>
        tpu.enqueue_dma source(%dma_start3A_142 : memref<40xi32, #tpu.memory_space<hbm>>) target(%arg12 : memref<40xi32, #tpu.memory_space<vmem>>) target_semaphore(%arg22 : memref<!tpu.dma_semaphore, #tpu.memory_space<semaphore_mem>>)
        %dma_start3A_143 = arith.constant 40 : i32
        %dma_start3A_144 = arith.constant 0 : i32
        %dma_start3A_145 = tpu.memref_slice %arg18[%dma_start3A_143, %dma_start3A_144] : memref<80x16xf32, #tpu.memory_space<vmem>> -> memref<40x16xf32, #tpu.memory_space<vmem>>
        %dma_start3A_146 = arith.constant 0 : i32
        %dma_start3A_147 = arith.constant 0 : i32
        %dma_start3A_148 = tpu.memref_slice %arg7[%arg0, %dma_start3A_146, %dma_start3A_147] : memref<2x160000x16xf32, #tpu.memory_space<hbm>> -> memref<1x160000x16xf32, #tpu.memory_space<hbm>>
        %dma_start3A_149 = tpu.memref_squeeze %dma_start3A_148 : memref<1x160000x16xf32, #tpu.memory_space<hbm>> -> memref<160000x16xf32, #tpu.memory_space<hbm>>
        %dma_start3A_150 = arith.constant 0 : i32
        %dma_start3A_151 = tpu.memref_slice %dma_start3A_149[%add3A_103, %dma_start3A_150] : memref<160000x16xf32, #tpu.memory_space<hbm>> -> memref<40x16xf32, #tpu.memory_space<hbm>>
        %dma_start3A_152 = arith.constant 40 : i32
        %dma_start3A_153 = arith.constant 0 : i32
        %dma_start3A_154 = tpu.memref_slice %arg18[%dma_start3A_152, %dma_start3A_153] : memref<80x16xf32, #tpu.memory_space<vmem>> -> memref<40x16xf32, #tpu.memory_space<vmem>>
        %dma_start3A_155 = arith.constant 0 : i32
        %dma_start3A_156 = arith.constant 0 : i32
        %dma_start3A_157 = tpu.memref_slice %arg7[%arg0, %dma_start3A_155, %dma_start3A_156] : memref<2x160000x16xf32, #tpu.memory_space<hbm>> -> memref<1x160000x16xf32, #tpu.memory_space<hbm>>
        %dma_start3A_158 = tpu.memref_squeeze %dma_start3A_157 : memref<1x160000x16xf32, #tpu.memory_space<hbm>> -> memref<160000x16xf32, #tpu.memory_space<hbm>>
        %dma_start3A_159 = arith.constant 0 : i32
        %dma_start3A_160 = tpu.memref_slice %dma_start3A_158[%add3A_103, %dma_start3A_159] : memref<160000x16xf32, #tpu.memory_space<hbm>> -> memref<40x16xf32, #tpu.memory_space<hbm>>
        tpu.enqueue_dma source(%dma_start3A_160 : memref<40x16xf32, #tpu.memory_space<hbm>>) target(%dma_start3A_154 : memref<40x16xf32, #tpu.memory_space<vmem>>) target_semaphore(%arg23 : memref<!tpu.dma_semaphore, #tpu.memory_space<semaphore_mem>>)
        %dma_start3A_161 = arith.constant 40 : i32
        %dma_start3A_162 = arith.constant 0 : i32
        %dma_start3A_163 = tpu.memref_slice %arg17[%dma_start3A_161, %dma_start3A_162] : memref<80x128xf32, #tpu.memory_space<vmem>> -> memref<40x128xf32, #tpu.memory_space<vmem>>
        %dma_start3A_164 = arith.constant 0 : i32
        %dma_start3A_165 = arith.constant 0 : i32
        %dma_start3A_166 = tpu.memref_slice %arg2[%add3A_38, %dma_start3A_164, %dma_start3A_165] : memref<3x160000x128xf32, #tpu.memory_space<hbm>> -> memref<1x160000x128xf32, #tpu.memory_space<hbm>>
        %dma_start3A_167 = tpu.memref_squeeze %dma_start3A_166 : memref<1x160000x128xf32, #tpu.memory_space<hbm>> -> memref<160000x128xf32, #tpu.memory_space<hbm>>
        %dma_start3A_168 = arith.constant 0 : i32
        %dma_start3A_169 = tpu.memref_slice %dma_start3A_167[%add3A_103, %dma_start3A_168] : memref<160000x128xf32, #tpu.memory_space<hbm>> -> memref<40x128xf32, #tpu.memory_space<hbm>>
        %dma_start3A_170 = arith.constant 40 : i32
        %dma_start3A_171 = arith.constant 0 : i32
        %dma_start3A_172 = tpu.memref_slice %arg17[%dma_start3A_170, %dma_start3A_171] : memref<80x128xf32, #tpu.memory_space<vmem>> -> memref<40x128xf32, #tpu.memory_space<vmem>>
        %dma_start3A_173 = arith.constant 0 : i32
        %dma_start3A_174 = arith.constant 0 : i32
        %dma_start3A_175 = tpu.memref_slice %arg2[%add3A_38, %dma_start3A_173, %dma_start3A_174] : memref<3x160000x128xf32, #tpu.memory_space<hbm>> -> memref<1x160000x128xf32, #tpu.memory_space<hbm>>
        %dma_start3A_176 = tpu.memref_squeeze %dma_start3A_175 : memref<1x160000x128xf32, #tpu.memory_space<hbm>> -> memref<160000x128xf32, #tpu.memory_space<hbm>>
        %dma_start3A_177 = arith.constant 0 : i32
        %dma_start3A_178 = tpu.memref_slice %dma_start3A_176[%add3A_103, %dma_start3A_177] : memref<160000x128xf32, #tpu.memory_space<hbm>> -> memref<40x128xf32, #tpu.memory_space<hbm>>
        tpu.enqueue_dma source(%dma_start3A_178 : memref<40x128xf32, #tpu.memory_space<hbm>>) target(%dma_start3A_172 : memref<40x128xf32, #tpu.memory_space<vmem>>) target_semaphore(%arg24 : memref<!tpu.dma_semaphore, #tpu.memory_space<semaphore_mem>>)
        %dma_wait3A = tpu.memref_slice %arg5[%add3A_101] : memref<160000xi32, #tpu.memory_space<hbm>> -> memref<40xi32, #tpu.memory_space<hbm>>
        %dma_wait3A_179 = tpu.memref_slice %arg5[%add3A_101] : memref<160000xi32, #tpu.memory_space<hbm>> -> memref<40xi32, #tpu.memory_space<hbm>>
        tpu.wait_dma2 semaphore(%arg19 : memref<!tpu.dma_semaphore, #tpu.memory_space<semaphore_mem>>) src(%dma_wait3A_179 : memref<40xi32, #tpu.memory_space<hbm>>) dst(%arg11 : memref<40xi32, #tpu.memory_space<vmem>>)
        %dma_wait3A_180 = arith.constant 0 : i32
        %dma_wait3A_181 = arith.constant 0 : i32
        %dma_wait3A_182 = tpu.memref_slice %arg18[%dma_wait3A_180, %dma_wait3A_181] : memref<80x16xf32, #tpu.memory_space<vmem>> -> memref<40x16xf32, #tpu.memory_space<vmem>>
        %dma_wait3A_183 = arith.constant 0 : i32
        %dma_wait3A_184 = arith.constant 0 : i32
        %dma_wait3A_185 = tpu.memref_slice %arg7[%arg0, %dma_wait3A_183, %dma_wait3A_184] : memref<2x160000x16xf32, #tpu.memory_space<hbm>> -> memref<1x160000x16xf32, #tpu.memory_space<hbm>>
        %dma_wait3A_186 = tpu.memref_squeeze %dma_wait3A_185 : memref<1x160000x16xf32, #tpu.memory_space<hbm>> -> memref<160000x16xf32, #tpu.memory_space<hbm>>
        %dma_wait3A_187 = arith.constant 0 : i32
        %dma_wait3A_188 = tpu.memref_slice %dma_wait3A_186[%add3A_101, %dma_wait3A_187] : memref<160000x16xf32, #tpu.memory_space<hbm>> -> memref<40x16xf32, #tpu.memory_space<hbm>>
        %dma_wait3A_189 = arith.constant 0 : i32
        %dma_wait3A_190 = arith.constant 0 : i32
        %dma_wait3A_191 = tpu.memref_slice %arg18[%dma_wait3A_189, %dma_wait3A_190] : memref<80x16xf32, #tpu.memory_space<vmem>> -> memref<40x16xf32, #tpu.memory_space<vmem>>
        %dma_wait3A_192 = arith.constant 0 : i32
        %dma_wait3A_193 = arith.constant 0 : i32
        %dma_wait3A_194 = tpu.memref_slice %arg7[%arg0, %dma_wait3A_192, %dma_wait3A_193] : memref<2x160000x16xf32, #tpu.memory_space<hbm>> -> memref<1x160000x16xf32, #tpu.memory_space<hbm>>
        %dma_wait3A_195 = tpu.memref_squeeze %dma_wait3A_194 : memref<1x160000x16xf32, #tpu.memory_space<hbm>> -> memref<160000x16xf32, #tpu.memory_space<hbm>>
        %dma_wait3A_196 = arith.constant 0 : i32
        %dma_wait3A_197 = tpu.memref_slice %dma_wait3A_195[%add3A_101, %dma_wait3A_196] : memref<160000x16xf32, #tpu.memory_space<hbm>> -> memref<40x16xf32, #tpu.memory_space<hbm>>
        tpu.wait_dma2 semaphore(%arg20 : memref<!tpu.dma_semaphore, #tpu.memory_space<semaphore_mem>>) src(%dma_wait3A_197 : memref<40x16xf32, #tpu.memory_space<hbm>>) dst(%dma_wait3A_191 : memref<40x16xf32, #tpu.memory_space<vmem>>)
        %dma_wait3A_198 = arith.constant 0 : i32
        %dma_wait3A_199 = arith.constant 0 : i32
        %dma_wait3A_200 = tpu.memref_slice %arg17[%dma_wait3A_198, %dma_wait3A_199] : memref<80x128xf32, #tpu.memory_space<vmem>> -> memref<40x128xf32, #tpu.memory_space<vmem>>
        %dma_wait3A_201 = arith.constant 0 : i32
        %dma_wait3A_202 = arith.constant 0 : i32
        %dma_wait3A_203 = tpu.memref_slice %arg2[%add3A_38, %dma_wait3A_201, %dma_wait3A_202] : memref<3x160000x128xf32, #tpu.memory_space<hbm>> -> memref<1x160000x128xf32, #tpu.memory_space<hbm>>
        %dma_wait3A_204 = tpu.memref_squeeze %dma_wait3A_203 : memref<1x160000x128xf32, #tpu.memory_space<hbm>> -> memref<160000x128xf32, #tpu.memory_space<hbm>>
        %dma_wait3A_205 = arith.constant 0 : i32
        %dma_wait3A_206 = tpu.memref_slice %dma_wait3A_204[%add3A_101, %dma_wait3A_205] : memref<160000x128xf32, #tpu.memory_space<hbm>> -> memref<40x128xf32, #tpu.memory_space<hbm>>
        %dma_wait3A_207 = arith.constant 0 : i32
        %dma_wait3A_208 = arith.constant 0 : i32
        %dma_wait3A_209 = tpu.memref_slice %arg17[%dma_wait3A_207, %dma_wait3A_208] : memref<80x128xf32, #tpu.memory_space<vmem>> -> memref<40x128xf32, #tpu.memory_space<vmem>>
        %dma_wait3A_210 = arith.constant 0 : i32
        %dma_wait3A_211 = arith.constant 0 : i32
        %dma_wait3A_212 = tpu.memref_slice %arg2[%add3A_38, %dma_wait3A_210, %dma_wait3A_211] : memref<3x160000x128xf32, #tpu.memory_space<hbm>> -> memref<1x160000x128xf32, #tpu.memory_space<hbm>>
        %dma_wait3A_213 = tpu.memref_squeeze %dma_wait3A_212 : memref<1x160000x128xf32, #tpu.memory_space<hbm>> -> memref<160000x128xf32, #tpu.memory_space<hbm>>
        %dma_wait3A_214 = arith.constant 0 : i32
        %dma_wait3A_215 = tpu.memref_slice %dma_wait3A_213[%add3A_101, %dma_wait3A_214] : memref<160000x128xf32, #tpu.memory_space<hbm>> -> memref<40x128xf32, #tpu.memory_space<hbm>>
        tpu.wait_dma2 semaphore(%arg21 : memref<!tpu.dma_semaphore, #tpu.memory_space<semaphore_mem>>) src(%dma_wait3A_215 : memref<40x128xf32, #tpu.memory_space<hbm>>) dst(%dma_wait3A_209 : memref<40x128xf32, #tpu.memory_space<vmem>>)
        %scan3A_216 = arith.constant 0 : i32
        %scan3A_217 = arith.constant 0 : i32
        %scan3A_218 = arith.constant 40 : i32
        %scan3A_219 = arith.addi %scan3A_217, %scan3A_218 : i32
        %scan3A_220 = arith.constant 1 : i32
        %scan3A_221 = scf.for %scan3A_293 = %scan3A_217 to %scan3A_219 step %scan3A_220 iter_args(%scan3A_294 = %scan3A_216) -> (i32)  : i32 {
          %add3A_295 = arith.constant 0 : i32
          %add3A_296 = arith.addi %add3A_295, %scan3A_293 : i32
          %get3A = arith.index_cast %add3A_296 : i32 to index
          %get3A_297 = arith.constant 0 : index
          %get3A_298 = tpu.vector_load %arg18[%get3A, %get3A_297] {strides = array<i32>} : memref<80x16xf32, #tpu.memory_space<vmem>>, vector<1x16xf32>,
          %get3A_299 = vector.shape_cast %get3A_298 : vector<1x16xf32> to vector<16xf32>
          %add3A_300 = arith.constant 0 : i32
          %add3A_301 = vector.broadcast %add3A_300 : i32 to vector<16xi32>
          %add3A_302 = arith.addi %broadcast_in_dim3A_2, %add3A_301 : vector<16xi32>
          %lt3A_303 = arith.constant 0 : i32
          %lt3A_304 = vector.broadcast %lt3A_303 : i32 to vector<16xi32>
          %lt3A_305 = arith.cmpi slt, %add3A_302, %lt3A_304 : vector<16xi32>
          %add3A_306 = arith.constant 16 : i32
          %add3A_307 = vector.broadcast %add3A_306 : i32 to vector<16xi32>
          %add3A_308 = arith.addi %add3A_302, %add3A_307 : vector<16xi32>
          %select_n3A = arith.select %lt3A_305, %add3A_308, %add3A_302 : vector<16xi1>, vector<16xi32>
          %reshape3A = vector.shape_cast %select_n3A : vector<16xi32> to vector<16x1xi32>
          %gather3A = vector.shape_cast %reshape3A : vector<16x1xi32> to vector<16xi32>
          %gather3A_309 = tpu.dynamic_gather %get3A_299[%gather3A] in [0] : vector<16xf32>, vector<16xi32> -> vector<16xf32>
          %add3A_310 = arith.constant 0 : i32
          %add3A_311 = arith.addi %add3A_310, %scan3A_293 : i32
          %get3A_312 = arith.index_cast %add3A_311 : i32 to index
          %get3A_313 = arith.constant 0 : index
          %get3A_314 = tpu.vector_load %arg17[%get3A_312, %get3A_313] {strides = array<i32>} : memref<80x128xf32, #tpu.memory_space<vmem>>, vector<1x16xf32>,
          %get3A_315 = vector.shape_cast %get3A_314 : vector<1x16xf32> to vector<16xf32>
          %mul3A_316 = arith.mulf %get3A_315, %gather3A_309 : vector<16xf32>
          %add3A_317 = arith.constant 0 : i32
          %add3A_318 = arith.addi %add3A_317, %scan3A_293 : i32
          %swap3A = arith.index_cast %add3A_318 : i32 to index
          %swap3A_319 = arith.constant 0 : index
          %swap3A_320 = tpu.vector_load %arg17[%swap3A, %swap3A_319] {strides = array<i32>} : memref<80x128xf32, #tpu.memory_space<vmem>>, vector<1x16xf32>,
          %swap3A_321 = vector.shape_cast %swap3A_320 : vector<1x16xf32> to vector<16xf32>
          %swap3A_322 = vector.shape_cast %mul3A_316 : vector<16xf32> to vector<1x16xf32>
          tpu.vector_store %arg17[%swap3A, %swap3A_319], %swap3A_322 {strides = array<i32>} : memref<80x128xf32, #tpu.memory_space<vmem>>, vector<1x16xf32>,
          %add3A_323 = arith.constant 1 : i32
          %add3A_324 = vector.broadcast %add3A_323 : i32 to vector<16xi32>
          %add3A_325 = arith.addi %broadcast_in_dim3A_2, %add3A_324 : vector<16xi32>
          %lt3A_326 = arith.constant 0 : i32
          %lt3A_327 = vector.broadcast %lt3A_326 : i32 to vector<16xi32>
          %lt3A_328 = arith.cmpi slt, %add3A_325, %lt3A_327 : vector<16xi32>
          %add3A_329 = arith.constant 16 : i32
          %add3A_330 = vector.broadcast %add3A_329 : i32 to vector<16xi32>
          %add3A_331 = arith.addi %add3A_325, %add3A_330 : vector<16xi32>
          %select_n3A_332 = arith.select %lt3A_328, %add3A_331, %add3A_325 : vector<16xi1>, vector<16xi32>
          %reshape3A_333 = vector.shape_cast %select_n3A_332 : vector<16xi32> to vector<16x1xi32>
          %gather3A_334 = vector.shape_cast %reshape3A_333 : vector<16x1xi32> to vector<16xi32>
          %gather3A_335 = tpu.dynamic_gather %get3A_299[%gather3A_334] in [0] : vector<16xf32>, vector<16xi32> -> vector<16xf32>
          %add3A_336 = arith.constant 0 : i32
          %add3A_337 = arith.addi %add3A_336, %scan3A_293 : i32
          %get3A_338 = arith.index_cast %add3A_337 : i32 to index
          %get3A_339 = arith.constant 16 : index
          %get3A_340 = tpu.vector_load %arg17[%get3A_338, %get3A_339] {strides = array<i32>} : memref<80x128xf32, #tpu.memory_space<vmem>>, vector<1x16xf32>,
          %get3A_341 = vector.shape_cast %get3A_340 : vector<1x16xf32> to vector<16xf32>
          %mul3A_342 = arith.mulf %get3A_341, %gather3A_335 : vector<16xf32>
          %add3A_343 = arith.constant 0 : i32
          %add3A_344 = arith.addi %add3A_343, %scan3A_293 : i32
          %swap3A_345 = arith.index_cast %add3A_344 : i32 to index
          %swap3A_346 = arith.constant 16 : index
          %swap3A_347 = tpu.vector_load %arg17[%swap3A_345, %swap3A_346] {strides = array<i32>} : memref<80x128xf32, #tpu.memory_space<vmem>>, vector<1x16xf32>,
          %swap3A_348 = vector.shape_cast %swap3A_347 : vector<1x16xf32> to vector<16xf32>
          %swap3A_349 = vector.shape_cast %mul3A_342 : vector<16xf32> to vector<1x16xf32>
          tpu.vector_store %arg17[%swap3A_345, %swap3A_346], %swap3A_349 {strides = array<i32>} : memref<80x128xf32, #tpu.memory_space<vmem>>, vector<1x16xf32>,
          %add3A_350 = arith.constant 2 : i32
          %add3A_351 = vector.broadcast %add3A_350 : i32 to vector<16xi32>
          %add3A_352 = arith.addi %broadcast_in_dim3A_2, %add3A_351 : vector<16xi32>
          %lt3A_353 = arith.constant 0 : i32
          %lt3A_354 = vector.broadcast %lt3A_353 : i32 to vector<16xi32>
          %lt3A_355 = arith.cmpi slt, %add3A_352, %lt3A_354 : vector<16xi32>
          %add3A_356 = arith.constant 16 : i32
          %add3A_357 = vector.broadcast %add3A_356 : i32 to vector<16xi32>
          %add3A_358 = arith.addi %add3A_352, %add3A_357 : vector<16xi32>
          %select_n3A_359 = arith.select %lt3A_355, %add3A_358, %add3A_352 : vector<16xi1>, vector<16xi32>
          %reshape3A_360 = vector.shape_cast %select_n3A_359 : vector<16xi32> to vector<16x1xi32>
          %gather3A_361 = vector.shape_cast %reshape3A_360 : vector<16x1xi32> to vector<16xi32>
          %gather3A_362 = tpu.dynamic_gather %get3A_299[%gather3A_361] in [0] : vector<16xf32>, vector<16xi32> -> vector<16xf32>
          %add3A_363 = arith.constant 0 : i32
          %add3A_364 = arith.addi %add3A_363, %scan3A_293 : i32
          %get3A_365 = arith.index_cast %add3A_364 : i32 to index
          %get3A_366 = arith.constant 32 : index
          %get3A_367 = tpu.vector_load %arg17[%get3A_365, %get3A_366] {strides = array<i32>} : memref<80x128xf32, #tpu.memory_space<vmem>>, vector<1x16xf32>,
          %get3A_368 = vector.shape_cast %get3A_367 : vector<1x16xf32> to vector<16xf32>
          %mul3A_369 = arith.mulf %get3A_368, %gather3A_362 : vector<16xf32>
          %add3A_370 = arith.constant 0 : i32
          %add3A_371 = arith.addi %add3A_370, %scan3A_293 : i32
          %swap3A_372 = arith.index_cast %add3A_371 : i32 to index
          %swap3A_373 = arith.constant 32 : index
          %swap3A_374 = tpu.vector_load %arg17[%swap3A_372, %swap3A_373] {strides = array<i32>} : memref<80x128xf32, #tpu.memory_space<vmem>>, vector<1x16xf32>,
          %swap3A_375 = vector.shape_cast %swap3A_374 : vector<1x16xf32> to vector<16xf32>
          %swap3A_376 = vector.shape_cast %mul3A_369 : vector<16xf32> to vector<1x16xf32>
          tpu.vector_store %arg17[%swap3A_372, %swap3A_373], %swap3A_376 {strides = array<i32>} : memref<80x128xf32, #tpu.memory_space<vmem>>, vector<1x16xf32>,
          %add3A_377 = arith.constant 3 : i32
          %add3A_378 = vector.broadcast %add3A_377 : i32 to vector<16xi32>
          %add3A_379 = arith.addi %broadcast_in_dim3A_2, %add3A_378 : vector<16xi32>
          %lt3A_380 = arith.constant 0 : i32
          %lt3A_381 = vector.broadcast %lt3A_380 : i32 to vector<16xi32>
          %lt3A_382 = arith.cmpi slt, %add3A_379, %lt3A_381 : vector<16xi32>
          %add3A_383 = arith.constant 16 : i32
          %add3A_384 = vector.broadcast %add3A_383 : i32 to vector<16xi32>
          %add3A_385 = arith.addi %add3A_379, %add3A_384 : vector<16xi32>
          %select_n3A_386 = arith.select %lt3A_382, %add3A_385, %add3A_379 : vector<16xi1>, vector<16xi32>
          %reshape3A_387 = vector.shape_cast %select_n3A_386 : vector<16xi32> to vector<16x1xi32>
          %gather3A_388 = vector.shape_cast %reshape3A_387 : vector<16x1xi32> to vector<16xi32>
          %gather3A_389 = tpu.dynamic_gather %get3A_299[%gather3A_388] in [0] : vector<16xf32>, vector<16xi32> -> vector<16xf32>
          %add3A_390 = arith.constant 0 : i32
          %add3A_391 = arith.addi %add3A_390, %scan3A_293 : i32
          %get3A_392 = arith.index_cast %add3A_391 : i32 to index
          %get3A_393 = arith.constant 48 : index
          %get3A_394 = tpu.vector_load %arg17[%get3A_392, %get3A_393] {strides = array<i32>} : memref<80x128xf32, #tpu.memory_space<vmem>>, vector<1x16xf32>,
          %get3A_395 = vector.shape_cast %get3A_394 : vector<1x16xf32> to vector<16xf32>
          %mul3A_396 = arith.mulf %get3A_395, %gather3A_389 : vector<16xf32>
          %add3A_397 = arith.constant 0 : i32
          %add3A_398 = arith.addi %add3A_397, %scan3A_293 : i32
          %swap3A_399 = arith.index_cast %add3A_398 : i32 to index
          %swap3A_400 = arith.constant 48 : index
          %swap3A_401 = tpu.vector_load %arg17[%swap3A_399, %swap3A_400] {strides = array<i32>} : memref<80x128xf32, #tpu.memory_space<vmem>>, vector<1x16xf32>,
          %swap3A_402 = vector.shape_cast %swap3A_401 : vector<1x16xf32> to vector<16xf32>
          %swap3A_403 = vector.shape_cast %mul3A_396 : vector<16xf32> to vector<1x16xf32>
          tpu.vector_store %arg17[%swap3A_399, %swap3A_400], %swap3A_403 {strides = array<i32>} : memref<80x128xf32, #tpu.memory_space<vmem>>, vector<1x16xf32>,
          %add3A_404 = arith.constant 4 : i32
          %add3A_405 = vector.broadcast %add3A_404 : i32 to vector<16xi32>
          %add3A_406 = arith.addi %broadcast_in_dim3A_2, %add3A_405 : vector<16xi32>
          %lt3A_407 = arith.constant 0 : i32
          %lt3A_408 = vector.broadcast %lt3A_407 : i32 to vector<16xi32>
          %lt3A_409 = arith.cmpi slt, %add3A_406, %lt3A_408 : vector<16xi32>
          %add3A_410 = arith.constant 16 : i32
          %add3A_411 = vector.broadcast %add3A_410 : i32 to vector<16xi32>
          %add3A_412 = arith.addi %add3A_406, %add3A_411 : vector<16xi32>
          %select_n3A_413 = arith.select %lt3A_409, %add3A_412, %add3A_406 : vector<16xi1>, vector<16xi32>
          %reshape3A_414 = vector.shape_cast %select_n3A_413 : vector<16xi32> to vector<16x1xi32>
          %gather3A_415 = vector.shape_cast %reshape3A_414 : vector<16x1xi32> to vector<16xi32>
          %gather3A_416 = tpu.dynamic_gather %get3A_299[%gather3A_415] in [0] : vector<16xf32>, vector<16xi32> -> vector<16xf32>
          %add3A_417 = arith.constant 0 : i32
          %add3A_418 = arith.addi %add3A_417, %scan3A_293 : i32
          %get3A_419 = arith.index_cast %add3A_418 : i32 to index
          %get3A_420 = arith.constant 64 : index
          %get3A_421 = tpu.vector_load %arg17[%get3A_419, %get3A_420] {strides = array<i32>} : memref<80x128xf32, #tpu.memory_space<vmem>>, vector<1x16xf32>,
          %get3A_422 = vector.shape_cast %get3A_421 : vector<1x16xf32> to vector<16xf32>
          %mul3A_423 = arith.mulf %get3A_422, %gather3A_416 : vector<16xf32>
          %add3A_424 = arith.constant 0 : i32
          %add3A_425 = arith.addi %add3A_424, %scan3A_293 : i32
          %swap3A_426 = arith.index_cast %add3A_425 : i32 to index
          %swap3A_427 = arith.constant 64 : index
          %swap3A_428 = tpu.vector_load %arg17[%swap3A_426, %swap3A_427] {strides = array<i32>} : memref<80x128xf32, #tpu.memory_space<vmem>>, vector<1x16xf32>,
          %swap3A_429 = vector.shape_cast %swap3A_428 : vector<1x16xf32> to vector<16xf32>
          %swap3A_430 = vector.shape_cast %mul3A_423 : vector<16xf32> to vector<1x16xf32>
          tpu.vector_store %arg17[%swap3A_426, %swap3A_427], %swap3A_430 {strides = array<i32>} : memref<80x128xf32, #tpu.memory_space<vmem>>, vector<1x16xf32>,
          %add3A_431 = arith.constant 5 : i32
          %add3A_432 = vector.broadcast %add3A_431 : i32 to vector<16xi32>
          %add3A_433 = arith.addi %broadcast_in_dim3A_2, %add3A_432 : vector<16xi32>
          %lt3A_434 = arith.constant 0 : i32
          %lt3A_435 = vector.broadcast %lt3A_434 : i32 to vector<16xi32>
          %lt3A_436 = arith.cmpi slt, %add3A_433, %lt3A_435 : vector<16xi32>
          %add3A_437 = arith.constant 16 : i32
          %add3A_438 = vector.broadcast %add3A_437 : i32 to vector<16xi32>
          %add3A_439 = arith.addi %add3A_433, %add3A_438 : vector<16xi32>
          %select_n3A_440 = arith.select %lt3A_436, %add3A_439, %add3A_433 : vector<16xi1>, vector<16xi32>
          %reshape3A_441 = vector.shape_cast %select_n3A_440 : vector<16xi32> to vector<16x1xi32>
          %gather3A_442 = vector.shape_cast %reshape3A_441 : vector<16x1xi32> to vector<16xi32>
          %gather3A_443 = tpu.dynamic_gather %get3A_299[%gather3A_442] in [0] : vector<16xf32>, vector<16xi32> -> vector<16xf32>
          %add3A_444 = arith.constant 0 : i32
          %add3A_445 = arith.addi %add3A_444, %scan3A_293 : i32
          %get3A_446 = arith.index_cast %add3A_445 : i32 to index
          %get3A_447 = arith.constant 80 : index
          %get3A_448 = tpu.vector_load %arg17[%get3A_446, %get3A_447] {strides = array<i32>} : memref<80x128xf32, #tpu.memory_space<vmem>>, vector<1x16xf32>,
          %get3A_449 = vector.shape_cast %get3A_448 : vector<1x16xf32> to vector<16xf32>
          %mul3A_450 = arith.mulf %get3A_449, %gather3A_443 : vector<16xf32>
          %add3A_451 = arith.constant 0 : i32
          %add3A_452 = arith.addi %add3A_451, %scan3A_293 : i32
          %swap3A_453 = arith.index_cast %add3A_452 : i32 to index
          %swap3A_454 = arith.constant 80 : index
          %swap3A_455 = tpu.vector_load %arg17[%swap3A_453, %swap3A_454] {strides = array<i32>} : memref<80x128xf32, #tpu.memory_space<vmem>>, vector<1x16xf32>,
          %swap3A_456 = vector.shape_cast %swap3A_455 : vector<1x16xf32> to vector<16xf32>
          %swap3A_457 = vector.shape_cast %mul3A_450 : vector<16xf32> to vector<1x16xf32>
          tpu.vector_store %arg17[%swap3A_453, %swap3A_454], %swap3A_457 {strides = array<i32>} : memref<80x128xf32, #tpu.memory_space<vmem>>, vector<1x16xf32>,
          %add3A_458 = arith.constant 6 : i32
          %add3A_459 = vector.broadcast %add3A_458 : i32 to vector<16xi32>
          %add3A_460 = arith.addi %broadcast_in_dim3A_2, %add3A_459 : vector<16xi32>
          %lt3A_461 = arith.constant 0 : i32
          %lt3A_462 = vector.broadcast %lt3A_461 : i32 to vector<16xi32>
          %lt3A_463 = arith.cmpi slt, %add3A_460, %lt3A_462 : vector<16xi32>
          %add3A_464 = arith.constant 16 : i32
          %add3A_465 = vector.broadcast %add3A_464 : i32 to vector<16xi32>
          %add3A_466 = arith.addi %add3A_460, %add3A_465 : vector<16xi32>
          %select_n3A_467 = arith.select %lt3A_463, %add3A_466, %add3A_460 : vector<16xi1>, vector<16xi32>
          %reshape3A_468 = vector.shape_cast %select_n3A_467 : vector<16xi32> to vector<16x1xi32>
          %gather3A_469 = vector.shape_cast %reshape3A_468 : vector<16x1xi32> to vector<16xi32>
          %gather3A_470 = tpu.dynamic_gather %get3A_299[%gather3A_469] in [0] : vector<16xf32>, vector<16xi32> -> vector<16xf32>
          %add3A_471 = arith.constant 0 : i32
          %add3A_472 = arith.addi %add3A_471, %scan3A_293 : i32
          %get3A_473 = arith.index_cast %add3A_472 : i32 to index
          %get3A_474 = arith.constant 96 : index
          %get3A_475 = tpu.vector_load %arg17[%get3A_473, %get3A_474] {strides = array<i32>} : memref<80x128xf32, #tpu.memory_space<vmem>>, vector<1x16xf32>,
          %get3A_476 = vector.shape_cast %get3A_475 : vector<1x16xf32> to vector<16xf32>
          %mul3A_477 = arith.mulf %get3A_476, %gather3A_470 : vector<16xf32>
          %add3A_478 = arith.constant 0 : i32
          %add3A_479 = arith.addi %add3A_478, %scan3A_293 : i32
          %swap3A_480 = arith.index_cast %add3A_479 : i32 to index
          %swap3A_481 = arith.constant 96 : index
          %swap3A_482 = tpu.vector_load %arg17[%swap3A_480, %swap3A_481] {strides = array<i32>} : memref<80x128xf32, #tpu.memory_space<vmem>>, vector<1x16xf32>,
          %swap3A_483 = vector.shape_cast %swap3A_482 : vector<1x16xf32> to vector<16xf32>
          %swap3A_484 = vector.shape_cast %mul3A_477 : vector<16xf32> to vector<1x16xf32>
          tpu.vector_store %arg17[%swap3A_480, %swap3A_481], %swap3A_484 {strides = array<i32>} : memref<80x128xf32, #tpu.memory_space<vmem>>, vector<1x16xf32>,
          %add3A_485 = arith.constant 7 : i32
          %add3A_486 = vector.broadcast %add3A_485 : i32 to vector<16xi32>
          %add3A_487 = arith.addi %broadcast_in_dim3A_2, %add3A_486 : vector<16xi32>
          %lt3A_488 = arith.constant 0 : i32
          %lt3A_489 = vector.broadcast %lt3A_488 : i32 to vector<16xi32>
          %lt3A_490 = arith.cmpi slt, %add3A_487, %lt3A_489 : vector<16xi32>
          %add3A_491 = arith.constant 16 : i32
          %add3A_492 = vector.broadcast %add3A_491 : i32 to vector<16xi32>
          %add3A_493 = arith.addi %add3A_487, %add3A_492 : vector<16xi32>
          %select_n3A_494 = arith.select %lt3A_490, %add3A_493, %add3A_487 : vector<16xi1>, vector<16xi32>
          %reshape3A_495 = vector.shape_cast %select_n3A_494 : vector<16xi32> to vector<16x1xi32>
          %gather3A_496 = vector.shape_cast %reshape3A_495 : vector<16x1xi32> to vector<16xi32>
          %gather3A_497 = tpu.dynamic_gather %get3A_299[%gather3A_496] in [0] : vector<16xf32>, vector<16xi32> -> vector<16xf32>
          %add3A_498 = arith.constant 0 : i32
          %add3A_499 = arith.addi %add3A_498, %scan3A_293 : i32
          %get3A_500 = arith.index_cast %add3A_499 : i32 to index
          %get3A_501 = arith.constant 112 : index
          %get3A_502 = tpu.vector_load %arg17[%get3A_500, %get3A_501] {strides = array<i32>} : memref<80x128xf32, #tpu.memory_space<vmem>>, vector<1x16xf32>,
          %get3A_503 = vector.shape_cast %get3A_502 : vector<1x16xf32> to vector<16xf32>
          %mul3A_504 = arith.mulf %get3A_503, %gather3A_497 : vector<16xf32>
          %add3A_505 = arith.constant 0 : i32
          %add3A_506 = arith.addi %add3A_505, %scan3A_293 : i32
          %swap3A_507 = arith.index_cast %add3A_506 : i32 to index
          %swap3A_508 = arith.constant 112 : index
          %swap3A_509 = tpu.vector_load %arg17[%swap3A_507, %swap3A_508] {strides = array<i32>} : memref<80x128xf32, #tpu.memory_space<vmem>>, vector<1x16xf32>,
          %swap3A_510 = vector.shape_cast %swap3A_509 : vector<1x16xf32> to vector<16xf32>
          %swap3A_511 = vector.shape_cast %mul3A_504 : vector<16xf32> to vector<1x16xf32>
          tpu.vector_store %arg17[%swap3A_507, %swap3A_508], %swap3A_511 {strides = array<i32>} : memref<80x128xf32, #tpu.memory_space<vmem>>, vector<1x16xf32>,
          %scan3A_512 = arith.constant 0 : i32
          scf.yield %scan3A_512 : i32
        }
        %scan3A_222 = arith.constant 40 : i32
        %dma_start3A_223 = arith.constant 0 : i32
        %dma_start3A_224 = arith.constant 0 : i32
        %dma_start3A_225 = tpu.memref_slice %arg17[%dma_start3A_223, %dma_start3A_224] : memref<80x128xf32, #tpu.memory_space<vmem>> -> memref<40x128xf32, #tpu.memory_space<vmem>>
        %dma_start3A_226 = arith.constant 0 : i32
        %dma_start3A_227 = arith.constant 0 : i32
        %dma_start3A_228 = tpu.memref_slice %arg9[%dma_start3A_226, %dma_start3A_227] : memref<10000x128xf32, #tpu.memory_space<vmem_shared>> -> memref<10000x128xf32, #tpu.memory_space<vmem_shared>>
        tpu.enqueue_indirect_dma source(%dma_start3A_225 : memref<40x128xf32, #tpu.memory_space<vmem>>) target(%dma_start3A_228 : memref<10000x128xf32, #tpu.memory_space<vmem_shared>>) offsets(%arg11 : memref<40xi32, #tpu.memory_space<vmem>>) semaphore(%arg19 : memref<!tpu.dma_semaphore, #tpu.memory_space<semaphore_mem>>) {add = true}
        %dma_wait3A_229 = tpu.memref_slice %arg5[%add3A_103] : memref<160000xi32, #tpu.memory_space<hbm>> -> memref<40xi32, #tpu.memory_space<hbm>>
        %dma_wait3A_230 = tpu.memref_slice %arg5[%add3A_103] : memref<160000xi32, #tpu.memory_space<hbm>> -> memref<40xi32, #tpu.memory_space<hbm>>
        tpu.wait_dma2 semaphore(%arg22 : memref<!tpu.dma_semaphore, #tpu.memory_space<semaphore_mem>>) src(%dma_wait3A_230 : memref<40xi32, #tpu.memory_space<hbm>>) dst(%arg12 : memref<40xi32, #tpu.memory_space<vmem>>)
        %dma_wait3A_231 = arith.constant 40 : i32
        %dma_wait3A_232 = arith.constant 0 : i32
        %dma_wait3A_233 = tpu.memref_slice %arg18[%dma_wait3A_231, %dma_wait3A_232] : memref<80x16xf32, #tpu.memory_space<vmem>> -> memref<40x16xf32, #tpu.memory_space<vmem>>
        %dma_wait3A_234 = arith.constant 0 : i32
        %dma_wait3A_235 = arith.constant 0 : i32
        %dma_wait3A_236 = tpu.memref_slice %arg7[%arg0, %dma_wait3A_234, %dma_wait3A_235] : memref<2x160000x16xf32, #tpu.memory_space<hbm>> -> memref<1x160000x16xf32, #tpu.memory_space<hbm>>
        %dma_wait3A_237 = tpu.memref_squeeze %dma_wait3A_236 : memref<1x160000x16xf32, #tpu.memory_space<hbm>> -> memref<160000x16xf32, #tpu.memory_space<hbm>>
        %dma_wait3A_238 = arith.constant 0 : i32
        %dma_wait3A_239 = tpu.memref_slice %dma_wait3A_237[%add3A_103, %dma_wait3A_238] : memref<160000x16xf32, #tpu.memory_space<hbm>> -> memref<40x16xf32, #tpu.memory_space<hbm>>
        %dma_wait3A_240 = arith.constant 40 : i32
        %dma_wait3A_241 = arith.constant 0 : i32
        %dma_wait3A_242 = tpu.memref_slice %arg18[%dma_wait3A_240, %dma_wait3A_241] : memref<80x16xf32, #tpu.memory_space<vmem>> -> memref<40x16xf32, #tpu.memory_space<vmem>>
        %dma_wait3A_243 = arith.constant 0 : i32
        %dma_wait3A_244 = arith.constant 0 : i32
        %dma_wait3A_245 = tpu.memref_slice %arg7[%arg0, %dma_wait3A_243, %dma_wait3A_244] : memref<2x160000x16xf32, #tpu.memory_space<hbm>> -> memref<1x160000x16xf32, #tpu.memory_space<hbm>>
        %dma_wait3A_246 = tpu.memref_squeeze %dma_wait3A_245 : memref<1x160000x16xf32, #tpu.memory_space<hbm>> -> memref<160000x16xf32, #tpu.memory_space<hbm>>
        %dma_wait3A_247 = arith.constant 0 : i32
        %dma_wait3A_248 = tpu.memref_slice %dma_wait3A_246[%add3A_103, %dma_wait3A_247] : memref<160000x16xf32, #tpu.memory_space<hbm>> -> memref<40x16xf32, #tpu.memory_space<hbm>>
        tpu.wait_dma2 semaphore(%arg23 : memref<!tpu.dma_semaphore, #tpu.memory_space<semaphore_mem>>) src(%dma_wait3A_248 : memref<40x16xf32, #tpu.memory_space<hbm>>) dst(%dma_wait3A_242 : memref<40x16xf32, #tpu.memory_space<vmem>>)
        %dma_wait3A_249 = arith.constant 40 : i32
        %dma_wait3A_250 = arith.constant 0 : i32
        %dma_wait3A_251 = tpu.memref_slice %arg17[%dma_wait3A_249, %dma_wait3A_250] : memref<80x128xf32, #tpu.memory_space<vmem>> -> memref<40x128xf32, #tpu.memory_space<vmem>>
        %dma_wait3A_252 = arith.constant 0 : i32
        %dma_wait3A_253 = arith.constant 0 : i32
        %dma_wait3A_254 = tpu.memref_slice %arg2[%add3A_38, %dma_wait3A_252, %dma_wait3A_253] : memref<3x160000x128xf32, #tpu.memory_space<hbm>> -> memref<1x160000x128xf32, #tpu.memory_space<hbm>>
        %dma_wait3A_255 = tpu.memref_squeeze %dma_wait3A_254 : memref<1x160000x128xf32, #tpu.memory_space<hbm>> -> memref<160000x128xf32, #tpu.memory_space<hbm>>
        %dma_wait3A_256 = arith.constant 0 : i32
        %dma_wait3A_257 = tpu.memref_slice %dma_wait3A_255[%add3A_103, %dma_wait3A_256] : memref<160000x128xf32, #tpu.memory_space<hbm>> -> memref<40x128xf32, #tpu.memory_space<hbm>>
        %dma_wait3A_258 = arith.constant 40 : i32
        %dma_wait3A_259 = arith.constant 0 : i32
        %dma_wait3A_260 = tpu.memref_slice %arg17[%dma_wait3A_258, %dma_wait3A_259] : memref<80x128xf32, #tpu.memory_space<vmem>> -> memref<40x128xf32, #tpu.memory_space<vmem>>
        %dma_wait3A_261 = arith.constant 0 : i32
        %dma_wait3A_262 = arith.constant 0 : i32
        %dma_wait3A_263 = tpu.memref_slice %arg2[%add3A_38, %dma_wait3A_261, %dma_wait3A_262] : memref<3x160000x128xf32, #tpu.memory_space<hbm>> -> memref<1x160000x128xf32, #tpu.memory_space<hbm>>
        %dma_wait3A_264 = tpu.memref_squeeze %dma_wait3A_263 : memref<1x160000x128xf32, #tpu.memory_space<hbm>> -> memref<160000x128xf32, #tpu.memory_space<hbm>>
        %dma_wait3A_265 = arith.constant 0 : i32
        %dma_wait3A_266 = tpu.memref_slice %dma_wait3A_264[%add3A_103, %dma_wait3A_265] : memref<160000x128xf32, #tpu.memory_space<hbm>> -> memref<40x128xf32, #tpu.memory_space<hbm>>
        tpu.wait_dma2 semaphore(%arg24 : memref<!tpu.dma_semaphore, #tpu.memory_space<semaphore_mem>>) src(%dma_wait3A_266 : memref<40x128xf32, #tpu.memory_space<hbm>>) dst(%dma_wait3A_260 : memref<40x128xf32, #tpu.memory_space<vmem>>)
        %scan3A_267 = arith.constant 0 : i32
        %scan3A_268 = arith.constant 0 : i32
        %scan3A_269 = arith.constant 40 : i32
        %scan3A_270 = arith.addi %scan3A_268, %scan3A_269 : i32
        %scan3A_271 = arith.constant 1 : i32
        %scan3A_272 = scf.for %scan3A_293 = %scan3A_268 to %scan3A_270 step %scan3A_271 iter_args(%scan3A_294 = %scan3A_267) -> (i32)  : i32 {
          %add3A_295 = arith.constant 40 : i32
          %add3A_296 = arith.addi %add3A_295, %scan3A_293 : i32
          %get3A = arith.index_cast %add3A_296 : i32 to index
          %get3A_297 = arith.constant 0 : index
          %get3A_298 = tpu.vector_load %arg18[%get3A, %get3A_297] {strides = array<i32>} : memref<80x16xf32, #tpu.memory_space<vmem>>, vector<1x16xf32>,
          %get3A_299 = vector.shape_cast %get3A_298 : vector<1x16xf32> to vector<16xf32>
          %add3A_300 = arith.constant 0 : i32
          %add3A_301 = vector.broadcast %add3A_300 : i32 to vector<16xi32>
          %add3A_302 = arith.addi %broadcast_in_dim3A_2, %add3A_301 : vector<16xi32>
          %lt3A_303 = arith.constant 0 : i32
          %lt3A_304 = vector.broadcast %lt3A_303 : i32 to vector<16xi32>
          %lt3A_305 = arith.cmpi slt, %add3A_302, %lt3A_304 : vector<16xi32>
          %add3A_306 = arith.constant 16 : i32
          %add3A_307 = vector.broadcast %add3A_306 : i32 to vector<16xi32>
          %add3A_308 = arith.addi %add3A_302, %add3A_307 : vector<16xi32>
          %select_n3A = arith.select %lt3A_305, %add3A_308, %add3A_302 : vector<16xi1>, vector<16xi32>
          %reshape3A = vector.shape_cast %select_n3A : vector<16xi32> to vector<16x1xi32>
          %gather3A = vector.shape_cast %reshape3A : vector<16x1xi32> to vector<16xi32>
          %gather3A_309 = tpu.dynamic_gather %get3A_299[%gather3A] in [0] : vector<16xf32>, vector<16xi32> -> vector<16xf32>
          %add3A_310 = arith.constant 40 : i32
          %add3A_311 = arith.addi %add3A_310, %scan3A_293 : i32
          %get3A_312 = arith.index_cast %add3A_311 : i32 to index
          %get3A_313 = arith.constant 0 : index
          %get3A_314 = tpu.vector_load %arg17[%get3A_312, %get3A_313] {strides = array<i32>} : memref<80x128xf32, #tpu.memory_space<vmem>>, vector<1x16xf32>,
          %get3A_315 = vector.shape_cast %get3A_314 : vector<1x16xf32> to vector<16xf32>
          %mul3A_316 = arith.mulf %get3A_315, %gather3A_309 : vector<16xf32>
          %add3A_317 = arith.constant 40 : i32
          %add3A_318 = arith.addi %add3A_317, %scan3A_293 : i32
          %swap3A = arith.index_cast %add3A_318 : i32 to index
          %swap3A_319 = arith.constant 0 : index
          %swap3A_320 = tpu.vector_load %arg17[%swap3A, %swap3A_319] {strides = array<i32>} : memref<80x128xf32, #tpu.memory_space<vmem>>, vector<1x16xf32>,
          %swap3A_321 = vector.shape_cast %swap3A_320 : vector<1x16xf32> to vector<16xf32>
          %swap3A_322 = vector.shape_cast %mul3A_316 : vector<16xf32> to vector<1x16xf32>
          tpu.vector_store %arg17[%swap3A, %swap3A_319], %swap3A_322 {strides = array<i32>} : memref<80x128xf32, #tpu.memory_space<vmem>>, vector<1x16xf32>,
          %add3A_323 = arith.constant 1 : i32
          %add3A_324 = vector.broadcast %add3A_323 : i32 to vector<16xi32>
          %add3A_325 = arith.addi %broadcast_in_dim3A_2, %add3A_324 : vector<16xi32>
          %lt3A_326 = arith.constant 0 : i32
          %lt3A_327 = vector.broadcast %lt3A_326 : i32 to vector<16xi32>
          %lt3A_328 = arith.cmpi slt, %add3A_325, %lt3A_327 : vector<16xi32>
          %add3A_329 = arith.constant 16 : i32
          %add3A_330 = vector.broadcast %add3A_329 : i32 to vector<16xi32>
          %add3A_331 = arith.addi %add3A_325, %add3A_330 : vector<16xi32>
          %select_n3A_332 = arith.select %lt3A_328, %add3A_331, %add3A_325 : vector<16xi1>, vector<16xi32>
          %reshape3A_333 = vector.shape_cast %select_n3A_332 : vector<16xi32> to vector<16x1xi32>
          %gather3A_334 = vector.shape_cast %reshape3A_333 : vector<16x1xi32> to vector<16xi32>
          %gather3A_335 = tpu.dynamic_gather %get3A_299[%gather3A_334] in [0] : vector<16xf32>, vector<16xi32> -> vector<16xf32>
          %add3A_336 = arith.constant 40 : i32
          %add3A_337 = arith.addi %add3A_336, %scan3A_293 : i32
          %get3A_338 = arith.index_cast %add3A_337 : i32 to index
          %get3A_339 = arith.constant 16 : index
          %get3A_340 = tpu.vector_load %arg17[%get3A_338, %get3A_339] {strides = array<i32>} : memref<80x128xf32, #tpu.memory_space<vmem>>, vector<1x16xf32>,
          %get3A_341 = vector.shape_cast %get3A_340 : vector<1x16xf32> to vector<16xf32>
          %mul3A_342 = arith.mulf %get3A_341, %gather3A_335 : vector<16xf32>
          %add3A_343 = arith.constant 40 : i32
          %add3A_344 = arith.addi %add3A_343, %scan3A_293 : i32
          %swap3A_345 = arith.index_cast %add3A_344 : i32 to index
          %swap3A_346 = arith.constant 16 : index
          %swap3A_347 = tpu.vector_load %arg17[%swap3A_345, %swap3A_346] {strides = array<i32>} : memref<80x128xf32, #tpu.memory_space<vmem>>, vector<1x16xf32>,
          %swap3A_348 = vector.shape_cast %swap3A_347 : vector<1x16xf32> to vector<16xf32>
          %swap3A_349 = vector.shape_cast %mul3A_342 : vector<16xf32> to vector<1x16xf32>
          tpu.vector_store %arg17[%swap3A_345, %swap3A_346], %swap3A_349 {strides = array<i32>} : memref<80x128xf32, #tpu.memory_space<vmem>>, vector<1x16xf32>,
          %add3A_350 = arith.constant 2 : i32
          %add3A_351 = vector.broadcast %add3A_350 : i32 to vector<16xi32>
          %add3A_352 = arith.addi %broadcast_in_dim3A_2, %add3A_351 : vector<16xi32>
          %lt3A_353 = arith.constant 0 : i32
          %lt3A_354 = vector.broadcast %lt3A_353 : i32 to vector<16xi32>
          %lt3A_355 = arith.cmpi slt, %add3A_352, %lt3A_354 : vector<16xi32>
          %add3A_356 = arith.constant 16 : i32
          %add3A_357 = vector.broadcast %add3A_356 : i32 to vector<16xi32>
          %add3A_358 = arith.addi %add3A_352, %add3A_357 : vector<16xi32>
          %select_n3A_359 = arith.select %lt3A_355, %add3A_358, %add3A_352 : vector<16xi1>, vector<16xi32>
          %reshape3A_360 = vector.shape_cast %select_n3A_359 : vector<16xi32> to vector<16x1xi32>
          %gather3A_361 = vector.shape_cast %reshape3A_360 : vector<16x1xi32> to vector<16xi32>
          %gather3A_362 = tpu.dynamic_gather %get3A_299[%gather3A_361] in [0] : vector<16xf32>, vector<16xi32> -> vector<16xf32>
          %add3A_363 = arith.constant 40 : i32
          %add3A_364 = arith.addi %add3A_363, %scan3A_293 : i32
          %get3A_365 = arith.index_cast %add3A_364 : i32 to index
          %get3A_366 = arith.constant 32 : index
          %get3A_367 = tpu.vector_load %arg17[%get3A_365, %get3A_366] {strides = array<i32>} : memref<80x128xf32, #tpu.memory_space<vmem>>, vector<1x16xf32>,
          %get3A_368 = vector.shape_cast %get3A_367 : vector<1x16xf32> to vector<16xf32>
          %mul3A_369 = arith.mulf %get3A_368, %gather3A_362 : vector<16xf32>
          %add3A_370 = arith.constant 40 : i32
          %add3A_371 = arith.addi %add3A_370, %scan3A_293 : i32
          %swap3A_372 = arith.index_cast %add3A_371 : i32 to index
          %swap3A_373 = arith.constant 32 : index
          %swap3A_374 = tpu.vector_load %arg17[%swap3A_372, %swap3A_373] {strides = array<i32>} : memref<80x128xf32, #tpu.memory_space<vmem>>, vector<1x16xf32>,
          %swap3A_375 = vector.shape_cast %swap3A_374 : vector<1x16xf32> to vector<16xf32>
          %swap3A_376 = vector.shape_cast %mul3A_369 : vector<16xf32> to vector<1x16xf32>
          tpu.vector_store %arg17[%swap3A_372, %swap3A_373], %swap3A_376 {strides = array<i32>} : memref<80x128xf32, #tpu.memory_space<vmem>>, vector<1x16xf32>,
          %add3A_377 = arith.constant 3 : i32
          %add3A_378 = vector.broadcast %add3A_377 : i32 to vector<16xi32>
          %add3A_379 = arith.addi %broadcast_in_dim3A_2, %add3A_378 : vector<16xi32>
          %lt3A_380 = arith.constant 0 : i32
          %lt3A_381 = vector.broadcast %lt3A_380 : i32 to vector<16xi32>
          %lt3A_382 = arith.cmpi slt, %add3A_379, %lt3A_381 : vector<16xi32>
          %add3A_383 = arith.constant 16 : i32
          %add3A_384 = vector.broadcast %add3A_383 : i32 to vector<16xi32>
          %add3A_385 = arith.addi %add3A_379, %add3A_384 : vector<16xi32>
          %select_n3A_386 = arith.select %lt3A_382, %add3A_385, %add3A_379 : vector<16xi1>, vector<16xi32>
          %reshape3A_387 = vector.shape_cast %select_n3A_386 : vector<16xi32> to vector<16x1xi32>
          %gather3A_388 = vector.shape_cast %reshape3A_387 : vector<16x1xi32> to vector<16xi32>
          %gather3A_389 = tpu.dynamic_gather %get3A_299[%gather3A_388] in [0] : vector<16xf32>, vector<16xi32> -> vector<16xf32>
          %add3A_390 = arith.constant 40 : i32
          %add3A_391 = arith.addi %add3A_390, %scan3A_293 : i32
          %get3A_392 = arith.index_cast %add3A_391 : i32 to index
          %get3A_393 = arith.constant 48 : index
          %get3A_394 = tpu.vector_load %arg17[%get3A_392, %get3A_393] {strides = array<i32>} : memref<80x128xf32, #tpu.memory_space<vmem>>, vector<1x16xf32>,
          %get3A_395 = vector.shape_cast %get3A_394 : vector<1x16xf32> to vector<16xf32>
          %mul3A_396 = arith.mulf %get3A_395, %gather3A_389 : vector<16xf32>
          %add3A_397 = arith.constant 40 : i32
          %add3A_398 = arith.addi %add3A_397, %scan3A_293 : i32
          %swap3A_399 = arith.index_cast %add3A_398 : i32 to index
          %swap3A_400 = arith.constant 48 : index
          %swap3A_401 = tpu.vector_load %arg17[%swap3A_399, %swap3A_400] {strides = array<i32>} : memref<80x128xf32, #tpu.memory_space<vmem>>, vector<1x16xf32>,
          %swap3A_402 = vector.shape_cast %swap3A_401 : vector<1x16xf32> to vector<16xf32>
          %swap3A_403 = vector.shape_cast %mul3A_396 : vector<16xf32> to vector<1x16xf32>
          tpu.vector_store %arg17[%swap3A_399, %swap3A_400], %swap3A_403 {strides = array<i32>} : memref<80x128xf32, #tpu.memory_space<vmem>>, vector<1x16xf32>,
          %add3A_404 = arith.constant 4 : i32
          %add3A_405 = vector.broadcast %add3A_404 : i32 to vector<16xi32>
          %add3A_406 = arith.addi %broadcast_in_dim3A_2, %add3A_405 : vector<16xi32>
          %lt3A_407 = arith.constant 0 : i32
          %lt3A_408 = vector.broadcast %lt3A_407 : i32 to vector<16xi32>
          %lt3A_409 = arith.cmpi slt, %add3A_406, %lt3A_408 : vector<16xi32>
          %add3A_410 = arith.constant 16 : i32
          %add3A_411 = vector.broadcast %add3A_410 : i32 to vector<16xi32>
          %add3A_412 = arith.addi %add3A_406, %add3A_411 : vector<16xi32>
          %select_n3A_413 = arith.select %lt3A_409, %add3A_412, %add3A_406 : vector<16xi1>, vector<16xi32>
          %reshape3A_414 = vector.shape_cast %select_n3A_413 : vector<16xi32> to vector<16x1xi32>
          %gather3A_415 = vector.shape_cast %reshape3A_414 : vector<16x1xi32> to vector<16xi32>
          %gather3A_416 = tpu.dynamic_gather %get3A_299[%gather3A_415] in [0] : vector<16xf32>, vector<16xi32> -> vector<16xf32>
          %add3A_417 = arith.constant 40 : i32
          %add3A_418 = arith.addi %add3A_417, %scan3A_293 : i32
          %get3A_419 = arith.index_cast %add3A_418 : i32 to index
          %get3A_420 = arith.constant 64 : index
          %get3A_421 = tpu.vector_load %arg17[%get3A_419, %get3A_420] {strides = array<i32>} : memref<80x128xf32, #tpu.memory_space<vmem>>, vector<1x16xf32>,
          %get3A_422 = vector.shape_cast %get3A_421 : vector<1x16xf32> to vector<16xf32>
          %mul3A_423 = arith.mulf %get3A_422, %gather3A_416 : vector<16xf32>
          %add3A_424 = arith.constant 40 : i32
          %add3A_425 = arith.addi %add3A_424, %scan3A_293 : i32
          %swap3A_426 = arith.index_cast %add3A_425 : i32 to index
          %swap3A_427 = arith.constant 64 : index
          %swap3A_428 = tpu.vector_load %arg17[%swap3A_426, %swap3A_427] {strides = array<i32>} : memref<80x128xf32, #tpu.memory_space<vmem>>, vector<1x16xf32>,
          %swap3A_429 = vector.shape_cast %swap3A_428 : vector<1x16xf32> to vector<16xf32>
          %swap3A_430 = vector.shape_cast %mul3A_423 : vector<16xf32> to vector<1x16xf32>
          tpu.vector_store %arg17[%swap3A_426, %swap3A_427], %swap3A_430 {strides = array<i32>} : memref<80x128xf32, #tpu.memory_space<vmem>>, vector<1x16xf32>,
          %add3A_431 = arith.constant 5 : i32
          %add3A_432 = vector.broadcast %add3A_431 : i32 to vector<16xi32>
          %add3A_433 = arith.addi %broadcast_in_dim3A_2, %add3A_432 : vector<16xi32>
          %lt3A_434 = arith.constant 0 : i32
          %lt3A_435 = vector.broadcast %lt3A_434 : i32 to vector<16xi32>
          %lt3A_436 = arith.cmpi slt, %add3A_433, %lt3A_435 : vector<16xi32>
          %add3A_437 = arith.constant 16 : i32
          %add3A_438 = vector.broadcast %add3A_437 : i32 to vector<16xi32>
          %add3A_439 = arith.addi %add3A_433, %add3A_438 : vector<16xi32>
          %select_n3A_440 = arith.select %lt3A_436, %add3A_439, %add3A_433 : vector<16xi1>, vector<16xi32>
          %reshape3A_441 = vector.shape_cast %select_n3A_440 : vector<16xi32> to vector<16x1xi32>
          %gather3A_442 = vector.shape_cast %reshape3A_441 : vector<16x1xi32> to vector<16xi32>
          %gather3A_443 = tpu.dynamic_gather %get3A_299[%gather3A_442] in [0] : vector<16xf32>, vector<16xi32> -> vector<16xf32>
          %add3A_444 = arith.constant 40 : i32
          %add3A_445 = arith.addi %add3A_444, %scan3A_293 : i32
          %get3A_446 = arith.index_cast %add3A_445 : i32 to index
          %get3A_447 = arith.constant 80 : index
          %get3A_448 = tpu.vector_load %arg17[%get3A_446, %get3A_447] {strides = array<i32>} : memref<80x128xf32, #tpu.memory_space<vmem>>, vector<1x16xf32>,
          %get3A_449 = vector.shape_cast %get3A_448 : vector<1x16xf32> to vector<16xf32>
          %mul3A_450 = arith.mulf %get3A_449, %gather3A_443 : vector<16xf32>
          %add3A_451 = arith.constant 40 : i32
          %add3A_452 = arith.addi %add3A_451, %scan3A_293 : i32
          %swap3A_453 = arith.index_cast %add3A_452 : i32 to index
          %swap3A_454 = arith.constant 80 : index
          %swap3A_455 = tpu.vector_load %arg17[%swap3A_453, %swap3A_454] {strides = array<i32>} : memref<80x128xf32, #tpu.memory_space<vmem>>, vector<1x16xf32>,
          %swap3A_456 = vector.shape_cast %swap3A_455 : vector<1x16xf32> to vector<16xf32>
          %swap3A_457 = vector.shape_cast %mul3A_450 : vector<16xf32> to vector<1x16xf32>
          tpu.vector_store %arg17[%swap3A_453, %swap3A_454], %swap3A_457 {strides = array<i32>} : memref<80x128xf32, #tpu.memory_space<vmem>>, vector<1x16xf32>,
          %add3A_458 = arith.constant 6 : i32
          %add3A_459 = vector.broadcast %add3A_458 : i32 to vector<16xi32>
          %add3A_460 = arith.addi %broadcast_in_dim3A_2, %add3A_459 : vector<16xi32>
          %lt3A_461 = arith.constant 0 : i32
          %lt3A_462 = vector.broadcast %lt3A_461 : i32 to vector<16xi32>
          %lt3A_463 = arith.cmpi slt, %add3A_460, %lt3A_462 : vector<16xi32>
          %add3A_464 = arith.constant 16 : i32
          %add3A_465 = vector.broadcast %add3A_464 : i32 to vector<16xi32>
          %add3A_466 = arith.addi %add3A_460, %add3A_465 : vector<16xi32>
          %select_n3A_467 = arith.select %lt3A_463, %add3A_466, %add3A_460 : vector<16xi1>, vector<16xi32>
          %reshape3A_468 = vector.shape_cast %select_n3A_467 : vector<16xi32> to vector<16x1xi32>
          %gather3A_469 = vector.shape_cast %reshape3A_468 : vector<16x1xi32> to vector<16xi32>
          %gather3A_470 = tpu.dynamic_gather %get3A_299[%gather3A_469] in [0] : vector<16xf32>, vector<16xi32> -> vector<16xf32>
          %add3A_471 = arith.constant 40 : i32
          %add3A_472 = arith.addi %add3A_471, %scan3A_293 : i32
          %get3A_473 = arith.index_cast %add3A_472 : i32 to index
          %get3A_474 = arith.constant 96 : index
          %get3A_475 = tpu.vector_load %arg17[%get3A_473, %get3A_474] {strides = array<i32>} : memref<80x128xf32, #tpu.memory_space<vmem>>, vector<1x16xf32>,
          %get3A_476 = vector.shape_cast %get3A_475 : vector<1x16xf32> to vector<16xf32>
          %mul3A_477 = arith.mulf %get3A_476, %gather3A_470 : vector<16xf32>
          %add3A_478 = arith.constant 40 : i32
          %add3A_479 = arith.addi %add3A_478, %scan3A_293 : i32
          %swap3A_480 = arith.index_cast %add3A_479 : i32 to index
          %swap3A_481 = arith.constant 96 : index
          %swap3A_482 = tpu.vector_load %arg17[%swap3A_480, %swap3A_481] {strides = array<i32>} : memref<80x128xf32, #tpu.memory_space<vmem>>, vector<1x16xf32>,
          %swap3A_483 = vector.shape_cast %swap3A_482 : vector<1x16xf32> to vector<16xf32>
          %swap3A_484 = vector.shape_cast %mul3A_477 : vector<16xf32> to vector<1x16xf32>
          tpu.vector_store %arg17[%swap3A_480, %swap3A_481], %swap3A_484 {strides = array<i32>} : memref<80x128xf32, #tpu.memory_space<vmem>>, vector<1x16xf32>,
          %add3A_485 = arith.constant 7 : i32
          %add3A_486 = vector.broadcast %add3A_485 : i32 to vector<16xi32>
          %add3A_487 = arith.addi %broadcast_in_dim3A_2, %add3A_486 : vector<16xi32>
          %lt3A_488 = arith.constant 0 : i32
          %lt3A_489 = vector.broadcast %lt3A_488 : i32 to vector<16xi32>
          %lt3A_490 = arith.cmpi slt, %add3A_487, %lt3A_489 : vector<16xi32>
          %add3A_491 = arith.constant 16 : i32
          %add3A_492 = vector.broadcast %add3A_491 : i32 to vector<16xi32>
          %add3A_493 = arith.addi %add3A_487, %add3A_492 : vector<16xi32>
          %select_n3A_494 = arith.select %lt3A_490, %add3A_493, %add3A_487 : vector<16xi1>, vector<16xi32>
          %reshape3A_495 = vector.shape_cast %select_n3A_494 : vector<16xi32> to vector<16x1xi32>
          %gather3A_496 = vector.shape_cast %reshape3A_495 : vector<16x1xi32> to vector<16xi32>
          %gather3A_497 = tpu.dynamic_gather %get3A_299[%gather3A_496] in [0] : vector<16xf32>, vector<16xi32> -> vector<16xf32>
          %add3A_498 = arith.constant 40 : i32
          %add3A_499 = arith.addi %add3A_498, %scan3A_293 : i32
          %get3A_500 = arith.index_cast %add3A_499 : i32 to index
          %get3A_501 = arith.constant 112 : index
          %get3A_502 = tpu.vector_load %arg17[%get3A_500, %get3A_501] {strides = array<i32>} : memref<80x128xf32, #tpu.memory_space<vmem>>, vector<1x16xf32>,
          %get3A_503 = vector.shape_cast %get3A_502 : vector<1x16xf32> to vector<16xf32>
          %mul3A_504 = arith.mulf %get3A_503, %gather3A_497 : vector<16xf32>
          %add3A_505 = arith.constant 40 : i32
          %add3A_506 = arith.addi %add3A_505, %scan3A_293 : i32
          %swap3A_507 = arith.index_cast %add3A_506 : i32 to index
          %swap3A_508 = arith.constant 112 : index
          %swap3A_509 = tpu.vector_load %arg17[%swap3A_507, %swap3A_508] {strides = array<i32>} : memref<80x128xf32, #tpu.memory_space<vmem>>, vector<1x16xf32>,
          %swap3A_510 = vector.shape_cast %swap3A_509 : vector<1x16xf32> to vector<16xf32>
          %swap3A_511 = vector.shape_cast %mul3A_504 : vector<16xf32> to vector<1x16xf32>
          tpu.vector_store %arg17[%swap3A_507, %swap3A_508], %swap3A_511 {strides = array<i32>} : memref<80x128xf32, #tpu.memory_space<vmem>>, vector<1x16xf32>,
          %scan3A_512 = arith.constant 0 : i32
          scf.yield %scan3A_512 : i32
        }
        %scan3A_273 = arith.constant 40 : i32
        %dma_start3A_274 = arith.constant 40 : i32
        %dma_start3A_275 = arith.constant 0 : i32
        %dma_start3A_276 = tpu.memref_slice %arg17[%dma_start3A_274, %dma_start3A_275] : memref<80x128xf32, #tpu.memory_space<vmem>> -> memref<40x128xf32, #tpu.memory_space<vmem>>
        %dma_start3A_277 = arith.constant 0 : i32
        %dma_start3A_278 = arith.constant 0 : i32
        %dma_start3A_279 = tpu.memref_slice %arg9[%dma_start3A_277, %dma_start3A_278] : memref<10000x128xf32, #tpu.memory_space<vmem_shared>> -> memref<10000x128xf32, #tpu.memory_space<vmem_shared>>
        tpu.enqueue_indirect_dma source(%dma_start3A_276 : memref<40x128xf32, #tpu.memory_space<vmem>>) target(%dma_start3A_279 : memref<10000x128xf32, #tpu.memory_space<vmem_shared>>) offsets(%arg12 : memref<40xi32, #tpu.memory_space<vmem>>) semaphore(%arg20 : memref<!tpu.dma_semaphore, #tpu.memory_space<semaphore_mem>>) {add = true}
        %dma_wait3A_280 = arith.constant 0 : i32
        %dma_wait3A_281 = arith.constant 0 : i32
        %dma_wait3A_282 = tpu.memref_slice %arg17[%dma_wait3A_280, %dma_wait3A_281] : memref<80x128xf32, #tpu.memory_space<vmem>> -> memref<40x128xf32, #tpu.memory_space<vmem>>
        %dma_wait3A_283 = arith.constant 0 : i32
        %dma_wait3A_284 = arith.constant 0 : i32
        %dma_wait3A_285 = tpu.memref_slice %arg9[%dma_wait3A_283, %dma_wait3A_284] : memref<10000x128xf32, #tpu.memory_space<vmem_shared>> -> memref<10000x128xf32, #tpu.memory_space<vmem_shared>>
        tpu.wait_indirect_dma semaphore(%arg19 : memref<!tpu.dma_semaphore, #tpu.memory_space<semaphore_mem>>) src(%dma_wait3A_282 : memref<40x128xf32, #tpu.memory_space<vmem>>) dst(%dma_wait3A_285 : memref<10000x128xf32, #tpu.memory_space<vmem_shared>>)
        %dma_wait3A_286 = arith.constant 40 : i32
        %dma_wait3A_287 = arith.constant 0 : i32
        %dma_wait3A_288 = tpu.memref_slice %arg17[%dma_wait3A_286, %dma_wait3A_287] : memref<80x128xf32, #tpu.memory_space<vmem>> -> memref<40x128xf32, #tpu.memory_space<vmem>>
        %dma_wait3A_289 = arith.constant 0 : i32
        %dma_wait3A_290 = arith.constant 0 : i32
        %dma_wait3A_291 = tpu.memref_slice %arg9[%dma_wait3A_289, %dma_wait3A_290] : memref<10000x128xf32, #tpu.memory_space<vmem_shared>> -> memref<10000x128xf32, #tpu.memory_space<vmem_shared>>
        tpu.wait_indirect_dma semaphore(%arg20 : memref<!tpu.dma_semaphore, #tpu.memory_space<semaphore_mem>>) src(%dma_wait3A_288 : memref<40x128xf32, #tpu.memory_space<vmem>>) dst(%dma_wait3A_291 : memref<10000x128xf32, #tpu.memory_space<vmem_shared>>)
        %scan3A_292 = arith.constant 0 : i32
        scf.yield %scan3A_292 : i32
      }
      %scan3A_94 = arith.constant 125 : i32
    } else {
    }
    %barrier3A_56 = arith.constant 0 : index
    tpu.barrier barrier_id(%barrier3A_56)
    %convert_element_type3A_57 = arith.extui %lt3A_39 : i1 to i32
    %cond3A_58 = arith.constant 0 : i32
    %cond3A_59 = arith.cmpi ne, %convert_element_type3A_57, %cond3A_58 : i32
    scf.if %cond3A_59 {
      %scan3A_88 = arith.constant 0 : i32
      %scan3A_89 = arith.constant 0 : i32
      %scan3A_90 = arith.constant 16 : i32
      %scan3A_91 = arith.addi %scan3A_89, %scan3A_90 : i32
      %scan3A_92 = arith.constant 1 : i32
      %scan3A_93 = scf.for %scan3A_95 = %scan3A_89 to %scan3A_91 step %scan3A_92 iter_args(%scan3A_96 = %scan3A_88) -> (i32)  : i32 {
        %mul3A_97 = arith.constant 16 : i32
        %mul3A_98 = arith.muli %scan3A_95, %mul3A_97 : i32
        %add3A_99 = arith.addi %mul3A_98, %arg1 : i32
        %lt3A_100 = arith.constant 250 : i32
        %lt3A_101 = arith.cmpi slt, %add3A_99, %lt3A_100 : i32
        %convert_element_type3A_102 = arith.extui %lt3A_101 : i1 to i32
        %cond3A_103 = arith.constant 0 : i32
        %cond3A_104 = arith.cmpi ne, %convert_element_type3A_102, %cond3A_103 : i32
        scf.if %cond3A_104 {
          %mul3A_106 = arith.constant 40 : i32
          %mul3A_107 = arith.muli %add3A_99, %mul3A_106 : i32
          "tpu.region"() ({
            %run_scoped3A = tpu.sem_alloc : memref<!tpu.dma_semaphore, #tpu.memory_space<semaphore_mem>>
            %dma_start3A = arith.constant 0 : i32
            %dma_start3A_115 = tpu.memref_slice %arg9[%mul3A_107, %dma_start3A] : memref<10000x128xf32, #tpu.memory_space<vmem_shared>> -> memref<40x128xf32, #tpu.memory_space<vmem_shared>>
            %dma_start3A_116 = arith.constant 0 : i32
            %dma_start3A_117 = tpu.memref_slice %arg9[%mul3A_107, %dma_start3A_116] : memref<10000x128xf32, #tpu.memory_space<vmem_shared>> -> memref<40x128xf32, #tpu.memory_space<vmem_shared>>
            tpu.enqueue_dma source(%dma_start3A_117 : memref<40x128xf32, #tpu.memory_space<vmem_shared>>) target(%arg15 : memref<40x128xf32, #tpu.memory_space<vmem>>) target_semaphore(%run_scoped3A : memref<!tpu.dma_semaphore, #tpu.memory_space<semaphore_mem>>)
            %dma_wait3A = arith.constant 0 : i32
            %dma_wait3A_118 = tpu.memref_slice %arg9[%mul3A_107, %dma_wait3A] : memref<10000x128xf32, #tpu.memory_space<vmem_shared>> -> memref<40x128xf32, #tpu.memory_space<vmem_shared>>
            %dma_wait3A_119 = arith.constant 0 : i32
            %dma_wait3A_120 = tpu.memref_slice %arg9[%mul3A_107, %dma_wait3A_119] : memref<10000x128xf32, #tpu.memory_space<vmem_shared>> -> memref<40x128xf32, #tpu.memory_space<vmem_shared>>
            tpu.wait_dma2 semaphore(%run_scoped3A : memref<!tpu.dma_semaphore, #tpu.memory_space<semaphore_mem>>) src(%dma_wait3A_120 : memref<40x128xf32, #tpu.memory_space<vmem_shared>>) dst(%arg15 : memref<40x128xf32, #tpu.memory_space<vmem>>)
            tpu.yield
          }) : () -> ()
          "tpu.region"() ({
            %run_scoped3A = tpu.sem_alloc : memref<!tpu.dma_semaphore, #tpu.memory_space<semaphore_mem>>
            %dma_start3A = arith.constant 0 : i32
            %dma_start3A_115 = arith.constant 0 : i32
            %dma_start3A_116 = tpu.memref_slice %arg8[%arg0, %dma_start3A, %dma_start3A_115] : memref<2x10000x128xf32, #tpu.memory_space<hbm>> -> memref<1x10000x128xf32, #tpu.memory_space<hbm>>
            %dma_start3A_117 = tpu.memref_squeeze %dma_start3A_116 : memref<1x10000x128xf32, #tpu.memory_space<hbm>> -> memref<10000x128xf32, #tpu.memory_space<hbm>>
            %dma_start3A_118 = arith.constant 0 : i32
            %dma_start3A_119 = tpu.memref_slice %dma_start3A_117[%mul3A_107, %dma_start3A_118] : memref<10000x128xf32, #tpu.memory_space<hbm>> -> memref<40x128xf32, #tpu.memory_space<hbm>>
            %dma_start3A_120 = arith.constant 0 : i32
            %dma_start3A_121 = arith.constant 0 : i32
            %dma_start3A_122 = tpu.memref_slice %arg8[%arg0, %dma_start3A_120, %dma_start3A_121] : memref<2x10000x128xf32, #tpu.memory_space<hbm>> -> memref<1x10000x128xf32, #tpu.memory_space<hbm>>
            %dma_start3A_123 = tpu.memref_squeeze %dma_start3A_122 : memref<1x10000x128xf32, #tpu.memory_space<hbm>> -> memref<10000x128xf32, #tpu.memory_space<hbm>>
            %dma_start3A_124 = arith.constant 0 : i32
            %dma_start3A_125 = tpu.memref_slice %dma_start3A_123[%mul3A_107, %dma_start3A_124] : memref<10000x128xf32, #tpu.memory_space<hbm>> -> memref<40x128xf32, #tpu.memory_space<hbm>>
            tpu.enqueue_dma source(%dma_start3A_125 : memref<40x128xf32, #tpu.memory_space<hbm>>) target(%arg16 : memref<40x128xf32, #tpu.memory_space<vmem>>) target_semaphore(%run_scoped3A : memref<!tpu.dma_semaphore, #tpu.memory_space<semaphore_mem>>)
            %dma_wait3A = arith.constant 0 : i32
            %dma_wait3A_126 = arith.constant 0 : i32
            %dma_wait3A_127 = tpu.memref_slice %arg8[%arg0, %dma_wait3A, %dma_wait3A_126] : memref<2x10000x128xf32, #tpu.memory_space<hbm>> -> memref<1x10000x128xf32, #tpu.memory_space<hbm>>
            %dma_wait3A_128 = tpu.memref_squeeze %dma_wait3A_127 : memref<1x10000x128xf32, #tpu.memory_space<hbm>> -> memref<10000x128xf32, #tpu.memory_space<hbm>>
            %dma_wait3A_129 = arith.constant 0 : i32
            %dma_wait3A_130 = tpu.memref_slice %dma_wait3A_128[%mul3A_107, %dma_wait3A_129] : memref<10000x128xf32, #tpu.memory_space<hbm>> -> memref<40x128xf32, #tpu.memory_space<hbm>>
            %dma_wait3A_131 = arith.constant 0 : i32
            %dma_wait3A_132 = arith.constant 0 : i32
            %dma_wait3A_133 = tpu.memref_slice %arg8[%arg0, %dma_wait3A_131, %dma_wait3A_132] : memref<2x10000x128xf32, #tpu.memory_space<hbm>> -> memref<1x10000x128xf32, #tpu.memory_space<hbm>>
            %dma_wait3A_134 = tpu.memref_squeeze %dma_wait3A_133 : memref<1x10000x128xf32, #tpu.memory_space<hbm>> -> memref<10000x128xf32, #tpu.memory_space<hbm>>
            %dma_wait3A_135 = arith.constant 0 : i32
            %dma_wait3A_136 = tpu.memref_slice %dma_wait3A_134[%mul3A_107, %dma_wait3A_135] : memref<10000x128xf32, #tpu.memory_space<hbm>> -> memref<40x128xf32, #tpu.memory_space<hbm>>
            tpu.wait_dma2 semaphore(%run_scoped3A : memref<!tpu.dma_semaphore, #tpu.memory_space<semaphore_mem>>) src(%dma_wait3A_136 : memref<40x128xf32, #tpu.memory_space<hbm>>) dst(%arg16 : memref<40x128xf32, #tpu.memory_space<vmem>>)
            tpu.yield
          }) : () -> ()
          %scan3A_108 = arith.constant 0 : i32
          %scan3A_109 = arith.constant 0 : i32
          %scan3A_110 = arith.constant 40 : i32
          %scan3A_111 = arith.addi %scan3A_109, %scan3A_110 : i32
          %scan3A_112 = arith.constant 1 : i32
          %scan3A_113 = scf.for %scan3A_115 = %scan3A_109 to %scan3A_111 step %scan3A_112 iter_args(%scan3A_116 = %scan3A_108) -> (i32)  : i32 {
            %get3A = arith.index_cast %scan3A_115 : i32 to index
            %get3A_117 = arith.constant 0 : index
            %get3A_118 = tpu.vector_load %arg16[%get3A, %get3A_117] {strides = array<i32>} : memref<40x128xf32, #tpu.memory_space<vmem>>, vector<1x16xf32>,
            %get3A_119 = vector.shape_cast %get3A_118 : vector<1x16xf32> to vector<16xf32>
            %add3A_120 = arith.constant 0 : i32
            %add3A_121 = vector.broadcast %add3A_120 : i32 to vector<16xi32>
            %add3A_122 = arith.addi %broadcast_in_dim3A_2, %add3A_121 : vector<16xi32>
            %lt3A_123 = arith.constant 0 : i32
            %lt3A_124 = vector.broadcast %lt3A_123 : i32 to vector<16xi32>
            %lt3A_125 = arith.cmpi slt, %add3A_122, %lt3A_124 : vector<16xi32>
            %add3A_126 = arith.constant 16 : i32
            %add3A_127 = vector.broadcast %add3A_126 : i32 to vector<16xi32>
            %add3A_128 = arith.addi %add3A_122, %add3A_127 : vector<16xi32>
            %select_n3A = arith.select %lt3A_125, %add3A_128, %add3A_122 : vector<16xi1>, vector<16xi32>
            %reshape3A = vector.shape_cast %select_n3A : vector<16xi32> to vector<16x1xi32>
            %gather3A = vector.shape_cast %reshape3A : vector<16x1xi32> to vector<16xi32>
            %gather3A_129 = tpu.dynamic_gather %get3A_119[%gather3A] in [0] : vector<16xf32>, vector<16xi32> -> vector<16xf32>
            %gt3A = arith.constant 0.000000e+00 : f32
            %gt3A_130 = vector.broadcast %gt3A : f32 to vector<16xf32>
            %gt3A_131 = arith.cmpf ogt, %gather3A_129, %gt3A_130 : vector<16xf32>
            %jit3A = arith.constant 1.000000e+00 : f32
            %broadcast_in_dim3A_132 = vector.broadcast %jit3A : f32 to vector<16xf32>
            %select_n3A_133 = arith.select %gt3A_131, %gather3A_129, %broadcast_in_dim3A_132 : vector<16xi1>, vector<16xf32>
            %get3A_134 = arith.index_cast %scan3A_115 : i32 to index
            %get3A_135 = arith.constant 0 : index
            %get3A_136 = tpu.vector_load %arg15[%get3A_134, %get3A_135] {strides = array<i32>} : memref<40x128xf32, #tpu.memory_space<vmem>>, vector<1x16xf32>,
            %get3A_137 = vector.shape_cast %get3A_136 : vector<1x16xf32> to vector<16xf32>
            %div3A = arith.divf %get3A_137, %select_n3A_133 : vector<16xf32>
            %swap3A = arith.index_cast %scan3A_115 : i32 to index
            %swap3A_138 = arith.constant 0 : index
            %swap3A_139 = tpu.vector_load %arg15[%swap3A, %swap3A_138] {strides = array<i32>} : memref<40x128xf32, #tpu.memory_space<vmem>>, vector<1x16xf32>,
            %swap3A_140 = vector.shape_cast %swap3A_139 : vector<1x16xf32> to vector<16xf32>
            %swap3A_141 = vector.shape_cast %div3A : vector<16xf32> to vector<1x16xf32>
            tpu.vector_store %arg15[%swap3A, %swap3A_138], %swap3A_141 {strides = array<i32>} : memref<40x128xf32, #tpu.memory_space<vmem>>, vector<1x16xf32>,
            %add3A_142 = arith.constant 1 : i32
            %add3A_143 = vector.broadcast %add3A_142 : i32 to vector<16xi32>
            %add3A_144 = arith.addi %broadcast_in_dim3A_2, %add3A_143 : vector<16xi32>
            %lt3A_145 = arith.constant 0 : i32
            %lt3A_146 = vector.broadcast %lt3A_145 : i32 to vector<16xi32>
            %lt3A_147 = arith.cmpi slt, %add3A_144, %lt3A_146 : vector<16xi32>
            %add3A_148 = arith.constant 16 : i32
            %add3A_149 = vector.broadcast %add3A_148 : i32 to vector<16xi32>
            %add3A_150 = arith.addi %add3A_144, %add3A_149 : vector<16xi32>
            %select_n3A_151 = arith.select %lt3A_147, %add3A_150, %add3A_144 : vector<16xi1>, vector<16xi32>
            %reshape3A_152 = vector.shape_cast %select_n3A_151 : vector<16xi32> to vector<16x1xi32>
            %gather3A_153 = vector.shape_cast %reshape3A_152 : vector<16x1xi32> to vector<16xi32>
            %gather3A_154 = tpu.dynamic_gather %get3A_119[%gather3A_153] in [0] : vector<16xf32>, vector<16xi32> -> vector<16xf32>
            %gt3A_155 = arith.constant 0.000000e+00 : f32
            %gt3A_156 = vector.broadcast %gt3A_155 : f32 to vector<16xf32>
            %gt3A_157 = arith.cmpf ogt, %gather3A_154, %gt3A_156 : vector<16xf32>
            %jit3A_158 = arith.constant 1.000000e+00 : f32
            %broadcast_in_dim3A_159 = vector.broadcast %jit3A_158 : f32 to vector<16xf32>
            %select_n3A_160 = arith.select %gt3A_157, %gather3A_154, %broadcast_in_dim3A_159 : vector<16xi1>, vector<16xf32>
            %get3A_161 = arith.index_cast %scan3A_115 : i32 to index
            %get3A_162 = arith.constant 16 : index
            %get3A_163 = tpu.vector_load %arg15[%get3A_161, %get3A_162] {strides = array<i32>} : memref<40x128xf32, #tpu.memory_space<vmem>>, vector<1x16xf32>,
            %get3A_164 = vector.shape_cast %get3A_163 : vector<1x16xf32> to vector<16xf32>
            %div3A_165 = arith.divf %get3A_164, %select_n3A_160 : vector<16xf32>
            %swap3A_166 = arith.index_cast %scan3A_115 : i32 to index
            %swap3A_167 = arith.constant 16 : index
            %swap3A_168 = tpu.vector_load %arg15[%swap3A_166, %swap3A_167] {strides = array<i32>} : memref<40x128xf32, #tpu.memory_space<vmem>>, vector<1x16xf32>,
            %swap3A_169 = vector.shape_cast %swap3A_168 : vector<1x16xf32> to vector<16xf32>
            %swap3A_170 = vector.shape_cast %div3A_165 : vector<16xf32> to vector<1x16xf32>
            tpu.vector_store %arg15[%swap3A_166, %swap3A_167], %swap3A_170 {strides = array<i32>} : memref<40x128xf32, #tpu.memory_space<vmem>>, vector<1x16xf32>,
            %add3A_171 = arith.constant 2 : i32
            %add3A_172 = vector.broadcast %add3A_171 : i32 to vector<16xi32>
            %add3A_173 = arith.addi %broadcast_in_dim3A_2, %add3A_172 : vector<16xi32>
            %lt3A_174 = arith.constant 0 : i32
            %lt3A_175 = vector.broadcast %lt3A_174 : i32 to vector<16xi32>
            %lt3A_176 = arith.cmpi slt, %add3A_173, %lt3A_175 : vector<16xi32>
            %add3A_177 = arith.constant 16 : i32
            %add3A_178 = vector.broadcast %add3A_177 : i32 to vector<16xi32>
            %add3A_179 = arith.addi %add3A_173, %add3A_178 : vector<16xi32>
            %select_n3A_180 = arith.select %lt3A_176, %add3A_179, %add3A_173 : vector<16xi1>, vector<16xi32>
            %reshape3A_181 = vector.shape_cast %select_n3A_180 : vector<16xi32> to vector<16x1xi32>
            %gather3A_182 = vector.shape_cast %reshape3A_181 : vector<16x1xi32> to vector<16xi32>
            %gather3A_183 = tpu.dynamic_gather %get3A_119[%gather3A_182] in [0] : vector<16xf32>, vector<16xi32> -> vector<16xf32>
            %gt3A_184 = arith.constant 0.000000e+00 : f32
            %gt3A_185 = vector.broadcast %gt3A_184 : f32 to vector<16xf32>
            %gt3A_186 = arith.cmpf ogt, %gather3A_183, %gt3A_185 : vector<16xf32>
            %jit3A_187 = arith.constant 1.000000e+00 : f32
            %broadcast_in_dim3A_188 = vector.broadcast %jit3A_187 : f32 to vector<16xf32>
            %select_n3A_189 = arith.select %gt3A_186, %gather3A_183, %broadcast_in_dim3A_188 : vector<16xi1>, vector<16xf32>
            %get3A_190 = arith.index_cast %scan3A_115 : i32 to index
            %get3A_191 = arith.constant 32 : index
            %get3A_192 = tpu.vector_load %arg15[%get3A_190, %get3A_191] {strides = array<i32>} : memref<40x128xf32, #tpu.memory_space<vmem>>, vector<1x16xf32>,
            %get3A_193 = vector.shape_cast %get3A_192 : vector<1x16xf32> to vector<16xf32>
            %div3A_194 = arith.divf %get3A_193, %select_n3A_189 : vector<16xf32>
            %swap3A_195 = arith.index_cast %scan3A_115 : i32 to index
            %swap3A_196 = arith.constant 32 : index
            %swap3A_197 = tpu.vector_load %arg15[%swap3A_195, %swap3A_196] {strides = array<i32>} : memref<40x128xf32, #tpu.memory_space<vmem>>, vector<1x16xf32>,
            %swap3A_198 = vector.shape_cast %swap3A_197 : vector<1x16xf32> to vector<16xf32>
            %swap3A_199 = vector.shape_cast %div3A_194 : vector<16xf32> to vector<1x16xf32>
            tpu.vector_store %arg15[%swap3A_195, %swap3A_196], %swap3A_199 {strides = array<i32>} : memref<40x128xf32, #tpu.memory_space<vmem>>, vector<1x16xf32>,
            %add3A_200 = arith.constant 3 : i32
            %add3A_201 = vector.broadcast %add3A_200 : i32 to vector<16xi32>
            %add3A_202 = arith.addi %broadcast_in_dim3A_2, %add3A_201 : vector<16xi32>
            %lt3A_203 = arith.constant 0 : i32
            %lt3A_204 = vector.broadcast %lt3A_203 : i32 to vector<16xi32>
            %lt3A_205 = arith.cmpi slt, %add3A_202, %lt3A_204 : vector<16xi32>
            %add3A_206 = arith.constant 16 : i32
            %add3A_207 = vector.broadcast %add3A_206 : i32 to vector<16xi32>
            %add3A_208 = arith.addi %add3A_202, %add3A_207 : vector<16xi32>
            %select_n3A_209 = arith.select %lt3A_205, %add3A_208, %add3A_202 : vector<16xi1>, vector<16xi32>
            %reshape3A_210 = vector.shape_cast %select_n3A_209 : vector<16xi32> to vector<16x1xi32>
            %gather3A_211 = vector.shape_cast %reshape3A_210 : vector<16x1xi32> to vector<16xi32>
            %gather3A_212 = tpu.dynamic_gather %get3A_119[%gather3A_211] in [0] : vector<16xf32>, vector<16xi32> -> vector<16xf32>
            %gt3A_213 = arith.constant 0.000000e+00 : f32
            %gt3A_214 = vector.broadcast %gt3A_213 : f32 to vector<16xf32>
            %gt3A_215 = arith.cmpf ogt, %gather3A_212, %gt3A_214 : vector<16xf32>
            %jit3A_216 = arith.constant 1.000000e+00 : f32
            %broadcast_in_dim3A_217 = vector.broadcast %jit3A_216 : f32 to vector<16xf32>
            %select_n3A_218 = arith.select %gt3A_215, %gather3A_212, %broadcast_in_dim3A_217 : vector<16xi1>, vector<16xf32>
            %get3A_219 = arith.index_cast %scan3A_115 : i32 to index
            %get3A_220 = arith.constant 48 : index
            %get3A_221 = tpu.vector_load %arg15[%get3A_219, %get3A_220] {strides = array<i32>} : memref<40x128xf32, #tpu.memory_space<vmem>>, vector<1x16xf32>,
            %get3A_222 = vector.shape_cast %get3A_221 : vector<1x16xf32> to vector<16xf32>
            %div3A_223 = arith.divf %get3A_222, %select_n3A_218 : vector<16xf32>
            %swap3A_224 = arith.index_cast %scan3A_115 : i32 to index
            %swap3A_225 = arith.constant 48 : index
            %swap3A_226 = tpu.vector_load %arg15[%swap3A_224, %swap3A_225] {strides = array<i32>} : memref<40x128xf32, #tpu.memory_space<vmem>>, vector<1x16xf32>,
            %swap3A_227 = vector.shape_cast %swap3A_226 : vector<1x16xf32> to vector<16xf32>
            %swap3A_228 = vector.shape_cast %div3A_223 : vector<16xf32> to vector<1x16xf32>
            tpu.vector_store %arg15[%swap3A_224, %swap3A_225], %swap3A_228 {strides = array<i32>} : memref<40x128xf32, #tpu.memory_space<vmem>>, vector<1x16xf32>,
            %add3A_229 = arith.constant 4 : i32
            %add3A_230 = vector.broadcast %add3A_229 : i32 to vector<16xi32>
            %add3A_231 = arith.addi %broadcast_in_dim3A_2, %add3A_230 : vector<16xi32>
            %lt3A_232 = arith.constant 0 : i32
            %lt3A_233 = vector.broadcast %lt3A_232 : i32 to vector<16xi32>
            %lt3A_234 = arith.cmpi slt, %add3A_231, %lt3A_233 : vector<16xi32>
            %add3A_235 = arith.constant 16 : i32
            %add3A_236 = vector.broadcast %add3A_235 : i32 to vector<16xi32>
            %add3A_237 = arith.addi %add3A_231, %add3A_236 : vector<16xi32>
            %select_n3A_238 = arith.select %lt3A_234, %add3A_237, %add3A_231 : vector<16xi1>, vector<16xi32>
            %reshape3A_239 = vector.shape_cast %select_n3A_238 : vector<16xi32> to vector<16x1xi32>
            %gather3A_240 = vector.shape_cast %reshape3A_239 : vector<16x1xi32> to vector<16xi32>
            %gather3A_241 = tpu.dynamic_gather %get3A_119[%gather3A_240] in [0] : vector<16xf32>, vector<16xi32> -> vector<16xf32>
            %gt3A_242 = arith.constant 0.000000e+00 : f32
            %gt3A_243 = vector.broadcast %gt3A_242 : f32 to vector<16xf32>
            %gt3A_244 = arith.cmpf ogt, %gather3A_241, %gt3A_243 : vector<16xf32>
            %jit3A_245 = arith.constant 1.000000e+00 : f32
            %broadcast_in_dim3A_246 = vector.broadcast %jit3A_245 : f32 to vector<16xf32>
            %select_n3A_247 = arith.select %gt3A_244, %gather3A_241, %broadcast_in_dim3A_246 : vector<16xi1>, vector<16xf32>
            %get3A_248 = arith.index_cast %scan3A_115 : i32 to index
            %get3A_249 = arith.constant 64 : index
            %get3A_250 = tpu.vector_load %arg15[%get3A_248, %get3A_249] {strides = array<i32>} : memref<40x128xf32, #tpu.memory_space<vmem>>, vector<1x16xf32>,
            %get3A_251 = vector.shape_cast %get3A_250 : vector<1x16xf32> to vector<16xf32>
            %div3A_252 = arith.divf %get3A_251, %select_n3A_247 : vector<16xf32>
            %swap3A_253 = arith.index_cast %scan3A_115 : i32 to index
            %swap3A_254 = arith.constant 64 : index
            %swap3A_255 = tpu.vector_load %arg15[%swap3A_253, %swap3A_254] {strides = array<i32>} : memref<40x128xf32, #tpu.memory_space<vmem>>, vector<1x16xf32>,
            %swap3A_256 = vector.shape_cast %swap3A_255 : vector<1x16xf32> to vector<16xf32>
            %swap3A_257 = vector.shape_cast %div3A_252 : vector<16xf32> to vector<1x16xf32>
            tpu.vector_store %arg15[%swap3A_253, %swap3A_254], %swap3A_257 {strides = array<i32>} : memref<40x128xf32, #tpu.memory_space<vmem>>, vector<1x16xf32>,
            %add3A_258 = arith.constant 5 : i32
            %add3A_259 = vector.broadcast %add3A_258 : i32 to vector<16xi32>
            %add3A_260 = arith.addi %broadcast_in_dim3A_2, %add3A_259 : vector<16xi32>
            %lt3A_261 = arith.constant 0 : i32
            %lt3A_262 = vector.broadcast %lt3A_261 : i32 to vector<16xi32>
            %lt3A_263 = arith.cmpi slt, %add3A_260, %lt3A_262 : vector<16xi32>
            %add3A_264 = arith.constant 16 : i32
            %add3A_265 = vector.broadcast %add3A_264 : i32 to vector<16xi32>
            %add3A_266 = arith.addi %add3A_260, %add3A_265 : vector<16xi32>
            %select_n3A_267 = arith.select %lt3A_263, %add3A_266, %add3A_260 : vector<16xi1>, vector<16xi32>
            %reshape3A_268 = vector.shape_cast %select_n3A_267 : vector<16xi32> to vector<16x1xi32>
            %gather3A_269 = vector.shape_cast %reshape3A_268 : vector<16x1xi32> to vector<16xi32>
            %gather3A_270 = tpu.dynamic_gather %get3A_119[%gather3A_269] in [0] : vector<16xf32>, vector<16xi32> -> vector<16xf32>
            %gt3A_271 = arith.constant 0.000000e+00 : f32
            %gt3A_272 = vector.broadcast %gt3A_271 : f32 to vector<16xf32>
            %gt3A_273 = arith.cmpf ogt, %gather3A_270, %gt3A_272 : vector<16xf32>
            %jit3A_274 = arith.constant 1.000000e+00 : f32
            %broadcast_in_dim3A_275 = vector.broadcast %jit3A_274 : f32 to vector<16xf32>
            %select_n3A_276 = arith.select %gt3A_273, %gather3A_270, %broadcast_in_dim3A_275 : vector<16xi1>, vector<16xf32>
            %get3A_277 = arith.index_cast %scan3A_115 : i32 to index
            %get3A_278 = arith.constant 80 : index
            %get3A_279 = tpu.vector_load %arg15[%get3A_277, %get3A_278] {strides = array<i32>} : memref<40x128xf32, #tpu.memory_space<vmem>>, vector<1x16xf32>,
            %get3A_280 = vector.shape_cast %get3A_279 : vector<1x16xf32> to vector<16xf32>
            %div3A_281 = arith.divf %get3A_280, %select_n3A_276 : vector<16xf32>
            %swap3A_282 = arith.index_cast %scan3A_115 : i32 to index
            %swap3A_283 = arith.constant 80 : index
            %swap3A_284 = tpu.vector_load %arg15[%swap3A_282, %swap3A_283] {strides = array<i32>} : memref<40x128xf32, #tpu.memory_space<vmem>>, vector<1x16xf32>,
            %swap3A_285 = vector.shape_cast %swap3A_284 : vector<1x16xf32> to vector<16xf32>
            %swap3A_286 = vector.shape_cast %div3A_281 : vector<16xf32> to vector<1x16xf32>
            tpu.vector_store %arg15[%swap3A_282, %swap3A_283], %swap3A_286 {strides = array<i32>} : memref<40x128xf32, #tpu.memory_space<vmem>>, vector<1x16xf32>,
            %add3A_287 = arith.constant 6 : i32
            %add3A_288 = vector.broadcast %add3A_287 : i32 to vector<16xi32>
            %add3A_289 = arith.addi %broadcast_in_dim3A_2, %add3A_288 : vector<16xi32>
            %lt3A_290 = arith.constant 0 : i32
            %lt3A_291 = vector.broadcast %lt3A_290 : i32 to vector<16xi32>
            %lt3A_292 = arith.cmpi slt, %add3A_289, %lt3A_291 : vector<16xi32>
            %add3A_293 = arith.constant 16 : i32
            %add3A_294 = vector.broadcast %add3A_293 : i32 to vector<16xi32>
            %add3A_295 = arith.addi %add3A_289, %add3A_294 : vector<16xi32>
            %select_n3A_296 = arith.select %lt3A_292, %add3A_295, %add3A_289 : vector<16xi1>, vector<16xi32>
            %reshape3A_297 = vector.shape_cast %select_n3A_296 : vector<16xi32> to vector<16x1xi32>
            %gather3A_298 = vector.shape_cast %reshape3A_297 : vector<16x1xi32> to vector<16xi32>
            %gather3A_299 = tpu.dynamic_gather %get3A_119[%gather3A_298] in [0] : vector<16xf32>, vector<16xi32> -> vector<16xf32>
            %gt3A_300 = arith.constant 0.000000e+00 : f32
            %gt3A_301 = vector.broadcast %gt3A_300 : f32 to vector<16xf32>
            %gt3A_302 = arith.cmpf ogt, %gather3A_299, %gt3A_301 : vector<16xf32>
            %jit3A_303 = arith.constant 1.000000e+00 : f32
            %broadcast_in_dim3A_304 = vector.broadcast %jit3A_303 : f32 to vector<16xf32>
            %select_n3A_305 = arith.select %gt3A_302, %gather3A_299, %broadcast_in_dim3A_304 : vector<16xi1>, vector<16xf32>
            %get3A_306 = arith.index_cast %scan3A_115 : i32 to index
            %get3A_307 = arith.constant 96 : index
            %get3A_308 = tpu.vector_load %arg15[%get3A_306, %get3A_307] {strides = array<i32>} : memref<40x128xf32, #tpu.memory_space<vmem>>, vector<1x16xf32>,
            %get3A_309 = vector.shape_cast %get3A_308 : vector<1x16xf32> to vector<16xf32>
            %div3A_310 = arith.divf %get3A_309, %select_n3A_305 : vector<16xf32>
            %swap3A_311 = arith.index_cast %scan3A_115 : i32 to index
            %swap3A_312 = arith.constant 96 : index
            %swap3A_313 = tpu.vector_load %arg15[%swap3A_311, %swap3A_312] {strides = array<i32>} : memref<40x128xf32, #tpu.memory_space<vmem>>, vector<1x16xf32>,
            %swap3A_314 = vector.shape_cast %swap3A_313 : vector<1x16xf32> to vector<16xf32>
            %swap3A_315 = vector.shape_cast %div3A_310 : vector<16xf32> to vector<1x16xf32>
            tpu.vector_store %arg15[%swap3A_311, %swap3A_312], %swap3A_315 {strides = array<i32>} : memref<40x128xf32, #tpu.memory_space<vmem>>, vector<1x16xf32>,
            %add3A_316 = arith.constant 7 : i32
            %add3A_317 = vector.broadcast %add3A_316 : i32 to vector<16xi32>
            %add3A_318 = arith.addi %broadcast_in_dim3A_2, %add3A_317 : vector<16xi32>
            %lt3A_319 = arith.constant 0 : i32
            %lt3A_320 = vector.broadcast %lt3A_319 : i32 to vector<16xi32>
            %lt3A_321 = arith.cmpi slt, %add3A_318, %lt3A_320 : vector<16xi32>
            %add3A_322 = arith.constant 16 : i32
            %add3A_323 = vector.broadcast %add3A_322 : i32 to vector<16xi32>
            %add3A_324 = arith.addi %add3A_318, %add3A_323 : vector<16xi32>
            %select_n3A_325 = arith.select %lt3A_321, %add3A_324, %add3A_318 : vector<16xi1>, vector<16xi32>
            %reshape3A_326 = vector.shape_cast %select_n3A_325 : vector<16xi32> to vector<16x1xi32>
            %gather3A_327 = vector.shape_cast %reshape3A_326 : vector<16x1xi32> to vector<16xi32>
            %gather3A_328 = tpu.dynamic_gather %get3A_119[%gather3A_327] in [0] : vector<16xf32>, vector<16xi32> -> vector<16xf32>
            %gt3A_329 = arith.constant 0.000000e+00 : f32
            %gt3A_330 = vector.broadcast %gt3A_329 : f32 to vector<16xf32>
            %gt3A_331 = arith.cmpf ogt, %gather3A_328, %gt3A_330 : vector<16xf32>
            %jit3A_332 = arith.constant 1.000000e+00 : f32
            %broadcast_in_dim3A_333 = vector.broadcast %jit3A_332 : f32 to vector<16xf32>
            %select_n3A_334 = arith.select %gt3A_331, %gather3A_328, %broadcast_in_dim3A_333 : vector<16xi1>, vector<16xf32>
            %get3A_335 = arith.index_cast %scan3A_115 : i32 to index
            %get3A_336 = arith.constant 112 : index
            %get3A_337 = tpu.vector_load %arg15[%get3A_335, %get3A_336] {strides = array<i32>} : memref<40x128xf32, #tpu.memory_space<vmem>>, vector<1x16xf32>,
            %get3A_338 = vector.shape_cast %get3A_337 : vector<1x16xf32> to vector<16xf32>
            %div3A_339 = arith.divf %get3A_338, %select_n3A_334 : vector<16xf32>
            %swap3A_340 = arith.index_cast %scan3A_115 : i32 to index
            %swap3A_341 = arith.constant 112 : index
            %swap3A_342 = tpu.vector_load %arg15[%swap3A_340, %swap3A_341] {strides = array<i32>} : memref<40x128xf32, #tpu.memory_space<vmem>>, vector<1x16xf32>,
            %swap3A_343 = vector.shape_cast %swap3A_342 : vector<1x16xf32> to vector<16xf32>
            %swap3A_344 = vector.shape_cast %div3A_339 : vector<16xf32> to vector<1x16xf32>
            tpu.vector_store %arg15[%swap3A_340, %swap3A_341], %swap3A_344 {strides = array<i32>} : memref<40x128xf32, #tpu.memory_space<vmem>>, vector<1x16xf32>,
            %scan3A_345 = arith.constant 0 : i32
            scf.yield %scan3A_345 : i32
          }
          %scan3A_114 = arith.constant 40 : i32
          "tpu.region"() ({
            %run_scoped3A = tpu.sem_alloc : memref<!tpu.dma_semaphore, #tpu.memory_space<semaphore_mem>>
            %dma_start3A = arith.constant 0 : i32
            %dma_start3A_115 = arith.constant 0 : i32
            %dma_start3A_116 = tpu.memref_slice %arg6[%add3A_38, %dma_start3A, %dma_start3A_115] : memref<3x10000x128xf32, #tpu.memory_space<hbm>> -> memref<1x10000x128xf32, #tpu.memory_space<hbm>>
            %dma_start3A_117 = tpu.memref_squeeze %dma_start3A_116 : memref<1x10000x128xf32, #tpu.memory_space<hbm>> -> memref<10000x128xf32, #tpu.memory_space<hbm>>
            %dma_start3A_118 = arith.constant 0 : i32
            %dma_start3A_119 = tpu.memref_slice %dma_start3A_117[%mul3A_107, %dma_start3A_118] : memref<10000x128xf32, #tpu.memory_space<hbm>> -> memref<40x128xf32, #tpu.memory_space<hbm>>
            %dma_start3A_120 = arith.constant 0 : i32
            %dma_start3A_121 = arith.constant 0 : i32
            %dma_start3A_122 = tpu.memref_slice %arg6[%add3A_38, %dma_start3A_120, %dma_start3A_121] : memref<3x10000x128xf32, #tpu.memory_space<hbm>> -> memref<1x10000x128xf32, #tpu.memory_space<hbm>>
            %dma_start3A_123 = tpu.memref_squeeze %dma_start3A_122 : memref<1x10000x128xf32, #tpu.memory_space<hbm>> -> memref<10000x128xf32, #tpu.memory_space<hbm>>
            %dma_start3A_124 = arith.constant 0 : i32
            %dma_start3A_125 = tpu.memref_slice %dma_start3A_123[%mul3A_107, %dma_start3A_124] : memref<10000x128xf32, #tpu.memory_space<hbm>> -> memref<40x128xf32, #tpu.memory_space<hbm>>
            tpu.enqueue_dma source(%arg15 : memref<40x128xf32, #tpu.memory_space<vmem>>) target(%dma_start3A_125 : memref<40x128xf32, #tpu.memory_space<hbm>>) target_semaphore(%run_scoped3A : memref<!tpu.dma_semaphore, #tpu.memory_space<semaphore_mem>>)
            %dma_wait3A = arith.constant 0 : i32
            %dma_wait3A_126 = arith.constant 0 : i32
            %dma_wait3A_127 = tpu.memref_slice %arg6[%add3A_38, %dma_wait3A, %dma_wait3A_126] : memref<3x10000x128xf32, #tpu.memory_space<hbm>> -> memref<1x10000x128xf32, #tpu.memory_space<hbm>>
            %dma_wait3A_128 = tpu.memref_squeeze %dma_wait3A_127 : memref<1x10000x128xf32, #tpu.memory_space<hbm>> -> memref<10000x128xf32, #tpu.memory_space<hbm>>
            %dma_wait3A_129 = arith.constant 0 : i32
            %dma_wait3A_130 = tpu.memref_slice %dma_wait3A_128[%mul3A_107, %dma_wait3A_129] : memref<10000x128xf32, #tpu.memory_space<hbm>> -> memref<40x128xf32, #tpu.memory_space<hbm>>
            %dma_wait3A_131 = arith.constant 0 : i32
            %dma_wait3A_132 = arith.constant 0 : i32
            %dma_wait3A_133 = tpu.memref_slice %arg6[%add3A_38, %dma_wait3A_131, %dma_wait3A_132] : memref<3x10000x128xf32, #tpu.memory_space<hbm>> -> memref<1x10000x128xf32, #tpu.memory_space<hbm>>
            %dma_wait3A_134 = tpu.memref_squeeze %dma_wait3A_133 : memref<1x10000x128xf32, #tpu.memory_space<hbm>> -> memref<10000x128xf32, #tpu.memory_space<hbm>>
            %dma_wait3A_135 = arith.constant 0 : i32
            %dma_wait3A_136 = tpu.memref_slice %dma_wait3A_134[%mul3A_107, %dma_wait3A_135] : memref<10000x128xf32, #tpu.memory_space<hbm>> -> memref<40x128xf32, #tpu.memory_space<hbm>>
            tpu.wait_dma2 semaphore(%run_scoped3A : memref<!tpu.dma_semaphore, #tpu.memory_space<semaphore_mem>>) src(%arg15 : memref<40x128xf32, #tpu.memory_space<vmem>>) dst(%dma_wait3A_136 : memref<40x128xf32, #tpu.memory_space<hbm>>)
            tpu.yield
          }) : () -> ()
        } else {
        }
        %scan3A_105 = arith.constant 0 : i32
        scf.yield %scan3A_105 : i32
      }
      %scan3A_94 = arith.constant 16 : i32
    } else {
    }
    %barrier3A_60 = arith.constant 0 : index
    tpu.barrier barrier_id(%barrier3A_60)
    %add3A_61 = arith.constant 2 : i32
    %add3A_62 = arith.addi %add3A_61, %arg0 : i32
    %lt3A_63 = arith.constant 3 : i32
    %lt3A_64 = arith.cmpi slt, %add3A_62, %lt3A_63 : i32
    %scan3A_65 = arith.constant 0 : i32
    %scan3A_66 = arith.constant 0 : i32
    %scan3A_67 = arith.constant 80 : i32
    %scan3A_68 = arith.addi %scan3A_66, %scan3A_67 : i32
    %scan3A_69 = arith.constant 1 : i32
    %scan3A_70 = scf.for %scan3A_88 = %scan3A_66 to %scan3A_68 step %scan3A_69 iter_args(%scan3A_89 = %scan3A_65) -> (i32)  : i32 {
      %swap3A = arith.index_cast %scan3A_88 : i32 to index
      %swap3A_90 = arith.constant 0 : index
      %swap3A_91 = tpu.vector_load %arg17[%swap3A, %swap3A_90] {strides = array<i32>} : memref<80x128xf32, #tpu.memory_space<vmem>>, vector<1x16xf32>,
      %swap3A_92 = vector.shape_cast %swap3A_91 : vector<1x16xf32> to vector<16xf32>
      %swap3A_93 = vector.shape_cast %broadcast_in_dim3A_0 : vector<16xf32> to vector<1x16xf32>
      tpu.vector_store %arg17[%swap3A, %swap3A_90], %swap3A_93 {strides = array<i32>} : memref<80x128xf32, #tpu.memory_space<vmem>>, vector<1x16xf32>,
      %swap3A_94 = arith.index_cast %scan3A_88 : i32 to index
      %swap3A_95 = arith.constant 16 : index
      %swap3A_96 = tpu.vector_load %arg17[%swap3A_94, %swap3A_95] {strides = array<i32>} : memref<80x128xf32, #tpu.memory_space<vmem>>, vector<1x16xf32>,
      %swap3A_97 = vector.shape_cast %swap3A_96 : vector<1x16xf32> to vector<16xf32>
      %swap3A_98 = vector.shape_cast %broadcast_in_dim3A_0 : vector<16xf32> to vector<1x16xf32>
      tpu.vector_store %arg17[%swap3A_94, %swap3A_95], %swap3A_98 {strides = array<i32>} : memref<80x128xf32, #tpu.memory_space<vmem>>, vector<1x16xf32>,
      %swap3A_99 = arith.index_cast %scan3A_88 : i32 to index
      %swap3A_100 = arith.constant 32 : index
      %swap3A_101 = tpu.vector_load %arg17[%swap3A_99, %swap3A_100] {strides = array<i32>} : memref<80x128xf32, #tpu.memory_space<vmem>>, vector<1x16xf32>,
      %swap3A_102 = vector.shape_cast %swap3A_101 : vector<1x16xf32> to vector<16xf32>
      %swap3A_103 = vector.shape_cast %broadcast_in_dim3A_0 : vector<16xf32> to vector<1x16xf32>
      tpu.vector_store %arg17[%swap3A_99, %swap3A_100], %swap3A_103 {strides = array<i32>} : memref<80x128xf32, #tpu.memory_space<vmem>>, vector<1x16xf32>,
      %swap3A_104 = arith.index_cast %scan3A_88 : i32 to index
      %swap3A_105 = arith.constant 48 : index
      %swap3A_106 = tpu.vector_load %arg17[%swap3A_104, %swap3A_105] {strides = array<i32>} : memref<80x128xf32, #tpu.memory_space<vmem>>, vector<1x16xf32>,
      %swap3A_107 = vector.shape_cast %swap3A_106 : vector<1x16xf32> to vector<16xf32>
      %swap3A_108 = vector.shape_cast %broadcast_in_dim3A_0 : vector<16xf32> to vector<1x16xf32>
      tpu.vector_store %arg17[%swap3A_104, %swap3A_105], %swap3A_108 {strides = array<i32>} : memref<80x128xf32, #tpu.memory_space<vmem>>, vector<1x16xf32>,
      %swap3A_109 = arith.index_cast %scan3A_88 : i32 to index
      %swap3A_110 = arith.constant 64 : index
      %swap3A_111 = tpu.vector_load %arg17[%swap3A_109, %swap3A_110] {strides = array<i32>} : memref<80x128xf32, #tpu.memory_space<vmem>>, vector<1x16xf32>,
      %swap3A_112 = vector.shape_cast %swap3A_111 : vector<1x16xf32> to vector<16xf32>
      %swap3A_113 = vector.shape_cast %broadcast_in_dim3A_0 : vector<16xf32> to vector<1x16xf32>
      tpu.vector_store %arg17[%swap3A_109, %swap3A_110], %swap3A_113 {strides = array<i32>} : memref<80x128xf32, #tpu.memory_space<vmem>>, vector<1x16xf32>,
      %swap3A_114 = arith.index_cast %scan3A_88 : i32 to index
      %swap3A_115 = arith.constant 80 : index
      %swap3A_116 = tpu.vector_load %arg17[%swap3A_114, %swap3A_115] {strides = array<i32>} : memref<80x128xf32, #tpu.memory_space<vmem>>, vector<1x16xf32>,
      %swap3A_117 = vector.shape_cast %swap3A_116 : vector<1x16xf32> to vector<16xf32>
      %swap3A_118 = vector.shape_cast %broadcast_in_dim3A_0 : vector<16xf32> to vector<1x16xf32>
      tpu.vector_store %arg17[%swap3A_114, %swap3A_115], %swap3A_118 {strides = array<i32>} : memref<80x128xf32, #tpu.memory_space<vmem>>, vector<1x16xf32>,
      %swap3A_119 = arith.index_cast %scan3A_88 : i32 to index
      %swap3A_120 = arith.constant 96 : index
      %swap3A_121 = tpu.vector_load %arg17[%swap3A_119, %swap3A_120] {strides = array<i32>} : memref<80x128xf32, #tpu.memory_space<vmem>>, vector<1x16xf32>,
      %swap3A_122 = vector.shape_cast %swap3A_121 : vector<1x16xf32> to vector<16xf32>
      %swap3A_123 = vector.shape_cast %broadcast_in_dim3A_0 : vector<16xf32> to vector<1x16xf32>
      tpu.vector_store %arg17[%swap3A_119, %swap3A_120], %swap3A_123 {strides = array<i32>} : memref<80x128xf32, #tpu.memory_space<vmem>>, vector<1x16xf32>,
      %swap3A_124 = arith.index_cast %scan3A_88 : i32 to index
      %swap3A_125 = arith.constant 112 : index
      %swap3A_126 = tpu.vector_load %arg17[%swap3A_124, %swap3A_125] {strides = array<i32>} : memref<80x128xf32, #tpu.memory_space<vmem>>, vector<1x16xf32>,
      %swap3A_127 = vector.shape_cast %swap3A_126 : vector<1x16xf32> to vector<16xf32>
      %swap3A_128 = vector.shape_cast %broadcast_in_dim3A_0 : vector<16xf32> to vector<1x16xf32>
      tpu.vector_store %arg17[%swap3A_124, %swap3A_125], %swap3A_128 {strides = array<i32>} : memref<80x128xf32, #tpu.memory_space<vmem>>, vector<1x16xf32>,
      %scan3A_129 = arith.constant 0 : i32
      scf.yield %scan3A_129 : i32
    }
    %scan3A_71 = arith.constant 80 : i32
    %scan3A_72 = arith.constant 0 : i32
    %scan3A_73 = arith.constant 0 : i32
    %scan3A_74 = arith.constant 16 : i32
    %scan3A_75 = arith.addi %scan3A_73, %scan3A_74 : i32
    %scan3A_76 = arith.constant 1 : i32
    %scan3A_77 = scf.for %scan3A_88 = %scan3A_73 to %scan3A_75 step %scan3A_76 iter_args(%scan3A_89 = %scan3A_72) -> (i32)  : i32 {
      %mul3A_90 = arith.constant 16 : i32
      %mul3A_91 = arith.muli %scan3A_88, %mul3A_90 : i32
      %add3A_92 = arith.addi %mul3A_91, %arg1 : i32
      %lt3A_93 = arith.constant 250 : i32
      %lt3A_94 = arith.cmpi slt, %add3A_92, %lt3A_93 : i32
      %convert_element_type3A_95 = arith.extui %lt3A_94 : i1 to i32
      %cond3A_96 = arith.constant 0 : i32
      %cond3A_97 = arith.cmpi ne, %convert_element_type3A_95, %cond3A_96 : i32
      scf.if %cond3A_97 {
        %mul3A_99 = arith.constant 40 : i32
        %mul3A_100 = arith.muli %add3A_92, %mul3A_99 : i32
        "tpu.region"() ({
          %run_scoped3A = tpu.sem_alloc : memref<!tpu.dma_semaphore, #tpu.memory_space<semaphore_mem>>
          %dma_start3A = arith.constant 0 : i32
          %dma_start3A_101 = arith.constant 0 : i32
          %dma_start3A_102 = tpu.memref_slice %arg17[%dma_start3A, %dma_start3A_101] : memref<80x128xf32, #tpu.memory_space<vmem>> -> memref<40x128xf32, #tpu.memory_space<vmem>>
          %dma_start3A_103 = arith.constant 0 : i32
          %dma_start3A_104 = tpu.memref_slice %arg9[%mul3A_100, %dma_start3A_103] : memref<10000x128xf32, #tpu.memory_space<vmem_shared>> -> memref<40x128xf32, #tpu.memory_space<vmem_shared>>
          %dma_start3A_105 = arith.constant 0 : i32
          %dma_start3A_106 = tpu.memref_slice %arg9[%mul3A_100, %dma_start3A_105] : memref<10000x128xf32, #tpu.memory_space<vmem_shared>> -> memref<40x128xf32, #tpu.memory_space<vmem_shared>>
          %dma_start3A_107 = arith.constant 0 : i32
          %dma_start3A_108 = arith.constant 0 : i32
          %dma_start3A_109 = tpu.memref_slice %arg17[%dma_start3A_107, %dma_start3A_108] : memref<80x128xf32, #tpu.memory_space<vmem>> -> memref<40x128xf32, #tpu.memory_space<vmem>>
          tpu.enqueue_dma source(%dma_start3A_109 : memref<40x128xf32, #tpu.memory_space<vmem>>) target(%dma_start3A_106 : memref<40x128xf32, #tpu.memory_space<vmem_shared>>) target_semaphore(%run_scoped3A : memref<!tpu.dma_semaphore, #tpu.memory_space<semaphore_mem>>)
          %dma_wait3A = arith.constant 0 : i32
          %dma_wait3A_110 = arith.constant 0 : i32
          %dma_wait3A_111 = tpu.memref_slice %arg17[%dma_wait3A, %dma_wait3A_110] : memref<80x128xf32, #tpu.memory_space<vmem>> -> memref<40x128xf32, #tpu.memory_space<vmem>>
          %dma_wait3A_112 = arith.constant 0 : i32
          %dma_wait3A_113 = tpu.memref_slice %arg9[%mul3A_100, %dma_wait3A_112] : memref<10000x128xf32, #tpu.memory_space<vmem_shared>> -> memref<40x128xf32, #tpu.memory_space<vmem_shared>>
          %dma_wait3A_114 = arith.constant 0 : i32
          %dma_wait3A_115 = tpu.memref_slice %arg9[%mul3A_100, %dma_wait3A_114] : memref<10000x128xf32, #tpu.memory_space<vmem_shared>> -> memref<40x128xf32, #tpu.memory_space<vmem_shared>>
          %dma_wait3A_116 = arith.constant 0 : i32
          %dma_wait3A_117 = arith.constant 0 : i32
          %dma_wait3A_118 = tpu.memref_slice %arg17[%dma_wait3A_116, %dma_wait3A_117] : memref<80x128xf32, #tpu.memory_space<vmem>> -> memref<40x128xf32, #tpu.memory_space<vmem>>
          tpu.wait_dma2 semaphore(%run_scoped3A : memref<!tpu.dma_semaphore, #tpu.memory_space<semaphore_mem>>) src(%dma_wait3A_118 : memref<40x128xf32, #tpu.memory_space<vmem>>) dst(%dma_wait3A_115 : memref<40x128xf32, #tpu.memory_space<vmem_shared>>)
          tpu.yield
        }) : () -> ()
      } else {
      }
      %scan3A_98 = arith.constant 0 : i32
      scf.yield %scan3A_98 : i32
    }
    %scan3A_78 = arith.constant 16 : i32
    %barrier3A_79 = arith.constant 0 : index
    tpu.barrier barrier_id(%barrier3A_79)
    %convert_element_type3A_80 = arith.extui %lt3A_64 : i1 to i32
    %cond3A_81 = arith.constant 0 : i32
    %cond3A_82 = arith.cmpi ne, %convert_element_type3A_80, %cond3A_81 : i32
    scf.if %cond3A_82 {
      %scan3A_88 = arith.constant 0 : i32
      %scan3A_89 = arith.constant 0 : i32
      %scan3A_90 = arith.constant 125 : i32
      %scan3A_91 = arith.addi %scan3A_89, %scan3A_90 : i32
      %scan3A_92 = arith.constant 1 : i32
      %scan3A_93 = scf.for %scan3A_95 = %scan3A_89 to %scan3A_91 step %scan3A_92 iter_args(%scan3A_96 = %scan3A_88) -> (i32)  : i32 {
        %mul3A_97 = arith.constant 2 : i32
        %mul3A_98 = arith.muli %mul3A_97, %scan3A_95 : i32
        %mul3A_99 = arith.constant 40 : i32
        %mul3A_100 = arith.muli %mul3A_98, %mul3A_99 : i32
        %add3A_101 = arith.addi %mul3A_8, %mul3A_100 : i32
        %add3A_102 = arith.constant 40 : i32
        %add3A_103 = arith.addi %add3A_101, %add3A_102 : i32
        %dma_start3A = tpu.memref_slice %arg5[%add3A_101] : memref<160000xi32, #tpu.memory_space<hbm>> -> memref<40xi32, #tpu.memory_space<hbm>>
        %dma_start3A_104 = tpu.memref_slice %arg5[%add3A_101] : memref<160000xi32, #tpu.memory_space<hbm>> -> memref<40xi32, #tpu.memory_space<hbm>>
        tpu.enqueue_dma source(%dma_start3A_104 : memref<40xi32, #tpu.memory_space<hbm>>) target(%arg11 : memref<40xi32, #tpu.memory_space<vmem>>) target_semaphore(%arg19 : memref<!tpu.dma_semaphore, #tpu.memory_space<semaphore_mem>>)
        %dma_start3A_105 = arith.constant 0 : i32
        %dma_start3A_106 = arith.constant 0 : i32
        %dma_start3A_107 = tpu.memref_slice %arg18[%dma_start3A_105, %dma_start3A_106] : memref<80x16xf32, #tpu.memory_space<vmem>> -> memref<40x16xf32, #tpu.memory_space<vmem>>
        %dma_start3A_108 = arith.constant 0 : i32
        %dma_start3A_109 = arith.constant 0 : i32
        %dma_start3A_110 = tpu.memref_slice %arg7[%arg0, %dma_start3A_108, %dma_start3A_109] : memref<2x160000x16xf32, #tpu.memory_space<hbm>> -> memref<1x160000x16xf32, #tpu.memory_space<hbm>>
        %dma_start3A_111 = tpu.memref_squeeze %dma_start3A_110 : memref<1x160000x16xf32, #tpu.memory_space<hbm>> -> memref<160000x16xf32, #tpu.memory_space<hbm>>
        %dma_start3A_112 = arith.constant 0 : i32
        %dma_start3A_113 = tpu.memref_slice %dma_start3A_111[%add3A_101, %dma_start3A_112] : memref<160000x16xf32, #tpu.memory_space<hbm>> -> memref<40x16xf32, #tpu.memory_space<hbm>>
        %dma_start3A_114 = arith.constant 0 : i32
        %dma_start3A_115 = arith.constant 0 : i32
        %dma_start3A_116 = tpu.memref_slice %arg18[%dma_start3A_114, %dma_start3A_115] : memref<80x16xf32, #tpu.memory_space<vmem>> -> memref<40x16xf32, #tpu.memory_space<vmem>>
        %dma_start3A_117 = arith.constant 0 : i32
        %dma_start3A_118 = arith.constant 0 : i32
        %dma_start3A_119 = tpu.memref_slice %arg7[%arg0, %dma_start3A_117, %dma_start3A_118] : memref<2x160000x16xf32, #tpu.memory_space<hbm>> -> memref<1x160000x16xf32, #tpu.memory_space<hbm>>
        %dma_start3A_120 = tpu.memref_squeeze %dma_start3A_119 : memref<1x160000x16xf32, #tpu.memory_space<hbm>> -> memref<160000x16xf32, #tpu.memory_space<hbm>>
        %dma_start3A_121 = arith.constant 0 : i32
        %dma_start3A_122 = tpu.memref_slice %dma_start3A_120[%add3A_101, %dma_start3A_121] : memref<160000x16xf32, #tpu.memory_space<hbm>> -> memref<40x16xf32, #tpu.memory_space<hbm>>
        tpu.enqueue_dma source(%dma_start3A_122 : memref<40x16xf32, #tpu.memory_space<hbm>>) target(%dma_start3A_116 : memref<40x16xf32, #tpu.memory_space<vmem>>) target_semaphore(%arg20 : memref<!tpu.dma_semaphore, #tpu.memory_space<semaphore_mem>>)
        %dma_start3A_123 = arith.constant 0 : i32
        %dma_start3A_124 = arith.constant 0 : i32
        %dma_start3A_125 = tpu.memref_slice %arg17[%dma_start3A_123, %dma_start3A_124] : memref<80x128xf32, #tpu.memory_space<vmem>> -> memref<40x128xf32, #tpu.memory_space<vmem>>
        %dma_start3A_126 = arith.constant 0 : i32
        %dma_start3A_127 = arith.constant 0 : i32
        %dma_start3A_128 = tpu.memref_slice %arg2[%add3A_62, %dma_start3A_126, %dma_start3A_127] : memref<3x160000x128xf32, #tpu.memory_space<hbm>> -> memref<1x160000x128xf32, #tpu.memory_space<hbm>>
        %dma_start3A_129 = tpu.memref_squeeze %dma_start3A_128 : memref<1x160000x128xf32, #tpu.memory_space<hbm>> -> memref<160000x128xf32, #tpu.memory_space<hbm>>
        %dma_start3A_130 = arith.constant 0 : i32
        %dma_start3A_131 = tpu.memref_slice %dma_start3A_129[%add3A_101, %dma_start3A_130] : memref<160000x128xf32, #tpu.memory_space<hbm>> -> memref<40x128xf32, #tpu.memory_space<hbm>>
        %dma_start3A_132 = arith.constant 0 : i32
        %dma_start3A_133 = arith.constant 0 : i32
        %dma_start3A_134 = tpu.memref_slice %arg17[%dma_start3A_132, %dma_start3A_133] : memref<80x128xf32, #tpu.memory_space<vmem>> -> memref<40x128xf32, #tpu.memory_space<vmem>>
        %dma_start3A_135 = arith.constant 0 : i32
        %dma_start3A_136 = arith.constant 0 : i32
        %dma_start3A_137 = tpu.memref_slice %arg2[%add3A_62, %dma_start3A_135, %dma_start3A_136] : memref<3x160000x128xf32, #tpu.memory_space<hbm>> -> memref<1x160000x128xf32, #tpu.memory_space<hbm>>
        %dma_start3A_138 = tpu.memref_squeeze %dma_start3A_137 : memref<1x160000x128xf32, #tpu.memory_space<hbm>> -> memref<160000x128xf32, #tpu.memory_space<hbm>>
        %dma_start3A_139 = arith.constant 0 : i32
        %dma_start3A_140 = tpu.memref_slice %dma_start3A_138[%add3A_101, %dma_start3A_139] : memref<160000x128xf32, #tpu.memory_space<hbm>> -> memref<40x128xf32, #tpu.memory_space<hbm>>
        tpu.enqueue_dma source(%dma_start3A_140 : memref<40x128xf32, #tpu.memory_space<hbm>>) target(%dma_start3A_134 : memref<40x128xf32, #tpu.memory_space<vmem>>) target_semaphore(%arg21 : memref<!tpu.dma_semaphore, #tpu.memory_space<semaphore_mem>>)
        %dma_start3A_141 = tpu.memref_slice %arg5[%add3A_103] : memref<160000xi32, #tpu.memory_space<hbm>> -> memref<40xi32, #tpu.memory_space<hbm>>
        %dma_start3A_142 = tpu.memref_slice %arg5[%add3A_103] : memref<160000xi32, #tpu.memory_space<hbm>> -> memref<40xi32, #tpu.memory_space<hbm>>
        tpu.enqueue_dma source(%dma_start3A_142 : memref<40xi32, #tpu.memory_space<hbm>>) target(%arg12 : memref<40xi32, #tpu.memory_space<vmem>>) target_semaphore(%arg22 : memref<!tpu.dma_semaphore, #tpu.memory_space<semaphore_mem>>)
        %dma_start3A_143 = arith.constant 40 : i32
        %dma_start3A_144 = arith.constant 0 : i32
        %dma_start3A_145 = tpu.memref_slice %arg18[%dma_start3A_143, %dma_start3A_144] : memref<80x16xf32, #tpu.memory_space<vmem>> -> memref<40x16xf32, #tpu.memory_space<vmem>>
        %dma_start3A_146 = arith.constant 0 : i32
        %dma_start3A_147 = arith.constant 0 : i32
        %dma_start3A_148 = tpu.memref_slice %arg7[%arg0, %dma_start3A_146, %dma_start3A_147] : memref<2x160000x16xf32, #tpu.memory_space<hbm>> -> memref<1x160000x16xf32, #tpu.memory_space<hbm>>
        %dma_start3A_149 = tpu.memref_squeeze %dma_start3A_148 : memref<1x160000x16xf32, #tpu.memory_space<hbm>> -> memref<160000x16xf32, #tpu.memory_space<hbm>>
        %dma_start3A_150 = arith.constant 0 : i32
        %dma_start3A_151 = tpu.memref_slice %dma_start3A_149[%add3A_103, %dma_start3A_150] : memref<160000x16xf32, #tpu.memory_space<hbm>> -> memref<40x16xf32, #tpu.memory_space<hbm>>
        %dma_start3A_152 = arith.constant 40 : i32
        %dma_start3A_153 = arith.constant 0 : i32
        %dma_start3A_154 = tpu.memref_slice %arg18[%dma_start3A_152, %dma_start3A_153] : memref<80x16xf32, #tpu.memory_space<vmem>> -> memref<40x16xf32, #tpu.memory_space<vmem>>
        %dma_start3A_155 = arith.constant 0 : i32
        %dma_start3A_156 = arith.constant 0 : i32
        %dma_start3A_157 = tpu.memref_slice %arg7[%arg0, %dma_start3A_155, %dma_start3A_156] : memref<2x160000x16xf32, #tpu.memory_space<hbm>> -> memref<1x160000x16xf32, #tpu.memory_space<hbm>>
        %dma_start3A_158 = tpu.memref_squeeze %dma_start3A_157 : memref<1x160000x16xf32, #tpu.memory_space<hbm>> -> memref<160000x16xf32, #tpu.memory_space<hbm>>
        %dma_start3A_159 = arith.constant 0 : i32
        %dma_start3A_160 = tpu.memref_slice %dma_start3A_158[%add3A_103, %dma_start3A_159] : memref<160000x16xf32, #tpu.memory_space<hbm>> -> memref<40x16xf32, #tpu.memory_space<hbm>>
        tpu.enqueue_dma source(%dma_start3A_160 : memref<40x16xf32, #tpu.memory_space<hbm>>) target(%dma_start3A_154 : memref<40x16xf32, #tpu.memory_space<vmem>>) target_semaphore(%arg23 : memref<!tpu.dma_semaphore, #tpu.memory_space<semaphore_mem>>)
        %dma_start3A_161 = arith.constant 40 : i32
        %dma_start3A_162 = arith.constant 0 : i32
        %dma_start3A_163 = tpu.memref_slice %arg17[%dma_start3A_161, %dma_start3A_162] : memref<80x128xf32, #tpu.memory_space<vmem>> -> memref<40x128xf32, #tpu.memory_space<vmem>>
        %dma_start3A_164 = arith.constant 0 : i32
        %dma_start3A_165 = arith.constant 0 : i32
        %dma_start3A_166 = tpu.memref_slice %arg2[%add3A_62, %dma_start3A_164, %dma_start3A_165] : memref<3x160000x128xf32, #tpu.memory_space<hbm>> -> memref<1x160000x128xf32, #tpu.memory_space<hbm>>
        %dma_start3A_167 = tpu.memref_squeeze %dma_start3A_166 : memref<1x160000x128xf32, #tpu.memory_space<hbm>> -> memref<160000x128xf32, #tpu.memory_space<hbm>>
        %dma_start3A_168 = arith.constant 0 : i32
        %dma_start3A_169 = tpu.memref_slice %dma_start3A_167[%add3A_103, %dma_start3A_168] : memref<160000x128xf32, #tpu.memory_space<hbm>> -> memref<40x128xf32, #tpu.memory_space<hbm>>
        %dma_start3A_170 = arith.constant 40 : i32
        %dma_start3A_171 = arith.constant 0 : i32
        %dma_start3A_172 = tpu.memref_slice %arg17[%dma_start3A_170, %dma_start3A_171] : memref<80x128xf32, #tpu.memory_space<vmem>> -> memref<40x128xf32, #tpu.memory_space<vmem>>
        %dma_start3A_173 = arith.constant 0 : i32
        %dma_start3A_174 = arith.constant 0 : i32
        %dma_start3A_175 = tpu.memref_slice %arg2[%add3A_62, %dma_start3A_173, %dma_start3A_174] : memref<3x160000x128xf32, #tpu.memory_space<hbm>> -> memref<1x160000x128xf32, #tpu.memory_space<hbm>>
        %dma_start3A_176 = tpu.memref_squeeze %dma_start3A_175 : memref<1x160000x128xf32, #tpu.memory_space<hbm>> -> memref<160000x128xf32, #tpu.memory_space<hbm>>
        %dma_start3A_177 = arith.constant 0 : i32
        %dma_start3A_178 = tpu.memref_slice %dma_start3A_176[%add3A_103, %dma_start3A_177] : memref<160000x128xf32, #tpu.memory_space<hbm>> -> memref<40x128xf32, #tpu.memory_space<hbm>>
        tpu.enqueue_dma source(%dma_start3A_178 : memref<40x128xf32, #tpu.memory_space<hbm>>) target(%dma_start3A_172 : memref<40x128xf32, #tpu.memory_space<vmem>>) target_semaphore(%arg24 : memref<!tpu.dma_semaphore, #tpu.memory_space<semaphore_mem>>)
        %dma_wait3A = tpu.memref_slice %arg5[%add3A_101] : memref<160000xi32, #tpu.memory_space<hbm>> -> memref<40xi32, #tpu.memory_space<hbm>>
        %dma_wait3A_179 = tpu.memref_slice %arg5[%add3A_101] : memref<160000xi32, #tpu.memory_space<hbm>> -> memref<40xi32, #tpu.memory_space<hbm>>
        tpu.wait_dma2 semaphore(%arg19 : memref<!tpu.dma_semaphore, #tpu.memory_space<semaphore_mem>>) src(%dma_wait3A_179 : memref<40xi32, #tpu.memory_space<hbm>>) dst(%arg11 : memref<40xi32, #tpu.memory_space<vmem>>)
        %dma_wait3A_180 = arith.constant 0 : i32
        %dma_wait3A_181 = arith.constant 0 : i32
        %dma_wait3A_182 = tpu.memref_slice %arg18[%dma_wait3A_180, %dma_wait3A_181] : memref<80x16xf32, #tpu.memory_space<vmem>> -> memref<40x16xf32, #tpu.memory_space<vmem>>
        %dma_wait3A_183 = arith.constant 0 : i32
        %dma_wait3A_184 = arith.constant 0 : i32
        %dma_wait3A_185 = tpu.memref_slice %arg7[%arg0, %dma_wait3A_183, %dma_wait3A_184] : memref<2x160000x16xf32, #tpu.memory_space<hbm>> -> memref<1x160000x16xf32, #tpu.memory_space<hbm>>
        %dma_wait3A_186 = tpu.memref_squeeze %dma_wait3A_185 : memref<1x160000x16xf32, #tpu.memory_space<hbm>> -> memref<160000x16xf32, #tpu.memory_space<hbm>>
        %dma_wait3A_187 = arith.constant 0 : i32
        %dma_wait3A_188 = tpu.memref_slice %dma_wait3A_186[%add3A_101, %dma_wait3A_187] : memref<160000x16xf32, #tpu.memory_space<hbm>> -> memref<40x16xf32, #tpu.memory_space<hbm>>
        %dma_wait3A_189 = arith.constant 0 : i32
        %dma_wait3A_190 = arith.constant 0 : i32
        %dma_wait3A_191 = tpu.memref_slice %arg18[%dma_wait3A_189, %dma_wait3A_190] : memref<80x16xf32, #tpu.memory_space<vmem>> -> memref<40x16xf32, #tpu.memory_space<vmem>>
        %dma_wait3A_192 = arith.constant 0 : i32
        %dma_wait3A_193 = arith.constant 0 : i32
        %dma_wait3A_194 = tpu.memref_slice %arg7[%arg0, %dma_wait3A_192, %dma_wait3A_193] : memref<2x160000x16xf32, #tpu.memory_space<hbm>> -> memref<1x160000x16xf32, #tpu.memory_space<hbm>>
        %dma_wait3A_195 = tpu.memref_squeeze %dma_wait3A_194 : memref<1x160000x16xf32, #tpu.memory_space<hbm>> -> memref<160000x16xf32, #tpu.memory_space<hbm>>
        %dma_wait3A_196 = arith.constant 0 : i32
        %dma_wait3A_197 = tpu.memref_slice %dma_wait3A_195[%add3A_101, %dma_wait3A_196] : memref<160000x16xf32, #tpu.memory_space<hbm>> -> memref<40x16xf32, #tpu.memory_space<hbm>>
        tpu.wait_dma2 semaphore(%arg20 : memref<!tpu.dma_semaphore, #tpu.memory_space<semaphore_mem>>) src(%dma_wait3A_197 : memref<40x16xf32, #tpu.memory_space<hbm>>) dst(%dma_wait3A_191 : memref<40x16xf32, #tpu.memory_space<vmem>>)
        %dma_wait3A_198 = arith.constant 0 : i32
        %dma_wait3A_199 = arith.constant 0 : i32
        %dma_wait3A_200 = tpu.memref_slice %arg17[%dma_wait3A_198, %dma_wait3A_199] : memref<80x128xf32, #tpu.memory_space<vmem>> -> memref<40x128xf32, #tpu.memory_space<vmem>>
        %dma_wait3A_201 = arith.constant 0 : i32
        %dma_wait3A_202 = arith.constant 0 : i32
        %dma_wait3A_203 = tpu.memref_slice %arg2[%add3A_62, %dma_wait3A_201, %dma_wait3A_202] : memref<3x160000x128xf32, #tpu.memory_space<hbm>> -> memref<1x160000x128xf32, #tpu.memory_space<hbm>>
        %dma_wait3A_204 = tpu.memref_squeeze %dma_wait3A_203 : memref<1x160000x128xf32, #tpu.memory_space<hbm>> -> memref<160000x128xf32, #tpu.memory_space<hbm>>
        %dma_wait3A_205 = arith.constant 0 : i32
        %dma_wait3A_206 = tpu.memref_slice %dma_wait3A_204[%add3A_101, %dma_wait3A_205] : memref<160000x128xf32, #tpu.memory_space<hbm>> -> memref<40x128xf32, #tpu.memory_space<hbm>>
        %dma_wait3A_207 = arith.constant 0 : i32
        %dma_wait3A_208 = arith.constant 0 : i32
        %dma_wait3A_209 = tpu.memref_slice %arg17[%dma_wait3A_207, %dma_wait3A_208] : memref<80x128xf32, #tpu.memory_space<vmem>> -> memref<40x128xf32, #tpu.memory_space<vmem>>
        %dma_wait3A_210 = arith.constant 0 : i32
        %dma_wait3A_211 = arith.constant 0 : i32
        %dma_wait3A_212 = tpu.memref_slice %arg2[%add3A_62, %dma_wait3A_210, %dma_wait3A_211] : memref<3x160000x128xf32, #tpu.memory_space<hbm>> -> memref<1x160000x128xf32, #tpu.memory_space<hbm>>
        %dma_wait3A_213 = tpu.memref_squeeze %dma_wait3A_212 : memref<1x160000x128xf32, #tpu.memory_space<hbm>> -> memref<160000x128xf32, #tpu.memory_space<hbm>>
        %dma_wait3A_214 = arith.constant 0 : i32
        %dma_wait3A_215 = tpu.memref_slice %dma_wait3A_213[%add3A_101, %dma_wait3A_214] : memref<160000x128xf32, #tpu.memory_space<hbm>> -> memref<40x128xf32, #tpu.memory_space<hbm>>
        tpu.wait_dma2 semaphore(%arg21 : memref<!tpu.dma_semaphore, #tpu.memory_space<semaphore_mem>>) src(%dma_wait3A_215 : memref<40x128xf32, #tpu.memory_space<hbm>>) dst(%dma_wait3A_209 : memref<40x128xf32, #tpu.memory_space<vmem>>)
        %scan3A_216 = arith.constant 0 : i32
        %scan3A_217 = arith.constant 0 : i32
        %scan3A_218 = arith.constant 40 : i32
        %scan3A_219 = arith.addi %scan3A_217, %scan3A_218 : i32
        %scan3A_220 = arith.constant 1 : i32
        %scan3A_221 = scf.for %scan3A_293 = %scan3A_217 to %scan3A_219 step %scan3A_220 iter_args(%scan3A_294 = %scan3A_216) -> (i32)  : i32 {
          %add3A_295 = arith.constant 0 : i32
          %add3A_296 = arith.addi %add3A_295, %scan3A_293 : i32
          %get3A = arith.index_cast %add3A_296 : i32 to index
          %get3A_297 = arith.constant 0 : index
          %get3A_298 = tpu.vector_load %arg18[%get3A, %get3A_297] {strides = array<i32>} : memref<80x16xf32, #tpu.memory_space<vmem>>, vector<1x16xf32>,
          %get3A_299 = vector.shape_cast %get3A_298 : vector<1x16xf32> to vector<16xf32>
          %add3A_300 = arith.constant 0 : i32
          %add3A_301 = vector.broadcast %add3A_300 : i32 to vector<16xi32>
          %add3A_302 = arith.addi %broadcast_in_dim3A_2, %add3A_301 : vector<16xi32>
          %lt3A_303 = arith.constant 0 : i32
          %lt3A_304 = vector.broadcast %lt3A_303 : i32 to vector<16xi32>
          %lt3A_305 = arith.cmpi slt, %add3A_302, %lt3A_304 : vector<16xi32>
          %add3A_306 = arith.constant 16 : i32
          %add3A_307 = vector.broadcast %add3A_306 : i32 to vector<16xi32>
          %add3A_308 = arith.addi %add3A_302, %add3A_307 : vector<16xi32>
          %select_n3A = arith.select %lt3A_305, %add3A_308, %add3A_302 : vector<16xi1>, vector<16xi32>
          %reshape3A = vector.shape_cast %select_n3A : vector<16xi32> to vector<16x1xi32>
          %gather3A = vector.shape_cast %reshape3A : vector<16x1xi32> to vector<16xi32>
          %gather3A_309 = tpu.dynamic_gather %get3A_299[%gather3A] in [0] : vector<16xf32>, vector<16xi32> -> vector<16xf32>
          %add3A_310 = arith.constant 0 : i32
          %add3A_311 = arith.addi %add3A_310, %scan3A_293 : i32
          %get3A_312 = arith.index_cast %add3A_311 : i32 to index
          %get3A_313 = arith.constant 0 : index
          %get3A_314 = tpu.vector_load %arg17[%get3A_312, %get3A_313] {strides = array<i32>} : memref<80x128xf32, #tpu.memory_space<vmem>>, vector<1x16xf32>,
          %get3A_315 = vector.shape_cast %get3A_314 : vector<1x16xf32> to vector<16xf32>
          %mul3A_316 = arith.mulf %get3A_315, %gather3A_309 : vector<16xf32>
          %add3A_317 = arith.constant 0 : i32
          %add3A_318 = arith.addi %add3A_317, %scan3A_293 : i32
          %swap3A = arith.index_cast %add3A_318 : i32 to index
          %swap3A_319 = arith.constant 0 : index
          %swap3A_320 = tpu.vector_load %arg17[%swap3A, %swap3A_319] {strides = array<i32>} : memref<80x128xf32, #tpu.memory_space<vmem>>, vector<1x16xf32>,
          %swap3A_321 = vector.shape_cast %swap3A_320 : vector<1x16xf32> to vector<16xf32>
          %swap3A_322 = vector.shape_cast %mul3A_316 : vector<16xf32> to vector<1x16xf32>
          tpu.vector_store %arg17[%swap3A, %swap3A_319], %swap3A_322 {strides = array<i32>} : memref<80x128xf32, #tpu.memory_space<vmem>>, vector<1x16xf32>,
          %add3A_323 = arith.constant 1 : i32
          %add3A_324 = vector.broadcast %add3A_323 : i32 to vector<16xi32>
          %add3A_325 = arith.addi %broadcast_in_dim3A_2, %add3A_324 : vector<16xi32>
          %lt3A_326 = arith.constant 0 : i32
          %lt3A_327 = vector.broadcast %lt3A_326 : i32 to vector<16xi32>
          %lt3A_328 = arith.cmpi slt, %add3A_325, %lt3A_327 : vector<16xi32>
          %add3A_329 = arith.constant 16 : i32
          %add3A_330 = vector.broadcast %add3A_329 : i32 to vector<16xi32>
          %add3A_331 = arith.addi %add3A_325, %add3A_330 : vector<16xi32>
          %select_n3A_332 = arith.select %lt3A_328, %add3A_331, %add3A_325 : vector<16xi1>, vector<16xi32>
          %reshape3A_333 = vector.shape_cast %select_n3A_332 : vector<16xi32> to vector<16x1xi32>
          %gather3A_334 = vector.shape_cast %reshape3A_333 : vector<16x1xi32> to vector<16xi32>
          %gather3A_335 = tpu.dynamic_gather %get3A_299[%gather3A_334] in [0] : vector<16xf32>, vector<16xi32> -> vector<16xf32>
          %add3A_336 = arith.constant 0 : i32
          %add3A_337 = arith.addi %add3A_336, %scan3A_293 : i32
          %get3A_338 = arith.index_cast %add3A_337 : i32 to index
          %get3A_339 = arith.constant 16 : index
          %get3A_340 = tpu.vector_load %arg17[%get3A_338, %get3A_339] {strides = array<i32>} : memref<80x128xf32, #tpu.memory_space<vmem>>, vector<1x16xf32>,
          %get3A_341 = vector.shape_cast %get3A_340 : vector<1x16xf32> to vector<16xf32>
          %mul3A_342 = arith.mulf %get3A_341, %gather3A_335 : vector<16xf32>
          %add3A_343 = arith.constant 0 : i32
          %add3A_344 = arith.addi %add3A_343, %scan3A_293 : i32
          %swap3A_345 = arith.index_cast %add3A_344 : i32 to index
          %swap3A_346 = arith.constant 16 : index
          %swap3A_347 = tpu.vector_load %arg17[%swap3A_345, %swap3A_346] {strides = array<i32>} : memref<80x128xf32, #tpu.memory_space<vmem>>, vector<1x16xf32>,
          %swap3A_348 = vector.shape_cast %swap3A_347 : vector<1x16xf32> to vector<16xf32>
          %swap3A_349 = vector.shape_cast %mul3A_342 : vector<16xf32> to vector<1x16xf32>
          tpu.vector_store %arg17[%swap3A_345, %swap3A_346], %swap3A_349 {strides = array<i32>} : memref<80x128xf32, #tpu.memory_space<vmem>>, vector<1x16xf32>,
          %add3A_350 = arith.constant 2 : i32
          %add3A_351 = vector.broadcast %add3A_350 : i32 to vector<16xi32>
          %add3A_352 = arith.addi %broadcast_in_dim3A_2, %add3A_351 : vector<16xi32>
          %lt3A_353 = arith.constant 0 : i32
          %lt3A_354 = vector.broadcast %lt3A_353 : i32 to vector<16xi32>
          %lt3A_355 = arith.cmpi slt, %add3A_352, %lt3A_354 : vector<16xi32>
          %add3A_356 = arith.constant 16 : i32
          %add3A_357 = vector.broadcast %add3A_356 : i32 to vector<16xi32>
          %add3A_358 = arith.addi %add3A_352, %add3A_357 : vector<16xi32>
          %select_n3A_359 = arith.select %lt3A_355, %add3A_358, %add3A_352 : vector<16xi1>, vector<16xi32>
          %reshape3A_360 = vector.shape_cast %select_n3A_359 : vector<16xi32> to vector<16x1xi32>
          %gather3A_361 = vector.shape_cast %reshape3A_360 : vector<16x1xi32> to vector<16xi32>
          %gather3A_362 = tpu.dynamic_gather %get3A_299[%gather3A_361] in [0] : vector<16xf32>, vector<16xi32> -> vector<16xf32>
          %add3A_363 = arith.constant 0 : i32
          %add3A_364 = arith.addi %add3A_363, %scan3A_293 : i32
          %get3A_365 = arith.index_cast %add3A_364 : i32 to index
          %get3A_366 = arith.constant 32 : index
          %get3A_367 = tpu.vector_load %arg17[%get3A_365, %get3A_366] {strides = array<i32>} : memref<80x128xf32, #tpu.memory_space<vmem>>, vector<1x16xf32>,
          %get3A_368 = vector.shape_cast %get3A_367 : vector<1x16xf32> to vector<16xf32>
          %mul3A_369 = arith.mulf %get3A_368, %gather3A_362 : vector<16xf32>
          %add3A_370 = arith.constant 0 : i32
          %add3A_371 = arith.addi %add3A_370, %scan3A_293 : i32
          %swap3A_372 = arith.index_cast %add3A_371 : i32 to index
          %swap3A_373 = arith.constant 32 : index
          %swap3A_374 = tpu.vector_load %arg17[%swap3A_372, %swap3A_373] {strides = array<i32>} : memref<80x128xf32, #tpu.memory_space<vmem>>, vector<1x16xf32>,
          %swap3A_375 = vector.shape_cast %swap3A_374 : vector<1x16xf32> to vector<16xf32>
          %swap3A_376 = vector.shape_cast %mul3A_369 : vector<16xf32> to vector<1x16xf32>
          tpu.vector_store %arg17[%swap3A_372, %swap3A_373], %swap3A_376 {strides = array<i32>} : memref<80x128xf32, #tpu.memory_space<vmem>>, vector<1x16xf32>,
          %add3A_377 = arith.constant 3 : i32
          %add3A_378 = vector.broadcast %add3A_377 : i32 to vector<16xi32>
          %add3A_379 = arith.addi %broadcast_in_dim3A_2, %add3A_378 : vector<16xi32>
          %lt3A_380 = arith.constant 0 : i32
          %lt3A_381 = vector.broadcast %lt3A_380 : i32 to vector<16xi32>
          %lt3A_382 = arith.cmpi slt, %add3A_379, %lt3A_381 : vector<16xi32>
          %add3A_383 = arith.constant 16 : i32
          %add3A_384 = vector.broadcast %add3A_383 : i32 to vector<16xi32>
          %add3A_385 = arith.addi %add3A_379, %add3A_384 : vector<16xi32>
          %select_n3A_386 = arith.select %lt3A_382, %add3A_385, %add3A_379 : vector<16xi1>, vector<16xi32>
          %reshape3A_387 = vector.shape_cast %select_n3A_386 : vector<16xi32> to vector<16x1xi32>
          %gather3A_388 = vector.shape_cast %reshape3A_387 : vector<16x1xi32> to vector<16xi32>
          %gather3A_389 = tpu.dynamic_gather %get3A_299[%gather3A_388] in [0] : vector<16xf32>, vector<16xi32> -> vector<16xf32>
          %add3A_390 = arith.constant 0 : i32
          %add3A_391 = arith.addi %add3A_390, %scan3A_293 : i32
          %get3A_392 = arith.index_cast %add3A_391 : i32 to index
          %get3A_393 = arith.constant 48 : index
          %get3A_394 = tpu.vector_load %arg17[%get3A_392, %get3A_393] {strides = array<i32>} : memref<80x128xf32, #tpu.memory_space<vmem>>, vector<1x16xf32>,
          %get3A_395 = vector.shape_cast %get3A_394 : vector<1x16xf32> to vector<16xf32>
          %mul3A_396 = arith.mulf %get3A_395, %gather3A_389 : vector<16xf32>
          %add3A_397 = arith.constant 0 : i32
          %add3A_398 = arith.addi %add3A_397, %scan3A_293 : i32
          %swap3A_399 = arith.index_cast %add3A_398 : i32 to index
          %swap3A_400 = arith.constant 48 : index
          %swap3A_401 = tpu.vector_load %arg17[%swap3A_399, %swap3A_400] {strides = array<i32>} : memref<80x128xf32, #tpu.memory_space<vmem>>, vector<1x16xf32>,
          %swap3A_402 = vector.shape_cast %swap3A_401 : vector<1x16xf32> to vector<16xf32>
          %swap3A_403 = vector.shape_cast %mul3A_396 : vector<16xf32> to vector<1x16xf32>
          tpu.vector_store %arg17[%swap3A_399, %swap3A_400], %swap3A_403 {strides = array<i32>} : memref<80x128xf32, #tpu.memory_space<vmem>>, vector<1x16xf32>,
          %add3A_404 = arith.constant 4 : i32
          %add3A_405 = vector.broadcast %add3A_404 : i32 to vector<16xi32>
          %add3A_406 = arith.addi %broadcast_in_dim3A_2, %add3A_405 : vector<16xi32>
          %lt3A_407 = arith.constant 0 : i32
          %lt3A_408 = vector.broadcast %lt3A_407 : i32 to vector<16xi32>
          %lt3A_409 = arith.cmpi slt, %add3A_406, %lt3A_408 : vector<16xi32>
          %add3A_410 = arith.constant 16 : i32
          %add3A_411 = vector.broadcast %add3A_410 : i32 to vector<16xi32>
          %add3A_412 = arith.addi %add3A_406, %add3A_411 : vector<16xi32>
          %select_n3A_413 = arith.select %lt3A_409, %add3A_412, %add3A_406 : vector<16xi1>, vector<16xi32>
          %reshape3A_414 = vector.shape_cast %select_n3A_413 : vector<16xi32> to vector<16x1xi32>
          %gather3A_415 = vector.shape_cast %reshape3A_414 : vector<16x1xi32> to vector<16xi32>
          %gather3A_416 = tpu.dynamic_gather %get3A_299[%gather3A_415] in [0] : vector<16xf32>, vector<16xi32> -> vector<16xf32>
          %add3A_417 = arith.constant 0 : i32
          %add3A_418 = arith.addi %add3A_417, %scan3A_293 : i32
          %get3A_419 = arith.index_cast %add3A_418 : i32 to index
          %get3A_420 = arith.constant 64 : index
          %get3A_421 = tpu.vector_load %arg17[%get3A_419, %get3A_420] {strides = array<i32>} : memref<80x128xf32, #tpu.memory_space<vmem>>, vector<1x16xf32>,
          %get3A_422 = vector.shape_cast %get3A_421 : vector<1x16xf32> to vector<16xf32>
          %mul3A_423 = arith.mulf %get3A_422, %gather3A_416 : vector<16xf32>
          %add3A_424 = arith.constant 0 : i32
          %add3A_425 = arith.addi %add3A_424, %scan3A_293 : i32
          %swap3A_426 = arith.index_cast %add3A_425 : i32 to index
          %swap3A_427 = arith.constant 64 : index
          %swap3A_428 = tpu.vector_load %arg17[%swap3A_426, %swap3A_427] {strides = array<i32>} : memref<80x128xf32, #tpu.memory_space<vmem>>, vector<1x16xf32>,
          %swap3A_429 = vector.shape_cast %swap3A_428 : vector<1x16xf32> to vector<16xf32>
          %swap3A_430 = vector.shape_cast %mul3A_423 : vector<16xf32> to vector<1x16xf32>
          tpu.vector_store %arg17[%swap3A_426, %swap3A_427], %swap3A_430 {strides = array<i32>} : memref<80x128xf32, #tpu.memory_space<vmem>>, vector<1x16xf32>,
          %add3A_431 = arith.constant 5 : i32
          %add3A_432 = vector.broadcast %add3A_431 : i32 to vector<16xi32>
          %add3A_433 = arith.addi %broadcast_in_dim3A_2, %add3A_432 : vector<16xi32>
          %lt3A_434 = arith.constant 0 : i32
          %lt3A_435 = vector.broadcast %lt3A_434 : i32 to vector<16xi32>
          %lt3A_436 = arith.cmpi slt, %add3A_433, %lt3A_435 : vector<16xi32>
          %add3A_437 = arith.constant 16 : i32
          %add3A_438 = vector.broadcast %add3A_437 : i32 to vector<16xi32>
          %add3A_439 = arith.addi %add3A_433, %add3A_438 : vector<16xi32>
          %select_n3A_440 = arith.select %lt3A_436, %add3A_439, %add3A_433 : vector<16xi1>, vector<16xi32>
          %reshape3A_441 = vector.shape_cast %select_n3A_440 : vector<16xi32> to vector<16x1xi32>
          %gather3A_442 = vector.shape_cast %reshape3A_441 : vector<16x1xi32> to vector<16xi32>
          %gather3A_443 = tpu.dynamic_gather %get3A_299[%gather3A_442] in [0] : vector<16xf32>, vector<16xi32> -> vector<16xf32>
          %add3A_444 = arith.constant 0 : i32
          %add3A_445 = arith.addi %add3A_444, %scan3A_293 : i32
          %get3A_446 = arith.index_cast %add3A_445 : i32 to index
          %get3A_447 = arith.constant 80 : index
          %get3A_448 = tpu.vector_load %arg17[%get3A_446, %get3A_447] {strides = array<i32>} : memref<80x128xf32, #tpu.memory_space<vmem>>, vector<1x16xf32>,
          %get3A_449 = vector.shape_cast %get3A_448 : vector<1x16xf32> to vector<16xf32>
          %mul3A_450 = arith.mulf %get3A_449, %gather3A_443 : vector<16xf32>
          %add3A_451 = arith.constant 0 : i32
          %add3A_452 = arith.addi %add3A_451, %scan3A_293 : i32
          %swap3A_453 = arith.index_cast %add3A_452 : i32 to index
          %swap3A_454 = arith.constant 80 : index
          %swap3A_455 = tpu.vector_load %arg17[%swap3A_453, %swap3A_454] {strides = array<i32>} : memref<80x128xf32, #tpu.memory_space<vmem>>, vector<1x16xf32>,
          %swap3A_456 = vector.shape_cast %swap3A_455 : vector<1x16xf32> to vector<16xf32>
          %swap3A_457 = vector.shape_cast %mul3A_450 : vector<16xf32> to vector<1x16xf32>
          tpu.vector_store %arg17[%swap3A_453, %swap3A_454], %swap3A_457 {strides = array<i32>} : memref<80x128xf32, #tpu.memory_space<vmem>>, vector<1x16xf32>,
          %add3A_458 = arith.constant 6 : i32
          %add3A_459 = vector.broadcast %add3A_458 : i32 to vector<16xi32>
          %add3A_460 = arith.addi %broadcast_in_dim3A_2, %add3A_459 : vector<16xi32>
          %lt3A_461 = arith.constant 0 : i32
          %lt3A_462 = vector.broadcast %lt3A_461 : i32 to vector<16xi32>
          %lt3A_463 = arith.cmpi slt, %add3A_460, %lt3A_462 : vector<16xi32>
          %add3A_464 = arith.constant 16 : i32
          %add3A_465 = vector.broadcast %add3A_464 : i32 to vector<16xi32>
          %add3A_466 = arith.addi %add3A_460, %add3A_465 : vector<16xi32>
          %select_n3A_467 = arith.select %lt3A_463, %add3A_466, %add3A_460 : vector<16xi1>, vector<16xi32>
          %reshape3A_468 = vector.shape_cast %select_n3A_467 : vector<16xi32> to vector<16x1xi32>
          %gather3A_469 = vector.shape_cast %reshape3A_468 : vector<16x1xi32> to vector<16xi32>
          %gather3A_470 = tpu.dynamic_gather %get3A_299[%gather3A_469] in [0] : vector<16xf32>, vector<16xi32> -> vector<16xf32>
          %add3A_471 = arith.constant 0 : i32
          %add3A_472 = arith.addi %add3A_471, %scan3A_293 : i32
          %get3A_473 = arith.index_cast %add3A_472 : i32 to index
          %get3A_474 = arith.constant 96 : index
          %get3A_475 = tpu.vector_load %arg17[%get3A_473, %get3A_474] {strides = array<i32>} : memref<80x128xf32, #tpu.memory_space<vmem>>, vector<1x16xf32>,
          %get3A_476 = vector.shape_cast %get3A_475 : vector<1x16xf32> to vector<16xf32>
          %mul3A_477 = arith.mulf %get3A_476, %gather3A_470 : vector<16xf32>
          %add3A_478 = arith.constant 0 : i32
          %add3A_479 = arith.addi %add3A_478, %scan3A_293 : i32
          %swap3A_480 = arith.index_cast %add3A_479 : i32 to index
          %swap3A_481 = arith.constant 96 : index
          %swap3A_482 = tpu.vector_load %arg17[%swap3A_480, %swap3A_481] {strides = array<i32>} : memref<80x128xf32, #tpu.memory_space<vmem>>, vector<1x16xf32>,
          %swap3A_483 = vector.shape_cast %swap3A_482 : vector<1x16xf32> to vector<16xf32>
          %swap3A_484 = vector.shape_cast %mul3A_477 : vector<16xf32> to vector<1x16xf32>
          tpu.vector_store %arg17[%swap3A_480, %swap3A_481], %swap3A_484 {strides = array<i32>} : memref<80x128xf32, #tpu.memory_space<vmem>>, vector<1x16xf32>,
          %add3A_485 = arith.constant 7 : i32
          %add3A_486 = vector.broadcast %add3A_485 : i32 to vector<16xi32>
          %add3A_487 = arith.addi %broadcast_in_dim3A_2, %add3A_486 : vector<16xi32>
          %lt3A_488 = arith.constant 0 : i32
          %lt3A_489 = vector.broadcast %lt3A_488 : i32 to vector<16xi32>
          %lt3A_490 = arith.cmpi slt, %add3A_487, %lt3A_489 : vector<16xi32>
          %add3A_491 = arith.constant 16 : i32
          %add3A_492 = vector.broadcast %add3A_491 : i32 to vector<16xi32>
          %add3A_493 = arith.addi %add3A_487, %add3A_492 : vector<16xi32>
          %select_n3A_494 = arith.select %lt3A_490, %add3A_493, %add3A_487 : vector<16xi1>, vector<16xi32>
          %reshape3A_495 = vector.shape_cast %select_n3A_494 : vector<16xi32> to vector<16x1xi32>
          %gather3A_496 = vector.shape_cast %reshape3A_495 : vector<16x1xi32> to vector<16xi32>
          %gather3A_497 = tpu.dynamic_gather %get3A_299[%gather3A_496] in [0] : vector<16xf32>, vector<16xi32> -> vector<16xf32>
          %add3A_498 = arith.constant 0 : i32
          %add3A_499 = arith.addi %add3A_498, %scan3A_293 : i32
          %get3A_500 = arith.index_cast %add3A_499 : i32 to index
          %get3A_501 = arith.constant 112 : index
          %get3A_502 = tpu.vector_load %arg17[%get3A_500, %get3A_501] {strides = array<i32>} : memref<80x128xf32, #tpu.memory_space<vmem>>, vector<1x16xf32>,
          %get3A_503 = vector.shape_cast %get3A_502 : vector<1x16xf32> to vector<16xf32>
          %mul3A_504 = arith.mulf %get3A_503, %gather3A_497 : vector<16xf32>
          %add3A_505 = arith.constant 0 : i32
          %add3A_506 = arith.addi %add3A_505, %scan3A_293 : i32
          %swap3A_507 = arith.index_cast %add3A_506 : i32 to index
          %swap3A_508 = arith.constant 112 : index
          %swap3A_509 = tpu.vector_load %arg17[%swap3A_507, %swap3A_508] {strides = array<i32>} : memref<80x128xf32, #tpu.memory_space<vmem>>, vector<1x16xf32>,
          %swap3A_510 = vector.shape_cast %swap3A_509 : vector<1x16xf32> to vector<16xf32>
          %swap3A_511 = vector.shape_cast %mul3A_504 : vector<16xf32> to vector<1x16xf32>
          tpu.vector_store %arg17[%swap3A_507, %swap3A_508], %swap3A_511 {strides = array<i32>} : memref<80x128xf32, #tpu.memory_space<vmem>>, vector<1x16xf32>,
          %scan3A_512 = arith.constant 0 : i32
          scf.yield %scan3A_512 : i32
        }
        %scan3A_222 = arith.constant 40 : i32
        %dma_start3A_223 = arith.constant 0 : i32
        %dma_start3A_224 = arith.constant 0 : i32
        %dma_start3A_225 = tpu.memref_slice %arg17[%dma_start3A_223, %dma_start3A_224] : memref<80x128xf32, #tpu.memory_space<vmem>> -> memref<40x128xf32, #tpu.memory_space<vmem>>
        %dma_start3A_226 = arith.constant 0 : i32
        %dma_start3A_227 = arith.constant 0 : i32
        %dma_start3A_228 = tpu.memref_slice %arg9[%dma_start3A_226, %dma_start3A_227] : memref<10000x128xf32, #tpu.memory_space<vmem_shared>> -> memref<10000x128xf32, #tpu.memory_space<vmem_shared>>
        tpu.enqueue_indirect_dma source(%dma_start3A_225 : memref<40x128xf32, #tpu.memory_space<vmem>>) target(%dma_start3A_228 : memref<10000x128xf32, #tpu.memory_space<vmem_shared>>) offsets(%arg11 : memref<40xi32, #tpu.memory_space<vmem>>) semaphore(%arg19 : memref<!tpu.dma_semaphore, #tpu.memory_space<semaphore_mem>>) {add = true}
        %dma_wait3A_229 = tpu.memref_slice %arg5[%add3A_103] : memref<160000xi32, #tpu.memory_space<hbm>> -> memref<40xi32, #tpu.memory_space<hbm>>
        %dma_wait3A_230 = tpu.memref_slice %arg5[%add3A_103] : memref<160000xi32, #tpu.memory_space<hbm>> -> memref<40xi32, #tpu.memory_space<hbm>>
        tpu.wait_dma2 semaphore(%arg22 : memref<!tpu.dma_semaphore, #tpu.memory_space<semaphore_mem>>) src(%dma_wait3A_230 : memref<40xi32, #tpu.memory_space<hbm>>) dst(%arg12 : memref<40xi32, #tpu.memory_space<vmem>>)
        %dma_wait3A_231 = arith.constant 40 : i32
        %dma_wait3A_232 = arith.constant 0 : i32
        %dma_wait3A_233 = tpu.memref_slice %arg18[%dma_wait3A_231, %dma_wait3A_232] : memref<80x16xf32, #tpu.memory_space<vmem>> -> memref<40x16xf32, #tpu.memory_space<vmem>>
        %dma_wait3A_234 = arith.constant 0 : i32
        %dma_wait3A_235 = arith.constant 0 : i32
        %dma_wait3A_236 = tpu.memref_slice %arg7[%arg0, %dma_wait3A_234, %dma_wait3A_235] : memref<2x160000x16xf32, #tpu.memory_space<hbm>> -> memref<1x160000x16xf32, #tpu.memory_space<hbm>>
        %dma_wait3A_237 = tpu.memref_squeeze %dma_wait3A_236 : memref<1x160000x16xf32, #tpu.memory_space<hbm>> -> memref<160000x16xf32, #tpu.memory_space<hbm>>
        %dma_wait3A_238 = arith.constant 0 : i32
        %dma_wait3A_239 = tpu.memref_slice %dma_wait3A_237[%add3A_103, %dma_wait3A_238] : memref<160000x16xf32, #tpu.memory_space<hbm>> -> memref<40x16xf32, #tpu.memory_space<hbm>>
        %dma_wait3A_240 = arith.constant 40 : i32
        %dma_wait3A_241 = arith.constant 0 : i32
        %dma_wait3A_242 = tpu.memref_slice %arg18[%dma_wait3A_240, %dma_wait3A_241] : memref<80x16xf32, #tpu.memory_space<vmem>> -> memref<40x16xf32, #tpu.memory_space<vmem>>
        %dma_wait3A_243 = arith.constant 0 : i32
        %dma_wait3A_244 = arith.constant 0 : i32
        %dma_wait3A_245 = tpu.memref_slice %arg7[%arg0, %dma_wait3A_243, %dma_wait3A_244] : memref<2x160000x16xf32, #tpu.memory_space<hbm>> -> memref<1x160000x16xf32, #tpu.memory_space<hbm>>
        %dma_wait3A_246 = tpu.memref_squeeze %dma_wait3A_245 : memref<1x160000x16xf32, #tpu.memory_space<hbm>> -> memref<160000x16xf32, #tpu.memory_space<hbm>>
        %dma_wait3A_247 = arith.constant 0 : i32
        %dma_wait3A_248 = tpu.memref_slice %dma_wait3A_246[%add3A_103, %dma_wait3A_247] : memref<160000x16xf32, #tpu.memory_space<hbm>> -> memref<40x16xf32, #tpu.memory_space<hbm>>
        tpu.wait_dma2 semaphore(%arg23 : memref<!tpu.dma_semaphore, #tpu.memory_space<semaphore_mem>>) src(%dma_wait3A_248 : memref<40x16xf32, #tpu.memory_space<hbm>>) dst(%dma_wait3A_242 : memref<40x16xf32, #tpu.memory_space<vmem>>)
        %dma_wait3A_249 = arith.constant 40 : i32
        %dma_wait3A_250 = arith.constant 0 : i32
        %dma_wait3A_251 = tpu.memref_slice %arg17[%dma_wait3A_249, %dma_wait3A_250] : memref<80x128xf32, #tpu.memory_space<vmem>> -> memref<40x128xf32, #tpu.memory_space<vmem>>
        %dma_wait3A_252 = arith.constant 0 : i32
        %dma_wait3A_253 = arith.constant 0 : i32
        %dma_wait3A_254 = tpu.memref_slice %arg2[%add3A_62, %dma_wait3A_252, %dma_wait3A_253] : memref<3x160000x128xf32, #tpu.memory_space<hbm>> -> memref<1x160000x128xf32, #tpu.memory_space<hbm>>
        %dma_wait3A_255 = tpu.memref_squeeze %dma_wait3A_254 : memref<1x160000x128xf32, #tpu.memory_space<hbm>> -> memref<160000x128xf32, #tpu.memory_space<hbm>>
        %dma_wait3A_256 = arith.constant 0 : i32
        %dma_wait3A_257 = tpu.memref_slice %dma_wait3A_255[%add3A_103, %dma_wait3A_256] : memref<160000x128xf32, #tpu.memory_space<hbm>> -> memref<40x128xf32, #tpu.memory_space<hbm>>
        %dma_wait3A_258 = arith.constant 40 : i32
        %dma_wait3A_259 = arith.constant 0 : i32
        %dma_wait3A_260 = tpu.memref_slice %arg17[%dma_wait3A_258, %dma_wait3A_259] : memref<80x128xf32, #tpu.memory_space<vmem>> -> memref<40x128xf32, #tpu.memory_space<vmem>>
        %dma_wait3A_261 = arith.constant 0 : i32
        %dma_wait3A_262 = arith.constant 0 : i32
        %dma_wait3A_263 = tpu.memref_slice %arg2[%add3A_62, %dma_wait3A_261, %dma_wait3A_262] : memref<3x160000x128xf32, #tpu.memory_space<hbm>> -> memref<1x160000x128xf32, #tpu.memory_space<hbm>>
        %dma_wait3A_264 = tpu.memref_squeeze %dma_wait3A_263 : memref<1x160000x128xf32, #tpu.memory_space<hbm>> -> memref<160000x128xf32, #tpu.memory_space<hbm>>
        %dma_wait3A_265 = arith.constant 0 : i32
        %dma_wait3A_266 = tpu.memref_slice %dma_wait3A_264[%add3A_103, %dma_wait3A_265] : memref<160000x128xf32, #tpu.memory_space<hbm>> -> memref<40x128xf32, #tpu.memory_space<hbm>>
        tpu.wait_dma2 semaphore(%arg24 : memref<!tpu.dma_semaphore, #tpu.memory_space<semaphore_mem>>) src(%dma_wait3A_266 : memref<40x128xf32, #tpu.memory_space<hbm>>) dst(%dma_wait3A_260 : memref<40x128xf32, #tpu.memory_space<vmem>>)
        %scan3A_267 = arith.constant 0 : i32
        %scan3A_268 = arith.constant 0 : i32
        %scan3A_269 = arith.constant 40 : i32
        %scan3A_270 = arith.addi %scan3A_268, %scan3A_269 : i32
        %scan3A_271 = arith.constant 1 : i32
        %scan3A_272 = scf.for %scan3A_293 = %scan3A_268 to %scan3A_270 step %scan3A_271 iter_args(%scan3A_294 = %scan3A_267) -> (i32)  : i32 {
          %add3A_295 = arith.constant 40 : i32
          %add3A_296 = arith.addi %add3A_295, %scan3A_293 : i32
          %get3A = arith.index_cast %add3A_296 : i32 to index
          %get3A_297 = arith.constant 0 : index
          %get3A_298 = tpu.vector_load %arg18[%get3A, %get3A_297] {strides = array<i32>} : memref<80x16xf32, #tpu.memory_space<vmem>>, vector<1x16xf32>,
          %get3A_299 = vector.shape_cast %get3A_298 : vector<1x16xf32> to vector<16xf32>
          %add3A_300 = arith.constant 0 : i32
          %add3A_301 = vector.broadcast %add3A_300 : i32 to vector<16xi32>
          %add3A_302 = arith.addi %broadcast_in_dim3A_2, %add3A_301 : vector<16xi32>
          %lt3A_303 = arith.constant 0 : i32
          %lt3A_304 = vector.broadcast %lt3A_303 : i32 to vector<16xi32>
          %lt3A_305 = arith.cmpi slt, %add3A_302, %lt3A_304 : vector<16xi32>
          %add3A_306 = arith.constant 16 : i32
          %add3A_307 = vector.broadcast %add3A_306 : i32 to vector<16xi32>
          %add3A_308 = arith.addi %add3A_302, %add3A_307 : vector<16xi32>
          %select_n3A = arith.select %lt3A_305, %add3A_308, %add3A_302 : vector<16xi1>, vector<16xi32>
          %reshape3A = vector.shape_cast %select_n3A : vector<16xi32> to vector<16x1xi32>
          %gather3A = vector.shape_cast %reshape3A : vector<16x1xi32> to vector<16xi32>
          %gather3A_309 = tpu.dynamic_gather %get3A_299[%gather3A] in [0] : vector<16xf32>, vector<16xi32> -> vector<16xf32>
          %add3A_310 = arith.constant 40 : i32
          %add3A_311 = arith.addi %add3A_310, %scan3A_293 : i32
          %get3A_312 = arith.index_cast %add3A_311 : i32 to index
          %get3A_313 = arith.constant 0 : index
          %get3A_314 = tpu.vector_load %arg17[%get3A_312, %get3A_313] {strides = array<i32>} : memref<80x128xf32, #tpu.memory_space<vmem>>, vector<1x16xf32>,
          %get3A_315 = vector.shape_cast %get3A_314 : vector<1x16xf32> to vector<16xf32>
          %mul3A_316 = arith.mulf %get3A_315, %gather3A_309 : vector<16xf32>
          %add3A_317 = arith.constant 40 : i32
          %add3A_318 = arith.addi %add3A_317, %scan3A_293 : i32
          %swap3A = arith.index_cast %add3A_318 : i32 to index
          %swap3A_319 = arith.constant 0 : index
          %swap3A_320 = tpu.vector_load %arg17[%swap3A, %swap3A_319] {strides = array<i32>} : memref<80x128xf32, #tpu.memory_space<vmem>>, vector<1x16xf32>,
          %swap3A_321 = vector.shape_cast %swap3A_320 : vector<1x16xf32> to vector<16xf32>
          %swap3A_322 = vector.shape_cast %mul3A_316 : vector<16xf32> to vector<1x16xf32>
          tpu.vector_store %arg17[%swap3A, %swap3A_319], %swap3A_322 {strides = array<i32>} : memref<80x128xf32, #tpu.memory_space<vmem>>, vector<1x16xf32>,
          %add3A_323 = arith.constant 1 : i32
          %add3A_324 = vector.broadcast %add3A_323 : i32 to vector<16xi32>
          %add3A_325 = arith.addi %broadcast_in_dim3A_2, %add3A_324 : vector<16xi32>
          %lt3A_326 = arith.constant 0 : i32
          %lt3A_327 = vector.broadcast %lt3A_326 : i32 to vector<16xi32>
          %lt3A_328 = arith.cmpi slt, %add3A_325, %lt3A_327 : vector<16xi32>
          %add3A_329 = arith.constant 16 : i32
          %add3A_330 = vector.broadcast %add3A_329 : i32 to vector<16xi32>
          %add3A_331 = arith.addi %add3A_325, %add3A_330 : vector<16xi32>
          %select_n3A_332 = arith.select %lt3A_328, %add3A_331, %add3A_325 : vector<16xi1>, vector<16xi32>
          %reshape3A_333 = vector.shape_cast %select_n3A_332 : vector<16xi32> to vector<16x1xi32>
          %gather3A_334 = vector.shape_cast %reshape3A_333 : vector<16x1xi32> to vector<16xi32>
          %gather3A_335 = tpu.dynamic_gather %get3A_299[%gather3A_334] in [0] : vector<16xf32>, vector<16xi32> -> vector<16xf32>
          %add3A_336 = arith.constant 40 : i32
          %add3A_337 = arith.addi %add3A_336, %scan3A_293 : i32
          %get3A_338 = arith.index_cast %add3A_337 : i32 to index
          %get3A_339 = arith.constant 16 : index
          %get3A_340 = tpu.vector_load %arg17[%get3A_338, %get3A_339] {strides = array<i32>} : memref<80x128xf32, #tpu.memory_space<vmem>>, vector<1x16xf32>,
          %get3A_341 = vector.shape_cast %get3A_340 : vector<1x16xf32> to vector<16xf32>
          %mul3A_342 = arith.mulf %get3A_341, %gather3A_335 : vector<16xf32>
          %add3A_343 = arith.constant 40 : i32
          %add3A_344 = arith.addi %add3A_343, %scan3A_293 : i32
          %swap3A_345 = arith.index_cast %add3A_344 : i32 to index
          %swap3A_346 = arith.constant 16 : index
          %swap3A_347 = tpu.vector_load %arg17[%swap3A_345, %swap3A_346] {strides = array<i32>} : memref<80x128xf32, #tpu.memory_space<vmem>>, vector<1x16xf32>,
          %swap3A_348 = vector.shape_cast %swap3A_347 : vector<1x16xf32> to vector<16xf32>
          %swap3A_349 = vector.shape_cast %mul3A_342 : vector<16xf32> to vector<1x16xf32>
          tpu.vector_store %arg17[%swap3A_345, %swap3A_346], %swap3A_349 {strides = array<i32>} : memref<80x128xf32, #tpu.memory_space<vmem>>, vector<1x16xf32>,
          %add3A_350 = arith.constant 2 : i32
          %add3A_351 = vector.broadcast %add3A_350 : i32 to vector<16xi32>
          %add3A_352 = arith.addi %broadcast_in_dim3A_2, %add3A_351 : vector<16xi32>
          %lt3A_353 = arith.constant 0 : i32
          %lt3A_354 = vector.broadcast %lt3A_353 : i32 to vector<16xi32>
          %lt3A_355 = arith.cmpi slt, %add3A_352, %lt3A_354 : vector<16xi32>
          %add3A_356 = arith.constant 16 : i32
          %add3A_357 = vector.broadcast %add3A_356 : i32 to vector<16xi32>
          %add3A_358 = arith.addi %add3A_352, %add3A_357 : vector<16xi32>
          %select_n3A_359 = arith.select %lt3A_355, %add3A_358, %add3A_352 : vector<16xi1>, vector<16xi32>
          %reshape3A_360 = vector.shape_cast %select_n3A_359 : vector<16xi32> to vector<16x1xi32>
          %gather3A_361 = vector.shape_cast %reshape3A_360 : vector<16x1xi32> to vector<16xi32>
          %gather3A_362 = tpu.dynamic_gather %get3A_299[%gather3A_361] in [0] : vector<16xf32>, vector<16xi32> -> vector<16xf32>
          %add3A_363 = arith.constant 40 : i32
          %add3A_364 = arith.addi %add3A_363, %scan3A_293 : i32
          %get3A_365 = arith.index_cast %add3A_364 : i32 to index
          %get3A_366 = arith.constant 32 : index
          %get3A_367 = tpu.vector_load %arg17[%get3A_365, %get3A_366] {strides = array<i32>} : memref<80x128xf32, #tpu.memory_space<vmem>>, vector<1x16xf32>,
          %get3A_368 = vector.shape_cast %get3A_367 : vector<1x16xf32> to vector<16xf32>
          %mul3A_369 = arith.mulf %get3A_368, %gather3A_362 : vector<16xf32>
          %add3A_370 = arith.constant 40 : i32
          %add3A_371 = arith.addi %add3A_370, %scan3A_293 : i32
          %swap3A_372 = arith.index_cast %add3A_371 : i32 to index
          %swap3A_373 = arith.constant 32 : index
          %swap3A_374 = tpu.vector_load %arg17[%swap3A_372, %swap3A_373] {strides = array<i32>} : memref<80x128xf32, #tpu.memory_space<vmem>>, vector<1x16xf32>,
          %swap3A_375 = vector.shape_cast %swap3A_374 : vector<1x16xf32> to vector<16xf32>
          %swap3A_376 = vector.shape_cast %mul3A_369 : vector<16xf32> to vector<1x16xf32>
          tpu.vector_store %arg17[%swap3A_372, %swap3A_373], %swap3A_376 {strides = array<i32>} : memref<80x128xf32, #tpu.memory_space<vmem>>, vector<1x16xf32>,
          %add3A_377 = arith.constant 3 : i32
          %add3A_378 = vector.broadcast %add3A_377 : i32 to vector<16xi32>
          %add3A_379 = arith.addi %broadcast_in_dim3A_2, %add3A_378 : vector<16xi32>
          %lt3A_380 = arith.constant 0 : i32
          %lt3A_381 = vector.broadcast %lt3A_380 : i32 to vector<16xi32>
          %lt3A_382 = arith.cmpi slt, %add3A_379, %lt3A_381 : vector<16xi32>
          %add3A_383 = arith.constant 16 : i32
          %add3A_384 = vector.broadcast %add3A_383 : i32 to vector<16xi32>
          %add3A_385 = arith.addi %add3A_379, %add3A_384 : vector<16xi32>
          %select_n3A_386 = arith.select %lt3A_382, %add3A_385, %add3A_379 : vector<16xi1>, vector<16xi32>
          %reshape3A_387 = vector.shape_cast %select_n3A_386 : vector<16xi32> to vector<16x1xi32>
          %gather3A_388 = vector.shape_cast %reshape3A_387 : vector<16x1xi32> to vector<16xi32>
          %gather3A_389 = tpu.dynamic_gather %get3A_299[%gather3A_388] in [0] : vector<16xf32>, vector<16xi32> -> vector<16xf32>
          %add3A_390 = arith.constant 40 : i32
          %add3A_391 = arith.addi %add3A_390, %scan3A_293 : i32
          %get3A_392 = arith.index_cast %add3A_391 : i32 to index
          %get3A_393 = arith.constant 48 : index
          %get3A_394 = tpu.vector_load %arg17[%get3A_392, %get3A_393] {strides = array<i32>} : memref<80x128xf32, #tpu.memory_space<vmem>>, vector<1x16xf32>,
          %get3A_395 = vector.shape_cast %get3A_394 : vector<1x16xf32> to vector<16xf32>
          %mul3A_396 = arith.mulf %get3A_395, %gather3A_389 : vector<16xf32>
          %add3A_397 = arith.constant 40 : i32
          %add3A_398 = arith.addi %add3A_397, %scan3A_293 : i32
          %swap3A_399 = arith.index_cast %add3A_398 : i32 to index
          %swap3A_400 = arith.constant 48 : index
          %swap3A_401 = tpu.vector_load %arg17[%swap3A_399, %swap3A_400] {strides = array<i32>} : memref<80x128xf32, #tpu.memory_space<vmem>>, vector<1x16xf32>,
          %swap3A_402 = vector.shape_cast %swap3A_401 : vector<1x16xf32> to vector<16xf32>
          %swap3A_403 = vector.shape_cast %mul3A_396 : vector<16xf32> to vector<1x16xf32>
          tpu.vector_store %arg17[%swap3A_399, %swap3A_400], %swap3A_403 {strides = array<i32>} : memref<80x128xf32, #tpu.memory_space<vmem>>, vector<1x16xf32>,
          %add3A_404 = arith.constant 4 : i32
          %add3A_405 = vector.broadcast %add3A_404 : i32 to vector<16xi32>
          %add3A_406 = arith.addi %broadcast_in_dim3A_2, %add3A_405 : vector<16xi32>
          %lt3A_407 = arith.constant 0 : i32
          %lt3A_408 = vector.broadcast %lt3A_407 : i32 to vector<16xi32>
          %lt3A_409 = arith.cmpi slt, %add3A_406, %lt3A_408 : vector<16xi32>
          %add3A_410 = arith.constant 16 : i32
          %add3A_411 = vector.broadcast %add3A_410 : i32 to vector<16xi32>
          %add3A_412 = arith.addi %add3A_406, %add3A_411 : vector<16xi32>
          %select_n3A_413 = arith.select %lt3A_409, %add3A_412, %add3A_406 : vector<16xi1>, vector<16xi32>
          %reshape3A_414 = vector.shape_cast %select_n3A_413 : vector<16xi32> to vector<16x1xi32>
          %gather3A_415 = vector.shape_cast %reshape3A_414 : vector<16x1xi32> to vector<16xi32>
          %gather3A_416 = tpu.dynamic_gather %get3A_299[%gather3A_415] in [0] : vector<16xf32>, vector<16xi32> -> vector<16xf32>
          %add3A_417 = arith.constant 40 : i32
          %add3A_418 = arith.addi %add3A_417, %scan3A_293 : i32
          %get3A_419 = arith.index_cast %add3A_418 : i32 to index
          %get3A_420 = arith.constant 64 : index
          %get3A_421 = tpu.vector_load %arg17[%get3A_419, %get3A_420] {strides = array<i32>} : memref<80x128xf32, #tpu.memory_space<vmem>>, vector<1x16xf32>,
          %get3A_422 = vector.shape_cast %get3A_421 : vector<1x16xf32> to vector<16xf32>
          %mul3A_423 = arith.mulf %get3A_422, %gather3A_416 : vector<16xf32>
          %add3A_424 = arith.constant 40 : i32
          %add3A_425 = arith.addi %add3A_424, %scan3A_293 : i32
          %swap3A_426 = arith.index_cast %add3A_425 : i32 to index
          %swap3A_427 = arith.constant 64 : index
          %swap3A_428 = tpu.vector_load %arg17[%swap3A_426, %swap3A_427] {strides = array<i32>} : memref<80x128xf32, #tpu.memory_space<vmem>>, vector<1x16xf32>,
          %swap3A_429 = vector.shape_cast %swap3A_428 : vector<1x16xf32> to vector<16xf32>
          %swap3A_430 = vector.shape_cast %mul3A_423 : vector<16xf32> to vector<1x16xf32>
          tpu.vector_store %arg17[%swap3A_426, %swap3A_427], %swap3A_430 {strides = array<i32>} : memref<80x128xf32, #tpu.memory_space<vmem>>, vector<1x16xf32>,
          %add3A_431 = arith.constant 5 : i32
          %add3A_432 = vector.broadcast %add3A_431 : i32 to vector<16xi32>
          %add3A_433 = arith.addi %broadcast_in_dim3A_2, %add3A_432 : vector<16xi32>
          %lt3A_434 = arith.constant 0 : i32
          %lt3A_435 = vector.broadcast %lt3A_434 : i32 to vector<16xi32>
          %lt3A_436 = arith.cmpi slt, %add3A_433, %lt3A_435 : vector<16xi32>
          %add3A_437 = arith.constant 16 : i32
          %add3A_438 = vector.broadcast %add3A_437 : i32 to vector<16xi32>
          %add3A_439 = arith.addi %add3A_433, %add3A_438 : vector<16xi32>
          %select_n3A_440 = arith.select %lt3A_436, %add3A_439, %add3A_433 : vector<16xi1>, vector<16xi32>
          %reshape3A_441 = vector.shape_cast %select_n3A_440 : vector<16xi32> to vector<16x1xi32>
          %gather3A_442 = vector.shape_cast %reshape3A_441 : vector<16x1xi32> to vector<16xi32>
          %gather3A_443 = tpu.dynamic_gather %get3A_299[%gather3A_442] in [0] : vector<16xf32>, vector<16xi32> -> vector<16xf32>
          %add3A_444 = arith.constant 40 : i32
          %add3A_445 = arith.addi %add3A_444, %scan3A_293 : i32
          %get3A_446 = arith.index_cast %add3A_445 : i32 to index
          %get3A_447 = arith.constant 80 : index
          %get3A_448 = tpu.vector_load %arg17[%get3A_446, %get3A_447] {strides = array<i32>} : memref<80x128xf32, #tpu.memory_space<vmem>>, vector<1x16xf32>,
          %get3A_449 = vector.shape_cast %get3A_448 : vector<1x16xf32> to vector<16xf32>
          %mul3A_450 = arith.mulf %get3A_449, %gather3A_443 : vector<16xf32>
          %add3A_451 = arith.constant 40 : i32
          %add3A_452 = arith.addi %add3A_451, %scan3A_293 : i32
          %swap3A_453 = arith.index_cast %add3A_452 : i32 to index
          %swap3A_454 = arith.constant 80 : index
          %swap3A_455 = tpu.vector_load %arg17[%swap3A_453, %swap3A_454] {strides = array<i32>} : memref<80x128xf32, #tpu.memory_space<vmem>>, vector<1x16xf32>,
          %swap3A_456 = vector.shape_cast %swap3A_455 : vector<1x16xf32> to vector<16xf32>
          %swap3A_457 = vector.shape_cast %mul3A_450 : vector<16xf32> to vector<1x16xf32>
          tpu.vector_store %arg17[%swap3A_453, %swap3A_454], %swap3A_457 {strides = array<i32>} : memref<80x128xf32, #tpu.memory_space<vmem>>, vector<1x16xf32>,
          %add3A_458 = arith.constant 6 : i32
          %add3A_459 = vector.broadcast %add3A_458 : i32 to vector<16xi32>
          %add3A_460 = arith.addi %broadcast_in_dim3A_2, %add3A_459 : vector<16xi32>
          %lt3A_461 = arith.constant 0 : i32
          %lt3A_462 = vector.broadcast %lt3A_461 : i32 to vector<16xi32>
          %lt3A_463 = arith.cmpi slt, %add3A_460, %lt3A_462 : vector<16xi32>
          %add3A_464 = arith.constant 16 : i32
          %add3A_465 = vector.broadcast %add3A_464 : i32 to vector<16xi32>
          %add3A_466 = arith.addi %add3A_460, %add3A_465 : vector<16xi32>
          %select_n3A_467 = arith.select %lt3A_463, %add3A_466, %add3A_460 : vector<16xi1>, vector<16xi32>
          %reshape3A_468 = vector.shape_cast %select_n3A_467 : vector<16xi32> to vector<16x1xi32>
          %gather3A_469 = vector.shape_cast %reshape3A_468 : vector<16x1xi32> to vector<16xi32>
          %gather3A_470 = tpu.dynamic_gather %get3A_299[%gather3A_469] in [0] : vector<16xf32>, vector<16xi32> -> vector<16xf32>
          %add3A_471 = arith.constant 40 : i32
          %add3A_472 = arith.addi %add3A_471, %scan3A_293 : i32
          %get3A_473 = arith.index_cast %add3A_472 : i32 to index
          %get3A_474 = arith.constant 96 : index
          %get3A_475 = tpu.vector_load %arg17[%get3A_473, %get3A_474] {strides = array<i32>} : memref<80x128xf32, #tpu.memory_space<vmem>>, vector<1x16xf32>,
          %get3A_476 = vector.shape_cast %get3A_475 : vector<1x16xf32> to vector<16xf32>
          %mul3A_477 = arith.mulf %get3A_476, %gather3A_470 : vector<16xf32>
          %add3A_478 = arith.constant 40 : i32
          %add3A_479 = arith.addi %add3A_478, %scan3A_293 : i32
          %swap3A_480 = arith.index_cast %add3A_479 : i32 to index
          %swap3A_481 = arith.constant 96 : index
          %swap3A_482 = tpu.vector_load %arg17[%swap3A_480, %swap3A_481] {strides = array<i32>} : memref<80x128xf32, #tpu.memory_space<vmem>>, vector<1x16xf32>,
          %swap3A_483 = vector.shape_cast %swap3A_482 : vector<1x16xf32> to vector<16xf32>
          %swap3A_484 = vector.shape_cast %mul3A_477 : vector<16xf32> to vector<1x16xf32>
          tpu.vector_store %arg17[%swap3A_480, %swap3A_481], %swap3A_484 {strides = array<i32>} : memref<80x128xf32, #tpu.memory_space<vmem>>, vector<1x16xf32>,
          %add3A_485 = arith.constant 7 : i32
          %add3A_486 = vector.broadcast %add3A_485 : i32 to vector<16xi32>
          %add3A_487 = arith.addi %broadcast_in_dim3A_2, %add3A_486 : vector<16xi32>
          %lt3A_488 = arith.constant 0 : i32
          %lt3A_489 = vector.broadcast %lt3A_488 : i32 to vector<16xi32>
          %lt3A_490 = arith.cmpi slt, %add3A_487, %lt3A_489 : vector<16xi32>
          %add3A_491 = arith.constant 16 : i32
          %add3A_492 = vector.broadcast %add3A_491 : i32 to vector<16xi32>
          %add3A_493 = arith.addi %add3A_487, %add3A_492 : vector<16xi32>
          %select_n3A_494 = arith.select %lt3A_490, %add3A_493, %add3A_487 : vector<16xi1>, vector<16xi32>
          %reshape3A_495 = vector.shape_cast %select_n3A_494 : vector<16xi32> to vector<16x1xi32>
          %gather3A_496 = vector.shape_cast %reshape3A_495 : vector<16x1xi32> to vector<16xi32>
          %gather3A_497 = tpu.dynamic_gather %get3A_299[%gather3A_496] in [0] : vector<16xf32>, vector<16xi32> -> vector<16xf32>
          %add3A_498 = arith.constant 40 : i32
          %add3A_499 = arith.addi %add3A_498, %scan3A_293 : i32
          %get3A_500 = arith.index_cast %add3A_499 : i32 to index
          %get3A_501 = arith.constant 112 : index
          %get3A_502 = tpu.vector_load %arg17[%get3A_500, %get3A_501] {strides = array<i32>} : memref<80x128xf32, #tpu.memory_space<vmem>>, vector<1x16xf32>,
          %get3A_503 = vector.shape_cast %get3A_502 : vector<1x16xf32> to vector<16xf32>
          %mul3A_504 = arith.mulf %get3A_503, %gather3A_497 : vector<16xf32>
          %add3A_505 = arith.constant 40 : i32
          %add3A_506 = arith.addi %add3A_505, %scan3A_293 : i32
          %swap3A_507 = arith.index_cast %add3A_506 : i32 to index
          %swap3A_508 = arith.constant 112 : index
          %swap3A_509 = tpu.vector_load %arg17[%swap3A_507, %swap3A_508] {strides = array<i32>} : memref<80x128xf32, #tpu.memory_space<vmem>>, vector<1x16xf32>,
          %swap3A_510 = vector.shape_cast %swap3A_509 : vector<1x16xf32> to vector<16xf32>
          %swap3A_511 = vector.shape_cast %mul3A_504 : vector<16xf32> to vector<1x16xf32>
          tpu.vector_store %arg17[%swap3A_507, %swap3A_508], %swap3A_511 {strides = array<i32>} : memref<80x128xf32, #tpu.memory_space<vmem>>, vector<1x16xf32>,
          %scan3A_512 = arith.constant 0 : i32
          scf.yield %scan3A_512 : i32
        }
        %scan3A_273 = arith.constant 40 : i32
        %dma_start3A_274 = arith.constant 40 : i32
        %dma_start3A_275 = arith.constant 0 : i32
        %dma_start3A_276 = tpu.memref_slice %arg17[%dma_start3A_274, %dma_start3A_275] : memref<80x128xf32, #tpu.memory_space<vmem>> -> memref<40x128xf32, #tpu.memory_space<vmem>>
        %dma_start3A_277 = arith.constant 0 : i32
        %dma_start3A_278 = arith.constant 0 : i32
        %dma_start3A_279 = tpu.memref_slice %arg9[%dma_start3A_277, %dma_start3A_278] : memref<10000x128xf32, #tpu.memory_space<vmem_shared>> -> memref<10000x128xf32, #tpu.memory_space<vmem_shared>>
        tpu.enqueue_indirect_dma source(%dma_start3A_276 : memref<40x128xf32, #tpu.memory_space<vmem>>) target(%dma_start3A_279 : memref<10000x128xf32, #tpu.memory_space<vmem_shared>>) offsets(%arg12 : memref<40xi32, #tpu.memory_space<vmem>>) semaphore(%arg20 : memref<!tpu.dma_semaphore, #tpu.memory_space<semaphore_mem>>) {add = true}
        %dma_wait3A_280 = arith.constant 0 : i32
        %dma_wait3A_281 = arith.constant 0 : i32
        %dma_wait3A_282 = tpu.memref_slice %arg17[%dma_wait3A_280, %dma_wait3A_281] : memref<80x128xf32, #tpu.memory_space<vmem>> -> memref<40x128xf32, #tpu.memory_space<vmem>>
        %dma_wait3A_283 = arith.constant 0 : i32
        %dma_wait3A_284 = arith.constant 0 : i32
        %dma_wait3A_285 = tpu.memref_slice %arg9[%dma_wait3A_283, %dma_wait3A_284] : memref<10000x128xf32, #tpu.memory_space<vmem_shared>> -> memref<10000x128xf32, #tpu.memory_space<vmem_shared>>
        tpu.wait_indirect_dma semaphore(%arg19 : memref<!tpu.dma_semaphore, #tpu.memory_space<semaphore_mem>>) src(%dma_wait3A_282 : memref<40x128xf32, #tpu.memory_space<vmem>>) dst(%dma_wait3A_285 : memref<10000x128xf32, #tpu.memory_space<vmem_shared>>)
        %dma_wait3A_286 = arith.constant 40 : i32
        %dma_wait3A_287 = arith.constant 0 : i32
        %dma_wait3A_288 = tpu.memref_slice %arg17[%dma_wait3A_286, %dma_wait3A_287] : memref<80x128xf32, #tpu.memory_space<vmem>> -> memref<40x128xf32, #tpu.memory_space<vmem>>
        %dma_wait3A_289 = arith.constant 0 : i32
        %dma_wait3A_290 = arith.constant 0 : i32
        %dma_wait3A_291 = tpu.memref_slice %arg9[%dma_wait3A_289, %dma_wait3A_290] : memref<10000x128xf32, #tpu.memory_space<vmem_shared>> -> memref<10000x128xf32, #tpu.memory_space<vmem_shared>>
        tpu.wait_indirect_dma semaphore(%arg20 : memref<!tpu.dma_semaphore, #tpu.memory_space<semaphore_mem>>) src(%dma_wait3A_288 : memref<40x128xf32, #tpu.memory_space<vmem>>) dst(%dma_wait3A_291 : memref<10000x128xf32, #tpu.memory_space<vmem_shared>>)
        %scan3A_292 = arith.constant 0 : i32
        scf.yield %scan3A_292 : i32
      }
      %scan3A_94 = arith.constant 125 : i32
    } else {
    }
    %barrier3A_83 = arith.constant 0 : index
    tpu.barrier barrier_id(%barrier3A_83)
    %convert_element_type3A_84 = arith.extui %lt3A_64 : i1 to i32
    %cond3A_85 = arith.constant 0 : i32
    %cond3A_86 = arith.cmpi ne, %convert_element_type3A_84, %cond3A_85 : i32
    scf.if %cond3A_86 {
      %scan3A_88 = arith.constant 0 : i32
      %scan3A_89 = arith.constant 0 : i32
      %scan3A_90 = arith.constant 16 : i32
      %scan3A_91 = arith.addi %scan3A_89, %scan3A_90 : i32
      %scan3A_92 = arith.constant 1 : i32
      %scan3A_93 = scf.for %scan3A_95 = %scan3A_89 to %scan3A_91 step %scan3A_92 iter_args(%scan3A_96 = %scan3A_88) -> (i32)  : i32 {
        %mul3A_97 = arith.constant 16 : i32
        %mul3A_98 = arith.muli %scan3A_95, %mul3A_97 : i32
        %add3A_99 = arith.addi %mul3A_98, %arg1 : i32
        %lt3A_100 = arith.constant 250 : i32
        %lt3A_101 = arith.cmpi slt, %add3A_99, %lt3A_100 : i32
        %convert_element_type3A_102 = arith.extui %lt3A_101 : i1 to i32
        %cond3A_103 = arith.constant 0 : i32
        %cond3A_104 = arith.cmpi ne, %convert_element_type3A_102, %cond3A_103 : i32
        scf.if %cond3A_104 {
          %mul3A_106 = arith.constant 40 : i32
          %mul3A_107 = arith.muli %add3A_99, %mul3A_106 : i32
          "tpu.region"() ({
            %run_scoped3A = tpu.sem_alloc : memref<!tpu.dma_semaphore, #tpu.memory_space<semaphore_mem>>
            %dma_start3A = arith.constant 0 : i32
            %dma_start3A_115 = tpu.memref_slice %arg9[%mul3A_107, %dma_start3A] : memref<10000x128xf32, #tpu.memory_space<vmem_shared>> -> memref<40x128xf32, #tpu.memory_space<vmem_shared>>
            %dma_start3A_116 = arith.constant 0 : i32
            %dma_start3A_117 = tpu.memref_slice %arg9[%mul3A_107, %dma_start3A_116] : memref<10000x128xf32, #tpu.memory_space<vmem_shared>> -> memref<40x128xf32, #tpu.memory_space<vmem_shared>>
            tpu.enqueue_dma source(%dma_start3A_117 : memref<40x128xf32, #tpu.memory_space<vmem_shared>>) target(%arg15 : memref<40x128xf32, #tpu.memory_space<vmem>>) target_semaphore(%run_scoped3A : memref<!tpu.dma_semaphore, #tpu.memory_space<semaphore_mem>>)
            %dma_wait3A = arith.constant 0 : i32
            %dma_wait3A_118 = tpu.memref_slice %arg9[%mul3A_107, %dma_wait3A] : memref<10000x128xf32, #tpu.memory_space<vmem_shared>> -> memref<40x128xf32, #tpu.memory_space<vmem_shared>>
            %dma_wait3A_119 = arith.constant 0 : i32
            %dma_wait3A_120 = tpu.memref_slice %arg9[%mul3A_107, %dma_wait3A_119] : memref<10000x128xf32, #tpu.memory_space<vmem_shared>> -> memref<40x128xf32, #tpu.memory_space<vmem_shared>>
            tpu.wait_dma2 semaphore(%run_scoped3A : memref<!tpu.dma_semaphore, #tpu.memory_space<semaphore_mem>>) src(%dma_wait3A_120 : memref<40x128xf32, #tpu.memory_space<vmem_shared>>) dst(%arg15 : memref<40x128xf32, #tpu.memory_space<vmem>>)
            tpu.yield
          }) : () -> ()
          "tpu.region"() ({
            %run_scoped3A = tpu.sem_alloc : memref<!tpu.dma_semaphore, #tpu.memory_space<semaphore_mem>>
            %dma_start3A = arith.constant 0 : i32
            %dma_start3A_115 = arith.constant 0 : i32
            %dma_start3A_116 = tpu.memref_slice %arg8[%arg0, %dma_start3A, %dma_start3A_115] : memref<2x10000x128xf32, #tpu.memory_space<hbm>> -> memref<1x10000x128xf32, #tpu.memory_space<hbm>>
            %dma_start3A_117 = tpu.memref_squeeze %dma_start3A_116 : memref<1x10000x128xf32, #tpu.memory_space<hbm>> -> memref<10000x128xf32, #tpu.memory_space<hbm>>
            %dma_start3A_118 = arith.constant 0 : i32
            %dma_start3A_119 = tpu.memref_slice %dma_start3A_117[%mul3A_107, %dma_start3A_118] : memref<10000x128xf32, #tpu.memory_space<hbm>> -> memref<40x128xf32, #tpu.memory_space<hbm>>
            %dma_start3A_120 = arith.constant 0 : i32
            %dma_start3A_121 = arith.constant 0 : i32
            %dma_start3A_122 = tpu.memref_slice %arg8[%arg0, %dma_start3A_120, %dma_start3A_121] : memref<2x10000x128xf32, #tpu.memory_space<hbm>> -> memref<1x10000x128xf32, #tpu.memory_space<hbm>>
            %dma_start3A_123 = tpu.memref_squeeze %dma_start3A_122 : memref<1x10000x128xf32, #tpu.memory_space<hbm>> -> memref<10000x128xf32, #tpu.memory_space<hbm>>
            %dma_start3A_124 = arith.constant 0 : i32
            %dma_start3A_125 = tpu.memref_slice %dma_start3A_123[%mul3A_107, %dma_start3A_124] : memref<10000x128xf32, #tpu.memory_space<hbm>> -> memref<40x128xf32, #tpu.memory_space<hbm>>
            tpu.enqueue_dma source(%dma_start3A_125 : memref<40x128xf32, #tpu.memory_space<hbm>>) target(%arg16 : memref<40x128xf32, #tpu.memory_space<vmem>>) target_semaphore(%run_scoped3A : memref<!tpu.dma_semaphore, #tpu.memory_space<semaphore_mem>>)
            %dma_wait3A = arith.constant 0 : i32
            %dma_wait3A_126 = arith.constant 0 : i32
            %dma_wait3A_127 = tpu.memref_slice %arg8[%arg0, %dma_wait3A, %dma_wait3A_126] : memref<2x10000x128xf32, #tpu.memory_space<hbm>> -> memref<1x10000x128xf32, #tpu.memory_space<hbm>>
            %dma_wait3A_128 = tpu.memref_squeeze %dma_wait3A_127 : memref<1x10000x128xf32, #tpu.memory_space<hbm>> -> memref<10000x128xf32, #tpu.memory_space<hbm>>
            %dma_wait3A_129 = arith.constant 0 : i32
            %dma_wait3A_130 = tpu.memref_slice %dma_wait3A_128[%mul3A_107, %dma_wait3A_129] : memref<10000x128xf32, #tpu.memory_space<hbm>> -> memref<40x128xf32, #tpu.memory_space<hbm>>
            %dma_wait3A_131 = arith.constant 0 : i32
            %dma_wait3A_132 = arith.constant 0 : i32
            %dma_wait3A_133 = tpu.memref_slice %arg8[%arg0, %dma_wait3A_131, %dma_wait3A_132] : memref<2x10000x128xf32, #tpu.memory_space<hbm>> -> memref<1x10000x128xf32, #tpu.memory_space<hbm>>
            %dma_wait3A_134 = tpu.memref_squeeze %dma_wait3A_133 : memref<1x10000x128xf32, #tpu.memory_space<hbm>> -> memref<10000x128xf32, #tpu.memory_space<hbm>>
            %dma_wait3A_135 = arith.constant 0 : i32
            %dma_wait3A_136 = tpu.memref_slice %dma_wait3A_134[%mul3A_107, %dma_wait3A_135] : memref<10000x128xf32, #tpu.memory_space<hbm>> -> memref<40x128xf32, #tpu.memory_space<hbm>>
            tpu.wait_dma2 semaphore(%run_scoped3A : memref<!tpu.dma_semaphore, #tpu.memory_space<semaphore_mem>>) src(%dma_wait3A_136 : memref<40x128xf32, #tpu.memory_space<hbm>>) dst(%arg16 : memref<40x128xf32, #tpu.memory_space<vmem>>)
            tpu.yield
          }) : () -> ()
          %scan3A_108 = arith.constant 0 : i32
          %scan3A_109 = arith.constant 0 : i32
          %scan3A_110 = arith.constant 40 : i32
          %scan3A_111 = arith.addi %scan3A_109, %scan3A_110 : i32
          %scan3A_112 = arith.constant 1 : i32
          %scan3A_113 = scf.for %scan3A_115 = %scan3A_109 to %scan3A_111 step %scan3A_112 iter_args(%scan3A_116 = %scan3A_108) -> (i32)  : i32 {
            %get3A = arith.index_cast %scan3A_115 : i32 to index
            %get3A_117 = arith.constant 0 : index
            %get3A_118 = tpu.vector_load %arg16[%get3A, %get3A_117] {strides = array<i32>} : memref<40x128xf32, #tpu.memory_space<vmem>>, vector<1x16xf32>,
            %get3A_119 = vector.shape_cast %get3A_118 : vector<1x16xf32> to vector<16xf32>
            %add3A_120 = arith.constant 0 : i32
            %add3A_121 = vector.broadcast %add3A_120 : i32 to vector<16xi32>
            %add3A_122 = arith.addi %broadcast_in_dim3A_2, %add3A_121 : vector<16xi32>
            %lt3A_123 = arith.constant 0 : i32
            %lt3A_124 = vector.broadcast %lt3A_123 : i32 to vector<16xi32>
            %lt3A_125 = arith.cmpi slt, %add3A_122, %lt3A_124 : vector<16xi32>
            %add3A_126 = arith.constant 16 : i32
            %add3A_127 = vector.broadcast %add3A_126 : i32 to vector<16xi32>
            %add3A_128 = arith.addi %add3A_122, %add3A_127 : vector<16xi32>
            %select_n3A = arith.select %lt3A_125, %add3A_128, %add3A_122 : vector<16xi1>, vector<16xi32>
            %reshape3A = vector.shape_cast %select_n3A : vector<16xi32> to vector<16x1xi32>
            %gather3A = vector.shape_cast %reshape3A : vector<16x1xi32> to vector<16xi32>
            %gather3A_129 = tpu.dynamic_gather %get3A_119[%gather3A] in [0] : vector<16xf32>, vector<16xi32> -> vector<16xf32>
            %gt3A = arith.constant 0.000000e+00 : f32
            %gt3A_130 = vector.broadcast %gt3A : f32 to vector<16xf32>
            %gt3A_131 = arith.cmpf ogt, %gather3A_129, %gt3A_130 : vector<16xf32>
            %jit3A = arith.constant 1.000000e+00 : f32
            %broadcast_in_dim3A_132 = vector.broadcast %jit3A : f32 to vector<16xf32>
            %select_n3A_133 = arith.select %gt3A_131, %gather3A_129, %broadcast_in_dim3A_132 : vector<16xi1>, vector<16xf32>
            %get3A_134 = arith.index_cast %scan3A_115 : i32 to index
            %get3A_135 = arith.constant 0 : index
            %get3A_136 = tpu.vector_load %arg15[%get3A_134, %get3A_135] {strides = array<i32>} : memref<40x128xf32, #tpu.memory_space<vmem>>, vector<1x16xf32>,
            %get3A_137 = vector.shape_cast %get3A_136 : vector<1x16xf32> to vector<16xf32>
            %div3A = arith.divf %get3A_137, %select_n3A_133 : vector<16xf32>
            %swap3A = arith.index_cast %scan3A_115 : i32 to index
            %swap3A_138 = arith.constant 0 : index
            %swap3A_139 = tpu.vector_load %arg15[%swap3A, %swap3A_138] {strides = array<i32>} : memref<40x128xf32, #tpu.memory_space<vmem>>, vector<1x16xf32>,
            %swap3A_140 = vector.shape_cast %swap3A_139 : vector<1x16xf32> to vector<16xf32>
            %swap3A_141 = vector.shape_cast %div3A : vector<16xf32> to vector<1x16xf32>
            tpu.vector_store %arg15[%swap3A, %swap3A_138], %swap3A_141 {strides = array<i32>} : memref<40x128xf32, #tpu.memory_space<vmem>>, vector<1x16xf32>,
            %add3A_142 = arith.constant 1 : i32
            %add3A_143 = vector.broadcast %add3A_142 : i32 to vector<16xi32>
            %add3A_144 = arith.addi %broadcast_in_dim3A_2, %add3A_143 : vector<16xi32>
            %lt3A_145 = arith.constant 0 : i32
            %lt3A_146 = vector.broadcast %lt3A_145 : i32 to vector<16xi32>
            %lt3A_147 = arith.cmpi slt, %add3A_144, %lt3A_146 : vector<16xi32>
            %add3A_148 = arith.constant 16 : i32
            %add3A_149 = vector.broadcast %add3A_148 : i32 to vector<16xi32>
            %add3A_150 = arith.addi %add3A_144, %add3A_149 : vector<16xi32>
            %select_n3A_151 = arith.select %lt3A_147, %add3A_150, %add3A_144 : vector<16xi1>, vector<16xi32>
            %reshape3A_152 = vector.shape_cast %select_n3A_151 : vector<16xi32> to vector<16x1xi32>
            %gather3A_153 = vector.shape_cast %reshape3A_152 : vector<16x1xi32> to vector<16xi32>
            %gather3A_154 = tpu.dynamic_gather %get3A_119[%gather3A_153] in [0] : vector<16xf32>, vector<16xi32> -> vector<16xf32>
            %gt3A_155 = arith.constant 0.000000e+00 : f32
            %gt3A_156 = vector.broadcast %gt3A_155 : f32 to vector<16xf32>
            %gt3A_157 = arith.cmpf ogt, %gather3A_154, %gt3A_156 : vector<16xf32>
            %jit3A_158 = arith.constant 1.000000e+00 : f32
            %broadcast_in_dim3A_159 = vector.broadcast %jit3A_158 : f32 to vector<16xf32>
            %select_n3A_160 = arith.select %gt3A_157, %gather3A_154, %broadcast_in_dim3A_159 : vector<16xi1>, vector<16xf32>
            %get3A_161 = arith.index_cast %scan3A_115 : i32 to index
            %get3A_162 = arith.constant 16 : index
            %get3A_163 = tpu.vector_load %arg15[%get3A_161, %get3A_162] {strides = array<i32>} : memref<40x128xf32, #tpu.memory_space<vmem>>, vector<1x16xf32>,
            %get3A_164 = vector.shape_cast %get3A_163 : vector<1x16xf32> to vector<16xf32>
            %div3A_165 = arith.divf %get3A_164, %select_n3A_160 : vector<16xf32>
            %swap3A_166 = arith.index_cast %scan3A_115 : i32 to index
            %swap3A_167 = arith.constant 16 : index
            %swap3A_168 = tpu.vector_load %arg15[%swap3A_166, %swap3A_167] {strides = array<i32>} : memref<40x128xf32, #tpu.memory_space<vmem>>, vector<1x16xf32>,
            %swap3A_169 = vector.shape_cast %swap3A_168 : vector<1x16xf32> to vector<16xf32>
            %swap3A_170 = vector.shape_cast %div3A_165 : vector<16xf32> to vector<1x16xf32>
            tpu.vector_store %arg15[%swap3A_166, %swap3A_167], %swap3A_170 {strides = array<i32>} : memref<40x128xf32, #tpu.memory_space<vmem>>, vector<1x16xf32>,
            %add3A_171 = arith.constant 2 : i32
            %add3A_172 = vector.broadcast %add3A_171 : i32 to vector<16xi32>
            %add3A_173 = arith.addi %broadcast_in_dim3A_2, %add3A_172 : vector<16xi32>
            %lt3A_174 = arith.constant 0 : i32
            %lt3A_175 = vector.broadcast %lt3A_174 : i32 to vector<16xi32>
            %lt3A_176 = arith.cmpi slt, %add3A_173, %lt3A_175 : vector<16xi32>
            %add3A_177 = arith.constant 16 : i32
            %add3A_178 = vector.broadcast %add3A_177 : i32 to vector<16xi32>
            %add3A_179 = arith.addi %add3A_173, %add3A_178 : vector<16xi32>
            %select_n3A_180 = arith.select %lt3A_176, %add3A_179, %add3A_173 : vector<16xi1>, vector<16xi32>
            %reshape3A_181 = vector.shape_cast %select_n3A_180 : vector<16xi32> to vector<16x1xi32>
            %gather3A_182 = vector.shape_cast %reshape3A_181 : vector<16x1xi32> to vector<16xi32>
            %gather3A_183 = tpu.dynamic_gather %get3A_119[%gather3A_182] in [0] : vector<16xf32>, vector<16xi32> -> vector<16xf32>
            %gt3A_184 = arith.constant 0.000000e+00 : f32
            %gt3A_185 = vector.broadcast %gt3A_184 : f32 to vector<16xf32>
            %gt3A_186 = arith.cmpf ogt, %gather3A_183, %gt3A_185 : vector<16xf32>
            %jit3A_187 = arith.constant 1.000000e+00 : f32
            %broadcast_in_dim3A_188 = vector.broadcast %jit3A_187 : f32 to vector<16xf32>
            %select_n3A_189 = arith.select %gt3A_186, %gather3A_183, %broadcast_in_dim3A_188 : vector<16xi1>, vector<16xf32>
            %get3A_190 = arith.index_cast %scan3A_115 : i32 to index
            %get3A_191 = arith.constant 32 : index
            %get3A_192 = tpu.vector_load %arg15[%get3A_190, %get3A_191] {strides = array<i32>} : memref<40x128xf32, #tpu.memory_space<vmem>>, vector<1x16xf32>,
            %get3A_193 = vector.shape_cast %get3A_192 : vector<1x16xf32> to vector<16xf32>
            %div3A_194 = arith.divf %get3A_193, %select_n3A_189 : vector<16xf32>
            %swap3A_195 = arith.index_cast %scan3A_115 : i32 to index
            %swap3A_196 = arith.constant 32 : index
            %swap3A_197 = tpu.vector_load %arg15[%swap3A_195, %swap3A_196] {strides = array<i32>} : memref<40x128xf32, #tpu.memory_space<vmem>>, vector<1x16xf32>,
            %swap3A_198 = vector.shape_cast %swap3A_197 : vector<1x16xf32> to vector<16xf32>
            %swap3A_199 = vector.shape_cast %div3A_194 : vector<16xf32> to vector<1x16xf32>
            tpu.vector_store %arg15[%swap3A_195, %swap3A_196], %swap3A_199 {strides = array<i32>} : memref<40x128xf32, #tpu.memory_space<vmem>>, vector<1x16xf32>,
            %add3A_200 = arith.constant 3 : i32
            %add3A_201 = vector.broadcast %add3A_200 : i32 to vector<16xi32>
            %add3A_202 = arith.addi %broadcast_in_dim3A_2, %add3A_201 : vector<16xi32>
            %lt3A_203 = arith.constant 0 : i32
            %lt3A_204 = vector.broadcast %lt3A_203 : i32 to vector<16xi32>
            %lt3A_205 = arith.cmpi slt, %add3A_202, %lt3A_204 : vector<16xi32>
            %add3A_206 = arith.constant 16 : i32
            %add3A_207 = vector.broadcast %add3A_206 : i32 to vector<16xi32>
            %add3A_208 = arith.addi %add3A_202, %add3A_207 : vector<16xi32>
            %select_n3A_209 = arith.select %lt3A_205, %add3A_208, %add3A_202 : vector<16xi1>, vector<16xi32>
            %reshape3A_210 = vector.shape_cast %select_n3A_209 : vector<16xi32> to vector<16x1xi32>
            %gather3A_211 = vector.shape_cast %reshape3A_210 : vector<16x1xi32> to vector<16xi32>
            %gather3A_212 = tpu.dynamic_gather %get3A_119[%gather3A_211] in [0] : vector<16xf32>, vector<16xi32> -> vector<16xf32>
            %gt3A_213 = arith.constant 0.000000e+00 : f32
            %gt3A_214 = vector.broadcast %gt3A_213 : f32 to vector<16xf32>
            %gt3A_215 = arith.cmpf ogt, %gather3A_212, %gt3A_214 : vector<16xf32>
            %jit3A_216 = arith.constant 1.000000e+00 : f32
            %broadcast_in_dim3A_217 = vector.broadcast %jit3A_216 : f32 to vector<16xf32>
            %select_n3A_218 = arith.select %gt3A_215, %gather3A_212, %broadcast_in_dim3A_217 : vector<16xi1>, vector<16xf32>
            %get3A_219 = arith.index_cast %scan3A_115 : i32 to index
            %get3A_220 = arith.constant 48 : index
            %get3A_221 = tpu.vector_load %arg15[%get3A_219, %get3A_220] {strides = array<i32>} : memref<40x128xf32, #tpu.memory_space<vmem>>, vector<1x16xf32>,
            %get3A_222 = vector.shape_cast %get3A_221 : vector<1x16xf32> to vector<16xf32>
            %div3A_223 = arith.divf %get3A_222, %select_n3A_218 : vector<16xf32>
            %swap3A_224 = arith.index_cast %scan3A_115 : i32 to index
            %swap3A_225 = arith.constant 48 : index
            %swap3A_226 = tpu.vector_load %arg15[%swap3A_224, %swap3A_225] {strides = array<i32>} : memref<40x128xf32, #tpu.memory_space<vmem>>, vector<1x16xf32>,
            %swap3A_227 = vector.shape_cast %swap3A_226 : vector<1x16xf32> to vector<16xf32>
            %swap3A_228 = vector.shape_cast %div3A_223 : vector<16xf32> to vector<1x16xf32>
            tpu.vector_store %arg15[%swap3A_224, %swap3A_225], %swap3A_228 {strides = array<i32>} : memref<40x128xf32, #tpu.memory_space<vmem>>, vector<1x16xf32>,
            %add3A_229 = arith.constant 4 : i32
            %add3A_230 = vector.broadcast %add3A_229 : i32 to vector<16xi32>
            %add3A_231 = arith.addi %broadcast_in_dim3A_2, %add3A_230 : vector<16xi32>
            %lt3A_232 = arith.constant 0 : i32
            %lt3A_233 = vector.broadcast %lt3A_232 : i32 to vector<16xi32>
            %lt3A_234 = arith.cmpi slt, %add3A_231, %lt3A_233 : vector<16xi32>
            %add3A_235 = arith.constant 16 : i32
            %add3A_236 = vector.broadcast %add3A_235 : i32 to vector<16xi32>
            %add3A_237 = arith.addi %add3A_231, %add3A_236 : vector<16xi32>
            %select_n3A_238 = arith.select %lt3A_234, %add3A_237, %add3A_231 : vector<16xi1>, vector<16xi32>
            %reshape3A_239 = vector.shape_cast %select_n3A_238 : vector<16xi32> to vector<16x1xi32>
            %gather3A_240 = vector.shape_cast %reshape3A_239 : vector<16x1xi32> to vector<16xi32>
            %gather3A_241 = tpu.dynamic_gather %get3A_119[%gather3A_240] in [0] : vector<16xf32>, vector<16xi32> -> vector<16xf32>
            %gt3A_242 = arith.constant 0.000000e+00 : f32
            %gt3A_243 = vector.broadcast %gt3A_242 : f32 to vector<16xf32>
            %gt3A_244 = arith.cmpf ogt, %gather3A_241, %gt3A_243 : vector<16xf32>
            %jit3A_245 = arith.constant 1.000000e+00 : f32
            %broadcast_in_dim3A_246 = vector.broadcast %jit3A_245 : f32 to vector<16xf32>
            %select_n3A_247 = arith.select %gt3A_244, %gather3A_241, %broadcast_in_dim3A_246 : vector<16xi1>, vector<16xf32>
            %get3A_248 = arith.index_cast %scan3A_115 : i32 to index
            %get3A_249 = arith.constant 64 : index
            %get3A_250 = tpu.vector_load %arg15[%get3A_248, %get3A_249] {strides = array<i32>} : memref<40x128xf32, #tpu.memory_space<vmem>>, vector<1x16xf32>,
            %get3A_251 = vector.shape_cast %get3A_250 : vector<1x16xf32> to vector<16xf32>
            %div3A_252 = arith.divf %get3A_251, %select_n3A_247 : vector<16xf32>
            %swap3A_253 = arith.index_cast %scan3A_115 : i32 to index
            %swap3A_254 = arith.constant 64 : index
            %swap3A_255 = tpu.vector_load %arg15[%swap3A_253, %swap3A_254] {strides = array<i32>} : memref<40x128xf32, #tpu.memory_space<vmem>>, vector<1x16xf32>,
            %swap3A_256 = vector.shape_cast %swap3A_255 : vector<1x16xf32> to vector<16xf32>
            %swap3A_257 = vector.shape_cast %div3A_252 : vector<16xf32> to vector<1x16xf32>
            tpu.vector_store %arg15[%swap3A_253, %swap3A_254], %swap3A_257 {strides = array<i32>} : memref<40x128xf32, #tpu.memory_space<vmem>>, vector<1x16xf32>,
            %add3A_258 = arith.constant 5 : i32
            %add3A_259 = vector.broadcast %add3A_258 : i32 to vector<16xi32>
            %add3A_260 = arith.addi %broadcast_in_dim3A_2, %add3A_259 : vector<16xi32>
            %lt3A_261 = arith.constant 0 : i32
            %lt3A_262 = vector.broadcast %lt3A_261 : i32 to vector<16xi32>
            %lt3A_263 = arith.cmpi slt, %add3A_260, %lt3A_262 : vector<16xi32>
            %add3A_264 = arith.constant 16 : i32
            %add3A_265 = vector.broadcast %add3A_264 : i32 to vector<16xi32>
            %add3A_266 = arith.addi %add3A_260, %add3A_265 : vector<16xi32>
            %select_n3A_267 = arith.select %lt3A_263, %add3A_266, %add3A_260 : vector<16xi1>, vector<16xi32>
            %reshape3A_268 = vector.shape_cast %select_n3A_267 : vector<16xi32> to vector<16x1xi32>
            %gather3A_269 = vector.shape_cast %reshape3A_268 : vector<16x1xi32> to vector<16xi32>
            %gather3A_270 = tpu.dynamic_gather %get3A_119[%gather3A_269] in [0] : vector<16xf32>, vector<16xi32> -> vector<16xf32>
            %gt3A_271 = arith.constant 0.000000e+00 : f32
            %gt3A_272 = vector.broadcast %gt3A_271 : f32 to vector<16xf32>
            %gt3A_273 = arith.cmpf ogt, %gather3A_270, %gt3A_272 : vector<16xf32>
            %jit3A_274 = arith.constant 1.000000e+00 : f32
            %broadcast_in_dim3A_275 = vector.broadcast %jit3A_274 : f32 to vector<16xf32>
            %select_n3A_276 = arith.select %gt3A_273, %gather3A_270, %broadcast_in_dim3A_275 : vector<16xi1>, vector<16xf32>
            %get3A_277 = arith.index_cast %scan3A_115 : i32 to index
            %get3A_278 = arith.constant 80 : index
            %get3A_279 = tpu.vector_load %arg15[%get3A_277, %get3A_278] {strides = array<i32>} : memref<40x128xf32, #tpu.memory_space<vmem>>, vector<1x16xf32>,
            %get3A_280 = vector.shape_cast %get3A_279 : vector<1x16xf32> to vector<16xf32>
            %div3A_281 = arith.divf %get3A_280, %select_n3A_276 : vector<16xf32>
            %swap3A_282 = arith.index_cast %scan3A_115 : i32 to index
            %swap3A_283 = arith.constant 80 : index
            %swap3A_284 = tpu.vector_load %arg15[%swap3A_282, %swap3A_283] {strides = array<i32>} : memref<40x128xf32, #tpu.memory_space<vmem>>, vector<1x16xf32>,
            %swap3A_285 = vector.shape_cast %swap3A_284 : vector<1x16xf32> to vector<16xf32>
            %swap3A_286 = vector.shape_cast %div3A_281 : vector<16xf32> to vector<1x16xf32>
            tpu.vector_store %arg15[%swap3A_282, %swap3A_283], %swap3A_286 {strides = array<i32>} : memref<40x128xf32, #tpu.memory_space<vmem>>, vector<1x16xf32>,
            %add3A_287 = arith.constant 6 : i32
            %add3A_288 = vector.broadcast %add3A_287 : i32 to vector<16xi32>
            %add3A_289 = arith.addi %broadcast_in_dim3A_2, %add3A_288 : vector<16xi32>
            %lt3A_290 = arith.constant 0 : i32
            %lt3A_291 = vector.broadcast %lt3A_290 : i32 to vector<16xi32>
            %lt3A_292 = arith.cmpi slt, %add3A_289, %lt3A_291 : vector<16xi32>
            %add3A_293 = arith.constant 16 : i32
            %add3A_294 = vector.broadcast %add3A_293 : i32 to vector<16xi32>
            %add3A_295 = arith.addi %add3A_289, %add3A_294 : vector<16xi32>
            %select_n3A_296 = arith.select %lt3A_292, %add3A_295, %add3A_289 : vector<16xi1>, vector<16xi32>
            %reshape3A_297 = vector.shape_cast %select_n3A_296 : vector<16xi32> to vector<16x1xi32>
            %gather3A_298 = vector.shape_cast %reshape3A_297 : vector<16x1xi32> to vector<16xi32>
            %gather3A_299 = tpu.dynamic_gather %get3A_119[%gather3A_298] in [0] : vector<16xf32>, vector<16xi32> -> vector<16xf32>
            %gt3A_300 = arith.constant 0.000000e+00 : f32
            %gt3A_301 = vector.broadcast %gt3A_300 : f32 to vector<16xf32>
            %gt3A_302 = arith.cmpf ogt, %gather3A_299, %gt3A_301 : vector<16xf32>
            %jit3A_303 = arith.constant 1.000000e+00 : f32
            %broadcast_in_dim3A_304 = vector.broadcast %jit3A_303 : f32 to vector<16xf32>
            %select_n3A_305 = arith.select %gt3A_302, %gather3A_299, %broadcast_in_dim3A_304 : vector<16xi1>, vector<16xf32>
            %get3A_306 = arith.index_cast %scan3A_115 : i32 to index
            %get3A_307 = arith.constant 96 : index
            %get3A_308 = tpu.vector_load %arg15[%get3A_306, %get3A_307] {strides = array<i32>} : memref<40x128xf32, #tpu.memory_space<vmem>>, vector<1x16xf32>,
            %get3A_309 = vector.shape_cast %get3A_308 : vector<1x16xf32> to vector<16xf32>
            %div3A_310 = arith.divf %get3A_309, %select_n3A_305 : vector<16xf32>
            %swap3A_311 = arith.index_cast %scan3A_115 : i32 to index
            %swap3A_312 = arith.constant 96 : index
            %swap3A_313 = tpu.vector_load %arg15[%swap3A_311, %swap3A_312] {strides = array<i32>} : memref<40x128xf32, #tpu.memory_space<vmem>>, vector<1x16xf32>,
            %swap3A_314 = vector.shape_cast %swap3A_313 : vector<1x16xf32> to vector<16xf32>
            %swap3A_315 = vector.shape_cast %div3A_310 : vector<16xf32> to vector<1x16xf32>
            tpu.vector_store %arg15[%swap3A_311, %swap3A_312], %swap3A_315 {strides = array<i32>} : memref<40x128xf32, #tpu.memory_space<vmem>>, vector<1x16xf32>,
            %add3A_316 = arith.constant 7 : i32
            %add3A_317 = vector.broadcast %add3A_316 : i32 to vector<16xi32>
            %add3A_318 = arith.addi %broadcast_in_dim3A_2, %add3A_317 : vector<16xi32>
            %lt3A_319 = arith.constant 0 : i32
            %lt3A_320 = vector.broadcast %lt3A_319 : i32 to vector<16xi32>
            %lt3A_321 = arith.cmpi slt, %add3A_318, %lt3A_320 : vector<16xi32>
            %add3A_322 = arith.constant 16 : i32
            %add3A_323 = vector.broadcast %add3A_322 : i32 to vector<16xi32>
            %add3A_324 = arith.addi %add3A_318, %add3A_323 : vector<16xi32>
            %select_n3A_325 = arith.select %lt3A_321, %add3A_324, %add3A_318 : vector<16xi1>, vector<16xi32>
            %reshape3A_326 = vector.shape_cast %select_n3A_325 : vector<16xi32> to vector<16x1xi32>
            %gather3A_327 = vector.shape_cast %reshape3A_326 : vector<16x1xi32> to vector<16xi32>
            %gather3A_328 = tpu.dynamic_gather %get3A_119[%gather3A_327] in [0] : vector<16xf32>, vector<16xi32> -> vector<16xf32>
            %gt3A_329 = arith.constant 0.000000e+00 : f32
            %gt3A_330 = vector.broadcast %gt3A_329 : f32 to vector<16xf32>
            %gt3A_331 = arith.cmpf ogt, %gather3A_328, %gt3A_330 : vector<16xf32>
            %jit3A_332 = arith.constant 1.000000e+00 : f32
            %broadcast_in_dim3A_333 = vector.broadcast %jit3A_332 : f32 to vector<16xf32>
            %select_n3A_334 = arith.select %gt3A_331, %gather3A_328, %broadcast_in_dim3A_333 : vector<16xi1>, vector<16xf32>
            %get3A_335 = arith.index_cast %scan3A_115 : i32 to index
            %get3A_336 = arith.constant 112 : index
            %get3A_337 = tpu.vector_load %arg15[%get3A_335, %get3A_336] {strides = array<i32>} : memref<40x128xf32, #tpu.memory_space<vmem>>, vector<1x16xf32>,
            %get3A_338 = vector.shape_cast %get3A_337 : vector<1x16xf32> to vector<16xf32>
            %div3A_339 = arith.divf %get3A_338, %select_n3A_334 : vector<16xf32>
            %swap3A_340 = arith.index_cast %scan3A_115 : i32 to index
            %swap3A_341 = arith.constant 112 : index
            %swap3A_342 = tpu.vector_load %arg15[%swap3A_340, %swap3A_341] {strides = array<i32>} : memref<40x128xf32, #tpu.memory_space<vmem>>, vector<1x16xf32>,
            %swap3A_343 = vector.shape_cast %swap3A_342 : vector<1x16xf32> to vector<16xf32>
            %swap3A_344 = vector.shape_cast %div3A_339 : vector<16xf32> to vector<1x16xf32>
            tpu.vector_store %arg15[%swap3A_340, %swap3A_341], %swap3A_344 {strides = array<i32>} : memref<40x128xf32, #tpu.memory_space<vmem>>, vector<1x16xf32>,
            %scan3A_345 = arith.constant 0 : i32
            scf.yield %scan3A_345 : i32
          }
          %scan3A_114 = arith.constant 40 : i32
          "tpu.region"() ({
            %run_scoped3A = tpu.sem_alloc : memref<!tpu.dma_semaphore, #tpu.memory_space<semaphore_mem>>
            %dma_start3A = arith.constant 0 : i32
            %dma_start3A_115 = arith.constant 0 : i32
            %dma_start3A_116 = tpu.memref_slice %arg6[%add3A_62, %dma_start3A, %dma_start3A_115] : memref<3x10000x128xf32, #tpu.memory_space<hbm>> -> memref<1x10000x128xf32, #tpu.memory_space<hbm>>
            %dma_start3A_117 = tpu.memref_squeeze %dma_start3A_116 : memref<1x10000x128xf32, #tpu.memory_space<hbm>> -> memref<10000x128xf32, #tpu.memory_space<hbm>>
            %dma_start3A_118 = arith.constant 0 : i32
            %dma_start3A_119 = tpu.memref_slice %dma_start3A_117[%mul3A_107, %dma_start3A_118] : memref<10000x128xf32, #tpu.memory_space<hbm>> -> memref<40x128xf32, #tpu.memory_space<hbm>>
            %dma_start3A_120 = arith.constant 0 : i32
            %dma_start3A_121 = arith.constant 0 : i32
            %dma_start3A_122 = tpu.memref_slice %arg6[%add3A_62, %dma_start3A_120, %dma_start3A_121] : memref<3x10000x128xf32, #tpu.memory_space<hbm>> -> memref<1x10000x128xf32, #tpu.memory_space<hbm>>
            %dma_start3A_123 = tpu.memref_squeeze %dma_start3A_122 : memref<1x10000x128xf32, #tpu.memory_space<hbm>> -> memref<10000x128xf32, #tpu.memory_space<hbm>>
            %dma_start3A_124 = arith.constant 0 : i32
            %dma_start3A_125 = tpu.memref_slice %dma_start3A_123[%mul3A_107, %dma_start3A_124] : memref<10000x128xf32, #tpu.memory_space<hbm>> -> memref<40x128xf32, #tpu.memory_space<hbm>>
            tpu.enqueue_dma source(%arg15 : memref<40x128xf32, #tpu.memory_space<vmem>>) target(%dma_start3A_125 : memref<40x128xf32, #tpu.memory_space<hbm>>) target_semaphore(%run_scoped3A : memref<!tpu.dma_semaphore, #tpu.memory_space<semaphore_mem>>)
            %dma_wait3A = arith.constant 0 : i32
            %dma_wait3A_126 = arith.constant 0 : i32
            %dma_wait3A_127 = tpu.memref_slice %arg6[%add3A_62, %dma_wait3A, %dma_wait3A_126] : memref<3x10000x128xf32, #tpu.memory_space<hbm>> -> memref<1x10000x128xf32, #tpu.memory_space<hbm>>
            %dma_wait3A_128 = tpu.memref_squeeze %dma_wait3A_127 : memref<1x10000x128xf32, #tpu.memory_space<hbm>> -> memref<10000x128xf32, #tpu.memory_space<hbm>>
            %dma_wait3A_129 = arith.constant 0 : i32
            %dma_wait3A_130 = tpu.memref_slice %dma_wait3A_128[%mul3A_107, %dma_wait3A_129] : memref<10000x128xf32, #tpu.memory_space<hbm>> -> memref<40x128xf32, #tpu.memory_space<hbm>>
            %dma_wait3A_131 = arith.constant 0 : i32
            %dma_wait3A_132 = arith.constant 0 : i32
            %dma_wait3A_133 = tpu.memref_slice %arg6[%add3A_62, %dma_wait3A_131, %dma_wait3A_132] : memref<3x10000x128xf32, #tpu.memory_space<hbm>> -> memref<1x10000x128xf32, #tpu.memory_space<hbm>>
            %dma_wait3A_134 = tpu.memref_squeeze %dma_wait3A_133 : memref<1x10000x128xf32, #tpu.memory_space<hbm>> -> memref<10000x128xf32, #tpu.memory_space<hbm>>
            %dma_wait3A_135 = arith.constant 0 : i32
            %dma_wait3A_136 = tpu.memref_slice %dma_wait3A_134[%mul3A_107, %dma_wait3A_135] : memref<10000x128xf32, #tpu.memory_space<hbm>> -> memref<40x128xf32, #tpu.memory_space<hbm>>
            tpu.wait_dma2 semaphore(%run_scoped3A : memref<!tpu.dma_semaphore, #tpu.memory_space<semaphore_mem>>) src(%arg15 : memref<40x128xf32, #tpu.memory_space<vmem>>) dst(%dma_wait3A_136 : memref<40x128xf32, #tpu.memory_space<hbm>>)
            tpu.yield
          }) : () -> ()
        } else {
        }
        %scan3A_105 = arith.constant 0 : i32
        scf.yield %scan3A_105 : i32
      }
      %scan3A_94 = arith.constant 16 : i32
    } else {
    }
    %barrier3A_87 = arith.constant 0 : index
    tpu.barrier barrier_id(%barrier3A_87)
    return
  }
}

</mosaic_0001>

<sc_bundles>
// kernel: _atten_sc.3.cloned.1.call-start
scs
__scs_entry_jumppad:
0x0: {  	(pc) =	sbr.rel $0x88, $3  }
0x1: {  	(tag) =	ssettag $0x0;
	lr =	simm.s32 $0x1  }
0x2: {  	[smem:$0x3F9D] =	sst lr;
	_ =	strace $0xD0000000  }
0x3: {  	_ = 	snop  }
0x4: {  	_ = 	snop  }
0x5: {  	_ = 	snop  }
0x6: {  	_ = 	snop  }
0x7: {  	_ = 	snop  }
__scs_overlays_trampoline_lowered:
0x8: {  	[smem:$0x3FAC] =	sst s0  }
0x9: {  	[smem:$0x3FAD] =	sst s1  }
0xa: {  	[smem:$0x3FAE] =	sst s2  }
0xb: {  	[smem:$0x3FAF] =	sst s3  }
0xc: {  	[smem:$0x3FB0] =	sst s4  }
0xd: {  	[smem:$0x3FB1] =	sst s5  }
0xe: {  	[smem:$0x3FB2] =	sst s6  }
0xf: {  	[smem:$0x3FB3] =	sst s7  }
0x10: {  	[smem:$0x3FB4] =	sst s8  }
0x11: {  	[smem:$0x3FB5] =	sst s9;
	s0 =	simm.s32 @!p0 $0x0  }
0x12: {  	s1 =	sld [smem:$0x3F9B];
	s0 =	simm.s32 @p0 $0x1  }
0x13: {  	[smem:$0x3FB6] =	sst s0;
	s0 =	simm.s32 @!p1 $0x0  }
0x14: {  	s2 =	sld [smem:$0x3F9A];
	s0 =	simm.s32 @p1 $0x1  }
0x15: {  	[smem:$0x3FB7] =	sst s0;
	s0 =	simm.s32 @!p2 $0x0  }
0x16: {  	s3 =	sld [smem:$0x3FDB];
	s0 =	simm.s32 @p2 $0x1  }
0x17: {  	s4 =	simm.s32 $0x1BF5;
	[smem:$0x3FB9] =	sst s0  }
0x18: {  	s0 =	sld [smem:$0x3F9C];
	_ =	swait.ge [sflag:s4], $0x0  }
0x19: {  	s7 =	sld [smem:$0x3F9D]  }
0x1a: {  	s8 =	sadd.s32 $0xFFFFE003, lr  }
0x1b: {  	s9 =	sadd.s32 $0xFFFFFEF7, lr;
	s5 =	simm.s32 $0xFFFFFFFF;
	p2 =	slt.u32 s8, $0xFFFFF086  }
0x1c: {  	p1 =	slt.u32 s9, $0xF7A;
	s5 =	simm.s32 @!p2 $0x0  }
0x1d: {  	s5 =	simm.s32 @p1 $0x1;
	p0 =	seq.s32 s7, s2  }
0x1e: {  	s7 =	smul.u32 @!p0 $0xF7A, s2;
	p2 =	seq.s32 @!p0 s5, $0x0  }
0x1f: {  	s9 =	smul.u32 $0xF7A, s1;
	s8 =	simm.s32 @!p0 $0x1BF5;
	p2 =	por !p2, p0  }
0x20: {  	[sflag:s8] =	ssyncset.s32 @!p0 $0xFFFFF086;
	s6 =	sadd.s32 @!p0 s3, s7;
	s7 =	simm.s32 @!p0 $0x108  }
0x21: {  	s3 =	sadd.s32 s3, s9;
	s6 =	sadd.s32 @!p0 $0x88, s6;
	s7 =	simm.s32 @p2 $0x1082  }
0x22: {  	[simem:s7], [sflag:s8] =	dma.local @!p0 [hbm:s6], $0xF7A  }
0x23: {  	s9 =	sor.u32 $0xD0000000, s2;
	s6 =	simm.s32 $0x108;
	_ =	swait.ge @!p0 [sflag:s8], $0x0  }
0x24: {  	s3 =	sadd.s32 $0x88, s3;
	s6 =	simm.s32 @!p1 $0x1082;
	[sflag:s4] =	ssyncset.s32 $0xFFFFF086  }
0x25: {  	[simem:s6], [sflag:s4] =	dma.local [hbm:s3], $0xF7A  }
0x26: {  	[smem:$0x3F9D] =	sst s1;
	(tag) =	ssettag s2;
	_ =	strace s9  }
0x27: {  	s1 =	sld [smem:$0x3FAD]  }
0x28: {  	s2 =	sld [smem:$0x3FAE]  }
0x29: {  	s4 =	sld [smem:$0x3FB0]  }
0x2a: {  	p0 =	seq.s32 s5, $0x0;
	s5 =	sld [smem:$0x3FB1]  }
0x2b: {  	s6 =	sld [smem:$0x3FB2]  }
0x2c: {  	s7 =	sld [smem:$0x3FB3]  }
0x2d: {  	s3 =	simm.s32 $0x108;
	s8 =	sld [smem:$0x3FB4]  }
0x2e: {  	s3 =	simm.s32 @!p0 $0x1082;
	s9 =	sld [smem:$0x3FB5]  }
0x2f: {  	lr =	sadd.s32 s0, s3;
	s0 =	sld [smem:$0x3FAC]  }
0x30: {  	s3 =	sld [smem:$0x3FAF]  }
0x31: {  	[smem:$0x3FB8] =	sst s10  }
0x32: {  	s10 =	sld [smem:$0x3FB6];
	_ =	sdelay $0x3  }
0x33: {  	p0 =	seq.s32 s10, $0x1;
	s10 =	sld [smem:$0x3FB8];
	_ =	sdelay $0x3  }
0x34: {  	[smem:$0x3FB8] =	sst s10  }
0x35: {  	s10 =	sld [smem:$0x3FB7];
	_ =	sdelay $0x3  }
0x36: {  	p1 =	seq.s32 s10, $0x1;
	s10 =	sld [smem:$0x3FB8];
	_ =	sdelay $0x3  }
0x37: {  	[smem:$0x3FB8] =	sst s10  }
0x38: {  	s10 =	sld [smem:$0x3FB9]  }
0x39: {  	_ = 	snop;
	(pc) =	sbr.ind lr, $3  }
0x3a: {  	_ = 	snop  }
0x3b: {  	_ = 	snop  }
0x3c: {  	p2 =	seq.s32 s10, $0x1;
	s10 =	sld [smem:$0x3FB8]  }
0x3d: {  	_ =	shalt  }
0x3e: {  	_ =	shalt  }
0x3f: {  	_ =	shalt  }
0x40: {  	_ =	shalt  }
0x41: {  	_ =	shalt  }
0x42: {  	_ =	shalt  }
0x43: {  	_ =	shalt  }
0x44: {  	_ =	shalt  }
0x45: {  	_ =	shalt  }
0x46: {  	_ =	shalt  }
0x47: {  	_ =	shalt  }
0x48: {  	_ =	shalt  }
0x49: {  	_ =	shalt  }
0x4a: {  	_ =	shalt  }
0x4b: {  	_ =	shalt  }
0x4c: {  	_ =	shalt  }
0x4d: {  	_ =	shalt  }
0x4e: {  	_ =	shalt  }
0x4f: {  	_ =	shalt  }
0x50: {  	_ =	shalt  }
0x51: {  	_ =	shalt  }
0x52: {  	_ =	shalt  }
0x53: {  	_ =	shalt  }
0x54: {  	_ =	shalt  }
0x55: {  	_ =	shalt  }
0x56: {  	_ =	shalt  }
0x57: {  	_ =	shalt  }
0x58: {  	_ =	shalt  }
0x59: {  	_ =	shalt  }
0x5a: {  	_ =	shalt  }
0x5b: {  	_ =	shalt  }
0x5c: {  	_ =	shalt  }
0x5d: {  	_ =	shalt  }
0x5e: {  	_ =	shalt  }
0x5f: {  	_ =	shalt  }
0x60: {  	_ =	shalt  }
0x61: {  	_ =	shalt  }
0x62: {  	_ =	shalt  }
0x63: {  	_ =	shalt  }
0x64: {  	_ =	shalt  }
0x65: {  	_ =	shalt  }
0x66: {  	_ =	shalt  }
0x67: {  	_ =	shalt  }
0x68: {  	_ =	shalt  }
0x69: {  	_ =	shalt  }
0x6a: {  	_ =	shalt  }
0x6b: {  	_ =	shalt  }
0x6c: {  	_ =	shalt  }
0x6d: {  	_ =	shalt  }
0x6e: {  	_ =	shalt  }
0x6f: {  	_ =	shalt  }
0x70: {  	_ =	shalt  }
0x71: {  	_ =	shalt  }
0x72: {  	_ =	shalt  }
0x73: {  	_ =	shalt  }
0x74: {  	_ =	shalt  }
0x75: {  	_ =	shalt  }
0x76: {  	_ =	shalt  }
0x77: {  	_ =	shalt  }
0x78: {  	_ =	shalt  }
0x79: {  	_ =	shalt  }
0x7a: {  	_ =	shalt  }
0x7b: {  	_ =	shalt  }
0x7c: {  	_ =	shalt  }
0x7d: {  	_ =	shalt  }
0x7e: {  	_ =	shalt  }
0x7f: {  	_ =	shalt  }
0x80: {  	_ =	shalt  }
0x81: {  	_ =	shalt  }
0x82: {  	_ =	shalt  }
0x83: {  	_ =	shalt  }
0x84: {  	_ =	shalt  }
0x85: {  	_ =	shalt  }
0x86: {  	_ =	shalt  }
0x87: {  	_ =	shalt  }
.Lfunc_end0:
.L_simem_size_0:
called_computation_lowered:
.L_overlay_start_0:
0x88: {  	s2 =	sld [smem:$0x3FD9]  }
0x89: {  	s3 =	sld [smem:$0x3FFE];
	_ =	sdelay $0x1  }
0x8a: {  	s1 =	srdreg.scid  }
0x8b: {  	s0 =	sand.u32 $0x1, s1  }
0x8c: {  	s17 =	sshll.u32 s0, $0xA;
	s2 =	sadd.s32 s3, s2  }
0x8d: {  	s2 =	sadd.s32 s2, s17  }
0x8e: {  	[smem:$0x3FC4] =	sst s2  }
0x8f: {  	_ = 	snop  }
0x90: {  	s2 =	sld [smem:$0x3FC9]  }
0x91: {  	s18 =	sld [smem:$0x3FC7]  }
0x92: {  	s4 =	sld [smem:$0x3FC6]  }
0x93: {  	s5 =	sld [smem:$0x3FD0];
	(tm) =	ssettm $0x1  }
0x94: {  	s6 =	sld [smem:$0x3FFB];
	_ =	sdelay $0x3  }
0x95: {  	_ =	strace s6  }
0x96: {  	s6 =	sld [smem:$0x3FFC];
	_ =	sdelay $0x3  }
0x97: {  	_ =	strace s6  }
0x98: {  	s6 =	sld [smem:$0x3FFD];
	_ =	sdelay $0x3  }
0x99: {  	_ =	strace s6  }
0x9a: {  	_ =	strace $0x8FFFFFFF  }
0x9b: {  	s19 =	sld [smem:$0x3FDB];
	_ =	sdelay $0x1  }
0x9c: {  	s7 =	simm.s32 $_scs_section_size  }
0x9d: {  	s8 =	simm.s32 $_size__tile_overlayer_lowered;
	s9 =	simm.s32 $_tile_overlayer_lowered  }
0x9e: {  	s22 =	simm.s32 $0x1BFF;
	s21 =	sshll.u32 s9, $0x1;
	s6 =	sadd.s32 s7, s19  }
0x9f: {  	s10 =	simm.s32 $0x0;
	s20 =	sshll.u32 s8, $0x1;
	s8 =	sadd.s32 s21, s6  }
0xa0: {  	[timem:s10], [sflag:s22] =	dma.local [hbm:s8], s20  }
0xa1: {  	_ =	swait.ge [sflag:s22], s20  }
0xa2: {  	s7 =	ssub.s32 $0x0, s20;
	[sflag:s22] =	ssyncset.done $0x0  }
0xa3: {  	[sflag:s22] =	ssyncadd.s32 s7;
	_ =	sdelay $0x1  }
0xa4: {  	s23 =	simm.s32 $0x1B8B  }
0xa5: {  	_ =	swait.ge [sflag:s23], $0x1  }
0xa6: {  	[sflag:s23] =	ssyncset.done $0x0  }
0xa7: {  	s25 =	simm.s32 $0x1B8E;
	s24 =	sld [smem:$0x3FFE];
	[sflag:s23] =	ssyncadd.s32 $0xFFFFFFFF  }
0xa8: {  	s26 =	simm.s32 $execute0_lowered;
	[smem:$0x3FD2] =	sst s25  }
0xa9: {  	s8 =	sshll.u32 s26, $0x1;
	_ =	strace $0x80000046;
	[dreg:$0x1] =	wrdreg $0xFFFFFFFF  }
0xaa: {  	s28 =	simm.s32 $_size_execute0_lowered;
	s6 =	sadd.s32 s6, s8;
	[dreg:$0x0] =	wrdreg $0x0  }
0xab: {  	s8 =	sshll.u32 s28, $0x1;
	[dreg:$0x2] =	wrdreg s6  }
0xac: {  	[dreg:$0x3] =	wrdreg s8  }
0xad: {  	[dreg:$0x4] =	wrdreg $0xC0  }
0xae: {  	_ =	task [dreg:s10], $0x5FFFF  }
0xaf: {  	[dreg:$0x1] =	wrdreg $0xFFFFFFFF  }
0xb0: {  	[dreg:$0x0] =	wrdreg $0x60  }
0xb1: {  	[dreg:$0x2] =	wrdreg s2  }
0xb2: {  	[dreg:$0x3] =	wrdreg s24  }
0xb3: {  	[dreg:$0x4] =	wrdreg s18  }
0xb4: {  	[dreg:$0x5] =	wrdreg s4  }
0xb5: {  	[dreg:$0x6] =	wrdreg s5  }
0xb6: {  	[dreg:$0x7] =	wrdreg $0x0  }
0xb7: {  	[dreg:$0x8] =	wrdreg $0x9  }
0xb8: {  	_ =	task.clear_ibuf [dreg:s10], $0x9FFFF;
	_ =	strace $0x90000046  }
0xb9: {  	s29 =	simm.s32 $0x9;
	_ =	strace $0x80000048  }
0xba: {  	_ =	swait.ge [sflag:s29], $0x1  }
0xbb: {  	[sflag:s29] =	ssyncadd.s32 $0xFFFFFFFF  }
0xbc: {  	_ =	strace $0x90000048  }
0xbd: {  	_ =	sfence  }
0xbe: {  	s30 =	sld [smem:$0x0];
	_ =	sdelay $0x2  }
0xbf: {  	s31 =	sshll.u32 s1, $0xD;
	s1 =	sshrl.u32 s1, $0x2  }
0xc0: {  	s3 =	sand.u32 $0x4000, s31;
	s1 =	sadd.s32 s1, s30  }
0xc1: {  	s0 =	sor.u32 s3, s0;
	s1 =	sshll.u32 s1, $0x11  }
0xc2: {  	s0 =	sor.u32 s1, s0  }
0xc3: {  	s0 =	sadd.s32 $0x8F2B, s0  }
0xc4: {  	[sflag:s0] =	ssyncadd.remote.s32 $0x1  }
0xc5: {  	_ =	sfence.sel $0xFFFF  }
0xc6: {  	[dreg:$0x0] =	wrdreg $0xFFFFFFFF;
	(pc) =	sbr.abs _section_cstart, $3  }
0xc7: {  	[dreg:$0x1] =	wrdreg $0xFFFFFFFF  }
0xc8: {  	_ =	task.clear_ibuf [dreg:s10], $0x2FFFF;
	_ =	strace $0x9FFFFFFF  }
0xc9: {  	(tm) =	ssettm $0x7FFFFFFF  }
tec
execute0_lowered:
.L_overlay_start_1:
0x0: {  	(tag) =	ssettag $0x1  }
0x1: {  	s0 =	rddreg [dreg:$0x0]  }
0x2: {  	s1 =	rddreg [dreg:$0x1]  }
0x3: {  	s2 =	rddreg [dreg:$0x3]  }
0x4: {  	s5 =	rddreg [dreg:$0x4]  }
0x5: {  	s3 =	rddreg [dreg:$0x5]  }
0x6: {  	s4 =	simm.s32 $0x0;
	s6 =	srdreg.scid;
	s19 =	simm.s32 $0x13880  }
0x7: {  	v0 =	vimm.s32 $0xEFCDAB89;
	s29 =	simm.s32 $0x2;
	s30 =	simm.s32 $0x3;
	s31 =	simm.s32 $0x1B180  }
0x8: {  	v1 =	vimm.s32 $0x67452301;
	v2 =	vimm.s32 $0xDCFE98BA;
	s16 =	simm.s32 $0x5;
	s18 =	simm.s32 $0x6;
	s15 =	simm.s32 $0x19D80  }
0x9: {  	v3 =	vimm.s32 $0x54761032;
	v4 =	vimm.s32 $0xBA98FEDC;
	s17 =	simm.s32 $0x8;
	[smem:$0x7FF] =	sst s4;
	s4 =	stileid.u32  }
0xa: {  	v5 =	vimm.s32 $0x32107654;
	s8 =	sand.u32 $0x1, s6;
	s22 =	sadd.s32 $0x271800, s1;
	s6 =	smul.u32 $0x2710, s4  }
0xb: {  	vm0 =	vcmask $0x1F18;
	s7 =	sadd.s32 $0x800, s1;
	s25 =	sadd.s32 $0x753800, s1;
	s9 =	smul.u32 $0x271000, s8  }
0xc: {  	vm1 =	vcmask $0x1710;
	vm2 =	vcmask $0xF08;
	vm3 =	vmmov $0x3;
	s23 =	sadd.s32 $0x4E200, s5;
	_ =	strace $0x80000047;
	s13 =	smul.u32 $0x27100, s8  }
0xd: {  	v6 =	vimm.s32 $0x1;
	v7 =	vimm.s32 $0x2;
	v8 =	vimm.s32 $0x3;
	s21 =	ssub.s32 $0x2, s8;
	s14 =	smul.u32 $0x5000, s4;
	[dreg:$0xb] =	wrdreg s23  }
0xe: {  	v9 =	vimm.s32 $0x4;
	v10 =	vimm.s32 $0x5;
	v0 =	vunpack.c.l.s4.s8 v0;
	s26 =	smul.u32 $0x280, s4;
	s23 =	simm.s32 $0x1;
	[dreg:$0x7] =	wrdreg s22  }
0xf: {  	v1 =	vunpack.c.l.s4.s8 v1;
	v2 =	vunpack.c.l.s4.s8 v2;
	v3 =	vunpack.c.l.s4.s8 v3;
	p0 =	sne.s32 s8, $0x0;
	[dreg:$0x8] =	wrdreg s25;
	s10 =	sshrl.u32 s21, $0x1  }
0x10: {  	v4 =	vunpack.c.l.s4.s8 v4;
	v5 =	vunpack.c.l.s4.s8 v5;
	v0 =	vunpack.c.0.s8.s32 v0;
	s1 =	ssub.s32 s21, s10;
	s10 =	sadd.s32 s22, s9;
	s11 =	sadd.s32 s25, s13  }
0x11: {  	v1 =	vunpack.c.0.s8.s32 v1;
	v2 =	vunpack.c.0.s8.s32 v2;
	v3 =	vunpack.c.0.s8.s32 v3;
	s12 =	sadd.s32 s0, s9;
	s28 =	sadd.s32 s5, s13;
	s0 =	sadd.s32 $0x4E2000, s0  }
.Ltmp0:
0x12: {  	v11 =	vimm.s32 $0x6;
	v4 =	vunpack.c.0.s8.s32 v4;
	v5 =	vunpack.c.0.s8.s32 v5;
	s24 =	sshrl.u32 s14, $0x2;
	[dreg:$0xe] =	wrdreg s26;
	(pc) =	sbr.rel .LBB2_1-.Ltmp0, $4  }
0x13: {  	v12 =	vimm.s32 $0x7;
	s21 =	simm.s32 $0x13900;
	s26 =	simm.s32 $0x4;
	[dreg:$0xa] =	wrdreg s0;
	v1 =	vcombine.low v1, v0;
	v2 =	vcombine.low v3, v2  }
0x14: {  	s9 =	simm.s32 $0x1C580;
	s1 =	smax.u32 s1, $0x1;
	v3 =	vcombine.low v5, v4;
	v4 =	vlaneseq.u32;
	v0 =	vimm.f32 $0.0e+00;
	[dreg:$0x9] =	wrdreg s28  }
0x15: {  	s5 =	simm.s32 $0x0;
	s0 =	sadd.s32 s24, s3;
	v5 =	vimm.s32 $0x0;
	[dreg:$0xc] =	wrdreg s1;
	v4 =	vand.u32 $0x1, v4;
	v1 =	vand.u32 $0xF, v1  }
0x16: {  	s24 =	simm.s32 $0x28;
	[dreg:$0xd] =	wrdreg s0;
	s0 =	simm.s32 $0x18980;
	v2 =	vand.u32 $0xF, v2;
	v3 =	vand.u32 $0xF, v3;
	v4 =	vmul.u32 $0x8, v4  }
.LBB2_45:
0x17: {  	[bflag:$0x0] =	sbarrier.arrive $0xFFFF  }
.LBB2_46:
0x18: {  	s5 =	rddreg [dreg:$0xf]  }
0x19: {  	s1 =	rddreg [dreg:$0xc];
	s5 =	sadd.s32 $0x1, s5  }
0x1a: {  	p1 =	sne.s32 s5, s1  }
.Ltmp1:
0x1b: {  	_ = 	snop;
	(pc) =	sbr.rel @!p1 .LBB2_47-.Ltmp1, $2  }
0x1c: {  	_ =	sdelay $0x1  }
0x1d: {  	[bflag:$0x0] =	sbarrier.arrive $0xFFFF;
	_ =	sdelay $0x1  }
.LBB2_1:
0x1e: {  	[dreg:$0xf] =	wrdreg s5;
	s1 =	simm.s32 $0x0;
	s5 =	simm.s32 $0x200  }
.LBB2_2:
0x1f: {  	p1 =	sne.s32 s5, $0x9E00;
	[tilespmem:s1+$0x189F0] =	vst v0  }
0x20: {  	[tilespmem:s1+$0x18980] =	vst v0  }
0x21: {  	[tilespmem:s1+$0x18990] =	vst v0  }
.Ltmp2:
0x22: {  	[tilespmem:s1+$0x189A0] =	vst v0;
	(pc) =	sbr.rel @p1 .LBB2_2-.Ltmp2, $4  }
0x23: {  	[tilespmem:s1+$0x189B0] =	vst v0  }
0x24: {  	[tilespmem:s1+$0x189C0] =	vst v0  }
0x25: {  	[tilespmem:s1+$0x189D0] =	vst v0  }
0x26: {  	[tilespmem:s1+$0x189E0] =	vst v0;
	s1 =	sshra.s32 s5, $0x2;
	s5 =	sadd.s32 $0x200, s5  }
0x27: {  	[tilespmem:s1+$0x189F0] =	vst v0  }
0x28: {  	[tilespmem:s1+$0x18980] =	vst v0  }
0x29: {  	[tilespmem:s1+$0x18990] =	vst v0  }
0x2a: {  	[tilespmem:s1+$0x189A0] =	vst v0  }
0x2b: {  	[tilespmem:s1+$0x189B0] =	vst v0  }
0x2c: {  	[tilespmem:s1+$0x189C0] =	vst v0;
	s5 =	sadd.s32 $0x0, s4  }
0x2d: {  	[tilespmem:s1+$0x189D0] =	vst v0;
	p1 =	sgt.u32 s5, $0xF9  }
0x2e: {  	[tilespmem:s1+$0x189E0] =	vst v0;
	s14 =	rddreg [dreg:$0xd];
	s1 =	simm.s32 @!p1 $0x18980;
	s13 =	simm.s32 @!p1 $0x7  }
0x2f: {  	[spmem:s14] =	stream.linear.scatter @!p1 [tilespmem:s1], [sflag:$0x7], $0x1400, $0x38;
	[tilespmem:$0x1D980] =	vst v63  }
0x30: {  	s8 =	simm.s32 $0x20;
	_ =	swait.ge @!p1 [sflag:s13], $0x1400  }
0x31: {  	s5 =	simm.s32 $0x10;
	s1 =	sadd.s32 $0x14000, s14;
	[sflag:s13] =	ssyncset.done @!p1 $0x0  }
.LBB2_4:
0x32: {  	s14 =	sadd.s32 s5, s4;
	s5 =	smov.u32 s8;
	s8 =	sadd.s32 $0x10, s8  }
0x33: {  	[sflag:s13] =	ssyncadd.s32 @!p1 $0xFFFFEC00;
	p2 =	sne.s32 s8, $0x100  }
.Ltmp3:
0x34: {  	p1 =	sgt.u32 s14, $0xF9;
	(pc) =	sbr.rel @p2 .LBB2_4-.Ltmp3, $4  }
0x35: {  	s14 =	simm.s32 @!p1 $0x18980;
	s13 =	simm.s32 @!p1 $0x7  }
0x36: {  	[spmem:s1] =	stream.linear.scatter @!p1 [tilespmem:s14], [sflag:$0x7], $0x1400, $0x38;
	[tilespmem:$0x1D980] =	vst v63  }
0x37: {  	_ =	swait.ge @!p1 [sflag:s13], $0x1400  }
0x38: {  	s1 =	sadd.s32 $0x14000, s1;
	[sflag:s13] =	ssyncset.done @!p1 $0x0  }
0x39: {  	s5 =	sadd.s32 s5, s4  }
0x3a: {  	p2 =	sgt.u32 s5, $0xF9  }
0x3b: {  	[sflag:s13] =	ssyncadd.s32 @!p1 $0xFFFFEC00;
	s5 =	simm.s32 @!p2 $0x18980;
	s8 =	simm.s32 @!p2 $0x7  }
0x3c: {  	[spmem:s1] =	stream.linear.scatter @!p2 [tilespmem:s5], [sflag:$0x7], $0x1400, $0x38;
	[tilespmem:$0x1D980] =	vst v63  }
0x3d: {  	_ =	swait.ge @!p2 [sflag:s8], $0x1400  }
0x3e: {  	[sflag:s8] =	ssyncset.done @!p2 $0x0  }
0x3f: {  	[sflag:s8] =	ssyncadd.s32 @!p2 $0xFFFFEC00  }
0x40: {  	s20 =	simm.s32 $0x0;
	s22 =	simm.s32 $0x0;
	[bflag:$0x0] =	sbarrier.arrive $0xFFFF  }
.LBB2_6:
0x41: {  	s1 =	smul.u32 $0x50, s22;
	_ =	sdelay $0x1  }
0x42: {  	s1 =	sadd.s32 s6, s1  }
0x43: {  	s5 =	sshrl.u32 s1, $0x3  }
0x44: {  	s28 =	sshll.u32 s1, $0x4;
	s1 =	sadd.s32 $0x28, s1;
	s5 =	sadd.s32 s2, s5  }
0x45: {  	[tilespmem:s19], [sflag:$0x1] =	stream.linear.gather [hbm4b:s5+s20], $0x28, $0x38;
	[tilespmem:$0x1D980] =	vst v63  }
0x46: {  	s8 =	simm.s32 $0x13980;
	s13 =	sadd.s32 s7, s28;
	s14 =	sshrl.u32 s1, $0x3  }
0x47: {  	[tilespmem:s8], [sflag:$0x2] =	stream.linear.gather [hbm4b:s13+s20], $0x1400, $0x38;
	[tilespmem:$0x1D980] =	vst v63  }
0x48: {  	s5 =	sadd.s32 s2, s14  }
0x49: {  	[tilespmem:s21], [sflag:$0x4] =	stream.linear.gather [hbm4b:s5+s20], $0x28, $0x38;
	[tilespmem:$0x1D980] =	vst v63  }
0x4a: {  	s5 =	sshll.u32 s1, $0x4  }
0x4b: {  	s25 =	simm.s32 $0x14D80;
	s1 =	sadd.s32 s7, s5  }
0x4c: {  	[tilespmem:s25], [sflag:$0x5] =	stream.linear.gather [hbm4b:s1+s20], $0x1400, $0x38;
	[tilespmem:$0x1D980] =	vst v63  }
0x4d: {  	_ =	swait.ge [sflag:s23], $0x28  }
0x4e: {  	[sflag:s23] =	ssyncset.done $0x0  }
0x4f: {  	[sflag:s23] =	ssyncadd.s32 $0xFFFFFFD8  }
0x50: {  	s14 =	simm.s32 $0x16180;
	s13 =	rddreg [dreg:$0x2]  }
0x51: {  	[tilespmem:s14], [sflag:$0x3] =	stream.indirect.gather [hbm4b:s13+s24], $0x80, s19, s24, $0xb8;
	[tilespmem:$0x1D980] =	vst v63  }
0x52: {  	_ =	swait.ge [sflag:s26], $0x28  }
0x53: {  	[sflag:s26] =	ssyncset.done $0x0  }
0x54: {  	s25 =	simm.s32 $0x17580;
	[sflag:s26] =	ssyncadd.s32 $0xFFFFFFD8  }
0x55: {  	[tilespmem:s25], [sflag:$0x6] =	stream.indirect.gather [hbm4b:s13+s24], $0x80, s21, s24, $0xb8;
	[tilespmem:$0x1D980] =	vst v63  }
0x56: {  	_ =	swait.ge [sflag:s29], $0x1400  }
0x57: {  	[sflag:s29] =	ssyncset.done $0x0  }
0x58: {  	[sflag:s29] =	ssyncadd.s32 $0xFFFFEC00  }
0x59: {  	_ =	swait.ge [sflag:s30], $0x1400  }
0x5a: {  	[sflag:s30] =	ssyncset.done $0x0  }
0x5b: {  	s1 =	simm.s32 $0x0;
	[sflag:s30] =	ssyncadd.s32 $0xFFFFEC00  }
0x5c: {  	v13 =	vld [tilespmem:s1+$0x16180]  }
0x5d: {  	v14 =	vld [tilespmem:s1+$0x13980]  }
0x5e: {  	v15 =	vld [tilespmem:s1+$0x139A0]  }
0x5f: {  	v16 =	vld [tilespmem:s1+$0x161A0];
	_ =	sdelay $0x2  }
0x60: {  	v13 =	vmul.f32 v13, v14;
	_ =	sdelay $0x1  }
0x61: {  	v14 =	vld [tilespmem:s1+$0x13990];
	v15 =	vmul.f32 v16, v15;
	v17 =	vperm.xlane v13, v1  }
0x62: {  	v16 =	vld [tilespmem:s1+$0x16190]  }
0x63: {  	v18 =	vld [tilespmem:s1+$0x139B0];
	v13 =	vadd.f32 v17, v13;
	v17 =	vperm.xlane v15, v1  }
0x64: {  	s8 =	simm.s32 $0x80;
	v19 =	vld [tilespmem:s1+$0x161B0]  }
0x65: {  	v21 =	vld [tilespmem:s8+$0x13990];
	v15 =	vadd.f32 v17, v15  }
0x66: {  	v22 =	vld [tilespmem:s8+$0x16190];
	v20 =	vperm.xlane v13, v2  }
0x67: {  	v14 =	vmul.f32 v16, v14;
	v17 =	vld [tilespmem:s8+$0x16180];
	v16 =	vperm.xlane v15, v2  }
0x68: {  	v13 =	vadd.f32 v20, v13;
	v20 =	vld [tilespmem:s8+$0x13980]  }
0x69: {  	v23 =	vperm.xlane v14, v1;
	v15 =	vadd.f32 v16, v15  }
0x6a: {  	v18 =	vmul.f32 v19, v18;
	v19 =	vld [tilespmem:s8+$0x161A0];
	v24 =	vperm.xlane v13, v3  }
0x6b: {  	v14 =	vadd.f32 v23, v14;
	v16 =	vld [tilespmem:s8+$0x139A0];
	v23 =	vperm.xlane v15, v3  }
0x6c: {  	v13 =	vadd.f32 v24, v13;
	v24 =	vperm.xlane v18, v1  }
0x6d: {  	v21 =	vmul.f32 v22, v21;
	v17 =	vmul.f32 v17, v20;
	v15 =	vadd.f32 v23, v15  }
0x6e: {  	v25 =	vld [tilespmem:s8+$0x139B0];
	v20 =	vperm.xlane v14, v2;
	v13 =	vmul.f32 $1.250000000e-01, v13;
	v18 =	vadd.f32 v24, v18  }
0x6f: {  	v26 =	vld [tilespmem:s8+$0x161B0];
	v22 =	vperm.xlane v17, v1;
	v15 =	vmul.f32 $1.250000000e-01, v15  }
0x70: {  	v16 =	vmul.f32 v19, v16;
	v14 =	vadd.f32 v20, v14;
	v19 =	vperm.xlane v18, v2  }
0x71: {  	v13 =	vmul.f32 $1.442695020e+00, v13;
	v17 =	vadd.f32 v22, v17;
	v15 =	vmul.f32 $1.442695020e+00, v15  }
0x72: {  	v20 =	vperm.xlane v16, v1;
	v23 =	vperm.xlane v14, v3;
	v18 =	vadd.f32 v19, v18  }
0x73: {  	s14 =	simm.s32 $0x100;
	v19 =	vperm.xlane v17, v2;
	(erf) = vpow2.f32 v15  }
0x74: {  	v24 =	vld [tilespmem:s14+$0x16180];
	v22 =	vmul.f32 v26, v25;
	v15 =	vadd.f32 v20, v16;
	v16 =	vperm.xlane v18, v3  }
0x75: {  	v25 =	vld [tilespmem:s14+$0x13990];
	v14 =	vadd.f32 v23, v14;
	v17 =	vadd.f32 v19, v17;
	v19 =	vperm.xlane v21, v1  }
0x76: {  	(erf) = vpow2.f32 v13;
	v26 =	vperm.xlane v15, v2;
	v16 =	vadd.f32 v16, v18;
	v18 =	vld [tilespmem:s14+$0x13980]  }
0x77: {  	v14 =	vmul.f32 $1.250000000e-01, v14;
	v23 =	vperm.xlane v17, v3;
	v13 =	vadd.f32 v19, v21;
	v19 =	vld [tilespmem:s14+$0x16190]  }
0x78: {  	v20 =	vperm.xlane v22, v1;
	v21 =	vld [tilespmem:s14+$0x139A0];
	v15 =	vadd.f32 v26, v15;
	v16 =	vmul.f32 $1.250000000e-01, v16  }
0x79: {  	v14 =	vmul.f32 $1.442695020e+00, v14;
	v26 =	vld [tilespmem:s14+$0x161A0];
	v17 =	vadd.f32 v23, v17;
	v23 =	vperm.xlane v13, v2  }
0x7a: {  	v27 =	vperm.xlane v15, v3;
	v28 =	vmul.f32 $1.442695020e+00, v16  }
0x7b: {  	v29 =	vld [tilespmem:s14+$0x139B0];
	v17 =	vmul.f32 $1.250000000e-01, v17;
	v30 =	vadd.f32 v23, v13;
	v18 =	vmul.f32 v24, v18  }
0x7c: {  	v23 =	vld [tilespmem:s14+$0x161B0];
	v16 =	vmul.f32 v19, v25;
	v19 =	vadd.f32 v20, v22;
	v13 =	vpop (erf);
	(erf) = vpow2.f32 v28  }
0x7d: {  	v15 =	vadd.f32 v27, v15;
	v17 =	vmul.f32 $1.442695020e+00, v17;
	v20 =	vperm.xlane v30, v3  }
0x7e: {  	v22 =	vperm.xlane v18, v1;
	v21 =	vmul.f32 v26, v21  }
0x7f: {  	v13 =	vperm.xlane v13, v4;
	v25 =	vmul.f32 $1.250000000e-01, v15  }
0x80: {  	v24 =	vperm.xlane v19, v2;
	(erf) = vpow2.f32 v14;
	v22 =	vadd.f32 v22, v18  }
0x81: {  	v15 =	vmul.f32 v23, v29;
	v25 =	vmul.f32 $1.442695020e+00, v25  }
0x82: {  	v19 =	vadd.f32 v24, v19;
	v23 =	vperm.xlane v21, v1;
	v24 =	vperm.xlane v22, v2  }
0x83: {  	s13 =	simm.s32 $0x600;
	v14 =	vpop (erf);
	v20 =	vadd.f32 v20, v30;
	v18 =	vperm.xlane v15, v1;
	(erf) = vpow2.f32 v25  }
.LBB2_7:
0x84: {  	s25 =	sshra.s32 s13, $0x2;
	p1 =	sne.s32 s13, $0x4E00;
	s13 =	sadd.s32 $0x200, s13;
	v25 =	vperm.xlane v16, v1;
	v21 =	vadd.f32 v23, v21;
	v23 =	vperm.xlane v19, v3  }
0x85: {  	v26 =	vld [tilespmem:s25+$0x16180];
	v22 =	vadd.f32 v24, v22;
	(erf) = vpow2.f32 v17;
	v24 =	vperm.xlane v14, v4;
	v14 =	vpop (erf)  }
0x86: {  	v17 =	vld [tilespmem:s25+$0x13990];
	v16 =	vadd.f32 v25, v16;
	v25 =	vperm.xlane v21, v2;
	v19 =	vadd.f32 v23, v19  }
0x87: {  	v14 =	vperm.xlane v14, v4;
	v23 =	vld [tilespmem:s25+$0x13980];
	v27 =	vperm.xlane v22, v3  }
0x88: {  	v20 =	vmul.f32 $1.250000000e-01, v20;
	v28 =	vld [tilespmem:s25+$0x16190];
	v21 =	vadd.f32 v25, v21;
	v19 =	vmul.f32 $1.250000000e-01, v19  }
0x89: {  	v14 =	vnsel vm0, $0x0, v14;
	v25 =	vld [tilespmem:s25+$0x139A0];
	v22 =	vadd.f32 v27, v22;
	v27 =	vperm.xlane v16, v2  }
0x8a: {  	v31 =	vsel vm1, v13, v14;
	v29 =	vld [tilespmem:s25+$0x161A0];
	v30 =	vperm.xlane v21, v3;
	v19 =	vmul.f32 $1.442695020e+00, v19;
	v13 =	vpop (erf)  }
0x8b: {  	v32 =	vld [tilespmem:s25+$0x139B0];
	v33 =	vmul.f32 $1.250000000e-01, v22;
	v27 =	vadd.f32 v27, v16;
	v22 =	vperm.xlane v13, v4  }
0x8c: {  	v20 =	vmul.f32 $1.442695020e+00, v20;
	v23 =	vmul.f32 v26, v23;
	v26 =	vld [tilespmem:s25+$0x161B0];
	v21 =	vadd.f32 v30, v21;
	v13 =	vpop (erf)  }
0x8d: {  	v18 =	vadd.f32 v18, v15;
	v16 =	vmul.f32 v28, v17;
	(erf) = vpow2.f32 v19  }
0x8e: {  	v17 =	vmul.f32 $1.442695020e+00, v33;
	v13 =	vperm.xlane v13, v4;
	v15 =	vsel vm2, v22, v31;
	v14 =	vpop (erf)  }
0x8f: {  	v28 =	vperm.xlane v27, v3;
	v19 =	vperm.xlane v18, v2;
	v22 =	vsel vm3, v24, v15  }
.Ltmp4:
0x90: {  	v24 =	vperm.xlane v23, v1;
	v30 =	vmul.f32 $1.250000000e-01, v21;
	[tilespmem:s1+$0x1B180] =	vst v22;
	(pc) =	sbr.rel @p1 .LBB2_7-.Ltmp4, $4  }
0x91: {  	v21 =	vmul.f32 v29, v25;
	v19 =	vadd.f32 v19, v18;
	v15 =	vmul.f32 v26, v32;
	[tilespmem:s1+$0x18980] =	vst v22;
	s1 =	smov.u32 s8;
	s8 =	smov.u32 s14;
	s14 =	smov.u32 s25  }
0x92: {  	v25 =	vmul.f32 $1.442695020e+00, v30;
	v22 =	vadd.f32 v24, v23;
	(erf) = vpow2.f32 v20  }
0x93: {  	v23 =	vperm.xlane v21, v1;
	v20 =	vadd.f32 v28, v27;
	v18 =	vperm.xlane v15, v1  }
0x94: {  	v24 =	vperm.xlane v22, v2;
	(erf) = vpow2.f32 v25  }
0x95: {  	v21 =	vadd.f32 v23, v21;
	_ =	sdelay $0x1  }
0x96: {  	v25 =	vperm.xlane v16, v1;
	v15 =	vadd.f32 v18, v15;
	v23 =	vperm.xlane v21, v2  }
0x97: {  	v26 =	vperm.xlane v19, v3;
	(erf) = vpow2.f32 v17;
	v18 =	vadd.f32 v24, v22  }
0x98: {  	v16 =	vadd.f32 v25, v16;
	v17 =	vadd.f32 v23, v21;
	v21 =	vperm.xlane v15, v2  }
0x99: {  	v20 =	vmul.f32 $1.250000000e-01, v20;
	v19 =	vadd.f32 v26, v19  }
0x9a: {  	v22 =	vperm.xlane v18, v3;
	v24 =	vperm.xlane v16, v2;
	v15 =	vadd.f32 v21, v15  }
0x9b: {  	v19 =	vmul.f32 $1.250000000e-01, v19;
	v23 =	vperm.xlane v17, v3  }
0x9c: {  	v18 =	vadd.f32 v22, v18;
	v16 =	vadd.f32 v24, v16;
	v21 =	vperm.xlane v15, v3  }
0x9d: {  	v20 =	vmul.f32 $1.442695020e+00, v20;
	v19 =	vmul.f32 $1.442695020e+00, v19;
	v17 =	vadd.f32 v23, v17  }
0x9e: {  	v18 =	vmul.f32 $1.250000000e-01, v18;
	v22 =	vperm.xlane v16, v3;
	v15 =	vadd.f32 v21, v15  }
0x9f: {  	(erf) = vpow2.f32 v19;
	v17 =	vmul.f32 $1.250000000e-01, v17  }
0xa0: {  	(erf) = vpow2.f32 v20;
	v16 =	vadd.f32 v22, v16;
	v15 =	vmul.f32 $1.250000000e-01, v15  }
0xa1: {  	v18 =	vmul.f32 $1.442695020e+00, v18;
	v17 =	vmul.f32 $1.442695020e+00, v17  }
0xa2: {  	v16 =	vmul.f32 $1.250000000e-01, v16;
	v15 =	vmul.f32 $1.442695020e+00, v15  }
0xa3: {  	(erf) = vpow2.f32 v17  }
0xa4: {  	v16 =	vmul.f32 $1.442695020e+00, v16;
	(erf) = vpow2.f32 v18  }
0xa5: {  	(erf) = vpow2.f32 v15  }
0xa6: {  	v15 =	vpop (erf)  }
0xa7: {  	v17 =	vpop (erf);
	(erf) = vpow2.f32 v16;
	v15 =	vperm.xlane v15, v4  }
0xa8: {  	v16 =	vpop (erf)  }
0xa9: {  	v17 =	vperm.xlane v17, v4;
	v18 =	vpop (erf);
	v15 =	vnsel vm0, $0x0, v15  }
0xaa: {  	v14 =	vperm.xlane v14, v4;
	v19 =	vpop (erf);
	v13 =	vsel vm1, v13, v15  }
0xab: {  	v20 =	vpop (erf);
	v13 =	vsel vm2, v17, v13;
	v17 =	vperm.xlane v19, v4  }
0xac: {  	v15 =	vpop (erf)  }
0xad: {  	v19 =	vpop (erf);
	v17 =	vnsel vm0, $0x0, v17  }
0xae: {  	v16 =	vperm.xlane v16, v4;
	v13 =	vsel vm3, v14, v13;
	v14 =	vpop (erf)  }
0xaf: {  	v20 =	vperm.xlane v20, v4;
	v14 =	vperm.xlane v14, v4  }
0xb0: {  	v18 =	vperm.xlane v18, v4;
	v15 =	vperm.xlane v15, v4;
	v16 =	vsel vm1, v16, v17;
	v17 =	vpop (erf)  }
0xb1: {  	[tilespmem:s1+$0x1B180] =	vst v13;
	v16 =	vsel vm2, v20, v16;
	v14 =	vnsel vm0, $0x0, v14;
	v17 =	vperm.xlane v17, v4  }
0xb2: {  	[tilespmem:s1+$0x18980] =	vst v13;
	v13 =	vsel vm3, v18, v16;
	v16 =	vperm.xlane v19, v4;
	v14 =	vsel vm1, v15, v14  }
0xb3: {  	[tilespmem:s8+$0x1B180] =	vst v13;
	v14 =	vsel vm2, v17, v14  }
0xb4: {  	[tilespmem:s8+$0x18980] =	vst v13;
	v13 =	vsel vm3, v16, v14  }
0xb5: {  	[tilespmem:s14+$0x1B180] =	vst v13  }
0xb6: {  	s25 =	sadd.s32 s28, s10;
	s28 =	simm.s32 $0x0;
	[tilespmem:s14+$0x18980] =	vst v13  }
0xb7: {  	[hbm4b:s25+s28] =	stream.linear.scatter [tilespmem:s31], [sflag:$0x1], $0x1400, $0x38;
	[tilespmem:$0x1D980] =	vst v63  }
0xb8: {  	_ = 	snop  }
0xb9: {  	[spmem:s3] =	stream.indirect.scatter.add.f32 [tilespmem:s0], [sflag:$0x2], $0x80, s19, s24, $0xb8;
	[tilespmem:$0x1D980] =	vst v63  }
0xba: {  	_ =	swait.ge [sflag:s16], $0x1400  }
0xbb: {  	[sflag:s16] =	ssyncset.done $0x0  }
0xbc: {  	[sflag:s16] =	ssyncadd.s32 $0xFFFFEC00  }
0xbd: {  	_ =	swait.ge [sflag:s18], $0x1400  }
0xbe: {  	[sflag:s18] =	ssyncset.done $0x0  }
0xbf: {  	s1 =	simm.s32 $0x0;
	[sflag:s18] =	ssyncadd.s32 $0xFFFFEC00  }
0xc0: {  	v13 =	vld [tilespmem:s1+$0x17580]  }
0xc1: {  	v14 =	vld [tilespmem:s1+$0x14D80]  }
0xc2: {  	v15 =	vld [tilespmem:s1+$0x14DA0]  }
0xc3: {  	v16 =	vld [tilespmem:s1+$0x175A0];
	_ =	sdelay $0x2  }
0xc4: {  	v13 =	vmul.f32 v13, v14  }
0xc5: {  	v14 =	vld [tilespmem:s1+$0x14D90]  }
0xc6: {  	v15 =	vmul.f32 v16, v15;
	v16 =	vld [tilespmem:s1+$0x17590];
	v17 =	vperm.xlane v13, v1  }
0xc7: {  	v18 =	vld [tilespmem:s1+$0x14DB0]  }
0xc8: {  	s8 =	simm.s32 $0x80;
	v19 =	vld [tilespmem:s1+$0x175B0];
	v13 =	vadd.f32 v17, v13;
	v17 =	vperm.xlane v15, v1  }
0xc9: {  	v21 =	vld [tilespmem:s8+$0x14D90]  }
0xca: {  	v22 =	vld [tilespmem:s8+$0x17590];
	v20 =	vperm.xlane v13, v2;
	v15 =	vadd.f32 v17, v15  }
0xcb: {  	v14 =	vmul.f32 v16, v14;
	v17 =	vld [tilespmem:s8+$0x17580]  }
0xcc: {  	v13 =	vadd.f32 v20, v13;
	v16 =	vperm.xlane v15, v2;
	v20 =	vld [tilespmem:s8+$0x14D80]  }
0xcd: {  	v18 =	vmul.f32 v19, v18;
	v19 =	vld [tilespmem:s8+$0x175A0];
	v23 =	vperm.xlane v14, v1  }
0xce: {  	v24 =	vperm.xlane v13, v3;
	v15 =	vadd.f32 v16, v15;
	v16 =	vld [tilespmem:s8+$0x14DA0]  }
0xcf: {  	v21 =	vmul.f32 v22, v21;
	v14 =	vadd.f32 v23, v14  }
0xd0: {  	v25 =	vld [tilespmem:s8+$0x14DB0];
	v13 =	vadd.f32 v24, v13;
	v23 =	vperm.xlane v15, v3;
	v24 =	vperm.xlane v18, v1  }
0xd1: {  	v26 =	vld [tilespmem:s8+$0x175B0];
	v17 =	vmul.f32 v17, v20;
	v20 =	vperm.xlane v14, v2  }
0xd2: {  	v13 =	vmul.f32 $1.250000000e-01, v13;
	v15 =	vadd.f32 v23, v15;
	v18 =	vadd.f32 v24, v18  }
0xd3: {  	v22 =	vperm.xlane v17, v1;
	v16 =	vmul.f32 v19, v16  }
0xd4: {  	v14 =	vadd.f32 v20, v14;
	v15 =	vmul.f32 $1.250000000e-01, v15;
	v19 =	vperm.xlane v18, v2  }
0xd5: {  	v13 =	vmul.f32 $1.442695020e+00, v13;
	v17 =	vadd.f32 v22, v17;
	v20 =	vperm.xlane v16, v1  }
0xd6: {  	v22 =	vmul.f32 v26, v25;
	v15 =	vmul.f32 $1.442695020e+00, v15;
	v18 =	vadd.f32 v19, v18  }
0xd7: {  	s14 =	simm.s32 $0x100;
	v23 =	vperm.xlane v14, v3;
	v19 =	vperm.xlane v17, v2  }
0xd8: {  	v24 =	vld [tilespmem:s14+$0x17580];
	(erf) = vpow2.f32 v15;
	v15 =	vadd.f32 v20, v16;
	v16 =	vperm.xlane v18, v3  }
0xd9: {  	v25 =	vld [tilespmem:s14+$0x14D90];
	v14 =	vadd.f32 v23, v14;
	v17 =	vadd.f32 v19, v17;
	v19 =	vperm.xlane v21, v1  }
0xda: {  	(erf) = vpow2.f32 v13;
	v26 =	vperm.xlane v15, v2;
	v16 =	vadd.f32 v16, v18;
	v18 =	vld [tilespmem:s14+$0x14D80]  }
0xdb: {  	v14 =	vmul.f32 $1.250000000e-01, v14;
	v23 =	vperm.xlane v17, v3;
	v13 =	vadd.f32 v19, v21;
	v19 =	vld [tilespmem:s14+$0x17590]  }
0xdc: {  	v20 =	vperm.xlane v22, v1;
	v21 =	vld [tilespmem:s14+$0x14DA0];
	v15 =	vadd.f32 v26, v15;
	v16 =	vmul.f32 $1.250000000e-01, v16  }
0xdd: {  	v14 =	vmul.f32 $1.442695020e+00, v14;
	v26 =	vld [tilespmem:s14+$0x175A0];
	v17 =	vadd.f32 v23, v17;
	v23 =	vperm.xlane v13, v2  }
0xde: {  	v27 =	vperm.xlane v15, v3;
	v28 =	vmul.f32 $1.442695020e+00, v16  }
0xdf: {  	v29 =	vld [tilespmem:s14+$0x14DB0];
	v17 =	vmul.f32 $1.250000000e-01, v17;
	v30 =	vadd.f32 v23, v13;
	v18 =	vmul.f32 v24, v18  }
0xe0: {  	v23 =	vld [tilespmem:s14+$0x175B0];
	v16 =	vmul.f32 v19, v25;
	v19 =	vadd.f32 v20, v22;
	(erf) = vpow2.f32 v28  }
0xe1: {  	v15 =	vadd.f32 v27, v15;
	v17 =	vmul.f32 $1.442695020e+00, v17;
	v20 =	vperm.xlane v30, v3  }
0xe2: {  	v22 =	vperm.xlane v18, v1;
	v21 =	vmul.f32 v26, v21  }
0xe3: {  	v13 =	vpop (erf);
	(erf) = vpow2.f32 v14;
	v25 =	vmul.f32 $1.250000000e-01, v15  }
0xe4: {  	v13 =	vperm.xlane v13, v4;
	v24 =	vperm.xlane v19, v2;
	v22 =	vadd.f32 v22, v18  }
0xe5: {  	v15 =	vmul.f32 v23, v29;
	v25 =	vmul.f32 $1.442695020e+00, v25  }
0xe6: {  	v19 =	vadd.f32 v24, v19;
	v23 =	vperm.xlane v21, v1;
	v24 =	vperm.xlane v22, v2  }
0xe7: {  	s13 =	simm.s32 $0x600;
	v14 =	vpop (erf);
	v20 =	vadd.f32 v20, v30;
	v18 =	vperm.xlane v15, v1;
	(erf) = vpow2.f32 v25  }
.LBB2_9:
0xe8: {  	s25 =	sshra.s32 s13, $0x2;
	p1 =	sne.s32 s13, $0x4E00;
	s13 =	sadd.s32 $0x200, s13;
	v25 =	vperm.xlane v16, v1;
	v21 =	vadd.f32 v23, v21;
	v23 =	vperm.xlane v19, v3  }
0xe9: {  	v26 =	vld [tilespmem:s25+$0x17580];
	v22 =	vadd.f32 v24, v22;
	(erf) = vpow2.f32 v17;
	v24 =	vperm.xlane v14, v4;
	v14 =	vpop (erf)  }
0xea: {  	v17 =	vld [tilespmem:s25+$0x14D90];
	v16 =	vadd.f32 v25, v16;
	v25 =	vperm.xlane v21, v2;
	v19 =	vadd.f32 v23, v19  }
0xeb: {  	v14 =	vperm.xlane v14, v4;
	v23 =	vld [tilespmem:s25+$0x14D80];
	v27 =	vperm.xlane v22, v3  }
0xec: {  	v20 =	vmul.f32 $1.250000000e-01, v20;
	v28 =	vld [tilespmem:s25+$0x17590];
	v21 =	vadd.f32 v25, v21;
	v19 =	vmul.f32 $1.250000000e-01, v19  }
0xed: {  	v14 =	vnsel vm0, $0x0, v14;
	v25 =	vld [tilespmem:s25+$0x14DA0];
	v22 =	vadd.f32 v27, v22;
	v27 =	vperm.xlane v16, v2  }
0xee: {  	v31 =	vsel vm1, v13, v14;
	v29 =	vld [tilespmem:s25+$0x175A0];
	v30 =	vperm.xlane v21, v3;
	v19 =	vmul.f32 $1.442695020e+00, v19;
	v13 =	vpop (erf)  }
0xef: {  	v32 =	vld [tilespmem:s25+$0x14DB0];
	v33 =	vmul.f32 $1.250000000e-01, v22;
	v27 =	vadd.f32 v27, v16;
	v22 =	vperm.xlane v13, v4  }
0xf0: {  	v20 =	vmul.f32 $1.442695020e+00, v20;
	v23 =	vmul.f32 v26, v23;
	v26 =	vld [tilespmem:s25+$0x175B0];
	v21 =	vadd.f32 v30, v21;
	v13 =	vpop (erf)  }
0xf1: {  	v18 =	vadd.f32 v18, v15;
	v16 =	vmul.f32 v28, v17;
	(erf) = vpow2.f32 v19  }
0xf2: {  	v17 =	vmul.f32 $1.442695020e+00, v33;
	v13 =	vperm.xlane v13, v4;
	v15 =	vsel vm2, v22, v31;
	v14 =	vpop (erf)  }
0xf3: {  	v28 =	vperm.xlane v27, v3;
	v19 =	vperm.xlane v18, v2;
	v22 =	vsel vm3, v24, v15  }
.Ltmp5:
0xf4: {  	v24 =	vperm.xlane v23, v1;
	v30 =	vmul.f32 $1.250000000e-01, v21;
	[tilespmem:s1+$0x1C580] =	vst v22;
	(pc) =	sbr.rel @p1 .LBB2_9-.Ltmp5, $4  }
0xf5: {  	v21 =	vmul.f32 v29, v25;
	v19 =	vadd.f32 v19, v18;
	v15 =	vmul.f32 v26, v32;
	[tilespmem:s1+$0x19D80] =	vst v22;
	s1 =	smov.u32 s8;
	s8 =	smov.u32 s14;
	s14 =	smov.u32 s25  }
0xf6: {  	v25 =	vmul.f32 $1.442695020e+00, v30;
	v22 =	vadd.f32 v24, v23;
	(erf) = vpow2.f32 v20  }
0xf7: {  	v23 =	vperm.xlane v21, v1;
	v20 =	vadd.f32 v28, v27;
	v18 =	vperm.xlane v15, v1  }
0xf8: {  	v24 =	vperm.xlane v22, v2;
	(erf) = vpow2.f32 v25  }
0xf9: {  	v21 =	vadd.f32 v23, v21  }
0xfa: {  	v25 =	vperm.xlane v16, v1;
	v15 =	vadd.f32 v18, v15  }
0xfb: {  	v45 =	vperm.xlane v19, v3;
	v23 =	vperm.xlane v21, v2  }
0xfc: {  	(erf) = vpow2.f32 v17;
	v22 =	vadd.f32 v24, v22;
	v47 =	vperm.xlane v15, v2  }
0xfd: {  	v50 =	vmul.f32 $1.250000000e-01, v20;
	v16 =	vadd.f32 v25, v16;
	v46 =	vadd.f32 v23, v21  }
0xfe: {  	v18 =	vadd.f32 v45, v19;
	v48 =	vperm.xlane v22, v3;
	v15 =	vadd.f32 v47, v15  }
0xff: {  	v49 =	vperm.xlane v16, v2;
	v23 =	vperm.xlane v46, v3  }
0x100: {  	v18 =	vmul.f32 $1.250000000e-01, v18;
	v51 =	vadd.f32 v48, v22;
	v52 =	vperm.xlane v15, v3  }
0x101: {  	v19 =	vmul.f32 $1.442695020e+00, v50;
	v16 =	vadd.f32 v49, v16;
	v17 =	vadd.f32 v23, v46  }
0x102: {  	v18 =	vmul.f32 $1.442695020e+00, v18;
	v20 =	vmul.f32 $1.250000000e-01, v51;
	v15 =	vadd.f32 v52, v15  }
0x103: {  	v53 =	vperm.xlane v16, v3;
	v17 =	vmul.f32 $1.250000000e-01, v17  }
0x104: {  	(erf) = vpow2.f32 v18;
	v15 =	vmul.f32 $1.250000000e-01, v15  }
0x105: {  	(erf) = vpow2.f32 v19;
	v16 =	vadd.f32 v53, v16;
	v17 =	vmul.f32 $1.442695020e+00, v17  }
0x106: {  	v54 =	vmul.f32 $1.442695020e+00, v20;
	v15 =	vmul.f32 $1.442695020e+00, v15  }
0x107: {  	v16 =	vmul.f32 $1.250000000e-01, v16;
	(erf) = vpow2.f32 v17  }
0x108: {  	(erf) = vpow2.f32 v54  }
0x109: {  	v16 =	vmul.f32 $1.442695020e+00, v16;
	(erf) = vpow2.f32 v15  }
0x10a: {  	v15 =	vpop (erf)  }
0x10b: {  	v55 =	vpop (erf);
	(erf) = vpow2.f32 v16;
	v15 =	vperm.xlane v15, v4  }
0x10c: {  	v56 =	vpop (erf)  }
0x10d: {  	v57 =	vpop (erf);
	v15 =	vnsel vm0, $0x0, v15  }
0x10e: {  	v14 =	vperm.xlane v14, v4;
	v58 =	vpop (erf)  }
0x10f: {  	v17 =	vperm.xlane v55, v4;
	v59 =	vpop (erf)  }
0x110: {  	v13 =	vsel vm1, v13, v15;
	v15 =	vpop (erf)  }
0x111: {  	v13 =	vsel vm2, v17, v13;
	v60 =	vperm.xlane v58, v4;
	v61 =	vpop (erf)  }
0x112: {  	v16 =	vperm.xlane v56, v4;
	v13 =	vsel vm3, v14, v13;
	v14 =	vpop (erf)  }
0x113: {  	v20 =	vperm.xlane v59, v4;
	v17 =	vnsel vm0, $0x0, v60;
	v14 =	vperm.xlane v14, v4  }
0x114: {  	v18 =	vperm.xlane v57, v4;
	v16 =	vsel vm1, v16, v17;
	v15 =	vperm.xlane v15, v4;
	v62 =	vpop (erf)  }
0x115: {  	[tilespmem:s1+$0x1C580] =	vst v13;
	v16 =	vsel vm2, v20, v16;
	v17 =	vperm.xlane v62, v4;
	v14 =	vnsel vm0, $0x0, v14  }
0x116: {  	[tilespmem:s1+$0x19D80] =	vst v13;
	v63 =	vperm.xlane v61, v4;
	v13 =	vsel vm3, v18, v16;
	v14 =	vsel vm1, v15, v14  }
0x117: {  	[tilespmem:s8+$0x1C580] =	vst v13;
	v14 =	vsel vm2, v17, v14  }
0x118: {  	[tilespmem:s8+$0x19D80] =	vst v13;
	v13 =	vsel vm3, v63, v14  }
0x119: {  	[tilespmem:s14+$0x1C580] =	vst v13  }
0x11a: {  	s25 =	sadd.s32 s5, s10;
	s28 =	simm.s32 $0x0;
	[tilespmem:s14+$0x19D80] =	vst v13  }
0x11b: {  	[hbm4b:s25+s28] =	stream.linear.scatter [tilespmem:s9], [sflag:$0x3], $0x1400, $0x38;
	[tilespmem:$0x1D980] =	vst v63  }
0x11c: {  	_ = 	snop  }
0x11d: {  	[spmem:s3] =	stream.indirect.scatter.add.f32 [tilespmem:s15], [sflag:$0x4], $0x80, s21, s24, $0xb8;
	[tilespmem:$0x1D980] =	vst v63  }
0x11e: {  	_ =	swait.ge [sflag:s23], $0x1400  }
0x11f: {  	[sflag:s23] =	ssyncset.done $0x0  }
0x120: {  	[sflag:s23] =	ssyncadd.s32 $0xFFFFEC00  }
0x121: {  	_ =	swait.ge [sflag:s29], $0x1400  }
0x122: {  	[sflag:s29] =	ssyncset.done $0x0  }
0x123: {  	s22 =	sadd.s32 $0x1, s22;
	[sflag:s29] =	ssyncadd.s32 $0xFFFFEC00  }
0x124: {  	p1 =	sne.s32 s22, $0x7D;
	_ =	swait.ge [sflag:s30], $0x1400  }
.Ltmp6:
0x125: {  	[sflag:s30] =	ssyncset.done $0x0;
	(pc) =	sbr.rel @p1 .LBB2_6-.Ltmp6, $4  }
0x126: {  	[sflag:s30] =	ssyncadd.s32 $0xFFFFEC00  }
0x127: {  	_ =	swait.ge [sflag:s26], $0x1400  }
0x128: {  	[sflag:s26] =	ssyncset.done $0x0  }
0x129: {  	[sflag:s26] =	ssyncadd.s32 $0xFFFFEC00  }
0x12a: {  	s1 =	sadd.s32 $0x0, s4;
	[bflag:$0x0] =	sbarrier.arrive $0xFFFF  }
0x12b: {  	p1 =	sgt.u32 s1, $0xF9;
	s20 =	rddreg [dreg:$0xd]  }
0x12c: {  	s1 =	simm.s32 @!p1 $0x16180;
	s8 =	simm.s32 @!p1 $0x8;
	p1 =	por p1, p1  }
0x12d: {  	[tilespmem:s1], [sflag:$0x8] =	stream.linear.gather @!p1 [spmem:s20], $0x1400, $0x38;
	[tilespmem:$0x1D980] =	vst v63  }
0x12e: {  	s28 =	sadd.s32 $0x10, s4;
	_ =	swait.ge @!p1 [sflag:s8], $0x1400  }
0x12f: {  	s13 =	simm.s32 @!p1 $0x7;
	[sflag:s8] =	ssyncset.done @!p1 $0x0;
	s22 =	rddreg [dreg:$0xe]  }
0x130: {  	s14 =	simm.s32 @!p1 $0x0;
	[sflag:s8] =	ssyncadd.s32 @!p1 $0xFFFFEC00;
	s8 =	sadd.s32 @!p1 s22, s11  }
0x131: {  	[hbm4b:s8+s14] =	stream.linear.scatter @!p1 [tilespmem:s1], [sflag:$0x7], $0x1400, $0x38;
	[tilespmem:$0x1D980] =	vst v63  }
0x132: {  	s5 =	simm.s32 $0x20;
	p2 =	sgt.u32 s28, $0xF9;
	_ =	swait.ge @!p1 [sflag:s13], $0x1400  }
0x133: {  	s1 =	sadd.s32 $0x2800, s22;
	s8 =	sadd.s32 $0x14000, s20;
	[sflag:s13] =	ssyncset.done @!p1 $0x0  }
.LBB2_12:
0x134: {  	s14 =	simm.s32 @!p2 $0x16180  }
0x135: {  	s20 =	simm.s32 @!p2 $0x8;
	[sflag:s13] =	ssyncadd.s32 @!p1 $0xFFFFEC00;
	s22 =	smov.u32 s5  }
0x136: {  	s25 =	smov.u32 s1;
	p1 =	por p2, p2;
	s5 =	sadd.s32 $0x10, s5  }
0x137: {  	[tilespmem:s14], [sflag:$0x8] =	stream.linear.gather @!p1 [spmem:s8], $0x1400, $0x38;
	[tilespmem:$0x1D980] =	vst v63  }
0x138: {  	s1 =	sadd.s32 $0x2800, s1;
	p3 =	sne.s32 s5, $0x100;
	_ =	swait.ge @!p1 [sflag:s20], $0x1400  }
.Ltmp7:
0x139: {  	s13 =	simm.s32 @!p1 $0x7;
	[sflag:s20] =	ssyncset.done @!p1 $0x0;
	(pc) =	sbr.rel @p3 .LBB2_12-.Ltmp7, $4  }
0x13a: {  	[sflag:s20] =	ssyncadd.s32 @!p1 $0xFFFFEC00;
	s20 =	sadd.s32 @!p1 s25, s11;
	s25 =	simm.s32 @!p1 $0x0  }
0x13b: {  	[hbm4b:s20+s25] =	stream.linear.scatter @!p1 [tilespmem:s14], [sflag:$0x7], $0x1400, $0x38;
	[tilespmem:$0x1D980] =	vst v63  }
0x13c: {  	s14 =	sadd.s32 s22, s4;
	_ =	swait.ge @!p1 [sflag:s13], $0x1400  }
0x13d: {  	s8 =	sadd.s32 $0x14000, s8;
	p2 =	sgt.u32 s14, $0xF9;
	[sflag:s13] =	ssyncset.done @!p1 $0x0  }
0x13e: {  	s5 =	simm.s32 @!p2 $0x16180  }
0x13f: {  	s14 =	simm.s32 @!p2 $0x8;
	[sflag:s13] =	ssyncadd.s32 @!p1 $0xFFFFEC00;
	p1 =	por p2, p2  }
0x140: {  	[tilespmem:s5], [sflag:$0x8] =	stream.linear.gather @!p1 [spmem:s8], $0x1400, $0x38;
	[tilespmem:$0x1D980] =	vst v63  }
0x141: {  	_ =	swait.ge @!p1 [sflag:s14], $0x1400  }
0x142: {  	s8 =	simm.s32 @!p1 $0x7;
	[sflag:s14] =	ssyncset.done @!p1 $0x0  }
0x143: {  	s1 =	sadd.s32 @!p1 s1, s11;
	s13 =	simm.s32 @!p1 $0x0;
	[sflag:s14] =	ssyncadd.s32 @!p1 $0xFFFFEC00  }
0x144: {  	[hbm4b:s1+s13] =	stream.linear.scatter @!p1 [tilespmem:s5], [sflag:$0x7], $0x1400, $0x38;
	[tilespmem:$0x1D980] =	vst v63  }
0x145: {  	_ =	swait.ge @!p1 [sflag:s8], $0x1400  }
0x146: {  	[sflag:s8] =	ssyncset.done @!p1 $0x0  }
0x147: {  	[sflag:s8] =	ssyncadd.s32 @!p1 $0xFFFFEC00  }
0x148: {  	[bflag:$0x0] =	sbarrier.arrive $0xFFFF  }
0x149: {  	s1 =	simm.s32 $0x0;
	s5 =	simm.s32 $0x200;
	s28 =	rddreg [dreg:$0x9]  }
.LBB2_14:
0x14a: {  	p1 =	sne.s32 s5, $0x9E00;
	[tilespmem:s1+$0x189F0] =	vst v0  }
0x14b: {  	[tilespmem:s1+$0x18980] =	vst v0  }
0x14c: {  	[tilespmem:s1+$0x18990] =	vst v0  }
.Ltmp8:
0x14d: {  	[tilespmem:s1+$0x189A0] =	vst v0;
	(pc) =	sbr.rel @p1 .LBB2_14-.Ltmp8, $4  }
0x14e: {  	[tilespmem:s1+$0x189B0] =	vst v0  }
0x14f: {  	[tilespmem:s1+$0x189C0] =	vst v0  }
0x150: {  	[tilespmem:s1+$0x189D0] =	vst v0  }
0x151: {  	[tilespmem:s1+$0x189E0] =	vst v0;
	s1 =	sshra.s32 s5, $0x2;
	s5 =	sadd.s32 $0x200, s5  }
0x152: {  	[tilespmem:s1+$0x189F0] =	vst v0  }
0x153: {  	[tilespmem:s1+$0x18980] =	vst v0  }
0x154: {  	[tilespmem:s1+$0x18990] =	vst v0  }
0x155: {  	[tilespmem:s1+$0x189A0] =	vst v0  }
0x156: {  	[tilespmem:s1+$0x189B0] =	vst v0  }
0x157: {  	[tilespmem:s1+$0x189C0] =	vst v0;
	s5 =	sadd.s32 $0x0, s4  }
0x158: {  	[tilespmem:s1+$0x189D0] =	vst v0;
	p1 =	sgt.u32 s5, $0xF9  }
0x159: {  	[tilespmem:s1+$0x189E0] =	vst v0;
	s14 =	rddreg [dreg:$0xd];
	s1 =	simm.s32 @!p1 $0x18980;
	s13 =	simm.s32 @!p1 $0x7  }
0x15a: {  	[spmem:s14] =	stream.linear.scatter @!p1 [tilespmem:s1], [sflag:$0x7], $0x1400, $0x38;
	[tilespmem:$0x1D980] =	vst v63  }
0x15b: {  	s8 =	simm.s32 $0x20;
	s5 =	simm.s32 $0x10;
	_ =	swait.ge @!p1 [sflag:s13], $0x1400  }
0x15c: {  	s1 =	sadd.s32 $0x14000, s14;
	[sflag:s13] =	ssyncset.done @!p1 $0x0;
	s22 =	rddreg [dreg:$0x7]  }
.LBB2_16:
0x15d: {  	s14 =	sadd.s32 s5, s4;
	s5 =	smov.u32 s8;
	s8 =	sadd.s32 $0x10, s8  }
0x15e: {  	[sflag:s13] =	ssyncadd.s32 @!p1 $0xFFFFEC00;
	p2 =	sne.s32 s8, $0x100  }
.Ltmp9:
0x15f: {  	p1 =	sgt.u32 s14, $0xF9;
	(pc) =	sbr.rel @p2 .LBB2_16-.Ltmp9, $4  }
0x160: {  	s14 =	simm.s32 @!p1 $0x18980;
	s13 =	simm.s32 @!p1 $0x7  }
0x161: {  	[spmem:s1] =	stream.linear.scatter @!p1 [tilespmem:s14], [sflag:$0x7], $0x1400, $0x38;
	[tilespmem:$0x1D980] =	vst v63  }
0x162: {  	_ =	swait.ge @!p1 [sflag:s13], $0x1400  }
0x163: {  	s1 =	sadd.s32 $0x14000, s1;
	[sflag:s13] =	ssyncset.done @!p1 $0x0  }
0x164: {  	s5 =	sadd.s32 s5, s4  }
0x165: {  	p2 =	sgt.u32 s5, $0xF9  }
0x166: {  	[sflag:s13] =	ssyncadd.s32 @!p1 $0xFFFFEC00;
	s5 =	simm.s32 @!p2 $0x18980;
	s8 =	simm.s32 @!p2 $0x7  }
0x167: {  	[spmem:s1] =	stream.linear.scatter @!p2 [tilespmem:s5], [sflag:$0x7], $0x1400, $0x38;
	[tilespmem:$0x1D980] =	vst v63  }
0x168: {  	_ =	swait.ge @!p2 [sflag:s8], $0x1400  }
0x169: {  	[sflag:s8] =	ssyncset.done @!p2 $0x0  }
0x16a: {  	[sflag:s8] =	ssyncadd.s32 @!p2 $0xFFFFEC00  }
0x16b: {  	[bflag:$0x0] =	sbarrier.arrive $0xFFFF  }
0x16c: {  	s1 =	simm.s32 $0x0;
	s5 =	simm.s32 $0x0;
	s25 =	rddreg [dreg:$0x8]  }
.LBB2_18:
0x16d: {  	s8 =	smul.u32 $0x50, s5;
	_ =	sdelay $0x1  }
0x16e: {  	s8 =	sadd.s32 s6, s8  }
0x16f: {  	s13 =	sshrl.u32 s8, $0x3  }
0x170: {  	s20 =	sshll.u32 s8, $0x4;
	s13 =	sadd.s32 s2, s13  }
0x171: {  	[tilespmem:s19], [sflag:$0x1] =	stream.linear.gather [hbm4b:s13+s1], $0x28, $0x38;
	[tilespmem:$0x1D980] =	vst v63  }
0x172: {  	s8 =	sadd.s32 $0x28, s8;
	s14 =	sadd.s32 s20, s10  }
0x173: {  	[tilespmem:s31], [sflag:$0x2] =	stream.linear.gather [hbm4b:s14+s1], $0x1400, $0x38;
	[tilespmem:$0x1D980] =	vst v63  }
0x174: {  	s13 =	sadd.s32 s20, s12;
	s14 =	sshrl.u32 s8, $0x3  }
0x175: {  	[tilespmem:s0], [sflag:$0x3] =	stream.linear.gather [hbm4b:s13+s1], $0x1400, $0x38;
	[tilespmem:$0x1D980] =	vst v63  }
0x176: {  	s8 =	sshll.u32 s8, $0x4;
	s13 =	sadd.s32 s2, s14  }
0x177: {  	[tilespmem:s21], [sflag:$0x4] =	stream.linear.gather [hbm4b:s13+s1], $0x28, $0x38;
	[tilespmem:$0x1D980] =	vst v63  }
0x178: {  	s20 =	sadd.s32 s8, s10  }
0x179: {  	[tilespmem:s9], [sflag:$0x5] =	stream.linear.gather [hbm4b:s20+s1], $0x1400, $0x38;
	[tilespmem:$0x1D980] =	vst v63  }
0x17a: {  	s8 =	sadd.s32 s8, s12  }
0x17b: {  	[tilespmem:s15], [sflag:$0x6] =	stream.linear.gather [hbm4b:s8+s1], $0x1400, $0x38;
	[tilespmem:$0x1D980] =	vst v63  }
0x17c: {  	_ =	swait.ge [sflag:s23], $0x28  }
0x17d: {  	[sflag:s23] =	ssyncset.done $0x0  }
0x17e: {  	[sflag:s23] =	ssyncadd.s32 $0xFFFFFFD8  }
0x17f: {  	_ =	swait.ge [sflag:s29], $0x1400  }
0x180: {  	[sflag:s29] =	ssyncset.done $0x0  }
0x181: {  	[sflag:s29] =	ssyncadd.s32 $0xFFFFEC00  }
0x182: {  	_ =	swait.ge [sflag:s30], $0x1400  }
0x183: {  	[sflag:s30] =	ssyncset.done $0x0  }
0x184: {  	s8 =	simm.s32 $0x0;
	[sflag:s30] =	ssyncadd.s32 $0xFFFFEC00  }
0x185: {  	v13 =	vld [tilespmem:s8+$0x1B180]  }
0x186: {  	v17 =	vld [tilespmem:s8+$0x18980]  }
0x187: {  	v16 =	vld [tilespmem:s8+$0x18990]  }
0x188: {  	v14 =	vld [tilespmem:s8+$0x189A0]  }
0x189: {  	v15 =	vld [tilespmem:s8+$0x189B0]  }
0x18a: {  	v18 =	vld [tilespmem:s8+$0x189C0];
	v22 =	vperm.xlane v13, v5;
	v20 =	vperm.xlane v13, v7  }
0x18b: {  	v19 =	vld [tilespmem:s8+$0x189D0];
	v23 =	vperm.xlane v13, v6;
	v21 =	vperm.xlane v13, v9  }
0x18c: {  	s13 =	simm.s32 $0x200;
	v24 =	vmul.f32 v17, v22;
	v22 =	vperm.xlane v13, v8;
	v17 =	vld [tilespmem:s8+$0x189E0]  }
.LBB2_19:
0x18d: {  	s14 =	sshra.s32 s13, $0x2;
	p1 =	sne.s32 s13, $0x4E00;
	s13 =	sadd.s32 $0x200, s13;
	v16 =	vmul.f32 v16, v23;
	v23 =	vperm.xlane v13, v10;
	v25 =	vld [tilespmem:s8+$0x189F0]  }
0x18e: {  	v14 =	vmul.f32 v14, v20;
	v26 =	vld [tilespmem:s14+$0x1B180];
	[tilespmem:s8+$0x18980] =	vst v24;
	v15 =	vmul.f32 v15, v22  }
0x18f: {  	v20 =	vperm.xlane v13, v12;
	v22 =	vld [tilespmem:s14+$0x18980];
	[tilespmem:s8+$0x18990] =	vst v16;
	v18 =	vmul.f32 v18, v21  }
0x190: {  	v21 =	vperm.xlane v13, v11;
	v16 =	vld [tilespmem:s14+$0x18990];
	[tilespmem:s8+$0x189A0] =	vst v14;
	v19 =	vmul.f32 v19, v23  }
.Ltmp10:
0x191: {  	v14 =	vld [tilespmem:s14+$0x189A0];
	[tilespmem:s8+$0x189B0] =	vst v15;
	(pc) =	sbr.rel @p1 .LBB2_19-.Ltmp10, $4  }
0x192: {  	v17 =	vmul.f32 v17, v21;
	v15 =	vld [tilespmem:s14+$0x189B0];
	[tilespmem:s8+$0x189C0] =	vst v18;
	v25 =	vmul.f32 v25, v20  }
0x193: {  	v24 =	vperm.xlane v26, v5;
	v20 =	vperm.xlane v26, v7;
	v18 =	vld [tilespmem:s14+$0x189C0];
	[tilespmem:s8+$0x189D0] =	vst v19;
	v13 =	vmov v26  }
0x194: {  	v23 =	vperm.xlane v13, v6;
	v21 =	vperm.xlane v13, v9;
	v19 =	vld [tilespmem:s14+$0x189D0];
	[tilespmem:s8+$0x189E0] =	vst v17  }
0x195: {  	v24 =	vmul.f32 v22, v24;
	v22 =	vperm.xlane v13, v8;
	v17 =	vld [tilespmem:s14+$0x189E0];
	[tilespmem:s8+$0x189F0] =	vst v25;
	s8 =	smov.u32 s14  }
0x196: {  	v16 =	vmul.f32 v16, v23  }
0x197: {  	v23 =	vld [tilespmem:s8+$0x189F0];
	v14 =	vmul.f32 v14, v20;
	[tilespmem:s8+$0x18980] =	vst v24  }
0x198: {  	v20 =	vperm.xlane v13, v10;
	v15 =	vmul.f32 v15, v22;
	[tilespmem:s8+$0x18990] =	vst v16  }
0x199: {  	v16 =	vmul.f32 v18, v21;
	[tilespmem:s8+$0x189A0] =	vst v14;
	v14 =	vperm.xlane v13, v11  }
0x19a: {  	v13 =	vperm.xlane v13, v12;
	v18 =	vmul.f32 v19, v20;
	[tilespmem:s8+$0x189B0] =	vst v15  }
0x19b: {  	[tilespmem:s8+$0x189C0] =	vst v16;
	v14 =	vmul.f32 v17, v14  }
0x19c: {  	v13 =	vmul.f32 v23, v13;
	[tilespmem:s8+$0x189D0] =	vst v18  }
0x19d: {  	[tilespmem:s8+$0x189E0] =	vst v14  }
0x19e: {  	[tilespmem:s8+$0x189F0] =	vst v13  }
0x19f: {  	[spmem:s3] =	stream.indirect.scatter.add.f32 [tilespmem:s0], [sflag:$0x1], $0x80, s19, s24, $0xb8;
	[tilespmem:$0x1D980] =	vst v63  }
0x1a0: {  	_ =	swait.ge [sflag:s26], $0x28  }
0x1a1: {  	[sflag:s26] =	ssyncset.done $0x0  }
0x1a2: {  	[sflag:s26] =	ssyncadd.s32 $0xFFFFFFD8  }
0x1a3: {  	_ =	swait.ge [sflag:s16], $0x1400  }
0x1a4: {  	[sflag:s16] =	ssyncset.done $0x0  }
0x1a5: {  	[sflag:s16] =	ssyncadd.s32 $0xFFFFEC00  }
0x1a6: {  	_ =	swait.ge [sflag:s18], $0x1400  }
0x1a7: {  	[sflag:s18] =	ssyncset.done $0x0  }
0x1a8: {  	s8 =	simm.s32 $0x0;
	[sflag:s18] =	ssyncadd.s32 $0xFFFFEC00  }
0x1a9: {  	v13 =	vld [tilespmem:s8+$0x1C580]  }
0x1aa: {  	v17 =	vld [tilespmem:s8+$0x19D80]  }
0x1ab: {  	v16 =	vld [tilespmem:s8+$0x19D90]  }
0x1ac: {  	v14 =	vld [tilespmem:s8+$0x19DA0]  }
0x1ad: {  	v15 =	vld [tilespmem:s8+$0x19DB0]  }
0x1ae: {  	v18 =	vld [tilespmem:s8+$0x19DC0];
	v22 =	vperm.xlane v13, v5;
	v20 =	vperm.xlane v13, v7  }
0x1af: {  	v19 =	vld [tilespmem:s8+$0x19DD0];
	v23 =	vperm.xlane v13, v6;
	v21 =	vperm.xlane v13, v9  }
0x1b0: {  	s13 =	simm.s32 $0x200;
	v24 =	vmul.f32 v17, v22;
	v22 =	vperm.xlane v13, v8;
	v17 =	vld [tilespmem:s8+$0x19DE0]  }
.LBB2_21:
0x1b1: {  	s14 =	sshra.s32 s13, $0x2;
	p1 =	sne.s32 s13, $0x4E00;
	s13 =	sadd.s32 $0x200, s13;
	v16 =	vmul.f32 v16, v23;
	v23 =	vperm.xlane v13, v10;
	v25 =	vld [tilespmem:s8+$0x19DF0]  }
0x1b2: {  	v14 =	vmul.f32 v14, v20;
	v26 =	vld [tilespmem:s14+$0x1C580];
	[tilespmem:s8+$0x19D80] =	vst v24;
	v15 =	vmul.f32 v15, v22  }
0x1b3: {  	v20 =	vperm.xlane v13, v12;
	v22 =	vld [tilespmem:s14+$0x19D80];
	[tilespmem:s8+$0x19D90] =	vst v16;
	v18 =	vmul.f32 v18, v21  }
0x1b4: {  	v21 =	vperm.xlane v13, v11;
	v16 =	vld [tilespmem:s14+$0x19D90];
	[tilespmem:s8+$0x19DA0] =	vst v14;
	v19 =	vmul.f32 v19, v23  }
.Ltmp11:
0x1b5: {  	v14 =	vld [tilespmem:s14+$0x19DA0];
	[tilespmem:s8+$0x19DB0] =	vst v15;
	(pc) =	sbr.rel @p1 .LBB2_21-.Ltmp11, $4  }
0x1b6: {  	v17 =	vmul.f32 v17, v21;
	v15 =	vld [tilespmem:s14+$0x19DB0];
	[tilespmem:s8+$0x19DC0] =	vst v18;
	v25 =	vmul.f32 v25, v20  }
0x1b7: {  	v24 =	vperm.xlane v26, v5;
	v20 =	vperm.xlane v26, v7;
	v18 =	vld [tilespmem:s14+$0x19DC0];
	[tilespmem:s8+$0x19DD0] =	vst v19;
	v13 =	vmov v26  }
0x1b8: {  	v23 =	vperm.xlane v13, v6;
	v21 =	vperm.xlane v13, v9;
	v19 =	vld [tilespmem:s14+$0x19DD0];
	[tilespmem:s8+$0x19DE0] =	vst v17  }
0x1b9: {  	v24 =	vmul.f32 v22, v24;
	v22 =	vperm.xlane v13, v8;
	v17 =	vld [tilespmem:s14+$0x19DE0];
	[tilespmem:s8+$0x19DF0] =	vst v25;
	s8 =	smov.u32 s14  }
0x1ba: {  	v16 =	vmul.f32 v16, v23  }
0x1bb: {  	v60 =	vld [tilespmem:s8+$0x19DF0];
	v14 =	vmul.f32 v14, v20;
	[tilespmem:s8+$0x19D80] =	vst v24  }
0x1bc: {  	v61 =	vperm.xlane v13, v10;
	v15 =	vmul.f32 v15, v22;
	[tilespmem:s8+$0x19D90] =	vst v16  }
0x1bd: {  	v62 =	vmul.f32 v18, v21;
	[tilespmem:s8+$0x19DA0] =	vst v14;
	v14 =	vperm.xlane v13, v11  }
0x1be: {  	v13 =	vperm.xlane v13, v12;
	v63 =	vmul.f32 v19, v61;
	[tilespmem:s8+$0x19DB0] =	vst v15  }
0x1bf: {  	[tilespmem:s8+$0x19DC0] =	vst v62;
	v14 =	vmul.f32 v17, v14  }
0x1c0: {  	v13 =	vmul.f32 v60, v13;
	[tilespmem:s8+$0x19DD0] =	vst v63  }
0x1c1: {  	[tilespmem:s8+$0x19DE0] =	vst v14  }
0x1c2: {  	s5 =	sadd.s32 $0x1, s5;
	[tilespmem:s8+$0x19DF0] =	vst v13  }
0x1c3: {  	[spmem:s3] =	stream.indirect.scatter.add.f32 [tilespmem:s15], [sflag:$0x2], $0x80, s21, s24, $0xb8;
	[tilespmem:$0x1D980] =	vst v63  }
0x1c4: {  	p1 =	sne.s32 s5, $0x7D;
	_ =	swait.ge [sflag:s23], $0x1400  }
.Ltmp12:
0x1c5: {  	[sflag:s23] =	ssyncset.done $0x0;
	(pc) =	sbr.rel @p1 .LBB2_18-.Ltmp12, $4  }
0x1c6: {  	[sflag:s23] =	ssyncadd.s32 $0xFFFFEC00  }
0x1c7: {  	_ =	swait.ge [sflag:s29], $0x1400  }
0x1c8: {  	[sflag:s29] =	ssyncset.done $0x0  }
0x1c9: {  	[sflag:s29] =	ssyncadd.s32 $0xFFFFEC00  }
.Ltmp13:
0x1ca: {  	(pc) =	sbr.rel .LBB2_24-.Ltmp13, $3  }
0x1cb: {  	_ =	sdelay $0x1  }
0x1cc: {  	[bflag:$0x0] =	sbarrier.arrive $0xFFFF  }
0x1cd: {  	s1 =	simm.s32 $0x0  }
.LBB2_28:
0x1ce: {  	s1 =	sadd.s32 $0x1, s1  }
0x1cf: {  	p1 =	sne.s32 s1, $0x10  }
.Ltmp14:
0x1d0: {  	_ = 	snop;
	(pc) =	sbr.rel @!p1 .LBB2_29-.Ltmp14, $1  }
0x1d1: {  	_ =	sdelay $0x3  }
.LBB2_24:
0x1d2: {  	s5 =	sshll.u32 s1, $0x4  }
0x1d3: {  	s5 =	sor.u32 s4, s5  }
0x1d4: {  	p1 =	sgt.u32 s5, $0xF9  }
.Ltmp15:
0x1d5: {  	_ = 	snop;
	(pc) =	sbr.rel @p1 .LBB2_28-.Ltmp15, $1  }
0x1d6: {  	_ =	sdelay $0x3  }
0x1d7: {  	s8 =	smul.u32 $0x5000, s5;
	_ =	sdelay $0x1  }
0x1d8: {  	s8 =	sshra.s32 s8, $0x2  }
0x1d9: {  	s13 =	simm.s32 $0x16180;
	s8 =	sadd.s32 s8, s3  }
0x1da: {  	[tilespmem:s13], [sflag:$0x8] =	stream.linear.gather [spmem:s8], $0x1400, $0x38;
	[tilespmem:$0x1D980] =	vst v63  }
0x1db: {  	s5 =	smul.u32 $0x280, s5;
	_ =	swait.ge [sflag:s17], $0x1400  }
0x1dc: {  	s20 =	simm.s32 $0x0;
	[sflag:s17] =	ssyncset.done $0x0  }
0x1dd: {  	s14 =	simm.s32 $0x17580;
	s13 =	sadd.s32 s5, s11;
	[sflag:s17] =	ssyncadd.s32 $0xFFFFEC00  }
0x1de: {  	[tilespmem:s14], [sflag:$0x8] =	stream.linear.gather [hbm4b:s13+s20], $0x1400, $0x38;
	[tilespmem:$0x1D980] =	vst v63  }
0x1df: {  	_ =	swait.ge [sflag:s17], $0x1400  }
0x1e0: {  	[sflag:s17] =	ssyncset.done $0x0  }
0x1e1: {  	s14 =	simm.s32 $0x0;
	[sflag:s17] =	ssyncadd.s32 $0xFFFFEC00  }
0x1e2: {  	v14 =	vld [tilespmem:s14+$0x17580];
	_ =	sdelay $0x4  }
0x1e3: {  	v13 =	vperm.xlane v14, v5;
	v15 =	vperm.xlane v14, v7  }
0x1e4: {  	v16 =	vperm.xlane v14, v9;
	v17 =	vperm.xlane v14, v11  }
0x1e5: {  	v18 =	vperm.xlane v14, v12;
	v19 =	vperm.xlane v14, v10;
	vm4 =	vgt.f32 v13, $0.0e+00  }
0x1e6: {  	v24 =	vperm.xlane v14, v8;
	vm5 =	vgt.f32 v15, $0.0e+00;
	v13 =	vnsel vm4, $0x3F800000, v13  }
0x1e7: {  	s8 =	simm.s32 $0x80;
	vm4 =	vgt.f32 v16, $0.0e+00;
	v15 =	vnsel vm5, $0x3F800000, v15;
	(erf) = vrcp.f32 v13  }
0x1e8: {  	v13 =	vld [tilespmem:s8+$0x17580];
	v16 =	vnsel vm4, $0x3F800000, v16;
	vm4 =	vgt.f32 v18, $0.0e+00;
	(erf) = vrcp.f32 v15  }
0x1e9: {  	v18 =	vnsel vm4, $0x3F800000, v18;
	vm4 =	vgt.f32 v17, $0.0e+00;
	(erf) = vrcp.f32 v16  }
0x1ea: {  	v15 =	vperm.xlane v14, v6;
	v14 =	vnsel vm4, $0x3F800000, v17;
	(erf) = vrcp.f32 v18  }
0x1eb: {  	(erf) = vrcp.f32 v14  }
0x1ec: {  	vm4 =	vgt.f32 v19, $0.0e+00;
	vm5 =	vgt.f32 v15, $0.0e+00  }
0x1ed: {  	v22 =	vnsel vm4, $0x3F800000, v19;
	v20 =	vperm.xlane v13, v5;
	v14 =	vperm.xlane v13, v7  }
0x1ee: {  	v23 =	vld [tilespmem:s14+$0x161A0];
	v15 =	vnsel vm5, $0x3F800000, v15;
	v21 =	vperm.xlane v13, v9;
	v19 =	vperm.xlane v13, v11  }
0x1ef: {  	v27 =	vld [tilespmem:s14+$0x16180];
	vm5 =	vgt.f32 v24, $0.0e+00;
	(erf) = vrcp.f32 v22;
	v25 =	vperm.xlane v13, v12  }
0x1f0: {  	v16 =	vld [tilespmem:s14+$0x161C0];
	v30 =	vnsel vm5, $0x3F800000, v24;
	(erf) = vrcp.f32 v15;
	vm6 =	vgt.f32 v20, $0.0e+00;
	v17 =	vpop (erf)  }
0x1f1: {  	v18 =	vld [tilespmem:s14+$0x161D0];
	v15 =	vperm.xlane v13, v10;
	vm4 =	vgt.f32 v14, $0.0e+00;
	v20 =	vnsel vm6, $0x3F800000, v20;
	v28 =	vpop (erf)  }
0x1f2: {  	v22 =	vld [tilespmem:s14+$0x161E0];
	vm6 =	vgt.f32 v21, $0.0e+00;
	v26 =	vnsel vm4, $0x3F800000, v14;
	(erf) = vrcp.f32 v20;
	v29 =	vpop (erf)  }
0x1f3: {  	s13 =	simm.s32 $0x400;
	v14 =	vperm.xlane v13, v8;
	vm4 =	vgt.f32 v25, $0.0e+00;
	v21 =	vnsel vm6, $0x3F800000, v21;
	v20 =	vld [tilespmem:s14+$0x161F0];
	v24 =	vpop (erf)  }
.LBB2_26:
0x1f4: {  	s20 =	sshra.s32 s13, $0x2;
	p1 =	sne.s32 s13, $0x4E00;
	s13 =	sadd.s32 $0x200, s13;
	v31 =	vperm.xlane v13, v6;
	vm5 =	vgt.f32 v19, $0.0e+00;
	v23 =	vmul.f32 v28, v23;
	v32 =	vld [tilespmem:s14+$0x161B0];
	v28 =	vpop (erf)  }
0x1f5: {  	v25 =	vnsel vm4, $0x3F800000, v25;
	v16 =	vmul.f32 v29, v16;
	v13 =	vld [tilespmem:s20+$0x17580];
	(erf) = vrcp.f32 v30  }
0x1f6: {  	v19 =	vnsel vm5, $0x3F800000, v19;
	vm4 =	vgt.f32 v31, $0.0e+00;
	(erf) = vrcp.f32 v26;
	v26 =	vld [tilespmem:s14+$0x16190];
	[tilespmem:s14+$0x161A0] =	vst v23  }
0x1f7: {  	v29 =	vnsel vm4, $0x3F800000, v31;
	(erf) = vrcp.f32 v21;
	[tilespmem:s14+$0x161C0] =	vst v16;
	v21 =	vmul.f32 v28, v22  }
0x1f8: {  	v16 =	vld [tilespmem:s8+$0x161C0];
	(erf) = vrcp.f32 v25;
	v23 =	vmul.f32 v17, v27;
	v22 =	vpop (erf)  }
0x1f9: {  	(erf) = vrcp.f32 v19;
	v18 =	vmul.f32 v22, v18;
	[tilespmem:s14+$0x161E0] =	vst v21;
	v19 =	vpop (erf)  }
0x1fa: {  	vm4 =	vgt.f32 v15, $0.0e+00;
	v20 =	vmul.f32 v24, v20;
	v21 =	vperm.xlane v13, v5;
	[tilespmem:s14+$0x16180] =	vst v23  }
0x1fb: {  	vm5 =	vgt.f32 v14, $0.0e+00;
	v24 =	vperm.xlane v13, v7;
	v17 =	vpop (erf);
	v22 =	vmul.f32 v19, v26;
	[tilespmem:s14+$0x161D0] =	vst v18  }
0x1fc: {  	v25 =	vperm.xlane v13, v9;
	v26 =	vnsel vm4, $0x3F800000, v15;
	vm6 =	vgt.f32 v21, $0.0e+00;
	v23 =	vld [tilespmem:s8+$0x161A0];
	[tilespmem:s14+$0x161F0] =	vst v20  }
.Ltmp16:
0x1fd: {  	v19 =	vperm.xlane v13, v11;
	vm4 =	vgt.f32 v24, $0.0e+00;
	v18 =	vld [tilespmem:s8+$0x161D0];
	(erf) = vrcp.f32 v26;
	[tilespmem:s14+$0x16190] =	vst v22;
	(pc) =	sbr.rel @p1 .LBB2_26-.Ltmp16, $4  }
0x1fe: {  	v20 =	vnsel vm6, $0x3F800000, v21;
	vm6 =	vgt.f32 v25, $0.0e+00;
	v22 =	vld [tilespmem:s8+$0x161E0];
	(erf) = vrcp.f32 v29;
	v15 =	vpop (erf)  }
0x1ff: {  	v21 =	vnsel vm6, $0x3F800000, v25;
	v25 =	vperm.xlane v13, v12;
	v28 =	vpop (erf);
	v31 =	vmul.f32 v15, v32  }
0x200: {  	v26 =	vnsel vm4, $0x3F800000, v24;
	v15 =	vperm.xlane v13, v10;
	(erf) = vrcp.f32 v20;
	v20 =	vld [tilespmem:s8+$0x161F0];
	v29 =	vpop (erf)  }
0x201: {  	v30 =	vnsel vm5, $0x3F800000, v14;
	v14 =	vperm.xlane v13, v8;
	vm4 =	vgt.f32 v25, $0.0e+00;
	v27 =	vld [tilespmem:s8+$0x16180];
	v24 =	vpop (erf);
	[tilespmem:s14+$0x161B0] =	vst v31;
	s14 =	smov.u32 s8;
	s8 =	smov.u32 s20  }
0x202: {  	_ = 	snop  }
0x203: {  	v31 =	vpop (erf);
	(erf) = vrcp.f32 v30  }
0x204: {  	v23 =	vmul.f32 v28, v23;
	v16 =	vmul.f32 v29, v16  }
0x205: {  	vm5 =	vgt.f32 v19, $0.0e+00;
	v54 =	vnsel vm4, $0x3F800000, v25;
	v13 =	vperm.xlane v13, v6  }
0x206: {  	v50 =	vld [tilespmem:s14+$0x16190];
	vm4 =	vgt.f32 v15, $0.0e+00;
	v51 =	vmul.f32 v31, v22;
	v53 =	vpop (erf);
	(erf) = vrcp.f32 v26  }
0x207: {  	v55 =	vnsel vm5, $0x3F800000, v19;
	v15 =	vnsel vm4, $0x3F800000, v15;
	[tilespmem:s14+$0x161A0] =	vst v23;
	(erf) = vrcp.f32 v21  }
0x208: {  	v49 =	vld [tilespmem:s14+$0x161B0];
	[tilespmem:s14+$0x161C0] =	vst v16;
	vm4 =	vgt.f32 v13, $0.0e+00;
	v17 =	vmul.f32 v17, v27;
	(erf) = vrcp.f32 v54  }
0x209: {  	v52 =	vld [tilespmem:s8+$0x161C0];
	[tilespmem:s14+$0x161E0] =	vst v51;
	v13 =	vnsel vm4, $0x3F800000, v13;
	v18 =	vmul.f32 v53, v18;
	(erf) = vrcp.f32 v55  }
0x20a: {  	v56 =	vmul.f32 v24, v20;
	v57 =	vpop (erf);
	[tilespmem:s14+$0x16180] =	vst v17  }
0x20b: {  	vm4 =	vgt.f32 v14, $0.0e+00;
	v17 =	vmul.f32 v57, v50;
	[tilespmem:s14+$0x161D0] =	vst v18;
	(erf) = vrcp.f32 v15;
	v15 =	vpop (erf)  }
0x20c: {  	v14 =	vnsel vm4, $0x3F800000, v14;
	v18 =	vld [tilespmem:s8+$0x161A0];
	[tilespmem:s14+$0x161F0] =	vst v56;
	(erf) = vrcp.f32 v13;
	v13 =	vpop (erf)  }
0x20d: {  	v16 =	vld [tilespmem:s8+$0x161D0];
	[tilespmem:s14+$0x16190] =	vst v17;
	v13 =	vmul.f32 v13, v49  }
0x20e: {  	v17 =	vld [tilespmem:s8+$0x161E0]  }
0x20f: {  	(erf) = vrcp.f32 v14;
	v59 =	vld [tilespmem:s8+$0x16180];
	v14 =	vpop (erf)  }
0x210: {  	v21 =	vpop (erf)  }
0x211: {  	v58 =	vld [tilespmem:s8+$0x161F0];
	[tilespmem:s14+$0x161B0] =	vst v13;
	v14 =	vmul.f32 v14, v18;
	v13 =	vpop (erf)  }
0x212: {  	v61 =	vpop (erf)  }
0x213: {  	v62 =	vld [tilespmem:s8+$0x16190];
	v21 =	vmul.f32 v21, v52;
	[tilespmem:s8+$0x161A0] =	vst v14;
	v14 =	vmul.f32 v61, v17  }
0x214: {  	v60 =	vld [tilespmem:s8+$0x161B0];
	v15 =	vmul.f32 v15, v59  }
0x215: {  	[tilespmem:s8+$0x161C0] =	vst v21  }
0x216: {  	v13 =	vmul.f32 v13, v58;
	v63 =	vpop (erf);
	[tilespmem:s8+$0x16180] =	vst v15  }
0x217: {  	v16 =	vmul.f32 v63, v16;
	[tilespmem:s8+$0x161E0] =	vst v14;
	v14 =	vpop (erf)  }
0x218: {  	[tilespmem:s8+$0x161F0] =	vst v13;
	v14 =	vmul.f32 v14, v62;
	v15 =	vpop (erf)  }
0x219: {  	[tilespmem:s8+$0x161D0] =	vst v16;
	v13 =	vmul.f32 v15, v60  }
0x21a: {  	s5 =	sadd.s32 s5, s28;
	s13 =	simm.s32 $0x16180;
	[tilespmem:s8+$0x16190] =	vst v14  }
.Ltmp17:
0x21b: {  	s20 =	simm.s32 $0x7;
	s14 =	simm.s32 $0x0;
	[tilespmem:s8+$0x161B0] =	vst v13;
	(pc) =	sbr.rel .LBB2_28-.Ltmp17, $4  }
0x21c: {  	[hbm4b:s5+s14] =	stream.linear.scatter [tilespmem:s13], [sflag:$0x7], $0x1400, $0x38;
	[tilespmem:$0x1D980] =	vst v63  }
0x21d: {  	_ =	swait.ge [sflag:s20], $0x1400  }
0x21e: {  	[sflag:s20] =	ssyncset.done $0x0  }
0x21f: {  	[sflag:s20] =	ssyncadd.s32 $0xFFFFEC00  }
.LBB2_29:
0x220: {  	[bflag:$0x0] =	sbarrier.arrive $0xFFFF;
	s1 =	simm.s32 $0x0;
	s5 =	simm.s32 $0x200  }
.LBB2_30:
0x221: {  	p1 =	sne.s32 s5, $0x9E00;
	[tilespmem:s1+$0x189F0] =	vst v0  }
0x222: {  	[tilespmem:s1+$0x18980] =	vst v0  }
0x223: {  	[tilespmem:s1+$0x18990] =	vst v0  }
.Ltmp18:
0x224: {  	[tilespmem:s1+$0x189A0] =	vst v0;
	(pc) =	sbr.rel @p1 .LBB2_30-.Ltmp18, $4  }
0x225: {  	[tilespmem:s1+$0x189B0] =	vst v0  }
0x226: {  	[tilespmem:s1+$0x189C0] =	vst v0  }
0x227: {  	[tilespmem:s1+$0x189D0] =	vst v0  }
0x228: {  	[tilespmem:s1+$0x189E0] =	vst v0;
	s1 =	sshra.s32 s5, $0x2;
	s5 =	sadd.s32 $0x200, s5  }
0x229: {  	[tilespmem:s1+$0x189F0] =	vst v0  }
0x22a: {  	[tilespmem:s1+$0x18980] =	vst v0  }
0x22b: {  	[tilespmem:s1+$0x18990] =	vst v0  }
0x22c: {  	[tilespmem:s1+$0x189A0] =	vst v0  }
0x22d: {  	[tilespmem:s1+$0x189B0] =	vst v0  }
0x22e: {  	[tilespmem:s1+$0x189C0] =	vst v0;
	s5 =	sadd.s32 $0x0, s4  }
0x22f: {  	[tilespmem:s1+$0x189D0] =	vst v0;
	p1 =	sgt.u32 s5, $0xF9  }
0x230: {  	[tilespmem:s1+$0x189E0] =	vst v0;
	s14 =	rddreg [dreg:$0xd];
	s1 =	simm.s32 @!p1 $0x18980;
	s13 =	simm.s32 @!p1 $0x7  }
0x231: {  	[spmem:s14] =	stream.linear.scatter @!p1 [tilespmem:s1], [sflag:$0x7], $0x1400, $0x38;
	[tilespmem:$0x1D980] =	vst v63  }
0x232: {  	s8 =	simm.s32 $0x20;
	_ =	swait.ge @!p1 [sflag:s13], $0x1400  }
0x233: {  	s5 =	simm.s32 $0x10;
	s1 =	sadd.s32 $0x14000, s14;
	[sflag:s13] =	ssyncset.done @!p1 $0x0  }
.LBB2_32:
0x234: {  	s14 =	sadd.s32 s5, s4;
	s5 =	smov.u32 s8;
	s8 =	sadd.s32 $0x10, s8  }
0x235: {  	[sflag:s13] =	ssyncadd.s32 @!p1 $0xFFFFEC00;
	p2 =	sne.s32 s8, $0x100  }
.Ltmp19:
0x236: {  	p1 =	sgt.u32 s14, $0xF9;
	(pc) =	sbr.rel @p2 .LBB2_32-.Ltmp19, $4  }
0x237: {  	s14 =	simm.s32 @!p1 $0x18980;
	s13 =	simm.s32 @!p1 $0x7  }
0x238: {  	[spmem:s1] =	stream.linear.scatter @!p1 [tilespmem:s14], [sflag:$0x7], $0x1400, $0x38;
	[tilespmem:$0x1D980] =	vst v63  }
0x239: {  	_ =	swait.ge @!p1 [sflag:s13], $0x1400  }
0x23a: {  	s1 =	sadd.s32 $0x14000, s1;
	[sflag:s13] =	ssyncset.done @!p1 $0x0  }
0x23b: {  	s5 =	sadd.s32 s5, s4  }
0x23c: {  	p2 =	sgt.u32 s5, $0xF9  }
0x23d: {  	[sflag:s13] =	ssyncadd.s32 @!p1 $0xFFFFEC00;
	s5 =	simm.s32 @!p2 $0x18980;
	s8 =	simm.s32 @!p2 $0x7  }
0x23e: {  	[spmem:s1] =	stream.linear.scatter @!p2 [tilespmem:s5], [sflag:$0x7], $0x1400, $0x38;
	[tilespmem:$0x1D980] =	vst v63  }
.Ltmp20:
0x23f: {  	_ =	swait.ge @!p2 [sflag:s8], $0x1400;
	(pc) =	sbr.rel @p0 .LBB2_45-.Ltmp20, $4  }
0x240: {  	[sflag:s8] =	ssyncset.done @!p2 $0x0  }
0x241: {  	[sflag:s8] =	ssyncadd.s32 @!p2 $0xFFFFEC00  }
0x242: {  	[bflag:$0x0] =	sbarrier.arrive $0xFFFF  }
0x243: {  	s1 =	simm.s32 $0x0;
	s5 =	simm.s32 $0x0  }
.LBB2_34:
0x244: {  	s8 =	smul.u32 $0x50, s5;
	_ =	sdelay $0x1  }
0x245: {  	s8 =	sadd.s32 s6, s8  }
0x246: {  	s13 =	sshrl.u32 s8, $0x3  }
0x247: {  	s28 =	sshll.u32 s8, $0x4;
	s13 =	sadd.s32 s2, s13  }
0x248: {  	[tilespmem:s19], [sflag:$0x1] =	stream.linear.gather [hbm4b:s13+s1], $0x28, $0x38;
	[tilespmem:$0x1D980] =	vst v63  }
0x249: {  	s14 =	sadd.s32 s28, s22  }
0x24a: {  	[tilespmem:s31], [sflag:$0x2] =	stream.linear.gather [hbm4b:s14+s1], $0x1400, $0x38;
	[tilespmem:$0x1D980] =	vst v63  }
0x24b: {  	s8 =	sadd.s32 $0x28, s8;
	s14 =	rddreg [dreg:$0xa]  }
0x24c: {  	s20 =	sshrl.u32 s8, $0x3;
	s13 =	sadd.s32 s28, s14  }
0x24d: {  	[tilespmem:s0], [sflag:$0x3] =	stream.linear.gather [hbm4b:s13+s1], $0x1400, $0x38;
	[tilespmem:$0x1D980] =	vst v63  }
0x24e: {  	s8 =	sshll.u32 s8, $0x4;
	s13 =	sadd.s32 s2, s20  }
0x24f: {  	[tilespmem:s21], [sflag:$0x4] =	stream.linear.gather [hbm4b:s13+s1], $0x28, $0x38;
	[tilespmem:$0x1D980] =	vst v63  }
0x250: {  	s28 =	sadd.s32 s8, s22  }
0x251: {  	[tilespmem:s9], [sflag:$0x5] =	stream.linear.gather [hbm4b:s28+s1], $0x1400, $0x38;
	[tilespmem:$0x1D980] =	vst v63  }
0x252: {  	s8 =	sadd.s32 s8, s14  }
0x253: {  	[tilespmem:s15], [sflag:$0x6] =	stream.linear.gather [hbm4b:s8+s1], $0x1400, $0x38;
	[tilespmem:$0x1D980] =	vst v63  }
0x254: {  	_ =	swait.ge [sflag:s23], $0x28  }
0x255: {  	[sflag:s23] =	ssyncset.done $0x0  }
0x256: {  	[sflag:s23] =	ssyncadd.s32 $0xFFFFFFD8  }
0x257: {  	_ =	swait.ge [sflag:s29], $0x1400  }
0x258: {  	[sflag:s29] =	ssyncset.done $0x0  }
0x259: {  	[sflag:s29] =	ssyncadd.s32 $0xFFFFEC00  }
0x25a: {  	_ =	swait.ge [sflag:s30], $0x1400  }
0x25b: {  	[sflag:s30] =	ssyncset.done $0x0  }
0x25c: {  	s8 =	simm.s32 $0x0;
	[sflag:s30] =	ssyncadd.s32 $0xFFFFEC00  }
0x25d: {  	v13 =	vld [tilespmem:s8+$0x1B180]  }
0x25e: {  	v17 =	vld [tilespmem:s8+$0x18980]  }
0x25f: {  	v16 =	vld [tilespmem:s8+$0x18990]  }
0x260: {  	v14 =	vld [tilespmem:s8+$0x189A0]  }
0x261: {  	v15 =	vld [tilespmem:s8+$0x189B0]  }
0x262: {  	v18 =	vld [tilespmem:s8+$0x189C0];
	v22 =	vperm.xlane v13, v5;
	v20 =	vperm.xlane v13, v7  }
0x263: {  	v19 =	vld [tilespmem:s8+$0x189D0];
	v23 =	vperm.xlane v13, v6;
	v21 =	vperm.xlane v13, v9  }
0x264: {  	s13 =	simm.s32 $0x200;
	v24 =	vmul.f32 v17, v22;
	v22 =	vperm.xlane v13, v8;
	v17 =	vld [tilespmem:s8+$0x189E0]  }
.LBB2_35:
0x265: {  	s14 =	sshra.s32 s13, $0x2;
	p1 =	sne.s32 s13, $0x4E00;
	s13 =	sadd.s32 $0x200, s13;
	v16 =	vmul.f32 v16, v23;
	v23 =	vperm.xlane v13, v10;
	v25 =	vld [tilespmem:s8+$0x189F0]  }
0x266: {  	v14 =	vmul.f32 v14, v20;
	v26 =	vld [tilespmem:s14+$0x1B180];
	[tilespmem:s8+$0x18980] =	vst v24;
	v15 =	vmul.f32 v15, v22  }
0x267: {  	v20 =	vperm.xlane v13, v12;
	v22 =	vld [tilespmem:s14+$0x18980];
	[tilespmem:s8+$0x18990] =	vst v16;
	v18 =	vmul.f32 v18, v21  }
0x268: {  	v21 =	vperm.xlane v13, v11;
	v16 =	vld [tilespmem:s14+$0x18990];
	[tilespmem:s8+$0x189A0] =	vst v14;
	v19 =	vmul.f32 v19, v23  }
.Ltmp21:
0x269: {  	v14 =	vld [tilespmem:s14+$0x189A0];
	[tilespmem:s8+$0x189B0] =	vst v15;
	(pc) =	sbr.rel @p1 .LBB2_35-.Ltmp21, $4  }
0x26a: {  	v17 =	vmul.f32 v17, v21;
	v15 =	vld [tilespmem:s14+$0x189B0];
	[tilespmem:s8+$0x189C0] =	vst v18;
	v25 =	vmul.f32 v25, v20  }
0x26b: {  	v24 =	vperm.xlane v26, v5;
	v20 =	vperm.xlane v26, v7;
	v18 =	vld [tilespmem:s14+$0x189C0];
	[tilespmem:s8+$0x189D0] =	vst v19;
	v13 =	vmov v26  }
0x26c: {  	v23 =	vperm.xlane v13, v6;
	v21 =	vperm.xlane v13, v9;
	v19 =	vld [tilespmem:s14+$0x189D0];
	[tilespmem:s8+$0x189E0] =	vst v17  }
0x26d: {  	v24 =	vmul.f32 v22, v24;
	v22 =	vperm.xlane v13, v8;
	v17 =	vld [tilespmem:s14+$0x189E0];
	[tilespmem:s8+$0x189F0] =	vst v25;
	s8 =	smov.u32 s14  }
0x26e: {  	v16 =	vmul.f32 v16, v23  }
0x26f: {  	v23 =	vld [tilespmem:s8+$0x189F0];
	v14 =	vmul.f32 v14, v20;
	[tilespmem:s8+$0x18980] =	vst v24  }
0x270: {  	v20 =	vperm.xlane v13, v10;
	v15 =	vmul.f32 v15, v22;
	[tilespmem:s8+$0x18990] =	vst v16  }
0x271: {  	v16 =	vmul.f32 v18, v21;
	[tilespmem:s8+$0x189A0] =	vst v14;
	v14 =	vperm.xlane v13, v11  }
0x272: {  	v13 =	vperm.xlane v13, v12;
	v18 =	vmul.f32 v19, v20;
	[tilespmem:s8+$0x189B0] =	vst v15  }
0x273: {  	[tilespmem:s8+$0x189C0] =	vst v16;
	v14 =	vmul.f32 v17, v14  }
0x274: {  	v13 =	vmul.f32 v23, v13;
	[tilespmem:s8+$0x189D0] =	vst v18  }
0x275: {  	[tilespmem:s8+$0x189E0] =	vst v14  }
0x276: {  	[tilespmem:s8+$0x189F0] =	vst v13  }
0x277: {  	[spmem:s3] =	stream.indirect.scatter.add.f32 [tilespmem:s0], [sflag:$0x1], $0x80, s19, s24, $0xb8;
	[tilespmem:$0x1D980] =	vst v63  }
0x278: {  	_ =	swait.ge [sflag:s26], $0x28  }
0x279: {  	[sflag:s26] =	ssyncset.done $0x0  }
0x27a: {  	[sflag:s26] =	ssyncadd.s32 $0xFFFFFFD8  }
0x27b: {  	_ =	swait.ge [sflag:s16], $0x1400  }
0x27c: {  	[sflag:s16] =	ssyncset.done $0x0  }
0x27d: {  	[sflag:s16] =	ssyncadd.s32 $0xFFFFEC00  }
0x27e: {  	_ =	swait.ge [sflag:s18], $0x1400  }
0x27f: {  	[sflag:s18] =	ssyncset.done $0x0  }
0x280: {  	s8 =	simm.s32 $0x0;
	[sflag:s18] =	ssyncadd.s32 $0xFFFFEC00  }
0x281: {  	v13 =	vld [tilespmem:s8+$0x1C580]  }
0x282: {  	v17 =	vld [tilespmem:s8+$0x19D80]  }
0x283: {  	v16 =	vld [tilespmem:s8+$0x19D90]  }
0x284: {  	v14 =	vld [tilespmem:s8+$0x19DA0]  }
0x285: {  	v15 =	vld [tilespmem:s8+$0x19DB0]  }
0x286: {  	v18 =	vld [tilespmem:s8+$0x19DC0];
	v22 =	vperm.xlane v13, v5;
	v20 =	vperm.xlane v13, v7  }
0x287: {  	v19 =	vld [tilespmem:s8+$0x19DD0];
	v23 =	vperm.xlane v13, v6;
	v21 =	vperm.xlane v13, v9  }
0x288: {  	s13 =	simm.s32 $0x200;
	v24 =	vmul.f32 v17, v22;
	v22 =	vperm.xlane v13, v8;
	v17 =	vld [tilespmem:s8+$0x19DE0]  }
.LBB2_37:
0x289: {  	s14 =	sshra.s32 s13, $0x2;
	p1 =	sne.s32 s13, $0x4E00;
	s13 =	sadd.s32 $0x200, s13;
	v16 =	vmul.f32 v16, v23;
	v23 =	vperm.xlane v13, v10;
	v25 =	vld [tilespmem:s8+$0x19DF0]  }
0x28a: {  	v14 =	vmul.f32 v14, v20;
	v26 =	vld [tilespmem:s14+$0x1C580];
	[tilespmem:s8+$0x19D80] =	vst v24;
	v15 =	vmul.f32 v15, v22  }
0x28b: {  	v20 =	vperm.xlane v13, v12;
	v22 =	vld [tilespmem:s14+$0x19D80];
	[tilespmem:s8+$0x19D90] =	vst v16;
	v18 =	vmul.f32 v18, v21  }
0x28c: {  	v21 =	vperm.xlane v13, v11;
	v16 =	vld [tilespmem:s14+$0x19D90];
	[tilespmem:s8+$0x19DA0] =	vst v14;
	v19 =	vmul.f32 v19, v23  }
.Ltmp22:
0x28d: {  	v14 =	vld [tilespmem:s14+$0x19DA0];
	[tilespmem:s8+$0x19DB0] =	vst v15;
	(pc) =	sbr.rel @p1 .LBB2_37-.Ltmp22, $4  }
0x28e: {  	v17 =	vmul.f32 v17, v21;
	v15 =	vld [tilespmem:s14+$0x19DB0];
	[tilespmem:s8+$0x19DC0] =	vst v18;
	v25 =	vmul.f32 v25, v20  }
0x28f: {  	v24 =	vperm.xlane v26, v5;
	v20 =	vperm.xlane v26, v7;
	v18 =	vld [tilespmem:s14+$0x19DC0];
	[tilespmem:s8+$0x19DD0] =	vst v19;
	v13 =	vmov v26  }
0x290: {  	v23 =	vperm.xlane v13, v6;
	v21 =	vperm.xlane v13, v9;
	v19 =	vld [tilespmem:s14+$0x19DD0];
	[tilespmem:s8+$0x19DE0] =	vst v17  }
0x291: {  	v24 =	vmul.f32 v22, v24;
	v22 =	vperm.xlane v13, v8;
	v17 =	vld [tilespmem:s14+$0x19DE0];
	[tilespmem:s8+$0x19DF0] =	vst v25;
	s8 =	smov.u32 s14  }
0x292: {  	v16 =	vmul.f32 v16, v23  }
0x293: {  	v60 =	vld [tilespmem:s8+$0x19DF0];
	v14 =	vmul.f32 v14, v20;
	[tilespmem:s8+$0x19D80] =	vst v24  }
0x294: {  	v61 =	vperm.xlane v13, v10;
	v15 =	vmul.f32 v15, v22;
	[tilespmem:s8+$0x19D90] =	vst v16  }
0x295: {  	v62 =	vmul.f32 v18, v21;
	[tilespmem:s8+$0x19DA0] =	vst v14;
	v14 =	vperm.xlane v13, v11  }
0x296: {  	v13 =	vperm.xlane v13, v12;
	v63 =	vmul.f32 v19, v61;
	[tilespmem:s8+$0x19DB0] =	vst v15  }
0x297: {  	[tilespmem:s8+$0x19DC0] =	vst v62;
	v14 =	vmul.f32 v17, v14  }
0x298: {  	v13 =	vmul.f32 v60, v13;
	[tilespmem:s8+$0x19DD0] =	vst v63  }
0x299: {  	[tilespmem:s8+$0x19DE0] =	vst v14  }
0x29a: {  	s5 =	sadd.s32 $0x1, s5;
	[tilespmem:s8+$0x19DF0] =	vst v13  }
0x29b: {  	[spmem:s3] =	stream.indirect.scatter.add.f32 [tilespmem:s15], [sflag:$0x2], $0x80, s21, s24, $0xb8;
	[tilespmem:$0x1D980] =	vst v63  }
0x29c: {  	p1 =	sne.s32 s5, $0x7D;
	_ =	swait.ge [sflag:s23], $0x1400  }
.Ltmp23:
0x29d: {  	[sflag:s23] =	ssyncset.done $0x0;
	(pc) =	sbr.rel @p1 .LBB2_34-.Ltmp23, $4  }
0x29e: {  	[sflag:s23] =	ssyncadd.s32 $0xFFFFEC00  }
0x29f: {  	_ =	swait.ge [sflag:s29], $0x1400  }
0x2a0: {  	[sflag:s29] =	ssyncset.done $0x0  }
0x2a1: {  	[sflag:s29] =	ssyncadd.s32 $0xFFFFEC00  }
.Ltmp24:
0x2a2: {  	(pc) =	sbr.rel .LBB2_40-.Ltmp24, $3  }
0x2a3: {  	_ =	sdelay $0x1  }
0x2a4: {  	[bflag:$0x0] =	sbarrier.arrive $0xFFFF  }
0x2a5: {  	s1 =	simm.s32 $0x0  }
.LBB2_44:
0x2a6: {  	s1 =	sadd.s32 $0x1, s1  }
0x2a7: {  	p1 =	seq.s32 s1, $0x10  }
.Ltmp25:
0x2a8: {  	_ = 	snop;
	(pc) =	sbr.rel @p1 .LBB2_46-.Ltmp25, $1  }
0x2a9: {  	_ =	sdelay $0x3  }
.LBB2_40:
0x2aa: {  	s5 =	sshll.u32 s1, $0x4  }
0x2ab: {  	s5 =	sor.u32 s4, s5  }
0x2ac: {  	p1 =	sgt.u32 s5, $0xF9  }
.Ltmp26:
0x2ad: {  	_ = 	snop;
	(pc) =	sbr.rel @p1 .LBB2_44-.Ltmp26, $1  }
0x2ae: {  	_ =	sdelay $0x3  }
0x2af: {  	s8 =	smul.u32 $0x5000, s5;
	_ =	sdelay $0x1  }
0x2b0: {  	s8 =	sshra.s32 s8, $0x2  }
0x2b1: {  	s13 =	simm.s32 $0x16180;
	s8 =	sadd.s32 s8, s3  }
0x2b2: {  	[tilespmem:s13], [sflag:$0x8] =	stream.linear.gather [spmem:s8], $0x1400, $0x38;
	[tilespmem:$0x1D980] =	vst v63  }
0x2b3: {  	s5 =	smul.u32 $0x280, s5;
	_ =	swait.ge [sflag:s17], $0x1400  }
0x2b4: {  	s28 =	simm.s32 $0x0;
	[sflag:s17] =	ssyncset.done $0x0  }
0x2b5: {  	s14 =	simm.s32 $0x17580;
	s22 =	sadd.s32 s5, s25;
	[sflag:s17] =	ssyncadd.s32 $0xFFFFEC00  }
0x2b6: {  	[tilespmem:s14], [sflag:$0x8] =	stream.linear.gather [hbm4b:s22+s28], $0x1400, $0x38;
	[tilespmem:$0x1D980] =	vst v63  }
0x2b7: {  	_ =	swait.ge [sflag:s17], $0x1400  }
0x2b8: {  	[sflag:s17] =	ssyncset.done $0x0  }
0x2b9: {  	s14 =	simm.s32 $0x0;
	[sflag:s17] =	ssyncadd.s32 $0xFFFFEC00  }
0x2ba: {  	v14 =	vld [tilespmem:s14+$0x17580];
	_ =	sdelay $0x4  }
0x2bb: {  	v13 =	vperm.xlane v14, v5;
	v15 =	vperm.xlane v14, v7  }
0x2bc: {  	v16 =	vperm.xlane v14, v9;
	v17 =	vperm.xlane v14, v11  }
0x2bd: {  	v18 =	vperm.xlane v14, v12;
	v19 =	vperm.xlane v14, v10;
	vm4 =	vgt.f32 v13, $0.0e+00  }
0x2be: {  	v24 =	vperm.xlane v14, v8;
	vm5 =	vgt.f32 v15, $0.0e+00;
	v13 =	vnsel vm4, $0x3F800000, v13  }
0x2bf: {  	s8 =	simm.s32 $0x80;
	vm4 =	vgt.f32 v16, $0.0e+00;
	v15 =	vnsel vm5, $0x3F800000, v15;
	(erf) = vrcp.f32 v13  }
0x2c0: {  	v13 =	vld [tilespmem:s8+$0x17580];
	v16 =	vnsel vm4, $0x3F800000, v16;
	vm4 =	vgt.f32 v18, $0.0e+00;
	(erf) = vrcp.f32 v15  }
0x2c1: {  	v18 =	vnsel vm4, $0x3F800000, v18;
	vm4 =	vgt.f32 v17, $0.0e+00;
	(erf) = vrcp.f32 v16  }
0x2c2: {  	v15 =	vperm.xlane v14, v6;
	v14 =	vnsel vm4, $0x3F800000, v17;
	(erf) = vrcp.f32 v18  }
0x2c3: {  	(erf) = vrcp.f32 v14  }
0x2c4: {  	vm4 =	vgt.f32 v19, $0.0e+00;
	vm5 =	vgt.f32 v15, $0.0e+00  }
0x2c5: {  	v22 =	vnsel vm4, $0x3F800000, v19;
	v20 =	vperm.xlane v13, v5;
	v14 =	vperm.xlane v13, v7  }
0x2c6: {  	v23 =	vld [tilespmem:s14+$0x161A0];
	v15 =	vnsel vm5, $0x3F800000, v15;
	v21 =	vperm.xlane v13, v9;
	v19 =	vperm.xlane v13, v11  }
0x2c7: {  	v27 =	vld [tilespmem:s14+$0x16180];
	vm5 =	vgt.f32 v24, $0.0e+00;
	(erf) = vrcp.f32 v22;
	v25 =	vperm.xlane v13, v12  }
0x2c8: {  	v16 =	vld [tilespmem:s14+$0x161C0];
	v30 =	vnsel vm5, $0x3F800000, v24;
	(erf) = vrcp.f32 v15;
	vm6 =	vgt.f32 v20, $0.0e+00;
	v17 =	vpop (erf)  }
0x2c9: {  	v18 =	vld [tilespmem:s14+$0x161D0];
	v15 =	vperm.xlane v13, v10;
	vm4 =	vgt.f32 v14, $0.0e+00;
	v20 =	vnsel vm6, $0x3F800000, v20;
	v28 =	vpop (erf)  }
0x2ca: {  	v22 =	vld [tilespmem:s14+$0x161E0];
	vm6 =	vgt.f32 v21, $0.0e+00;
	v26 =	vnsel vm4, $0x3F800000, v14;
	(erf) = vrcp.f32 v20;
	v29 =	vpop (erf)  }
0x2cb: {  	s13 =	simm.s32 $0x400;
	v14 =	vperm.xlane v13, v8;
	vm4 =	vgt.f32 v25, $0.0e+00;
	v21 =	vnsel vm6, $0x3F800000, v21;
	v20 =	vld [tilespmem:s14+$0x161F0];
	v24 =	vpop (erf)  }
.LBB2_42:
0x2cc: {  	s20 =	sshra.s32 s13, $0x2;
	p1 =	sne.s32 s13, $0x4E00;
	s13 =	sadd.s32 $0x200, s13;
	v31 =	vperm.xlane v13, v6;
	vm5 =	vgt.f32 v19, $0.0e+00;
	v23 =	vmul.f32 v28, v23;
	v32 =	vld [tilespmem:s14+$0x161B0];
	v28 =	vpop (erf)  }
0x2cd: {  	v25 =	vnsel vm4, $0x3F800000, v25;
	v16 =	vmul.f32 v29, v16;
	v13 =	vld [tilespmem:s20+$0x17580];
	(erf) = vrcp.f32 v30  }
0x2ce: {  	v19 =	vnsel vm5, $0x3F800000, v19;
	vm4 =	vgt.f32 v31, $0.0e+00;
	(erf) = vrcp.f32 v26;
	v26 =	vld [tilespmem:s14+$0x16190];
	[tilespmem:s14+$0x161A0] =	vst v23  }
0x2cf: {  	v29 =	vnsel vm4, $0x3F800000, v31;
	(erf) = vrcp.f32 v21;
	[tilespmem:s14+$0x161C0] =	vst v16;
	v21 =	vmul.f32 v28, v22  }
0x2d0: {  	v16 =	vld [tilespmem:s8+$0x161C0];
	(erf) = vrcp.f32 v25;
	v23 =	vmul.f32 v17, v27;
	v22 =	vpop (erf)  }
0x2d1: {  	(erf) = vrcp.f32 v19;
	v18 =	vmul.f32 v22, v18;
	[tilespmem:s14+$0x161E0] =	vst v21;
	v19 =	vpop (erf)  }
0x2d2: {  	vm4 =	vgt.f32 v15, $0.0e+00;
	v20 =	vmul.f32 v24, v20;
	v21 =	vperm.xlane v13, v5;
	[tilespmem:s14+$0x16180] =	vst v23  }
0x2d3: {  	vm5 =	vgt.f32 v14, $0.0e+00;
	v24 =	vperm.xlane v13, v7;
	v17 =	vpop (erf);
	v22 =	vmul.f32 v19, v26;
	[tilespmem:s14+$0x161D0] =	vst v18  }
0x2d4: {  	v25 =	vperm.xlane v13, v9;
	v26 =	vnsel vm4, $0x3F800000, v15;
	vm6 =	vgt.f32 v21, $0.0e+00;
	v23 =	vld [tilespmem:s8+$0x161A0];
	[tilespmem:s14+$0x161F0] =	vst v20  }
.Ltmp27:
0x2d5: {  	v19 =	vperm.xlane v13, v11;
	vm4 =	vgt.f32 v24, $0.0e+00;
	v18 =	vld [tilespmem:s8+$0x161D0];
	(erf) = vrcp.f32 v26;
	[tilespmem:s14+$0x16190] =	vst v22;
	(pc) =	sbr.rel @p1 .LBB2_42-.Ltmp27, $4  }
0x2d6: {  	v20 =	vnsel vm6, $0x3F800000, v21;
	vm6 =	vgt.f32 v25, $0.0e+00;
	v22 =	vld [tilespmem:s8+$0x161E0];
	(erf) = vrcp.f32 v29;
	v15 =	vpop (erf)  }
0x2d7: {  	v21 =	vnsel vm6, $0x3F800000, v25;
	v25 =	vperm.xlane v13, v12;
	v28 =	vpop (erf);
	v31 =	vmul.f32 v15, v32  }
0x2d8: {  	v26 =	vnsel vm4, $0x3F800000, v24;
	v15 =	vperm.xlane v13, v10;
	(erf) = vrcp.f32 v20;
	v20 =	vld [tilespmem:s8+$0x161F0];
	v29 =	vpop (erf)  }
0x2d9: {  	v30 =	vnsel vm5, $0x3F800000, v14;
	v14 =	vperm.xlane v13, v8;
	vm4 =	vgt.f32 v25, $0.0e+00;
	v27 =	vld [tilespmem:s8+$0x16180];
	v24 =	vpop (erf);
	[tilespmem:s14+$0x161B0] =	vst v31;
	s14 =	smov.u32 s8;
	s8 =	smov.u32 s20  }
0x2da: {  	_ = 	snop  }
0x2db: {  	v31 =	vpop (erf);
	(erf) = vrcp.f32 v30  }
0x2dc: {  	v23 =	vmul.f32 v28, v23;
	v16 =	vmul.f32 v29, v16  }
0x2dd: {  	vm5 =	vgt.f32 v19, $0.0e+00;
	v54 =	vnsel vm4, $0x3F800000, v25;
	v13 =	vperm.xlane v13, v6  }
0x2de: {  	v50 =	vld [tilespmem:s14+$0x16190];
	vm4 =	vgt.f32 v15, $0.0e+00;
	v51 =	vmul.f32 v31, v22;
	v53 =	vpop (erf);
	(erf) = vrcp.f32 v26  }
0x2df: {  	v55 =	vnsel vm5, $0x3F800000, v19;
	v15 =	vnsel vm4, $0x3F800000, v15;
	[tilespmem:s14+$0x161A0] =	vst v23;
	(erf) = vrcp.f32 v21  }
0x2e0: {  	v49 =	vld [tilespmem:s14+$0x161B0];
	[tilespmem:s14+$0x161C0] =	vst v16;
	vm4 =	vgt.f32 v13, $0.0e+00;
	v17 =	vmul.f32 v17, v27;
	(erf) = vrcp.f32 v54  }
0x2e1: {  	v52 =	vld [tilespmem:s8+$0x161C0];
	[tilespmem:s14+$0x161E0] =	vst v51;
	v13 =	vnsel vm4, $0x3F800000, v13;
	v18 =	vmul.f32 v53, v18;
	(erf) = vrcp.f32 v55  }
0x2e2: {  	v56 =	vmul.f32 v24, v20;
	v57 =	vpop (erf);
	[tilespmem:s14+$0x16180] =	vst v17  }
0x2e3: {  	vm4 =	vgt.f32 v14, $0.0e+00;
	v17 =	vmul.f32 v57, v50;
	[tilespmem:s14+$0x161D0] =	vst v18;
	(erf) = vrcp.f32 v15;
	v15 =	vpop (erf)  }
0x2e4: {  	v14 =	vnsel vm4, $0x3F800000, v14;
	v18 =	vld [tilespmem:s8+$0x161A0];
	[tilespmem:s14+$0x161F0] =	vst v56;
	(erf) = vrcp.f32 v13;
	v13 =	vpop (erf)  }
0x2e5: {  	v16 =	vld [tilespmem:s8+$0x161D0];
	[tilespmem:s14+$0x16190] =	vst v17;
	v13 =	vmul.f32 v13, v49  }
0x2e6: {  	v17 =	vld [tilespmem:s8+$0x161E0]  }
0x2e7: {  	(erf) = vrcp.f32 v14;
	v59 =	vld [tilespmem:s8+$0x16180];
	v14 =	vpop (erf)  }
0x2e8: {  	v21 =	vpop (erf)  }
0x2e9: {  	v58 =	vld [tilespmem:s8+$0x161F0];
	[tilespmem:s14+$0x161B0] =	vst v13;
	v14 =	vmul.f32 v14, v18;
	v13 =	vpop (erf)  }
0x2ea: {  	v61 =	vpop (erf)  }
0x2eb: {  	v62 =	vld [tilespmem:s8+$0x16190];
	v21 =	vmul.f32 v21, v52;
	[tilespmem:s8+$0x161A0] =	vst v14;
	v14 =	vmul.f32 v61, v17  }
0x2ec: {  	v60 =	vld [tilespmem:s8+$0x161B0];
	v15 =	vmul.f32 v15, v59  }
0x2ed: {  	[tilespmem:s8+$0x161C0] =	vst v21  }
0x2ee: {  	v13 =	vmul.f32 v13, v58;
	v63 =	vpop (erf);
	[tilespmem:s8+$0x16180] =	vst v15  }
0x2ef: {  	v16 =	vmul.f32 v63, v16;
	[tilespmem:s8+$0x161E0] =	vst v14;
	v14 =	vpop (erf)  }
0x2f0: {  	[tilespmem:s8+$0x161F0] =	vst v13;
	v14 =	vmul.f32 v14, v62;
	v15 =	vpop (erf)  }
0x2f1: {  	[tilespmem:s8+$0x161D0] =	vst v16;
	v13 =	vmul.f32 v15, v60  }
0x2f2: {  	s20 =	rddreg [dreg:$0xb];
	s22 =	simm.s32 $0x0;
	s13 =	simm.s32 $0x16180;
	[tilespmem:s8+$0x16190] =	vst v14  }
.Ltmp28:
0x2f3: {  	s28 =	simm.s32 $0x7;
	s5 =	sadd.s32 s5, s20;
	[tilespmem:s8+$0x161B0] =	vst v13;
	(pc) =	sbr.rel .LBB2_44-.Ltmp28, $4  }
0x2f4: {  	[hbm4b:s5+s22] =	stream.linear.scatter [tilespmem:s13], [sflag:$0x7], $0x1400, $0x38;
	[tilespmem:$0x1D980] =	vst v63  }
0x2f5: {  	_ =	swait.ge [sflag:s28], $0x1400  }
0x2f6: {  	[sflag:s28] =	ssyncset.done $0x0  }
0x2f7: {  	[sflag:s28] =	ssyncadd.s32 $0xFFFFEC00  }
.LBB2_47:
0x2f8: {  	_ =	sfence.sel $0x180000  }
0x2f9: {  	[bflag:$0x0] =	sbarrier.arrive $0xFFFF  }
0x2fa: {  	_ =	strace $0x90000047  }
0x2fb: {  	[bflag:$0x2] =	sbarrier.arrive $0xFFFF  }
0x2fc: {  	p0 =	sne.s32 s4, $0x0;
	s0 =	rddreg [dreg:$0x6]  }
0x2fd: {  	s0 =	sadd.s32 @!p0 $0x100000, s0  }
0x2fe: {  	[sflag:s0] =	ssyncadd.tile.s32 @!p0 $0x1;
	_ =	shalt  }
.Lfunc_end2:
_tile_overlayer_lowered:
.L_overlay_start_2:
0x2ff: {  	(tag) =	ssettag $0x2  }
0x300: {  	s0 =	rddreg [dreg:$0x0];
	s2 =	stileid.u32  }
0x301: {  	s1 =	rddreg [dreg:$0x1];
	p0 =	sne.s32 s2, $0x0  }
0x302: {  	s3 =	rddreg [dreg:$0x2];
	[bflag:$0x3] =	sbarrier.arrive $0xFFFF;
	s2 =	simm.s32 @!p0 $0x1C07  }
0x303: {  	[timem:s3], [sflag:s2] =	dma.local @!p0 [hbm:s0], s1  }
0x304: {  	s0 =	simm.s32 @!p0 $0x7  }
0x305: {  	_ =	swait.ge @!p0 [sflag:s0], s1  }
0x306: {  	s1 =	ssub.s32 @!p0 $0x0, s1;
	[sflag:s0] =	ssyncset.done @!p0 $0x0  }
0x307: {  	[sflag:s0] =	ssyncadd.s32 @!p0 s1  }
0x308: {  	[bflag:$0x3] =	sbarrier.arrive $0xFFFF  }
0x309: {  	_ =	shalt  }

</sc_bundles>
